<compile_context>
chip_gen: v7x
topology: tpu7x:2x2x1
jax: 0.10.2.dev20260603
libtpu: 0.0.44.dev20260713+nightly
codegen_flags: <defaults>
</compile_context>

<pallas_src>
import jax
import jax.numpy as jnp
from jax import lax
from jax.experimental import pallas as pl
from jax.experimental.pallas import tpu as pltpu
from jax.experimental.pallas import tpu_sc as plsc

B, W, L = 1024, 20, 16
NUM_CHARS = 256
EMBED_DIM = 128
D3 = EMBED_DIM // 3
PAIRS = D3 // 2
TBL_WORDS = 5408
NC, NS = 2, 16
NW = NC * NS
WORDS = B * W
WPT = WORDS // NW
BPT = WPT // W
GROUPS = WPT // 16


def _sc_bow(table_hbm, ids_hbm, out_hbm, table_v, ids_v, out_v):
    wid = lax.axis_index("s") * NC + lax.axis_index("c")
    pltpu.sync_copy(table_hbm, table_v)
    pltpu.sync_copy(ids_hbm.at[wid], ids_v)

    iota = lax.iota(jnp.int32, 16)
    zeros = jnp.zeros((16,), jnp.float32)
    iota16 = iota * L

    def pair(fid, k):
        w = plsc.load_gather(table_v, [fid + k])
        return plsc.bitcast(w, jnp.bfloat16)

    def emit(vals, bl, owbase, off, k):
        lo, hi = plsc.unpack(
            vals, format=plsc.PackFormat.INTERLEAVED,
            preferred_element_type=jnp.float32,
        )
        plsc.store_scatter(out_v, [bl, owbase + (off + 2 * k)], lo)
        plsc.store_scatter(out_v, [bl, owbase + (off + 2 * k + 1)], hi)

    @plsc.parallel_loop(0, GROUPS)
    def group(g):
        widx = wid * WPT + g * 16 + iota
        bvec = (widx * 52429) >> 20
        bl = bvec - wid * BPT
        owbase = (widx - bvec * W) * EMBED_DIM
        fid = [
            plsc.load_gather(ids_v, [iota16 + (g * (16 * L) + l)]) * PAIRS
            for l in range(L)
        ]
        for k in range(PAIRS):
            emit(pair(fid[0], k), bl, owbase, 0, k)
            acc_a = pair(fid[1], k)
            for l in range(2, 8):
                acc_a = acc_a + pair(fid[l], k)
            acc_b = pair(fid[8], k)
            for l in range(9, L - 1):
                acc_b = acc_b + pair(fid[l], k)
            emit(acc_a + acc_b, bl, owbase, D3, k)
            emit(pair(fid[L - 1], k), bl, owbase, 2 * D3, k)
        plsc.store_scatter(out_v, [bl, owbase + 3 * D3], zeros)
        plsc.store_scatter(out_v, [bl, owbase + (3 * D3 + 1)], zeros)

    pltpu.sync_copy(out_v, out_hbm.at[pl.ds(wid * BPT, BPT)])


@jax.jit
def kernel(word_ids, W_embed):
    tbl = jnp.pad(W_embed.T, ((0, 1), (0, 0)))
    lo = lax.bitcast_convert_type(tbl[:, 0::2].astype(jnp.bfloat16), jnp.uint16)
    hi = lax.bitcast_convert_type(tbl[:, 1::2].astype(jnp.bfloat16), jnp.uint16)
    packed = (hi.astype(jnp.int32) << 16) | lo.astype(jnp.int32)
    table = jnp.zeros((TBL_WORDS,), jnp.int32)
    table = lax.dynamic_update_slice(table, packed.reshape(-1), (0,))
    ids = word_ids.reshape(NW, WPT * L)

    mesh = plsc.VectorSubcoreMesh(
        core_axis_name="c", subcore_axis_name="s", num_cores=NC, num_subcores=NS
    )
    out = pl.kernel(
        _sc_bow,
        out_type=jax.ShapeDtypeStruct((B, W * EMBED_DIM), jnp.float32),
        mesh=mesh,
        scratch_types=[
            pltpu.VMEM((TBL_WORDS,), jnp.int32),
            pltpu.VMEM((WPT * L,), jnp.int32),
            pltpu.VMEM((BPT, W * EMBED_DIM), jnp.float32),
        ],
        compiler_params=pltpu.CompilerParams(needs_layout_passes=False),
    )(table, ids)
    return out.reshape(B, W, EMBED_DIM)

# --- scband reference (transcript-rebuilt; emitter-appended) ---
"""Pipeline reference for scband-outer-pos-bow-42460046688712 (READ-ONLY COPY).

The authoritative reference and input builder live on the scoring server;
editing this copy changes nothing except your own understanding.
"""

import jax, jax.numpy as jnp
import numpy as np

B, W, L = 1024, 20, 16
NUM_CHARS = 256
EMBED_DIM = 128
D3 = EMBED_DIM // 3  # 42, per-position embed dim
DIM_ADD = EMBED_DIM % 3  # 2


def setup_inputs(seed: int = 0) -> dict:
    key = jax.random.key(seed)
    k1, k2 = jax.random.split(key)
    # word_ids plays the role of the char-id tensor the torch module builds from
    # strings via re.split + ids_char; values in [0, NUM_CHARS] where NUM_CHARS is
    # the padding id (later sliced off by the [..., :-1] on the one-hot).
    word_ids = jax.random.randint(k1, (B, W, L), 0, NUM_CHARS + 1, dtype=jnp.int32)
    # nn.Linear(num_chars, embed_dim // 3, bias=False) weight: [D3, NUM_CHARS]
    W_embed = jax.random.normal(k2, (D3, NUM_CHARS), dtype=jnp.float32) * 0.02
    return {"word_ids": word_ids, "W_embed": W_embed}


def reference(word_ids, W_embed):
    # F.one_hot(word_list)[:, :, :, :-1].float() -> drop the pad class
    oh = jax.nn.one_hot(word_ids, NUM_CHARS + 1, dtype=jnp.float32)[..., :-1]
    # self.embed(word_list): linear without bias == one-hot gather of W_embed rows
    emb = jnp.einsum('bwlc,dc->bwld', oh, W_embed)  # [B, W, L, D3]
    # bag-of-chars over interior positions
    bow = jnp.sum(emb[:, :, 1:-1], axis=-2)  # [B, W, D3]
    # concat [first char, bow, last char]
    X = jnp.concatenate([emb[:, :, 0], bow, emb[:, :, -1]], axis=2)  # [B, W, 3*D3]
    # F.pad(X, (0, dim_add)) pads last dim on the right
    X = jnp.pad(X, ((0, 0), (0, 0), (0, DIM_ADD)))  # [B, W, EMBED_DIM]
    return X

if __name__ == "__main__":
    import jax
    _d = setup_inputs()
    print(jax.jit(kernel)(*tuple(_d.values())))

</pallas_src>

<mosaic_0001>
#map = affine_map<(d0, d1) -> (0)>
#map1 = affine_map<(d0, d1) -> (0, 0)>
module attributes {stable_mosaic.version = 14 : i64} {
  func.func @_sc_bow(%arg0: i32, %arg1: i32, %arg2: memref<5408xi32, #tpu.memory_space<hbm>>, %arg3: memref<32x10240xi32, #tpu.memory_space<hbm>>, %arg4: memref<1024x2560xf32, #tpu.memory_space<hbm>>, %arg5: memref<5408xi32, #tpu.memory_space<vmem>>, %arg6: memref<10240xi32, #tpu.memory_space<vmem>>, %arg7: memref<32x2560xf32, #tpu.memory_space<vmem>>) attributes {dimension_semantics = [#tpu.dimension_semantics<core_parallel>, #tpu.dimension_semantics<subcore_parallel>], iteration_bounds = array<i64: 2, 16>, scalar_prefetch = 0 : i64, scratch_operands = 3 : i64, tpu.core_type = #tpu.core_type<sc_vector_subcore>, window_params = [{transform_indices = #map}, {transform_indices = #map1}, {transform_indices = #map1}]} {
    %mul3A = arith.constant 2 : i32
    %mul3A_0 = arith.muli %arg1, %mul3A : i32
    %add3A = arith.addi %mul3A_0, %arg0 : i32
    "tpu.region"() ({
      %run_scoped3A = tpu.sem_alloc : memref<!tpu.dma_semaphore, #tpu.memory_space<semaphore_mem>>
      tpu.enqueue_dma source(%arg2 : memref<5408xi32, #tpu.memory_space<hbm>>) target(%arg5 : memref<5408xi32, #tpu.memory_space<vmem>>) target_semaphore(%run_scoped3A : memref<!tpu.dma_semaphore, #tpu.memory_space<semaphore_mem>>)
      tpu.wait_dma2 semaphore(%run_scoped3A : memref<!tpu.dma_semaphore, #tpu.memory_space<semaphore_mem>>) src(%arg2 : memref<5408xi32, #tpu.memory_space<hbm>>) dst(%arg5 : memref<5408xi32, #tpu.memory_space<vmem>>)
      tpu.yield
    }) : () -> ()
    "tpu.region"() ({
      %run_scoped3A = tpu.sem_alloc : memref<!tpu.dma_semaphore, #tpu.memory_space<semaphore_mem>>
      %dma_start3A = arith.constant 0 : i32
      %dma_start3A_9 = tpu.memref_slice %arg3[%add3A, %dma_start3A] : memref<32x10240xi32, #tpu.memory_space<hbm>> -> memref<1x10240xi32, #tpu.memory_space<hbm>>
      %dma_start3A_10 = tpu.memref_squeeze %dma_start3A_9 : memref<1x10240xi32, #tpu.memory_space<hbm>> -> memref<10240xi32, #tpu.memory_space<hbm>>
      %dma_start3A_11 = arith.constant 0 : i32
      %dma_start3A_12 = tpu.memref_slice %arg3[%add3A, %dma_start3A_11] : memref<32x10240xi32, #tpu.memory_space<hbm>> -> memref<1x10240xi32, #tpu.memory_space<hbm>>
      %dma_start3A_13 = tpu.memref_squeeze %dma_start3A_12 : memref<1x10240xi32, #tpu.memory_space<hbm>> -> memref<10240xi32, #tpu.memory_space<hbm>>
      tpu.enqueue_dma source(%dma_start3A_13 : memref<10240xi32, #tpu.memory_space<hbm>>) target(%arg6 : memref<10240xi32, #tpu.memory_space<vmem>>) target_semaphore(%run_scoped3A : memref<!tpu.dma_semaphore, #tpu.memory_space<semaphore_mem>>)
      %dma_wait3A = arith.constant 0 : i32
      %dma_wait3A_14 = tpu.memref_slice %arg3[%add3A, %dma_wait3A] : memref<32x10240xi32, #tpu.memory_space<hbm>> -> memref<1x10240xi32, #tpu.memory_space<hbm>>
      %dma_wait3A_15 = tpu.memref_squeeze %dma_wait3A_14 : memref<1x10240xi32, #tpu.memory_space<hbm>> -> memref<10240xi32, #tpu.memory_space<hbm>>
      %dma_wait3A_16 = arith.constant 0 : i32
      %dma_wait3A_17 = tpu.memref_slice %arg3[%add3A, %dma_wait3A_16] : memref<32x10240xi32, #tpu.memory_space<hbm>> -> memref<1x10240xi32, #tpu.memory_space<hbm>>
      %dma_wait3A_18 = tpu.memref_squeeze %dma_wait3A_17 : memref<1x10240xi32, #tpu.memory_space<hbm>> -> memref<10240xi32, #tpu.memory_space<hbm>>
      tpu.wait_dma2 semaphore(%run_scoped3A : memref<!tpu.dma_semaphore, #tpu.memory_space<semaphore_mem>>) src(%dma_wait3A_18 : memref<10240xi32, #tpu.memory_space<hbm>>) dst(%arg6 : memref<10240xi32, #tpu.memory_space<vmem>>)
      tpu.yield
    }) : () -> ()
    %iota3A = tpu.iota {dimensions = array<i32: 0>} : vector<16xi32>
    %broadcast_in_dim3A = arith.constant 0.000000e+00 : f32
    %broadcast_in_dim3A_1 = vector.broadcast %broadcast_in_dim3A : f32 to vector<16xf32>
    %mul3A_2 = arith.constant 16 : i32
    %mul3A_3 = vector.broadcast %mul3A_2 : i32 to vector<16xi32>
    %mul3A_4 = arith.muli %iota3A, %mul3A_3 : vector<16xi32>
    %parallel_loop3A = arith.constant 0 : i32
    %parallel_loop3A_5 = arith.constant 40 : i32
    %parallel_loop3A_6 = arith.constant 1 : i32
    scf.for %parallel_loop3A_9 = %parallel_loop3A to %parallel_loop3A_5 step %parallel_loop3A_6  : i32 {
      %parallel_loop3A_10 = arith.constant 640 : i32
      %parallel_loop3A_11 = arith.muli %add3A, %parallel_loop3A_10 : i32
      %parallel_loop3A_12 = arith.constant 16 : i32
      %parallel_loop3A_13 = arith.muli %parallel_loop3A_9, %parallel_loop3A_12 : i32
      %parallel_loop3A_14 = arith.addi %parallel_loop3A_11, %parallel_loop3A_13 : i32
      %parallel_loop3A_15 = vector.broadcast %parallel_loop3A_14 : i32 to vector<16xi32>
      %parallel_loop3A_16 = arith.addi %parallel_loop3A_15, %iota3A : vector<16xi32>
      %parallel_loop3A_17 = arith.constant 52429 : i32
      %parallel_loop3A_18 = vector.broadcast %parallel_loop3A_17 : i32 to vector<16xi32>
      %parallel_loop3A_19 = arith.muli %parallel_loop3A_16, %parallel_loop3A_18 : vector<16xi32>
      %parallel_loop3A_20 = arith.constant 20 : i32
      %parallel_loop3A_21 = vector.broadcast %parallel_loop3A_20 : i32 to vector<16xi32>
      %parallel_loop3A_22 = arith.shrsi %parallel_loop3A_19, %parallel_loop3A_21 : vector<16xi32>
      %parallel_loop3A_23 = arith.constant 32 : i32
      %parallel_loop3A_24 = arith.muli %add3A, %parallel_loop3A_23 : i32
      %parallel_loop3A_25 = vector.broadcast %parallel_loop3A_24 : i32 to vector<16xi32>
      %parallel_loop3A_26 = arith.subi %parallel_loop3A_22, %parallel_loop3A_25 : vector<16xi32>
      %parallel_loop3A_27 = arith.constant 20 : i32
      %parallel_loop3A_28 = vector.broadcast %parallel_loop3A_27 : i32 to vector<16xi32>
      %parallel_loop3A_29 = arith.muli %parallel_loop3A_22, %parallel_loop3A_28 : vector<16xi32>
      %parallel_loop3A_30 = arith.subi %parallel_loop3A_16, %parallel_loop3A_29 : vector<16xi32>
      %parallel_loop3A_31 = arith.constant 128 : i32
      %parallel_loop3A_32 = vector.broadcast %parallel_loop3A_31 : i32 to vector<16xi32>
      %parallel_loop3A_33 = arith.muli %parallel_loop3A_30, %parallel_loop3A_32 : vector<16xi32>
      %parallel_loop3A_34 = arith.constant 256 : i32
      %parallel_loop3A_35 = arith.muli %parallel_loop3A_9, %parallel_loop3A_34 : i32
      %parallel_loop3A_36 = arith.constant 0 : i32
      %parallel_loop3A_37 = arith.addi %parallel_loop3A_35, %parallel_loop3A_36 : i32
      %parallel_loop3A_38 = vector.broadcast %parallel_loop3A_37 : i32 to vector<16xi32>
      %parallel_loop3A_39 = arith.addi %mul3A_4, %parallel_loop3A_38 : vector<16xi32>
      %parallel_loop3A_40 = tpu.vector_load_idx %arg6[%parallel_loop3A_39] : memref<10240xi32, #tpu.memory_space<vmem>>[vector<16xi32>], vector<16xi32>,
      %parallel_loop3A_41 = arith.constant 21 : i32
      %parallel_loop3A_42 = vector.broadcast %parallel_loop3A_41 : i32 to vector<16xi32>
      %parallel_loop3A_43 = arith.muli %parallel_loop3A_40, %parallel_loop3A_42 : vector<16xi32>
      %parallel_loop3A_44 = arith.constant 256 : i32
      %parallel_loop3A_45 = arith.muli %parallel_loop3A_9, %parallel_loop3A_44 : i32
      %parallel_loop3A_46 = arith.constant 1 : i32
      %parallel_loop3A_47 = arith.addi %parallel_loop3A_45, %parallel_loop3A_46 : i32
      %parallel_loop3A_48 = vector.broadcast %parallel_loop3A_47 : i32 to vector<16xi32>
      %parallel_loop3A_49 = arith.addi %mul3A_4, %parallel_loop3A_48 : vector<16xi32>
      %parallel_loop3A_50 = tpu.vector_load_idx %arg6[%parallel_loop3A_49] : memref<10240xi32, #tpu.memory_space<vmem>>[vector<16xi32>], vector<16xi32>,
      %parallel_loop3A_51 = arith.constant 21 : i32
      %parallel_loop3A_52 = vector.broadcast %parallel_loop3A_51 : i32 to vector<16xi32>
      %parallel_loop3A_53 = arith.muli %parallel_loop3A_50, %parallel_loop3A_52 : vector<16xi32>
      %parallel_loop3A_54 = arith.constant 256 : i32
      %parallel_loop3A_55 = arith.muli %parallel_loop3A_9, %parallel_loop3A_54 : i32
      %parallel_loop3A_56 = arith.constant 2 : i32
      %parallel_loop3A_57 = arith.addi %parallel_loop3A_55, %parallel_loop3A_56 : i32
      %parallel_loop3A_58 = vector.broadcast %parallel_loop3A_57 : i32 to vector<16xi32>
      %parallel_loop3A_59 = arith.addi %mul3A_4, %parallel_loop3A_58 : vector<16xi32>
      %parallel_loop3A_60 = tpu.vector_load_idx %arg6[%parallel_loop3A_59] : memref<10240xi32, #tpu.memory_space<vmem>>[vector<16xi32>], vector<16xi32>,
      %parallel_loop3A_61 = arith.constant 21 : i32
      %parallel_loop3A_62 = vector.broadcast %parallel_loop3A_61 : i32 to vector<16xi32>
      %parallel_loop3A_63 = arith.muli %parallel_loop3A_60, %parallel_loop3A_62 : vector<16xi32>
      %parallel_loop3A_64 = arith.constant 256 : i32
      %parallel_loop3A_65 = arith.muli %parallel_loop3A_9, %parallel_loop3A_64 : i32
      %parallel_loop3A_66 = arith.constant 3 : i32
      %parallel_loop3A_67 = arith.addi %parallel_loop3A_65, %parallel_loop3A_66 : i32
      %parallel_loop3A_68 = vector.broadcast %parallel_loop3A_67 : i32 to vector<16xi32>
      %parallel_loop3A_69 = arith.addi %mul3A_4, %parallel_loop3A_68 : vector<16xi32>
      %parallel_loop3A_70 = tpu.vector_load_idx %arg6[%parallel_loop3A_69] : memref<10240xi32, #tpu.memory_space<vmem>>[vector<16xi32>], vector<16xi32>,
      %parallel_loop3A_71 = arith.constant 21 : i32
      %parallel_loop3A_72 = vector.broadcast %parallel_loop3A_71 : i32 to vector<16xi32>
      %parallel_loop3A_73 = arith.muli %parallel_loop3A_70, %parallel_loop3A_72 : vector<16xi32>
      %parallel_loop3A_74 = arith.constant 256 : i32
      %parallel_loop3A_75 = arith.muli %parallel_loop3A_9, %parallel_loop3A_74 : i32
      %parallel_loop3A_76 = arith.constant 4 : i32
      %parallel_loop3A_77 = arith.addi %parallel_loop3A_75, %parallel_loop3A_76 : i32
      %parallel_loop3A_78 = vector.broadcast %parallel_loop3A_77 : i32 to vector<16xi32>
      %parallel_loop3A_79 = arith.addi %mul3A_4, %parallel_loop3A_78 : vector<16xi32>
      %parallel_loop3A_80 = tpu.vector_load_idx %arg6[%parallel_loop3A_79] : memref<10240xi32, #tpu.memory_space<vmem>>[vector<16xi32>], vector<16xi32>,
      %parallel_loop3A_81 = arith.constant 21 : i32
      %parallel_loop3A_82 = vector.broadcast %parallel_loop3A_81 : i32 to vector<16xi32>
      %parallel_loop3A_83 = arith.muli %parallel_loop3A_80, %parallel_loop3A_82 : vector<16xi32>
      %parallel_loop3A_84 = arith.constant 256 : i32
      %parallel_loop3A_85 = arith.muli %parallel_loop3A_9, %parallel_loop3A_84 : i32
      %parallel_loop3A_86 = arith.constant 5 : i32
      %parallel_loop3A_87 = arith.addi %parallel_loop3A_85, %parallel_loop3A_86 : i32
      %parallel_loop3A_88 = vector.broadcast %parallel_loop3A_87 : i32 to vector<16xi32>
      %parallel_loop3A_89 = arith.addi %mul3A_4, %parallel_loop3A_88 : vector<16xi32>
      %parallel_loop3A_90 = tpu.vector_load_idx %arg6[%parallel_loop3A_89] : memref<10240xi32, #tpu.memory_space<vmem>>[vector<16xi32>], vector<16xi32>,
      %parallel_loop3A_91 = arith.constant 21 : i32
      %parallel_loop3A_92 = vector.broadcast %parallel_loop3A_91 : i32 to vector<16xi32>
      %parallel_loop3A_93 = arith.muli %parallel_loop3A_90, %parallel_loop3A_92 : vector<16xi32>
      %parallel_loop3A_94 = arith.constant 256 : i32
      %parallel_loop3A_95 = arith.muli %parallel_loop3A_9, %parallel_loop3A_94 : i32
      %parallel_loop3A_96 = arith.constant 6 : i32
      %parallel_loop3A_97 = arith.addi %parallel_loop3A_95, %parallel_loop3A_96 : i32
      %parallel_loop3A_98 = vector.broadcast %parallel_loop3A_97 : i32 to vector<16xi32>
      %parallel_loop3A_99 = arith.addi %mul3A_4, %parallel_loop3A_98 : vector<16xi32>
      %parallel_loop3A_100 = tpu.vector_load_idx %arg6[%parallel_loop3A_99] : memref<10240xi32, #tpu.memory_space<vmem>>[vector<16xi32>], vector<16xi32>,
      %parallel_loop3A_101 = arith.constant 21 : i32
      %parallel_loop3A_102 = vector.broadcast %parallel_loop3A_101 : i32 to vector<16xi32>
      %parallel_loop3A_103 = arith.muli %parallel_loop3A_100, %parallel_loop3A_102 : vector<16xi32>
      %parallel_loop3A_104 = arith.constant 256 : i32
      %parallel_loop3A_105 = arith.muli %parallel_loop3A_9, %parallel_loop3A_104 : i32
      %parallel_loop3A_106 = arith.constant 7 : i32
      %parallel_loop3A_107 = arith.addi %parallel_loop3A_105, %parallel_loop3A_106 : i32
      %parallel_loop3A_108 = vector.broadcast %parallel_loop3A_107 : i32 to vector<16xi32>
      %parallel_loop3A_109 = arith.addi %mul3A_4, %parallel_loop3A_108 : vector<16xi32>
      %parallel_loop3A_110 = tpu.vector_load_idx %arg6[%parallel_loop3A_109] : memref<10240xi32, #tpu.memory_space<vmem>>[vector<16xi32>], vector<16xi32>,
      %parallel_loop3A_111 = arith.constant 21 : i32
      %parallel_loop3A_112 = vector.broadcast %parallel_loop3A_111 : i32 to vector<16xi32>
      %parallel_loop3A_113 = arith.muli %parallel_loop3A_110, %parallel_loop3A_112 : vector<16xi32>
      %parallel_loop3A_114 = arith.constant 256 : i32
      %parallel_loop3A_115 = arith.muli %parallel_loop3A_9, %parallel_loop3A_114 : i32
      %parallel_loop3A_116 = arith.constant 8 : i32
      %parallel_loop3A_117 = arith.addi %parallel_loop3A_115, %parallel_loop3A_116 : i32
      %parallel_loop3A_118 = vector.broadcast %parallel_loop3A_117 : i32 to vector<16xi32>
      %parallel_loop3A_119 = arith.addi %mul3A_4, %parallel_loop3A_118 : vector<16xi32>
      %parallel_loop3A_120 = tpu.vector_load_idx %arg6[%parallel_loop3A_119] : memref<10240xi32, #tpu.memory_space<vmem>>[vector<16xi32>], vector<16xi32>,
      %parallel_loop3A_121 = arith.constant 21 : i32
      %parallel_loop3A_122 = vector.broadcast %parallel_loop3A_121 : i32 to vector<16xi32>
      %parallel_loop3A_123 = arith.muli %parallel_loop3A_120, %parallel_loop3A_122 : vector<16xi32>
      %parallel_loop3A_124 = arith.constant 256 : i32
      %parallel_loop3A_125 = arith.muli %parallel_loop3A_9, %parallel_loop3A_124 : i32
      %parallel_loop3A_126 = arith.constant 9 : i32
      %parallel_loop3A_127 = arith.addi %parallel_loop3A_125, %parallel_loop3A_126 : i32
      %parallel_loop3A_128 = vector.broadcast %parallel_loop3A_127 : i32 to vector<16xi32>
      %parallel_loop3A_129 = arith.addi %mul3A_4, %parallel_loop3A_128 : vector<16xi32>
      %parallel_loop3A_130 = tpu.vector_load_idx %arg6[%parallel_loop3A_129] : memref<10240xi32, #tpu.memory_space<vmem>>[vector<16xi32>], vector<16xi32>,
      %parallel_loop3A_131 = arith.constant 21 : i32
      %parallel_loop3A_132 = vector.broadcast %parallel_loop3A_131 : i32 to vector<16xi32>
      %parallel_loop3A_133 = arith.muli %parallel_loop3A_130, %parallel_loop3A_132 : vector<16xi32>
      %parallel_loop3A_134 = arith.constant 256 : i32
      %parallel_loop3A_135 = arith.muli %parallel_loop3A_9, %parallel_loop3A_134 : i32
      %parallel_loop3A_136 = arith.constant 10 : i32
      %parallel_loop3A_137 = arith.addi %parallel_loop3A_135, %parallel_loop3A_136 : i32
      %parallel_loop3A_138 = vector.broadcast %parallel_loop3A_137 : i32 to vector<16xi32>
      %parallel_loop3A_139 = arith.addi %mul3A_4, %parallel_loop3A_138 : vector<16xi32>
      %parallel_loop3A_140 = tpu.vector_load_idx %arg6[%parallel_loop3A_139] : memref<10240xi32, #tpu.memory_space<vmem>>[vector<16xi32>], vector<16xi32>,
      %parallel_loop3A_141 = arith.constant 21 : i32
      %parallel_loop3A_142 = vector.broadcast %parallel_loop3A_141 : i32 to vector<16xi32>
      %parallel_loop3A_143 = arith.muli %parallel_loop3A_140, %parallel_loop3A_142 : vector<16xi32>
      %parallel_loop3A_144 = arith.constant 256 : i32
      %parallel_loop3A_145 = arith.muli %parallel_loop3A_9, %parallel_loop3A_144 : i32
      %parallel_loop3A_146 = arith.constant 11 : i32
      %parallel_loop3A_147 = arith.addi %parallel_loop3A_145, %parallel_loop3A_146 : i32
      %parallel_loop3A_148 = vector.broadcast %parallel_loop3A_147 : i32 to vector<16xi32>
      %parallel_loop3A_149 = arith.addi %mul3A_4, %parallel_loop3A_148 : vector<16xi32>
      %parallel_loop3A_150 = tpu.vector_load_idx %arg6[%parallel_loop3A_149] : memref<10240xi32, #tpu.memory_space<vmem>>[vector<16xi32>], vector<16xi32>,
      %parallel_loop3A_151 = arith.constant 21 : i32
      %parallel_loop3A_152 = vector.broadcast %parallel_loop3A_151 : i32 to vector<16xi32>
      %parallel_loop3A_153 = arith.muli %parallel_loop3A_150, %parallel_loop3A_152 : vector<16xi32>
      %parallel_loop3A_154 = arith.constant 256 : i32
      %parallel_loop3A_155 = arith.muli %parallel_loop3A_9, %parallel_loop3A_154 : i32
      %parallel_loop3A_156 = arith.constant 12 : i32
      %parallel_loop3A_157 = arith.addi %parallel_loop3A_155, %parallel_loop3A_156 : i32
      %parallel_loop3A_158 = vector.broadcast %parallel_loop3A_157 : i32 to vector<16xi32>
      %parallel_loop3A_159 = arith.addi %mul3A_4, %parallel_loop3A_158 : vector<16xi32>
      %parallel_loop3A_160 = tpu.vector_load_idx %arg6[%parallel_loop3A_159] : memref<10240xi32, #tpu.memory_space<vmem>>[vector<16xi32>], vector<16xi32>,
      %parallel_loop3A_161 = arith.constant 21 : i32
      %parallel_loop3A_162 = vector.broadcast %parallel_loop3A_161 : i32 to vector<16xi32>
      %parallel_loop3A_163 = arith.muli %parallel_loop3A_160, %parallel_loop3A_162 : vector<16xi32>
      %parallel_loop3A_164 = arith.constant 256 : i32
      %parallel_loop3A_165 = arith.muli %parallel_loop3A_9, %parallel_loop3A_164 : i32
      %parallel_loop3A_166 = arith.constant 13 : i32
      %parallel_loop3A_167 = arith.addi %parallel_loop3A_165, %parallel_loop3A_166 : i32
      %parallel_loop3A_168 = vector.broadcast %parallel_loop3A_167 : i32 to vector<16xi32>
      %parallel_loop3A_169 = arith.addi %mul3A_4, %parallel_loop3A_168 : vector<16xi32>
      %parallel_loop3A_170 = tpu.vector_load_idx %arg6[%parallel_loop3A_169] : memref<10240xi32, #tpu.memory_space<vmem>>[vector<16xi32>], vector<16xi32>,
      %parallel_loop3A_171 = arith.constant 21 : i32
      %parallel_loop3A_172 = vector.broadcast %parallel_loop3A_171 : i32 to vector<16xi32>
      %parallel_loop3A_173 = arith.muli %parallel_loop3A_170, %parallel_loop3A_172 : vector<16xi32>
      %parallel_loop3A_174 = arith.constant 256 : i32
      %parallel_loop3A_175 = arith.muli %parallel_loop3A_9, %parallel_loop3A_174 : i32
      %parallel_loop3A_176 = arith.constant 14 : i32
      %parallel_loop3A_177 = arith.addi %parallel_loop3A_175, %parallel_loop3A_176 : i32
      %parallel_loop3A_178 = vector.broadcast %parallel_loop3A_177 : i32 to vector<16xi32>
      %parallel_loop3A_179 = arith.addi %mul3A_4, %parallel_loop3A_178 : vector<16xi32>
      %parallel_loop3A_180 = tpu.vector_load_idx %arg6[%parallel_loop3A_179] : memref<10240xi32, #tpu.memory_space<vmem>>[vector<16xi32>], vector<16xi32>,
      %parallel_loop3A_181 = arith.constant 21 : i32
      %parallel_loop3A_182 = vector.broadcast %parallel_loop3A_181 : i32 to vector<16xi32>
      %parallel_loop3A_183 = arith.muli %parallel_loop3A_180, %parallel_loop3A_182 : vector<16xi32>
      %parallel_loop3A_184 = arith.constant 256 : i32
      %parallel_loop3A_185 = arith.muli %parallel_loop3A_9, %parallel_loop3A_184 : i32
      %parallel_loop3A_186 = arith.constant 15 : i32
      %parallel_loop3A_187 = arith.addi %parallel_loop3A_185, %parallel_loop3A_186 : i32
      %parallel_loop3A_188 = vector.broadcast %parallel_loop3A_187 : i32 to vector<16xi32>
      %parallel_loop3A_189 = arith.addi %mul3A_4, %parallel_loop3A_188 : vector<16xi32>
      %parallel_loop3A_190 = tpu.vector_load_idx %arg6[%parallel_loop3A_189] : memref<10240xi32, #tpu.memory_space<vmem>>[vector<16xi32>], vector<16xi32>,
      %parallel_loop3A_191 = arith.constant 21 : i32
      %parallel_loop3A_192 = vector.broadcast %parallel_loop3A_191 : i32 to vector<16xi32>
      %parallel_loop3A_193 = arith.muli %parallel_loop3A_190, %parallel_loop3A_192 : vector<16xi32>
      %parallel_loop3A_194 = arith.constant 0 : i32
      %parallel_loop3A_195 = vector.broadcast %parallel_loop3A_194 : i32 to vector<16xi32>
      %parallel_loop3A_196 = arith.addi %parallel_loop3A_43, %parallel_loop3A_195 : vector<16xi32>
      %parallel_loop3A_197 = tpu.vector_load_idx %arg5[%parallel_loop3A_196] : memref<5408xi32, #tpu.memory_space<vmem>>[vector<16xi32>], vector<16xi32>,
      %parallel_loop3A_198 = vector.bitcast %parallel_loop3A_197 : vector<16xi32> to vector<32xbf16>
      %parallel_loop3A_199 = tpu.unpack_subelements %parallel_loop3A_198, 0 {pack_format = #tpu.pack_format<interleaved>} : vector<32xbf16> -> vector<16xf32>
      %parallel_loop3A_200 = tpu.unpack_subelements %parallel_loop3A_198, 1 {pack_format = #tpu.pack_format<interleaved>} : vector<32xbf16> -> vector<16xf32>
      %parallel_loop3A_201 = arith.constant 0 : i32
      %parallel_loop3A_202 = vector.broadcast %parallel_loop3A_201 : i32 to vector<16xi32>
      %parallel_loop3A_203 = arith.addi %parallel_loop3A_33, %parallel_loop3A_202 : vector<16xi32>
      tpu.vector_store_idx %arg7[%parallel_loop3A_26, %parallel_loop3A_203], %parallel_loop3A_199 : memref<32x2560xf32, #tpu.memory_space<vmem>>[vector<16xi32>, vector<16xi32>], vector<16xf32>,
      %parallel_loop3A_204 = arith.constant 1 : i32
      %parallel_loop3A_205 = vector.broadcast %parallel_loop3A_204 : i32 to vector<16xi32>
      %parallel_loop3A_206 = arith.addi %parallel_loop3A_33, %parallel_loop3A_205 : vector<16xi32>
      tpu.vector_store_idx %arg7[%parallel_loop3A_26, %parallel_loop3A_206], %parallel_loop3A_200 : memref<32x2560xf32, #tpu.memory_space<vmem>>[vector<16xi32>, vector<16xi32>], vector<16xf32>,
      %parallel_loop3A_207 = arith.constant 0 : i32
      %parallel_loop3A_208 = vector.broadcast %parallel_loop3A_207 : i32 to vector<16xi32>
      %parallel_loop3A_209 = arith.addi %parallel_loop3A_53, %parallel_loop3A_208 : vector<16xi32>
      %parallel_loop3A_210 = tpu.vector_load_idx %arg5[%parallel_loop3A_209] : memref<5408xi32, #tpu.memory_space<vmem>>[vector<16xi32>], vector<16xi32>,
      %parallel_loop3A_211 = vector.bitcast %parallel_loop3A_210 : vector<16xi32> to vector<32xbf16>
      %parallel_loop3A_212 = arith.constant 0 : i32
      %parallel_loop3A_213 = vector.broadcast %parallel_loop3A_212 : i32 to vector<16xi32>
      %parallel_loop3A_214 = arith.addi %parallel_loop3A_63, %parallel_loop3A_213 : vector<16xi32>
      %parallel_loop3A_215 = tpu.vector_load_idx %arg5[%parallel_loop3A_214] : memref<5408xi32, #tpu.memory_space<vmem>>[vector<16xi32>], vector<16xi32>,
      %parallel_loop3A_216 = vector.bitcast %parallel_loop3A_215 : vector<16xi32> to vector<32xbf16>
      %parallel_loop3A_217 = arith.addf %parallel_loop3A_211, %parallel_loop3A_216 : vector<32xbf16>
      %parallel_loop3A_218 = arith.constant 0 : i32
      %parallel_loop3A_219 = vector.broadcast %parallel_loop3A_218 : i32 to vector<16xi32>
      %parallel_loop3A_220 = arith.addi %parallel_loop3A_73, %parallel_loop3A_219 : vector<16xi32>
      %parallel_loop3A_221 = tpu.vector_load_idx %arg5[%parallel_loop3A_220] : memref<5408xi32, #tpu.memory_space<vmem>>[vector<16xi32>], vector<16xi32>,
      %parallel_loop3A_222 = vector.bitcast %parallel_loop3A_221 : vector<16xi32> to vector<32xbf16>
      %parallel_loop3A_223 = arith.addf %parallel_loop3A_217, %parallel_loop3A_222 : vector<32xbf16>
      %parallel_loop3A_224 = arith.constant 0 : i32
      %parallel_loop3A_225 = vector.broadcast %parallel_loop3A_224 : i32 to vector<16xi32>
      %parallel_loop3A_226 = arith.addi %parallel_loop3A_83, %parallel_loop3A_225 : vector<16xi32>
      %parallel_loop3A_227 = tpu.vector_load_idx %arg5[%parallel_loop3A_226] : memref<5408xi32, #tpu.memory_space<vmem>>[vector<16xi32>], vector<16xi32>,
      %parallel_loop3A_228 = vector.bitcast %parallel_loop3A_227 : vector<16xi32> to vector<32xbf16>
      %parallel_loop3A_229 = arith.addf %parallel_loop3A_223, %parallel_loop3A_228 : vector<32xbf16>
      %parallel_loop3A_230 = arith.constant 0 : i32
      %parallel_loop3A_231 = vector.broadcast %parallel_loop3A_230 : i32 to vector<16xi32>
      %parallel_loop3A_232 = arith.addi %parallel_loop3A_93, %parallel_loop3A_231 : vector<16xi32>
      %parallel_loop3A_233 = tpu.vector_load_idx %arg5[%parallel_loop3A_232] : memref<5408xi32, #tpu.memory_space<vmem>>[vector<16xi32>], vector<16xi32>,
      %parallel_loop3A_234 = vector.bitcast %parallel_loop3A_233 : vector<16xi32> to vector<32xbf16>
      %parallel_loop3A_235 = arith.addf %parallel_loop3A_229, %parallel_loop3A_234 : vector<32xbf16>
      %parallel_loop3A_236 = arith.constant 0 : i32
      %parallel_loop3A_237 = vector.broadcast %parallel_loop3A_236 : i32 to vector<16xi32>
      %parallel_loop3A_238 = arith.addi %parallel_loop3A_103, %parallel_loop3A_237 : vector<16xi32>
      %parallel_loop3A_239 = tpu.vector_load_idx %arg5[%parallel_loop3A_238] : memref<5408xi32, #tpu.memory_space<vmem>>[vector<16xi32>], vector<16xi32>,
      %parallel_loop3A_240 = vector.bitcast %parallel_loop3A_239 : vector<16xi32> to vector<32xbf16>
      %parallel_loop3A_241 = arith.addf %parallel_loop3A_235, %parallel_loop3A_240 : vector<32xbf16>
      %parallel_loop3A_242 = arith.constant 0 : i32
      %parallel_loop3A_243 = vector.broadcast %parallel_loop3A_242 : i32 to vector<16xi32>
      %parallel_loop3A_244 = arith.addi %parallel_loop3A_113, %parallel_loop3A_243 : vector<16xi32>
      %parallel_loop3A_245 = tpu.vector_load_idx %arg5[%parallel_loop3A_244] : memref<5408xi32, #tpu.memory_space<vmem>>[vector<16xi32>], vector<16xi32>,
      %parallel_loop3A_246 = vector.bitcast %parallel_loop3A_245 : vector<16xi32> to vector<32xbf16>
      %parallel_loop3A_247 = arith.addf %parallel_loop3A_241, %parallel_loop3A_246 : vector<32xbf16>
      %parallel_loop3A_248 = arith.constant 0 : i32
      %parallel_loop3A_249 = vector.broadcast %parallel_loop3A_248 : i32 to vector<16xi32>
      %parallel_loop3A_250 = arith.addi %parallel_loop3A_123, %parallel_loop3A_249 : vector<16xi32>
      %parallel_loop3A_251 = tpu.vector_load_idx %arg5[%parallel_loop3A_250] : memref<5408xi32, #tpu.memory_space<vmem>>[vector<16xi32>], vector<16xi32>,
      %parallel_loop3A_252 = vector.bitcast %parallel_loop3A_251 : vector<16xi32> to vector<32xbf16>
      %parallel_loop3A_253 = arith.constant 0 : i32
      %parallel_loop3A_254 = vector.broadcast %parallel_loop3A_253 : i32 to vector<16xi32>
      %parallel_loop3A_255 = arith.addi %parallel_loop3A_133, %parallel_loop3A_254 : vector<16xi32>
      %parallel_loop3A_256 = tpu.vector_load_idx %arg5[%parallel_loop3A_255] : memref<5408xi32, #tpu.memory_space<vmem>>[vector<16xi32>], vector<16xi32>,
      %parallel_loop3A_257 = vector.bitcast %parallel_loop3A_256 : vector<16xi32> to vector<32xbf16>
      %parallel_loop3A_258 = arith.addf %parallel_loop3A_252, %parallel_loop3A_257 : vector<32xbf16>
      %parallel_loop3A_259 = arith.constant 0 : i32
      %parallel_loop3A_260 = vector.broadcast %parallel_loop3A_259 : i32 to vector<16xi32>
      %parallel_loop3A_261 = arith.addi %parallel_loop3A_143, %parallel_loop3A_260 : vector<16xi32>
      %parallel_loop3A_262 = tpu.vector_load_idx %arg5[%parallel_loop3A_261] : memref<5408xi32, #tpu.memory_space<vmem>>[vector<16xi32>], vector<16xi32>,
      %parallel_loop3A_263 = vector.bitcast %parallel_loop3A_262 : vector<16xi32> to vector<32xbf16>
      %parallel_loop3A_264 = arith.addf %parallel_loop3A_258, %parallel_loop3A_263 : vector<32xbf16>
      %parallel_loop3A_265 = arith.constant 0 : i32
      %parallel_loop3A_266 = vector.broadcast %parallel_loop3A_265 : i32 to vector<16xi32>
      %parallel_loop3A_267 = arith.addi %parallel_loop3A_153, %parallel_loop3A_266 : vector<16xi32>
      %parallel_loop3A_268 = tpu.vector_load_idx %arg5[%parallel_loop3A_267] : memref<5408xi32, #tpu.memory_space<vmem>>[vector<16xi32>], vector<16xi32>,
      %parallel_loop3A_269 = vector.bitcast %parallel_loop3A_268 : vector<16xi32> to vector<32xbf16>
      %parallel_loop3A_270 = arith.addf %parallel_loop3A_264, %parallel_loop3A_269 : vector<32xbf16>
      %parallel_loop3A_271 = arith.constant 0 : i32
      %parallel_loop3A_272 = vector.broadcast %parallel_loop3A_271 : i32 to vector<16xi32>
      %parallel_loop3A_273 = arith.addi %parallel_loop3A_163, %parallel_loop3A_272 : vector<16xi32>
      %parallel_loop3A_274 = tpu.vector_load_idx %arg5[%parallel_loop3A_273] : memref<5408xi32, #tpu.memory_space<vmem>>[vector<16xi32>], vector<16xi32>,
      %parallel_loop3A_275 = vector.bitcast %parallel_loop3A_274 : vector<16xi32> to vector<32xbf16>
      %parallel_loop3A_276 = arith.addf %parallel_loop3A_270, %parallel_loop3A_275 : vector<32xbf16>
      %parallel_loop3A_277 = arith.constant 0 : i32
      %parallel_loop3A_278 = vector.broadcast %parallel_loop3A_277 : i32 to vector<16xi32>
      %parallel_loop3A_279 = arith.addi %parallel_loop3A_173, %parallel_loop3A_278 : vector<16xi32>
      %parallel_loop3A_280 = tpu.vector_load_idx %arg5[%parallel_loop3A_279] : memref<5408xi32, #tpu.memory_space<vmem>>[vector<16xi32>], vector<16xi32>,
      %parallel_loop3A_281 = vector.bitcast %parallel_loop3A_280 : vector<16xi32> to vector<32xbf16>
      %parallel_loop3A_282 = arith.addf %parallel_loop3A_276, %parallel_loop3A_281 : vector<32xbf16>
      %parallel_loop3A_283 = arith.constant 0 : i32
      %parallel_loop3A_284 = vector.broadcast %parallel_loop3A_283 : i32 to vector<16xi32>
      %parallel_loop3A_285 = arith.addi %parallel_loop3A_183, %parallel_loop3A_284 : vector<16xi32>
      %parallel_loop3A_286 = tpu.vector_load_idx %arg5[%parallel_loop3A_285] : memref<5408xi32, #tpu.memory_space<vmem>>[vector<16xi32>], vector<16xi32>,
      %parallel_loop3A_287 = vector.bitcast %parallel_loop3A_286 : vector<16xi32> to vector<32xbf16>
      %parallel_loop3A_288 = arith.addf %parallel_loop3A_282, %parallel_loop3A_287 : vector<32xbf16>
      %parallel_loop3A_289 = arith.addf %parallel_loop3A_247, %parallel_loop3A_288 : vector<32xbf16>
      %parallel_loop3A_290 = tpu.unpack_subelements %parallel_loop3A_289, 0 {pack_format = #tpu.pack_format<interleaved>} : vector<32xbf16> -> vector<16xf32>
      %parallel_loop3A_291 = tpu.unpack_subelements %parallel_loop3A_289, 1 {pack_format = #tpu.pack_format<interleaved>} : vector<32xbf16> -> vector<16xf32>
      %parallel_loop3A_292 = arith.constant 42 : i32
      %parallel_loop3A_293 = vector.broadcast %parallel_loop3A_292 : i32 to vector<16xi32>
      %parallel_loop3A_294 = arith.addi %parallel_loop3A_33, %parallel_loop3A_293 : vector<16xi32>
      tpu.vector_store_idx %arg7[%parallel_loop3A_26, %parallel_loop3A_294], %parallel_loop3A_290 : memref<32x2560xf32, #tpu.memory_space<vmem>>[vector<16xi32>, vector<16xi32>], vector<16xf32>,
      %parallel_loop3A_295 = arith.constant 43 : i32
      %parallel_loop3A_296 = vector.broadcast %parallel_loop3A_295 : i32 to vector<16xi32>
      %parallel_loop3A_297 = arith.addi %parallel_loop3A_33, %parallel_loop3A_296 : vector<16xi32>
      tpu.vector_store_idx %arg7[%parallel_loop3A_26, %parallel_loop3A_297], %parallel_loop3A_291 : memref<32x2560xf32, #tpu.memory_space<vmem>>[vector<16xi32>, vector<16xi32>], vector<16xf32>,
      %parallel_loop3A_298 = arith.constant 0 : i32
      %parallel_loop3A_299 = vector.broadcast %parallel_loop3A_298 : i32 to vector<16xi32>
      %parallel_loop3A_300 = arith.addi %parallel_loop3A_193, %parallel_loop3A_299 : vector<16xi32>
      %parallel_loop3A_301 = tpu.vector_load_idx %arg5[%parallel_loop3A_300] : memref<5408xi32, #tpu.memory_space<vmem>>[vector<16xi32>], vector<16xi32>,
      %parallel_loop3A_302 = vector.bitcast %parallel_loop3A_301 : vector<16xi32> to vector<32xbf16>
      %parallel_loop3A_303 = tpu.unpack_subelements %parallel_loop3A_302, 0 {pack_format = #tpu.pack_format<interleaved>} : vector<32xbf16> -> vector<16xf32>
      %parallel_loop3A_304 = tpu.unpack_subelements %parallel_loop3A_302, 1 {pack_format = #tpu.pack_format<interleaved>} : vector<32xbf16> -> vector<16xf32>
      %parallel_loop3A_305 = arith.constant 84 : i32
      %parallel_loop3A_306 = vector.broadcast %parallel_loop3A_305 : i32 to vector<16xi32>
      %parallel_loop3A_307 = arith.addi %parallel_loop3A_33, %parallel_loop3A_306 : vector<16xi32>
      tpu.vector_store_idx %arg7[%parallel_loop3A_26, %parallel_loop3A_307], %parallel_loop3A_303 : memref<32x2560xf32, #tpu.memory_space<vmem>>[vector<16xi32>, vector<16xi32>], vector<16xf32>,
      %parallel_loop3A_308 = arith.constant 85 : i32
      %parallel_loop3A_309 = vector.broadcast %parallel_loop3A_308 : i32 to vector<16xi32>
      %parallel_loop3A_310 = arith.addi %parallel_loop3A_33, %parallel_loop3A_309 : vector<16xi32>
      tpu.vector_store_idx %arg7[%parallel_loop3A_26, %parallel_loop3A_310], %parallel_loop3A_304 : memref<32x2560xf32, #tpu.memory_space<vmem>>[vector<16xi32>, vector<16xi32>], vector<16xf32>,
      %parallel_loop3A_311 = arith.constant 1 : i32
      %parallel_loop3A_312 = vector.broadcast %parallel_loop3A_311 : i32 to vector<16xi32>
      %parallel_loop3A_313 = arith.addi %parallel_loop3A_43, %parallel_loop3A_312 : vector<16xi32>
      %parallel_loop3A_314 = tpu.vector_load_idx %arg5[%parallel_loop3A_313] : memref<5408xi32, #tpu.memory_space<vmem>>[vector<16xi32>], vector<16xi32>,
      %parallel_loop3A_315 = vector.bitcast %parallel_loop3A_314 : vector<16xi32> to vector<32xbf16>
      %parallel_loop3A_316 = tpu.unpack_subelements %parallel_loop3A_315, 0 {pack_format = #tpu.pack_format<interleaved>} : vector<32xbf16> -> vector<16xf32>
      %parallel_loop3A_317 = tpu.unpack_subelements %parallel_loop3A_315, 1 {pack_format = #tpu.pack_format<interleaved>} : vector<32xbf16> -> vector<16xf32>
      %parallel_loop3A_318 = arith.constant 2 : i32
      %parallel_loop3A_319 = vector.broadcast %parallel_loop3A_318 : i32 to vector<16xi32>
      %parallel_loop3A_320 = arith.addi %parallel_loop3A_33, %parallel_loop3A_319 : vector<16xi32>
      tpu.vector_store_idx %arg7[%parallel_loop3A_26, %parallel_loop3A_320], %parallel_loop3A_316 : memref<32x2560xf32, #tpu.memory_space<vmem>>[vector<16xi32>, vector<16xi32>], vector<16xf32>,
      %parallel_loop3A_321 = arith.constant 3 : i32
      %parallel_loop3A_322 = vector.broadcast %parallel_loop3A_321 : i32 to vector<16xi32>
      %parallel_loop3A_323 = arith.addi %parallel_loop3A_33, %parallel_loop3A_322 : vector<16xi32>
      tpu.vector_store_idx %arg7[%parallel_loop3A_26, %parallel_loop3A_323], %parallel_loop3A_317 : memref<32x2560xf32, #tpu.memory_space<vmem>>[vector<16xi32>, vector<16xi32>], vector<16xf32>,
      %parallel_loop3A_324 = arith.constant 1 : i32
      %parallel_loop3A_325 = vector.broadcast %parallel_loop3A_324 : i32 to vector<16xi32>
      %parallel_loop3A_326 = arith.addi %parallel_loop3A_53, %parallel_loop3A_325 : vector<16xi32>
      %parallel_loop3A_327 = tpu.vector_load_idx %arg5[%parallel_loop3A_326] : memref<5408xi32, #tpu.memory_space<vmem>>[vector<16xi32>], vector<16xi32>,
      %parallel_loop3A_328 = vector.bitcast %parallel_loop3A_327 : vector<16xi32> to vector<32xbf16>
      %parallel_loop3A_329 = arith.constant 1 : i32
      %parallel_loop3A_330 = vector.broadcast %parallel_loop3A_329 : i32 to vector<16xi32>
      %parallel_loop3A_331 = arith.addi %parallel_loop3A_63, %parallel_loop3A_330 : vector<16xi32>
      %parallel_loop3A_332 = tpu.vector_load_idx %arg5[%parallel_loop3A_331] : memref<5408xi32, #tpu.memory_space<vmem>>[vector<16xi32>], vector<16xi32>,
      %parallel_loop3A_333 = vector.bitcast %parallel_loop3A_332 : vector<16xi32> to vector<32xbf16>
      %parallel_loop3A_334 = arith.addf %parallel_loop3A_328, %parallel_loop3A_333 : vector<32xbf16>
      %parallel_loop3A_335 = arith.constant 1 : i32
      %parallel_loop3A_336 = vector.broadcast %parallel_loop3A_335 : i32 to vector<16xi32>
      %parallel_loop3A_337 = arith.addi %parallel_loop3A_73, %parallel_loop3A_336 : vector<16xi32>
      %parallel_loop3A_338 = tpu.vector_load_idx %arg5[%parallel_loop3A_337] : memref<5408xi32, #tpu.memory_space<vmem>>[vector<16xi32>], vector<16xi32>,
      %parallel_loop3A_339 = vector.bitcast %parallel_loop3A_338 : vector<16xi32> to vector<32xbf16>
      %parallel_loop3A_340 = arith.addf %parallel_loop3A_334, %parallel_loop3A_339 : vector<32xbf16>
      %parallel_loop3A_341 = arith.constant 1 : i32
      %parallel_loop3A_342 = vector.broadcast %parallel_loop3A_341 : i32 to vector<16xi32>
      %parallel_loop3A_343 = arith.addi %parallel_loop3A_83, %parallel_loop3A_342 : vector<16xi32>
      %parallel_loop3A_344 = tpu.vector_load_idx %arg5[%parallel_loop3A_343] : memref<5408xi32, #tpu.memory_space<vmem>>[vector<16xi32>], vector<16xi32>,
      %parallel_loop3A_345 = vector.bitcast %parallel_loop3A_344 : vector<16xi32> to vector<32xbf16>
      %parallel_loop3A_346 = arith.addf %parallel_loop3A_340, %parallel_loop3A_345 : vector<32xbf16>
      %parallel_loop3A_347 = arith.constant 1 : i32
      %parallel_loop3A_348 = vector.broadcast %parallel_loop3A_347 : i32 to vector<16xi32>
      %parallel_loop3A_349 = arith.addi %parallel_loop3A_93, %parallel_loop3A_348 : vector<16xi32>
      %parallel_loop3A_350 = tpu.vector_load_idx %arg5[%parallel_loop3A_349] : memref<5408xi32, #tpu.memory_space<vmem>>[vector<16xi32>], vector<16xi32>,
      %parallel_loop3A_351 = vector.bitcast %parallel_loop3A_350 : vector<16xi32> to vector<32xbf16>
      %parallel_loop3A_352 = arith.addf %parallel_loop3A_346, %parallel_loop3A_351 : vector<32xbf16>
      %parallel_loop3A_353 = arith.constant 1 : i32
      %parallel_loop3A_354 = vector.broadcast %parallel_loop3A_353 : i32 to vector<16xi32>
      %parallel_loop3A_355 = arith.addi %parallel_loop3A_103, %parallel_loop3A_354 : vector<16xi32>
      %parallel_loop3A_356 = tpu.vector_load_idx %arg5[%parallel_loop3A_355] : memref<5408xi32, #tpu.memory_space<vmem>>[vector<16xi32>], vector<16xi32>,
      %parallel_loop3A_357 = vector.bitcast %parallel_loop3A_356 : vector<16xi32> to vector<32xbf16>
      %parallel_loop3A_358 = arith.addf %parallel_loop3A_352, %parallel_loop3A_357 : vector<32xbf16>
      %parallel_loop3A_359 = arith.constant 1 : i32
      %parallel_loop3A_360 = vector.broadcast %parallel_loop3A_359 : i32 to vector<16xi32>
      %parallel_loop3A_361 = arith.addi %parallel_loop3A_113, %parallel_loop3A_360 : vector<16xi32>
      %parallel_loop3A_362 = tpu.vector_load_idx %arg5[%parallel_loop3A_361] : memref<5408xi32, #tpu.memory_space<vmem>>[vector<16xi32>], vector<16xi32>,
      %parallel_loop3A_363 = vector.bitcast %parallel_loop3A_362 : vector<16xi32> to vector<32xbf16>
      %parallel_loop3A_364 = arith.addf %parallel_loop3A_358, %parallel_loop3A_363 : vector<32xbf16>
      %parallel_loop3A_365 = arith.constant 1 : i32
      %parallel_loop3A_366 = vector.broadcast %parallel_loop3A_365 : i32 to vector<16xi32>
      %parallel_loop3A_367 = arith.addi %parallel_loop3A_123, %parallel_loop3A_366 : vector<16xi32>
      %parallel_loop3A_368 = tpu.vector_load_idx %arg5[%parallel_loop3A_367] : memref<5408xi32, #tpu.memory_space<vmem>>[vector<16xi32>], vector<16xi32>,
      %parallel_loop3A_369 = vector.bitcast %parallel_loop3A_368 : vector<16xi32> to vector<32xbf16>
      %parallel_loop3A_370 = arith.constant 1 : i32
      %parallel_loop3A_371 = vector.broadcast %parallel_loop3A_370 : i32 to vector<16xi32>
      %parallel_loop3A_372 = arith.addi %parallel_loop3A_133, %parallel_loop3A_371 : vector<16xi32>
      %parallel_loop3A_373 = tpu.vector_load_idx %arg5[%parallel_loop3A_372] : memref<5408xi32, #tpu.memory_space<vmem>>[vector<16xi32>], vector<16xi32>,
      %parallel_loop3A_374 = vector.bitcast %parallel_loop3A_373 : vector<16xi32> to vector<32xbf16>
      %parallel_loop3A_375 = arith.addf %parallel_loop3A_369, %parallel_loop3A_374 : vector<32xbf16>
      %parallel_loop3A_376 = arith.constant 1 : i32
      %parallel_loop3A_377 = vector.broadcast %parallel_loop3A_376 : i32 to vector<16xi32>
      %parallel_loop3A_378 = arith.addi %parallel_loop3A_143, %parallel_loop3A_377 : vector<16xi32>
      %parallel_loop3A_379 = tpu.vector_load_idx %arg5[%parallel_loop3A_378] : memref<5408xi32, #tpu.memory_space<vmem>>[vector<16xi32>], vector<16xi32>,
      %parallel_loop3A_380 = vector.bitcast %parallel_loop3A_379 : vector<16xi32> to vector<32xbf16>
      %parallel_loop3A_381 = arith.addf %parallel_loop3A_375, %parallel_loop3A_380 : vector<32xbf16>
      %parallel_loop3A_382 = arith.constant 1 : i32
      %parallel_loop3A_383 = vector.broadcast %parallel_loop3A_382 : i32 to vector<16xi32>
      %parallel_loop3A_384 = arith.addi %parallel_loop3A_153, %parallel_loop3A_383 : vector<16xi32>
      %parallel_loop3A_385 = tpu.vector_load_idx %arg5[%parallel_loop3A_384] : memref<5408xi32, #tpu.memory_space<vmem>>[vector<16xi32>], vector<16xi32>,
      %parallel_loop3A_386 = vector.bitcast %parallel_loop3A_385 : vector<16xi32> to vector<32xbf16>
      %parallel_loop3A_387 = arith.addf %parallel_loop3A_381, %parallel_loop3A_386 : vector<32xbf16>
      %parallel_loop3A_388 = arith.constant 1 : i32
      %parallel_loop3A_389 = vector.broadcast %parallel_loop3A_388 : i32 to vector<16xi32>
      %parallel_loop3A_390 = arith.addi %parallel_loop3A_163, %parallel_loop3A_389 : vector<16xi32>
      %parallel_loop3A_391 = tpu.vector_load_idx %arg5[%parallel_loop3A_390] : memref<5408xi32, #tpu.memory_space<vmem>>[vector<16xi32>], vector<16xi32>,
      %parallel_loop3A_392 = vector.bitcast %parallel_loop3A_391 : vector<16xi32> to vector<32xbf16>
      %parallel_loop3A_393 = arith.addf %parallel_loop3A_387, %parallel_loop3A_392 : vector<32xbf16>
      %parallel_loop3A_394 = arith.constant 1 : i32
      %parallel_loop3A_395 = vector.broadcast %parallel_loop3A_394 : i32 to vector<16xi32>
      %parallel_loop3A_396 = arith.addi %parallel_loop3A_173, %parallel_loop3A_395 : vector<16xi32>
      %parallel_loop3A_397 = tpu.vector_load_idx %arg5[%parallel_loop3A_396] : memref<5408xi32, #tpu.memory_space<vmem>>[vector<16xi32>], vector<16xi32>,
      %parallel_loop3A_398 = vector.bitcast %parallel_loop3A_397 : vector<16xi32> to vector<32xbf16>
      %parallel_loop3A_399 = arith.addf %parallel_loop3A_393, %parallel_loop3A_398 : vector<32xbf16>
      %parallel_loop3A_400 = arith.constant 1 : i32
      %parallel_loop3A_401 = vector.broadcast %parallel_loop3A_400 : i32 to vector<16xi32>
      %parallel_loop3A_402 = arith.addi %parallel_loop3A_183, %parallel_loop3A_401 : vector<16xi32>
      %parallel_loop3A_403 = tpu.vector_load_idx %arg5[%parallel_loop3A_402] : memref<5408xi32, #tpu.memory_space<vmem>>[vector<16xi32>], vector<16xi32>,
      %parallel_loop3A_404 = vector.bitcast %parallel_loop3A_403 : vector<16xi32> to vector<32xbf16>
      %parallel_loop3A_405 = arith.addf %parallel_loop3A_399, %parallel_loop3A_404 : vector<32xbf16>
      %parallel_loop3A_406 = arith.addf %parallel_loop3A_364, %parallel_loop3A_405 : vector<32xbf16>
      %parallel_loop3A_407 = tpu.unpack_subelements %parallel_loop3A_406, 0 {pack_format = #tpu.pack_format<interleaved>} : vector<32xbf16> -> vector<16xf32>
      %parallel_loop3A_408 = tpu.unpack_subelements %parallel_loop3A_406, 1 {pack_format = #tpu.pack_format<interleaved>} : vector<32xbf16> -> vector<16xf32>
      %parallel_loop3A_409 = arith.constant 44 : i32
      %parallel_loop3A_410 = vector.broadcast %parallel_loop3A_409 : i32 to vector<16xi32>
      %parallel_loop3A_411 = arith.addi %parallel_loop3A_33, %parallel_loop3A_410 : vector<16xi32>
      tpu.vector_store_idx %arg7[%parallel_loop3A_26, %parallel_loop3A_411], %parallel_loop3A_407 : memref<32x2560xf32, #tpu.memory_space<vmem>>[vector<16xi32>, vector<16xi32>], vector<16xf32>,
      %parallel_loop3A_412 = arith.constant 45 : i32
      %parallel_loop3A_413 = vector.broadcast %parallel_loop3A_412 : i32 to vector<16xi32>
      %parallel_loop3A_414 = arith.addi %parallel_loop3A_33, %parallel_loop3A_413 : vector<16xi32>
      tpu.vector_store_idx %arg7[%parallel_loop3A_26, %parallel_loop3A_414], %parallel_loop3A_408 : memref<32x2560xf32, #tpu.memory_space<vmem>>[vector<16xi32>, vector<16xi32>], vector<16xf32>,
      %parallel_loop3A_415 = arith.constant 1 : i32
      %parallel_loop3A_416 = vector.broadcast %parallel_loop3A_415 : i32 to vector<16xi32>
      %parallel_loop3A_417 = arith.addi %parallel_loop3A_193, %parallel_loop3A_416 : vector<16xi32>
      %parallel_loop3A_418 = tpu.vector_load_idx %arg5[%parallel_loop3A_417] : memref<5408xi32, #tpu.memory_space<vmem>>[vector<16xi32>], vector<16xi32>,
      %parallel_loop3A_419 = vector.bitcast %parallel_loop3A_418 : vector<16xi32> to vector<32xbf16>
      %parallel_loop3A_420 = tpu.unpack_subelements %parallel_loop3A_419, 0 {pack_format = #tpu.pack_format<interleaved>} : vector<32xbf16> -> vector<16xf32>
      %parallel_loop3A_421 = tpu.unpack_subelements %parallel_loop3A_419, 1 {pack_format = #tpu.pack_format<interleaved>} : vector<32xbf16> -> vector<16xf32>
      %parallel_loop3A_422 = arith.constant 86 : i32
      %parallel_loop3A_423 = vector.broadcast %parallel_loop3A_422 : i32 to vector<16xi32>
      %parallel_loop3A_424 = arith.addi %parallel_loop3A_33, %parallel_loop3A_423 : vector<16xi32>
      tpu.vector_store_idx %arg7[%parallel_loop3A_26, %parallel_loop3A_424], %parallel_loop3A_420 : memref<32x2560xf32, #tpu.memory_space<vmem>>[vector<16xi32>, vector<16xi32>], vector<16xf32>,
      %parallel_loop3A_425 = arith.constant 87 : i32
      %parallel_loop3A_426 = vector.broadcast %parallel_loop3A_425 : i32 to vector<16xi32>
      %parallel_loop3A_427 = arith.addi %parallel_loop3A_33, %parallel_loop3A_426 : vector<16xi32>
      tpu.vector_store_idx %arg7[%parallel_loop3A_26, %parallel_loop3A_427], %parallel_loop3A_421 : memref<32x2560xf32, #tpu.memory_space<vmem>>[vector<16xi32>, vector<16xi32>], vector<16xf32>,
      %parallel_loop3A_428 = arith.constant 2 : i32
      %parallel_loop3A_429 = vector.broadcast %parallel_loop3A_428 : i32 to vector<16xi32>
      %parallel_loop3A_430 = arith.addi %parallel_loop3A_43, %parallel_loop3A_429 : vector<16xi32>
      %parallel_loop3A_431 = tpu.vector_load_idx %arg5[%parallel_loop3A_430] : memref<5408xi32, #tpu.memory_space<vmem>>[vector<16xi32>], vector<16xi32>,
      %parallel_loop3A_432 = vector.bitcast %parallel_loop3A_431 : vector<16xi32> to vector<32xbf16>
      %parallel_loop3A_433 = tpu.unpack_subelements %parallel_loop3A_432, 0 {pack_format = #tpu.pack_format<interleaved>} : vector<32xbf16> -> vector<16xf32>
      %parallel_loop3A_434 = tpu.unpack_subelements %parallel_loop3A_432, 1 {pack_format = #tpu.pack_format<interleaved>} : vector<32xbf16> -> vector<16xf32>
      %parallel_loop3A_435 = arith.constant 4 : i32
      %parallel_loop3A_436 = vector.broadcast %parallel_loop3A_435 : i32 to vector<16xi32>
      %parallel_loop3A_437 = arith.addi %parallel_loop3A_33, %parallel_loop3A_436 : vector<16xi32>
      tpu.vector_store_idx %arg7[%parallel_loop3A_26, %parallel_loop3A_437], %parallel_loop3A_433 : memref<32x2560xf32, #tpu.memory_space<vmem>>[vector<16xi32>, vector<16xi32>], vector<16xf32>,
      %parallel_loop3A_438 = arith.constant 5 : i32
      %parallel_loop3A_439 = vector.broadcast %parallel_loop3A_438 : i32 to vector<16xi32>
      %parallel_loop3A_440 = arith.addi %parallel_loop3A_33, %parallel_loop3A_439 : vector<16xi32>
      tpu.vector_store_idx %arg7[%parallel_loop3A_26, %parallel_loop3A_440], %parallel_loop3A_434 : memref<32x2560xf32, #tpu.memory_space<vmem>>[vector<16xi32>, vector<16xi32>], vector<16xf32>,
      %parallel_loop3A_441 = arith.constant 2 : i32
      %parallel_loop3A_442 = vector.broadcast %parallel_loop3A_441 : i32 to vector<16xi32>
      %parallel_loop3A_443 = arith.addi %parallel_loop3A_53, %parallel_loop3A_442 : vector<16xi32>
      %parallel_loop3A_444 = tpu.vector_load_idx %arg5[%parallel_loop3A_443] : memref<5408xi32, #tpu.memory_space<vmem>>[vector<16xi32>], vector<16xi32>,
      %parallel_loop3A_445 = vector.bitcast %parallel_loop3A_444 : vector<16xi32> to vector<32xbf16>
      %parallel_loop3A_446 = arith.constant 2 : i32
      %parallel_loop3A_447 = vector.broadcast %parallel_loop3A_446 : i32 to vector<16xi32>
      %parallel_loop3A_448 = arith.addi %parallel_loop3A_63, %parallel_loop3A_447 : vector<16xi32>
      %parallel_loop3A_449 = tpu.vector_load_idx %arg5[%parallel_loop3A_448] : memref<5408xi32, #tpu.memory_space<vmem>>[vector<16xi32>], vector<16xi32>,
      %parallel_loop3A_450 = vector.bitcast %parallel_loop3A_449 : vector<16xi32> to vector<32xbf16>
      %parallel_loop3A_451 = arith.addf %parallel_loop3A_445, %parallel_loop3A_450 : vector<32xbf16>
      %parallel_loop3A_452 = arith.constant 2 : i32
      %parallel_loop3A_453 = vector.broadcast %parallel_loop3A_452 : i32 to vector<16xi32>
      %parallel_loop3A_454 = arith.addi %parallel_loop3A_73, %parallel_loop3A_453 : vector<16xi32>
      %parallel_loop3A_455 = tpu.vector_load_idx %arg5[%parallel_loop3A_454] : memref<5408xi32, #tpu.memory_space<vmem>>[vector<16xi32>], vector<16xi32>,
      %parallel_loop3A_456 = vector.bitcast %parallel_loop3A_455 : vector<16xi32> to vector<32xbf16>
      %parallel_loop3A_457 = arith.addf %parallel_loop3A_451, %parallel_loop3A_456 : vector<32xbf16>
      %parallel_loop3A_458 = arith.constant 2 : i32
      %parallel_loop3A_459 = vector.broadcast %parallel_loop3A_458 : i32 to vector<16xi32>
      %parallel_loop3A_460 = arith.addi %parallel_loop3A_83, %parallel_loop3A_459 : vector<16xi32>
      %parallel_loop3A_461 = tpu.vector_load_idx %arg5[%parallel_loop3A_460] : memref<5408xi32, #tpu.memory_space<vmem>>[vector<16xi32>], vector<16xi32>,
      %parallel_loop3A_462 = vector.bitcast %parallel_loop3A_461 : vector<16xi32> to vector<32xbf16>
      %parallel_loop3A_463 = arith.addf %parallel_loop3A_457, %parallel_loop3A_462 : vector<32xbf16>
      %parallel_loop3A_464 = arith.constant 2 : i32
      %parallel_loop3A_465 = vector.broadcast %parallel_loop3A_464 : i32 to vector<16xi32>
      %parallel_loop3A_466 = arith.addi %parallel_loop3A_93, %parallel_loop3A_465 : vector<16xi32>
      %parallel_loop3A_467 = tpu.vector_load_idx %arg5[%parallel_loop3A_466] : memref<5408xi32, #tpu.memory_space<vmem>>[vector<16xi32>], vector<16xi32>,
      %parallel_loop3A_468 = vector.bitcast %parallel_loop3A_467 : vector<16xi32> to vector<32xbf16>
      %parallel_loop3A_469 = arith.addf %parallel_loop3A_463, %parallel_loop3A_468 : vector<32xbf16>
      %parallel_loop3A_470 = arith.constant 2 : i32
      %parallel_loop3A_471 = vector.broadcast %parallel_loop3A_470 : i32 to vector<16xi32>
      %parallel_loop3A_472 = arith.addi %parallel_loop3A_103, %parallel_loop3A_471 : vector<16xi32>
      %parallel_loop3A_473 = tpu.vector_load_idx %arg5[%parallel_loop3A_472] : memref<5408xi32, #tpu.memory_space<vmem>>[vector<16xi32>], vector<16xi32>,
      %parallel_loop3A_474 = vector.bitcast %parallel_loop3A_473 : vector<16xi32> to vector<32xbf16>
      %parallel_loop3A_475 = arith.addf %parallel_loop3A_469, %parallel_loop3A_474 : vector<32xbf16>
      %parallel_loop3A_476 = arith.constant 2 : i32
      %parallel_loop3A_477 = vector.broadcast %parallel_loop3A_476 : i32 to vector<16xi32>
      %parallel_loop3A_478 = arith.addi %parallel_loop3A_113, %parallel_loop3A_477 : vector<16xi32>
      %parallel_loop3A_479 = tpu.vector_load_idx %arg5[%parallel_loop3A_478] : memref<5408xi32, #tpu.memory_space<vmem>>[vector<16xi32>], vector<16xi32>,
      %parallel_loop3A_480 = vector.bitcast %parallel_loop3A_479 : vector<16xi32> to vector<32xbf16>
      %parallel_loop3A_481 = arith.addf %parallel_loop3A_475, %parallel_loop3A_480 : vector<32xbf16>
      %parallel_loop3A_482 = arith.constant 2 : i32
      %parallel_loop3A_483 = vector.broadcast %parallel_loop3A_482 : i32 to vector<16xi32>
      %parallel_loop3A_484 = arith.addi %parallel_loop3A_123, %parallel_loop3A_483 : vector<16xi32>
      %parallel_loop3A_485 = tpu.vector_load_idx %arg5[%parallel_loop3A_484] : memref<5408xi32, #tpu.memory_space<vmem>>[vector<16xi32>], vector<16xi32>,
      %parallel_loop3A_486 = vector.bitcast %parallel_loop3A_485 : vector<16xi32> to vector<32xbf16>
      %parallel_loop3A_487 = arith.constant 2 : i32
      %parallel_loop3A_488 = vector.broadcast %parallel_loop3A_487 : i32 to vector<16xi32>
      %parallel_loop3A_489 = arith.addi %parallel_loop3A_133, %parallel_loop3A_488 : vector<16xi32>
      %parallel_loop3A_490 = tpu.vector_load_idx %arg5[%parallel_loop3A_489] : memref<5408xi32, #tpu.memory_space<vmem>>[vector<16xi32>], vector<16xi32>,
      %parallel_loop3A_491 = vector.bitcast %parallel_loop3A_490 : vector<16xi32> to vector<32xbf16>
      %parallel_loop3A_492 = arith.addf %parallel_loop3A_486, %parallel_loop3A_491 : vector<32xbf16>
      %parallel_loop3A_493 = arith.constant 2 : i32
      %parallel_loop3A_494 = vector.broadcast %parallel_loop3A_493 : i32 to vector<16xi32>
      %parallel_loop3A_495 = arith.addi %parallel_loop3A_143, %parallel_loop3A_494 : vector<16xi32>
      %parallel_loop3A_496 = tpu.vector_load_idx %arg5[%parallel_loop3A_495] : memref<5408xi32, #tpu.memory_space<vmem>>[vector<16xi32>], vector<16xi32>,
      %parallel_loop3A_497 = vector.bitcast %parallel_loop3A_496 : vector<16xi32> to vector<32xbf16>
      %parallel_loop3A_498 = arith.addf %parallel_loop3A_492, %parallel_loop3A_497 : vector<32xbf16>
      %parallel_loop3A_499 = arith.constant 2 : i32
      %parallel_loop3A_500 = vector.broadcast %parallel_loop3A_499 : i32 to vector<16xi32>
      %parallel_loop3A_501 = arith.addi %parallel_loop3A_153, %parallel_loop3A_500 : vector<16xi32>
      %parallel_loop3A_502 = tpu.vector_load_idx %arg5[%parallel_loop3A_501] : memref<5408xi32, #tpu.memory_space<vmem>>[vector<16xi32>], vector<16xi32>,
      %parallel_loop3A_503 = vector.bitcast %parallel_loop3A_502 : vector<16xi32> to vector<32xbf16>
      %parallel_loop3A_504 = arith.addf %parallel_loop3A_498, %parallel_loop3A_503 : vector<32xbf16>
      %parallel_loop3A_505 = arith.constant 2 : i32
      %parallel_loop3A_506 = vector.broadcast %parallel_loop3A_505 : i32 to vector<16xi32>
      %parallel_loop3A_507 = arith.addi %parallel_loop3A_163, %parallel_loop3A_506 : vector<16xi32>
      %parallel_loop3A_508 = tpu.vector_load_idx %arg5[%parallel_loop3A_507] : memref<5408xi32, #tpu.memory_space<vmem>>[vector<16xi32>], vector<16xi32>,
      %parallel_loop3A_509 = vector.bitcast %parallel_loop3A_508 : vector<16xi32> to vector<32xbf16>
      %parallel_loop3A_510 = arith.addf %parallel_loop3A_504, %parallel_loop3A_509 : vector<32xbf16>
      %parallel_loop3A_511 = arith.constant 2 : i32
      %parallel_loop3A_512 = vector.broadcast %parallel_loop3A_511 : i32 to vector<16xi32>
      %parallel_loop3A_513 = arith.addi %parallel_loop3A_173, %parallel_loop3A_512 : vector<16xi32>
      %parallel_loop3A_514 = tpu.vector_load_idx %arg5[%parallel_loop3A_513] : memref<5408xi32, #tpu.memory_space<vmem>>[vector<16xi32>], vector<16xi32>,
      %parallel_loop3A_515 = vector.bitcast %parallel_loop3A_514 : vector<16xi32> to vector<32xbf16>
      %parallel_loop3A_516 = arith.addf %parallel_loop3A_510, %parallel_loop3A_515 : vector<32xbf16>
      %parallel_loop3A_517 = arith.constant 2 : i32
      %parallel_loop3A_518 = vector.broadcast %parallel_loop3A_517 : i32 to vector<16xi32>
      %parallel_loop3A_519 = arith.addi %parallel_loop3A_183, %parallel_loop3A_518 : vector<16xi32>
      %parallel_loop3A_520 = tpu.vector_load_idx %arg5[%parallel_loop3A_519] : memref<5408xi32, #tpu.memory_space<vmem>>[vector<16xi32>], vector<16xi32>,
      %parallel_loop3A_521 = vector.bitcast %parallel_loop3A_520 : vector<16xi32> to vector<32xbf16>
      %parallel_loop3A_522 = arith.addf %parallel_loop3A_516, %parallel_loop3A_521 : vector<32xbf16>
      %parallel_loop3A_523 = arith.addf %parallel_loop3A_481, %parallel_loop3A_522 : vector<32xbf16>
      %parallel_loop3A_524 = tpu.unpack_subelements %parallel_loop3A_523, 0 {pack_format = #tpu.pack_format<interleaved>} : vector<32xbf16> -> vector<16xf32>
      %parallel_loop3A_525 = tpu.unpack_subelements %parallel_loop3A_523, 1 {pack_format = #tpu.pack_format<interleaved>} : vector<32xbf16> -> vector<16xf32>
      %parallel_loop3A_526 = arith.constant 46 : i32
      %parallel_loop3A_527 = vector.broadcast %parallel_loop3A_526 : i32 to vector<16xi32>
      %parallel_loop3A_528 = arith.addi %parallel_loop3A_33, %parallel_loop3A_527 : vector<16xi32>
      tpu.vector_store_idx %arg7[%parallel_loop3A_26, %parallel_loop3A_528], %parallel_loop3A_524 : memref<32x2560xf32, #tpu.memory_space<vmem>>[vector<16xi32>, vector<16xi32>], vector<16xf32>,
      %parallel_loop3A_529 = arith.constant 47 : i32
      %parallel_loop3A_530 = vector.broadcast %parallel_loop3A_529 : i32 to vector<16xi32>
      %parallel_loop3A_531 = arith.addi %parallel_loop3A_33, %parallel_loop3A_530 : vector<16xi32>
      tpu.vector_store_idx %arg7[%parallel_loop3A_26, %parallel_loop3A_531], %parallel_loop3A_525 : memref<32x2560xf32, #tpu.memory_space<vmem>>[vector<16xi32>, vector<16xi32>], vector<16xf32>,
      %parallel_loop3A_532 = arith.constant 2 : i32
      %parallel_loop3A_533 = vector.broadcast %parallel_loop3A_532 : i32 to vector<16xi32>
      %parallel_loop3A_534 = arith.addi %parallel_loop3A_193, %parallel_loop3A_533 : vector<16xi32>
      %parallel_loop3A_535 = tpu.vector_load_idx %arg5[%parallel_loop3A_534] : memref<5408xi32, #tpu.memory_space<vmem>>[vector<16xi32>], vector<16xi32>,
      %parallel_loop3A_536 = vector.bitcast %parallel_loop3A_535 : vector<16xi32> to vector<32xbf16>
      %parallel_loop3A_537 = tpu.unpack_subelements %parallel_loop3A_536, 0 {pack_format = #tpu.pack_format<interleaved>} : vector<32xbf16> -> vector<16xf32>
      %parallel_loop3A_538 = tpu.unpack_subelements %parallel_loop3A_536, 1 {pack_format = #tpu.pack_format<interleaved>} : vector<32xbf16> -> vector<16xf32>
      %parallel_loop3A_539 = arith.constant 88 : i32
      %parallel_loop3A_540 = vector.broadcast %parallel_loop3A_539 : i32 to vector<16xi32>
      %parallel_loop3A_541 = arith.addi %parallel_loop3A_33, %parallel_loop3A_540 : vector<16xi32>
      tpu.vector_store_idx %arg7[%parallel_loop3A_26, %parallel_loop3A_541], %parallel_loop3A_537 : memref<32x2560xf32, #tpu.memory_space<vmem>>[vector<16xi32>, vector<16xi32>], vector<16xf32>,
      %parallel_loop3A_542 = arith.constant 89 : i32
      %parallel_loop3A_543 = vector.broadcast %parallel_loop3A_542 : i32 to vector<16xi32>
      %parallel_loop3A_544 = arith.addi %parallel_loop3A_33, %parallel_loop3A_543 : vector<16xi32>
      tpu.vector_store_idx %arg7[%parallel_loop3A_26, %parallel_loop3A_544], %parallel_loop3A_538 : memref<32x2560xf32, #tpu.memory_space<vmem>>[vector<16xi32>, vector<16xi32>], vector<16xf32>,
      %parallel_loop3A_545 = arith.constant 3 : i32
      %parallel_loop3A_546 = vector.broadcast %parallel_loop3A_545 : i32 to vector<16xi32>
      %parallel_loop3A_547 = arith.addi %parallel_loop3A_43, %parallel_loop3A_546 : vector<16xi32>
      %parallel_loop3A_548 = tpu.vector_load_idx %arg5[%parallel_loop3A_547] : memref<5408xi32, #tpu.memory_space<vmem>>[vector<16xi32>], vector<16xi32>,
      %parallel_loop3A_549 = vector.bitcast %parallel_loop3A_548 : vector<16xi32> to vector<32xbf16>
      %parallel_loop3A_550 = tpu.unpack_subelements %parallel_loop3A_549, 0 {pack_format = #tpu.pack_format<interleaved>} : vector<32xbf16> -> vector<16xf32>
      %parallel_loop3A_551 = tpu.unpack_subelements %parallel_loop3A_549, 1 {pack_format = #tpu.pack_format<interleaved>} : vector<32xbf16> -> vector<16xf32>
      %parallel_loop3A_552 = arith.constant 6 : i32
      %parallel_loop3A_553 = vector.broadcast %parallel_loop3A_552 : i32 to vector<16xi32>
      %parallel_loop3A_554 = arith.addi %parallel_loop3A_33, %parallel_loop3A_553 : vector<16xi32>
      tpu.vector_store_idx %arg7[%parallel_loop3A_26, %parallel_loop3A_554], %parallel_loop3A_550 : memref<32x2560xf32, #tpu.memory_space<vmem>>[vector<16xi32>, vector<16xi32>], vector<16xf32>,
      %parallel_loop3A_555 = arith.constant 7 : i32
      %parallel_loop3A_556 = vector.broadcast %parallel_loop3A_555 : i32 to vector<16xi32>
      %parallel_loop3A_557 = arith.addi %parallel_loop3A_33, %parallel_loop3A_556 : vector<16xi32>
      tpu.vector_store_idx %arg7[%parallel_loop3A_26, %parallel_loop3A_557], %parallel_loop3A_551 : memref<32x2560xf32, #tpu.memory_space<vmem>>[vector<16xi32>, vector<16xi32>], vector<16xf32>,
      %parallel_loop3A_558 = arith.constant 3 : i32
      %parallel_loop3A_559 = vector.broadcast %parallel_loop3A_558 : i32 to vector<16xi32>
      %parallel_loop3A_560 = arith.addi %parallel_loop3A_53, %parallel_loop3A_559 : vector<16xi32>
      %parallel_loop3A_561 = tpu.vector_load_idx %arg5[%parallel_loop3A_560] : memref<5408xi32, #tpu.memory_space<vmem>>[vector<16xi32>], vector<16xi32>,
      %parallel_loop3A_562 = vector.bitcast %parallel_loop3A_561 : vector<16xi32> to vector<32xbf16>
      %parallel_loop3A_563 = arith.constant 3 : i32
      %parallel_loop3A_564 = vector.broadcast %parallel_loop3A_563 : i32 to vector<16xi32>
      %parallel_loop3A_565 = arith.addi %parallel_loop3A_63, %parallel_loop3A_564 : vector<16xi32>
      %parallel_loop3A_566 = tpu.vector_load_idx %arg5[%parallel_loop3A_565] : memref<5408xi32, #tpu.memory_space<vmem>>[vector<16xi32>], vector<16xi32>,
      %parallel_loop3A_567 = vector.bitcast %parallel_loop3A_566 : vector<16xi32> to vector<32xbf16>
      %parallel_loop3A_568 = arith.addf %parallel_loop3A_562, %parallel_loop3A_567 : vector<32xbf16>
      %parallel_loop3A_569 = arith.constant 3 : i32
      %parallel_loop3A_570 = vector.broadcast %parallel_loop3A_569 : i32 to vector<16xi32>
      %parallel_loop3A_571 = arith.addi %parallel_loop3A_73, %parallel_loop3A_570 : vector<16xi32>
      %parallel_loop3A_572 = tpu.vector_load_idx %arg5[%parallel_loop3A_571] : memref<5408xi32, #tpu.memory_space<vmem>>[vector<16xi32>], vector<16xi32>,
      %parallel_loop3A_573 = vector.bitcast %parallel_loop3A_572 : vector<16xi32> to vector<32xbf16>
      %parallel_loop3A_574 = arith.addf %parallel_loop3A_568, %parallel_loop3A_573 : vector<32xbf16>
      %parallel_loop3A_575 = arith.constant 3 : i32
      %parallel_loop3A_576 = vector.broadcast %parallel_loop3A_575 : i32 to vector<16xi32>
      %parallel_loop3A_577 = arith.addi %parallel_loop3A_83, %parallel_loop3A_576 : vector<16xi32>
      %parallel_loop3A_578 = tpu.vector_load_idx %arg5[%parallel_loop3A_577] : memref<5408xi32, #tpu.memory_space<vmem>>[vector<16xi32>], vector<16xi32>,
      %parallel_loop3A_579 = vector.bitcast %parallel_loop3A_578 : vector<16xi32> to vector<32xbf16>
      %parallel_loop3A_580 = arith.addf %parallel_loop3A_574, %parallel_loop3A_579 : vector<32xbf16>
      %parallel_loop3A_581 = arith.constant 3 : i32
      %parallel_loop3A_582 = vector.broadcast %parallel_loop3A_581 : i32 to vector<16xi32>
      %parallel_loop3A_583 = arith.addi %parallel_loop3A_93, %parallel_loop3A_582 : vector<16xi32>
      %parallel_loop3A_584 = tpu.vector_load_idx %arg5[%parallel_loop3A_583] : memref<5408xi32, #tpu.memory_space<vmem>>[vector<16xi32>], vector<16xi32>,
      %parallel_loop3A_585 = vector.bitcast %parallel_loop3A_584 : vector<16xi32> to vector<32xbf16>
      %parallel_loop3A_586 = arith.addf %parallel_loop3A_580, %parallel_loop3A_585 : vector<32xbf16>
      %parallel_loop3A_587 = arith.constant 3 : i32
      %parallel_loop3A_588 = vector.broadcast %parallel_loop3A_587 : i32 to vector<16xi32>
      %parallel_loop3A_589 = arith.addi %parallel_loop3A_103, %parallel_loop3A_588 : vector<16xi32>
      %parallel_loop3A_590 = tpu.vector_load_idx %arg5[%parallel_loop3A_589] : memref<5408xi32, #tpu.memory_space<vmem>>[vector<16xi32>], vector<16xi32>,
      %parallel_loop3A_591 = vector.bitcast %parallel_loop3A_590 : vector<16xi32> to vector<32xbf16>
      %parallel_loop3A_592 = arith.addf %parallel_loop3A_586, %parallel_loop3A_591 : vector<32xbf16>
      %parallel_loop3A_593 = arith.constant 3 : i32
      %parallel_loop3A_594 = vector.broadcast %parallel_loop3A_593 : i32 to vector<16xi32>
      %parallel_loop3A_595 = arith.addi %parallel_loop3A_113, %parallel_loop3A_594 : vector<16xi32>
      %parallel_loop3A_596 = tpu.vector_load_idx %arg5[%parallel_loop3A_595] : memref<5408xi32, #tpu.memory_space<vmem>>[vector<16xi32>], vector<16xi32>,
      %parallel_loop3A_597 = vector.bitcast %parallel_loop3A_596 : vector<16xi32> to vector<32xbf16>
      %parallel_loop3A_598 = arith.addf %parallel_loop3A_592, %parallel_loop3A_597 : vector<32xbf16>
      %parallel_loop3A_599 = arith.constant 3 : i32
      %parallel_loop3A_600 = vector.broadcast %parallel_loop3A_599 : i32 to vector<16xi32>
      %parallel_loop3A_601 = arith.addi %parallel_loop3A_123, %parallel_loop3A_600 : vector<16xi32>
      %parallel_loop3A_602 = tpu.vector_load_idx %arg5[%parallel_loop3A_601] : memref<5408xi32, #tpu.memory_space<vmem>>[vector<16xi32>], vector<16xi32>,
      %parallel_loop3A_603 = vector.bitcast %parallel_loop3A_602 : vector<16xi32> to vector<32xbf16>
      %parallel_loop3A_604 = arith.constant 3 : i32
      %parallel_loop3A_605 = vector.broadcast %parallel_loop3A_604 : i32 to vector<16xi32>
      %parallel_loop3A_606 = arith.addi %parallel_loop3A_133, %parallel_loop3A_605 : vector<16xi32>
      %parallel_loop3A_607 = tpu.vector_load_idx %arg5[%parallel_loop3A_606] : memref<5408xi32, #tpu.memory_space<vmem>>[vector<16xi32>], vector<16xi32>,
      %parallel_loop3A_608 = vector.bitcast %parallel_loop3A_607 : vector<16xi32> to vector<32xbf16>
      %parallel_loop3A_609 = arith.addf %parallel_loop3A_603, %parallel_loop3A_608 : vector<32xbf16>
      %parallel_loop3A_610 = arith.constant 3 : i32
      %parallel_loop3A_611 = vector.broadcast %parallel_loop3A_610 : i32 to vector<16xi32>
      %parallel_loop3A_612 = arith.addi %parallel_loop3A_143, %parallel_loop3A_611 : vector<16xi32>
      %parallel_loop3A_613 = tpu.vector_load_idx %arg5[%parallel_loop3A_612] : memref<5408xi32, #tpu.memory_space<vmem>>[vector<16xi32>], vector<16xi32>,
      %parallel_loop3A_614 = vector.bitcast %parallel_loop3A_613 : vector<16xi32> to vector<32xbf16>
      %parallel_loop3A_615 = arith.addf %parallel_loop3A_609, %parallel_loop3A_614 : vector<32xbf16>
      %parallel_loop3A_616 = arith.constant 3 : i32
      %parallel_loop3A_617 = vector.broadcast %parallel_loop3A_616 : i32 to vector<16xi32>
      %parallel_loop3A_618 = arith.addi %parallel_loop3A_153, %parallel_loop3A_617 : vector<16xi32>
      %parallel_loop3A_619 = tpu.vector_load_idx %arg5[%parallel_loop3A_618] : memref<5408xi32, #tpu.memory_space<vmem>>[vector<16xi32>], vector<16xi32>,
      %parallel_loop3A_620 = vector.bitcast %parallel_loop3A_619 : vector<16xi32> to vector<32xbf16>
      %parallel_loop3A_621 = arith.addf %parallel_loop3A_615, %parallel_loop3A_620 : vector<32xbf16>
      %parallel_loop3A_622 = arith.constant 3 : i32
      %parallel_loop3A_623 = vector.broadcast %parallel_loop3A_622 : i32 to vector<16xi32>
      %parallel_loop3A_624 = arith.addi %parallel_loop3A_163, %parallel_loop3A_623 : vector<16xi32>
      %parallel_loop3A_625 = tpu.vector_load_idx %arg5[%parallel_loop3A_624] : memref<5408xi32, #tpu.memory_space<vmem>>[vector<16xi32>], vector<16xi32>,
      %parallel_loop3A_626 = vector.bitcast %parallel_loop3A_625 : vector<16xi32> to vector<32xbf16>
      %parallel_loop3A_627 = arith.addf %parallel_loop3A_621, %parallel_loop3A_626 : vector<32xbf16>
      %parallel_loop3A_628 = arith.constant 3 : i32
      %parallel_loop3A_629 = vector.broadcast %parallel_loop3A_628 : i32 to vector<16xi32>
      %parallel_loop3A_630 = arith.addi %parallel_loop3A_173, %parallel_loop3A_629 : vector<16xi32>
      %parallel_loop3A_631 = tpu.vector_load_idx %arg5[%parallel_loop3A_630] : memref<5408xi32, #tpu.memory_space<vmem>>[vector<16xi32>], vector<16xi32>,
      %parallel_loop3A_632 = vector.bitcast %parallel_loop3A_631 : vector<16xi32> to vector<32xbf16>
      %parallel_loop3A_633 = arith.addf %parallel_loop3A_627, %parallel_loop3A_632 : vector<32xbf16>
      %parallel_loop3A_634 = arith.constant 3 : i32
      %parallel_loop3A_635 = vector.broadcast %parallel_loop3A_634 : i32 to vector<16xi32>
      %parallel_loop3A_636 = arith.addi %parallel_loop3A_183, %parallel_loop3A_635 : vector<16xi32>
      %parallel_loop3A_637 = tpu.vector_load_idx %arg5[%parallel_loop3A_636] : memref<5408xi32, #tpu.memory_space<vmem>>[vector<16xi32>], vector<16xi32>,
      %parallel_loop3A_638 = vector.bitcast %parallel_loop3A_637 : vector<16xi32> to vector<32xbf16>
      %parallel_loop3A_639 = arith.addf %parallel_loop3A_633, %parallel_loop3A_638 : vector<32xbf16>
      %parallel_loop3A_640 = arith.addf %parallel_loop3A_598, %parallel_loop3A_639 : vector<32xbf16>
      %parallel_loop3A_641 = tpu.unpack_subelements %parallel_loop3A_640, 0 {pack_format = #tpu.pack_format<interleaved>} : vector<32xbf16> -> vector<16xf32>
      %parallel_loop3A_642 = tpu.unpack_subelements %parallel_loop3A_640, 1 {pack_format = #tpu.pack_format<interleaved>} : vector<32xbf16> -> vector<16xf32>
      %parallel_loop3A_643 = arith.constant 48 : i32
      %parallel_loop3A_644 = vector.broadcast %parallel_loop3A_643 : i32 to vector<16xi32>
      %parallel_loop3A_645 = arith.addi %parallel_loop3A_33, %parallel_loop3A_644 : vector<16xi32>
      tpu.vector_store_idx %arg7[%parallel_loop3A_26, %parallel_loop3A_645], %parallel_loop3A_641 : memref<32x2560xf32, #tpu.memory_space<vmem>>[vector<16xi32>, vector<16xi32>], vector<16xf32>,
      %parallel_loop3A_646 = arith.constant 49 : i32
      %parallel_loop3A_647 = vector.broadcast %parallel_loop3A_646 : i32 to vector<16xi32>
      %parallel_loop3A_648 = arith.addi %parallel_loop3A_33, %parallel_loop3A_647 : vector<16xi32>
      tpu.vector_store_idx %arg7[%parallel_loop3A_26, %parallel_loop3A_648], %parallel_loop3A_642 : memref<32x2560xf32, #tpu.memory_space<vmem>>[vector<16xi32>, vector<16xi32>], vector<16xf32>,
      %parallel_loop3A_649 = arith.constant 3 : i32
      %parallel_loop3A_650 = vector.broadcast %parallel_loop3A_649 : i32 to vector<16xi32>
      %parallel_loop3A_651 = arith.addi %parallel_loop3A_193, %parallel_loop3A_650 : vector<16xi32>
      %parallel_loop3A_652 = tpu.vector_load_idx %arg5[%parallel_loop3A_651] : memref<5408xi32, #tpu.memory_space<vmem>>[vector<16xi32>], vector<16xi32>,
      %parallel_loop3A_653 = vector.bitcast %parallel_loop3A_652 : vector<16xi32> to vector<32xbf16>
      %parallel_loop3A_654 = tpu.unpack_subelements %parallel_loop3A_653, 0 {pack_format = #tpu.pack_format<interleaved>} : vector<32xbf16> -> vector<16xf32>
      %parallel_loop3A_655 = tpu.unpack_subelements %parallel_loop3A_653, 1 {pack_format = #tpu.pack_format<interleaved>} : vector<32xbf16> -> vector<16xf32>
      %parallel_loop3A_656 = arith.constant 90 : i32
      %parallel_loop3A_657 = vector.broadcast %parallel_loop3A_656 : i32 to vector<16xi32>
      %parallel_loop3A_658 = arith.addi %parallel_loop3A_33, %parallel_loop3A_657 : vector<16xi32>
      tpu.vector_store_idx %arg7[%parallel_loop3A_26, %parallel_loop3A_658], %parallel_loop3A_654 : memref<32x2560xf32, #tpu.memory_space<vmem>>[vector<16xi32>, vector<16xi32>], vector<16xf32>,
      %parallel_loop3A_659 = arith.constant 91 : i32
      %parallel_loop3A_660 = vector.broadcast %parallel_loop3A_659 : i32 to vector<16xi32>
      %parallel_loop3A_661 = arith.addi %parallel_loop3A_33, %parallel_loop3A_660 : vector<16xi32>
      tpu.vector_store_idx %arg7[%parallel_loop3A_26, %parallel_loop3A_661], %parallel_loop3A_655 : memref<32x2560xf32, #tpu.memory_space<vmem>>[vector<16xi32>, vector<16xi32>], vector<16xf32>,
      %parallel_loop3A_662 = arith.constant 4 : i32
      %parallel_loop3A_663 = vector.broadcast %parallel_loop3A_662 : i32 to vector<16xi32>
      %parallel_loop3A_664 = arith.addi %parallel_loop3A_43, %parallel_loop3A_663 : vector<16xi32>
      %parallel_loop3A_665 = tpu.vector_load_idx %arg5[%parallel_loop3A_664] : memref<5408xi32, #tpu.memory_space<vmem>>[vector<16xi32>], vector<16xi32>,
      %parallel_loop3A_666 = vector.bitcast %parallel_loop3A_665 : vector<16xi32> to vector<32xbf16>
      %parallel_loop3A_667 = tpu.unpack_subelements %parallel_loop3A_666, 0 {pack_format = #tpu.pack_format<interleaved>} : vector<32xbf16> -> vector<16xf32>
      %parallel_loop3A_668 = tpu.unpack_subelements %parallel_loop3A_666, 1 {pack_format = #tpu.pack_format<interleaved>} : vector<32xbf16> -> vector<16xf32>
      %parallel_loop3A_669 = arith.constant 8 : i32
      %parallel_loop3A_670 = vector.broadcast %parallel_loop3A_669 : i32 to vector<16xi32>
      %parallel_loop3A_671 = arith.addi %parallel_loop3A_33, %parallel_loop3A_670 : vector<16xi32>
      tpu.vector_store_idx %arg7[%parallel_loop3A_26, %parallel_loop3A_671], %parallel_loop3A_667 : memref<32x2560xf32, #tpu.memory_space<vmem>>[vector<16xi32>, vector<16xi32>], vector<16xf32>,
      %parallel_loop3A_672 = arith.constant 9 : i32
      %parallel_loop3A_673 = vector.broadcast %parallel_loop3A_672 : i32 to vector<16xi32>
      %parallel_loop3A_674 = arith.addi %parallel_loop3A_33, %parallel_loop3A_673 : vector<16xi32>
      tpu.vector_store_idx %arg7[%parallel_loop3A_26, %parallel_loop3A_674], %parallel_loop3A_668 : memref<32x2560xf32, #tpu.memory_space<vmem>>[vector<16xi32>, vector<16xi32>], vector<16xf32>,
      %parallel_loop3A_675 = arith.constant 4 : i32
      %parallel_loop3A_676 = vector.broadcast %parallel_loop3A_675 : i32 to vector<16xi32>
      %parallel_loop3A_677 = arith.addi %parallel_loop3A_53, %parallel_loop3A_676 : vector<16xi32>
      %parallel_loop3A_678 = tpu.vector_load_idx %arg5[%parallel_loop3A_677] : memref<5408xi32, #tpu.memory_space<vmem>>[vector<16xi32>], vector<16xi32>,
      %parallel_loop3A_679 = vector.bitcast %parallel_loop3A_678 : vector<16xi32> to vector<32xbf16>
      %parallel_loop3A_680 = arith.constant 4 : i32
      %parallel_loop3A_681 = vector.broadcast %parallel_loop3A_680 : i32 to vector<16xi32>
      %parallel_loop3A_682 = arith.addi %parallel_loop3A_63, %parallel_loop3A_681 : vector<16xi32>
      %parallel_loop3A_683 = tpu.vector_load_idx %arg5[%parallel_loop3A_682] : memref<5408xi32, #tpu.memory_space<vmem>>[vector<16xi32>], vector<16xi32>,
      %parallel_loop3A_684 = vector.bitcast %parallel_loop3A_683 : vector<16xi32> to vector<32xbf16>
      %parallel_loop3A_685 = arith.addf %parallel_loop3A_679, %parallel_loop3A_684 : vector<32xbf16>
      %parallel_loop3A_686 = arith.constant 4 : i32
      %parallel_loop3A_687 = vector.broadcast %parallel_loop3A_686 : i32 to vector<16xi32>
      %parallel_loop3A_688 = arith.addi %parallel_loop3A_73, %parallel_loop3A_687 : vector<16xi32>
      %parallel_loop3A_689 = tpu.vector_load_idx %arg5[%parallel_loop3A_688] : memref<5408xi32, #tpu.memory_space<vmem>>[vector<16xi32>], vector<16xi32>,
      %parallel_loop3A_690 = vector.bitcast %parallel_loop3A_689 : vector<16xi32> to vector<32xbf16>
      %parallel_loop3A_691 = arith.addf %parallel_loop3A_685, %parallel_loop3A_690 : vector<32xbf16>
      %parallel_loop3A_692 = arith.constant 4 : i32
      %parallel_loop3A_693 = vector.broadcast %parallel_loop3A_692 : i32 to vector<16xi32>
      %parallel_loop3A_694 = arith.addi %parallel_loop3A_83, %parallel_loop3A_693 : vector<16xi32>
      %parallel_loop3A_695 = tpu.vector_load_idx %arg5[%parallel_loop3A_694] : memref<5408xi32, #tpu.memory_space<vmem>>[vector<16xi32>], vector<16xi32>,
      %parallel_loop3A_696 = vector.bitcast %parallel_loop3A_695 : vector<16xi32> to vector<32xbf16>
      %parallel_loop3A_697 = arith.addf %parallel_loop3A_691, %parallel_loop3A_696 : vector<32xbf16>
      %parallel_loop3A_698 = arith.constant 4 : i32
      %parallel_loop3A_699 = vector.broadcast %parallel_loop3A_698 : i32 to vector<16xi32>
      %parallel_loop3A_700 = arith.addi %parallel_loop3A_93, %parallel_loop3A_699 : vector<16xi32>
      %parallel_loop3A_701 = tpu.vector_load_idx %arg5[%parallel_loop3A_700] : memref<5408xi32, #tpu.memory_space<vmem>>[vector<16xi32>], vector<16xi32>,
      %parallel_loop3A_702 = vector.bitcast %parallel_loop3A_701 : vector<16xi32> to vector<32xbf16>
      %parallel_loop3A_703 = arith.addf %parallel_loop3A_697, %parallel_loop3A_702 : vector<32xbf16>
      %parallel_loop3A_704 = arith.constant 4 : i32
      %parallel_loop3A_705 = vector.broadcast %parallel_loop3A_704 : i32 to vector<16xi32>
      %parallel_loop3A_706 = arith.addi %parallel_loop3A_103, %parallel_loop3A_705 : vector<16xi32>
      %parallel_loop3A_707 = tpu.vector_load_idx %arg5[%parallel_loop3A_706] : memref<5408xi32, #tpu.memory_space<vmem>>[vector<16xi32>], vector<16xi32>,
      %parallel_loop3A_708 = vector.bitcast %parallel_loop3A_707 : vector<16xi32> to vector<32xbf16>
      %parallel_loop3A_709 = arith.addf %parallel_loop3A_703, %parallel_loop3A_708 : vector<32xbf16>
      %parallel_loop3A_710 = arith.constant 4 : i32
      %parallel_loop3A_711 = vector.broadcast %parallel_loop3A_710 : i32 to vector<16xi32>
      %parallel_loop3A_712 = arith.addi %parallel_loop3A_113, %parallel_loop3A_711 : vector<16xi32>
      %parallel_loop3A_713 = tpu.vector_load_idx %arg5[%parallel_loop3A_712] : memref<5408xi32, #tpu.memory_space<vmem>>[vector<16xi32>], vector<16xi32>,
      %parallel_loop3A_714 = vector.bitcast %parallel_loop3A_713 : vector<16xi32> to vector<32xbf16>
      %parallel_loop3A_715 = arith.addf %parallel_loop3A_709, %parallel_loop3A_714 : vector<32xbf16>
      %parallel_loop3A_716 = arith.constant 4 : i32
      %parallel_loop3A_717 = vector.broadcast %parallel_loop3A_716 : i32 to vector<16xi32>
      %parallel_loop3A_718 = arith.addi %parallel_loop3A_123, %parallel_loop3A_717 : vector<16xi32>
      %parallel_loop3A_719 = tpu.vector_load_idx %arg5[%parallel_loop3A_718] : memref<5408xi32, #tpu.memory_space<vmem>>[vector<16xi32>], vector<16xi32>,
      %parallel_loop3A_720 = vector.bitcast %parallel_loop3A_719 : vector<16xi32> to vector<32xbf16>
      %parallel_loop3A_721 = arith.constant 4 : i32
      %parallel_loop3A_722 = vector.broadcast %parallel_loop3A_721 : i32 to vector<16xi32>
      %parallel_loop3A_723 = arith.addi %parallel_loop3A_133, %parallel_loop3A_722 : vector<16xi32>
      %parallel_loop3A_724 = tpu.vector_load_idx %arg5[%parallel_loop3A_723] : memref<5408xi32, #tpu.memory_space<vmem>>[vector<16xi32>], vector<16xi32>,
      %parallel_loop3A_725 = vector.bitcast %parallel_loop3A_724 : vector<16xi32> to vector<32xbf16>
      %parallel_loop3A_726 = arith.addf %parallel_loop3A_720, %parallel_loop3A_725 : vector<32xbf16>
      %parallel_loop3A_727 = arith.constant 4 : i32
      %parallel_loop3A_728 = vector.broadcast %parallel_loop3A_727 : i32 to vector<16xi32>
      %parallel_loop3A_729 = arith.addi %parallel_loop3A_143, %parallel_loop3A_728 : vector<16xi32>
      %parallel_loop3A_730 = tpu.vector_load_idx %arg5[%parallel_loop3A_729] : memref<5408xi32, #tpu.memory_space<vmem>>[vector<16xi32>], vector<16xi32>,
      %parallel_loop3A_731 = vector.bitcast %parallel_loop3A_730 : vector<16xi32> to vector<32xbf16>
      %parallel_loop3A_732 = arith.addf %parallel_loop3A_726, %parallel_loop3A_731 : vector<32xbf16>
      %parallel_loop3A_733 = arith.constant 4 : i32
      %parallel_loop3A_734 = vector.broadcast %parallel_loop3A_733 : i32 to vector<16xi32>
      %parallel_loop3A_735 = arith.addi %parallel_loop3A_153, %parallel_loop3A_734 : vector<16xi32>
      %parallel_loop3A_736 = tpu.vector_load_idx %arg5[%parallel_loop3A_735] : memref<5408xi32, #tpu.memory_space<vmem>>[vector<16xi32>], vector<16xi32>,
      %parallel_loop3A_737 = vector.bitcast %parallel_loop3A_736 : vector<16xi32> to vector<32xbf16>
      %parallel_loop3A_738 = arith.addf %parallel_loop3A_732, %parallel_loop3A_737 : vector<32xbf16>
      %parallel_loop3A_739 = arith.constant 4 : i32
      %parallel_loop3A_740 = vector.broadcast %parallel_loop3A_739 : i32 to vector<16xi32>
      %parallel_loop3A_741 = arith.addi %parallel_loop3A_163, %parallel_loop3A_740 : vector<16xi32>
      %parallel_loop3A_742 = tpu.vector_load_idx %arg5[%parallel_loop3A_741] : memref<5408xi32, #tpu.memory_space<vmem>>[vector<16xi32>], vector<16xi32>,
      %parallel_loop3A_743 = vector.bitcast %parallel_loop3A_742 : vector<16xi32> to vector<32xbf16>
      %parallel_loop3A_744 = arith.addf %parallel_loop3A_738, %parallel_loop3A_743 : vector<32xbf16>
      %parallel_loop3A_745 = arith.constant 4 : i32
      %parallel_loop3A_746 = vector.broadcast %parallel_loop3A_745 : i32 to vector<16xi32>
      %parallel_loop3A_747 = arith.addi %parallel_loop3A_173, %parallel_loop3A_746 : vector<16xi32>
      %parallel_loop3A_748 = tpu.vector_load_idx %arg5[%parallel_loop3A_747] : memref<5408xi32, #tpu.memory_space<vmem>>[vector<16xi32>], vector<16xi32>,
      %parallel_loop3A_749 = vector.bitcast %parallel_loop3A_748 : vector<16xi32> to vector<32xbf16>
      %parallel_loop3A_750 = arith.addf %parallel_loop3A_744, %parallel_loop3A_749 : vector<32xbf16>
      %parallel_loop3A_751 = arith.constant 4 : i32
      %parallel_loop3A_752 = vector.broadcast %parallel_loop3A_751 : i32 to vector<16xi32>
      %parallel_loop3A_753 = arith.addi %parallel_loop3A_183, %parallel_loop3A_752 : vector<16xi32>
      %parallel_loop3A_754 = tpu.vector_load_idx %arg5[%parallel_loop3A_753] : memref<5408xi32, #tpu.memory_space<vmem>>[vector<16xi32>], vector<16xi32>,
      %parallel_loop3A_755 = vector.bitcast %parallel_loop3A_754 : vector<16xi32> to vector<32xbf16>
      %parallel_loop3A_756 = arith.addf %parallel_loop3A_750, %parallel_loop3A_755 : vector<32xbf16>
      %parallel_loop3A_757 = arith.addf %parallel_loop3A_715, %parallel_loop3A_756 : vector<32xbf16>
      %parallel_loop3A_758 = tpu.unpack_subelements %parallel_loop3A_757, 0 {pack_format = #tpu.pack_format<interleaved>} : vector<32xbf16> -> vector<16xf32>
      %parallel_loop3A_759 = tpu.unpack_subelements %parallel_loop3A_757, 1 {pack_format = #tpu.pack_format<interleaved>} : vector<32xbf16> -> vector<16xf32>
      %parallel_loop3A_760 = arith.constant 50 : i32
      %parallel_loop3A_761 = vector.broadcast %parallel_loop3A_760 : i32 to vector<16xi32>
      %parallel_loop3A_762 = arith.addi %parallel_loop3A_33, %parallel_loop3A_761 : vector<16xi32>
      tpu.vector_store_idx %arg7[%parallel_loop3A_26, %parallel_loop3A_762], %parallel_loop3A_758 : memref<32x2560xf32, #tpu.memory_space<vmem>>[vector<16xi32>, vector<16xi32>], vector<16xf32>,
      %parallel_loop3A_763 = arith.constant 51 : i32
      %parallel_loop3A_764 = vector.broadcast %parallel_loop3A_763 : i32 to vector<16xi32>
      %parallel_loop3A_765 = arith.addi %parallel_loop3A_33, %parallel_loop3A_764 : vector<16xi32>
      tpu.vector_store_idx %arg7[%parallel_loop3A_26, %parallel_loop3A_765], %parallel_loop3A_759 : memref<32x2560xf32, #tpu.memory_space<vmem>>[vector<16xi32>, vector<16xi32>], vector<16xf32>,
      %parallel_loop3A_766 = arith.constant 4 : i32
      %parallel_loop3A_767 = vector.broadcast %parallel_loop3A_766 : i32 to vector<16xi32>
      %parallel_loop3A_768 = arith.addi %parallel_loop3A_193, %parallel_loop3A_767 : vector<16xi32>
      %parallel_loop3A_769 = tpu.vector_load_idx %arg5[%parallel_loop3A_768] : memref<5408xi32, #tpu.memory_space<vmem>>[vector<16xi32>], vector<16xi32>,
      %parallel_loop3A_770 = vector.bitcast %parallel_loop3A_769 : vector<16xi32> to vector<32xbf16>
      %parallel_loop3A_771 = tpu.unpack_subelements %parallel_loop3A_770, 0 {pack_format = #tpu.pack_format<interleaved>} : vector<32xbf16> -> vector<16xf32>
      %parallel_loop3A_772 = tpu.unpack_subelements %parallel_loop3A_770, 1 {pack_format = #tpu.pack_format<interleaved>} : vector<32xbf16> -> vector<16xf32>
      %parallel_loop3A_773 = arith.constant 92 : i32
      %parallel_loop3A_774 = vector.broadcast %parallel_loop3A_773 : i32 to vector<16xi32>
      %parallel_loop3A_775 = arith.addi %parallel_loop3A_33, %parallel_loop3A_774 : vector<16xi32>
      tpu.vector_store_idx %arg7[%parallel_loop3A_26, %parallel_loop3A_775], %parallel_loop3A_771 : memref<32x2560xf32, #tpu.memory_space<vmem>>[vector<16xi32>, vector<16xi32>], vector<16xf32>,
      %parallel_loop3A_776 = arith.constant 93 : i32
      %parallel_loop3A_777 = vector.broadcast %parallel_loop3A_776 : i32 to vector<16xi32>
      %parallel_loop3A_778 = arith.addi %parallel_loop3A_33, %parallel_loop3A_777 : vector<16xi32>
      tpu.vector_store_idx %arg7[%parallel_loop3A_26, %parallel_loop3A_778], %parallel_loop3A_772 : memref<32x2560xf32, #tpu.memory_space<vmem>>[vector<16xi32>, vector<16xi32>], vector<16xf32>,
      %parallel_loop3A_779 = arith.constant 5 : i32
      %parallel_loop3A_780 = vector.broadcast %parallel_loop3A_779 : i32 to vector<16xi32>
      %parallel_loop3A_781 = arith.addi %parallel_loop3A_43, %parallel_loop3A_780 : vector<16xi32>
      %parallel_loop3A_782 = tpu.vector_load_idx %arg5[%parallel_loop3A_781] : memref<5408xi32, #tpu.memory_space<vmem>>[vector<16xi32>], vector<16xi32>,
      %parallel_loop3A_783 = vector.bitcast %parallel_loop3A_782 : vector<16xi32> to vector<32xbf16>
      %parallel_loop3A_784 = tpu.unpack_subelements %parallel_loop3A_783, 0 {pack_format = #tpu.pack_format<interleaved>} : vector<32xbf16> -> vector<16xf32>
      %parallel_loop3A_785 = tpu.unpack_subelements %parallel_loop3A_783, 1 {pack_format = #tpu.pack_format<interleaved>} : vector<32xbf16> -> vector<16xf32>
      %parallel_loop3A_786 = arith.constant 10 : i32
      %parallel_loop3A_787 = vector.broadcast %parallel_loop3A_786 : i32 to vector<16xi32>
      %parallel_loop3A_788 = arith.addi %parallel_loop3A_33, %parallel_loop3A_787 : vector<16xi32>
      tpu.vector_store_idx %arg7[%parallel_loop3A_26, %parallel_loop3A_788], %parallel_loop3A_784 : memref<32x2560xf32, #tpu.memory_space<vmem>>[vector<16xi32>, vector<16xi32>], vector<16xf32>,
      %parallel_loop3A_789 = arith.constant 11 : i32
      %parallel_loop3A_790 = vector.broadcast %parallel_loop3A_789 : i32 to vector<16xi32>
      %parallel_loop3A_791 = arith.addi %parallel_loop3A_33, %parallel_loop3A_790 : vector<16xi32>
      tpu.vector_store_idx %arg7[%parallel_loop3A_26, %parallel_loop3A_791], %parallel_loop3A_785 : memref<32x2560xf32, #tpu.memory_space<vmem>>[vector<16xi32>, vector<16xi32>], vector<16xf32>,
      %parallel_loop3A_792 = arith.constant 5 : i32
      %parallel_loop3A_793 = vector.broadcast %parallel_loop3A_792 : i32 to vector<16xi32>
      %parallel_loop3A_794 = arith.addi %parallel_loop3A_53, %parallel_loop3A_793 : vector<16xi32>
      %parallel_loop3A_795 = tpu.vector_load_idx %arg5[%parallel_loop3A_794] : memref<5408xi32, #tpu.memory_space<vmem>>[vector<16xi32>], vector<16xi32>,
      %parallel_loop3A_796 = vector.bitcast %parallel_loop3A_795 : vector<16xi32> to vector<32xbf16>
      %parallel_loop3A_797 = arith.constant 5 : i32
      %parallel_loop3A_798 = vector.broadcast %parallel_loop3A_797 : i32 to vector<16xi32>
      %parallel_loop3A_799 = arith.addi %parallel_loop3A_63, %parallel_loop3A_798 : vector<16xi32>
      %parallel_loop3A_800 = tpu.vector_load_idx %arg5[%parallel_loop3A_799] : memref<5408xi32, #tpu.memory_space<vmem>>[vector<16xi32>], vector<16xi32>,
      %parallel_loop3A_801 = vector.bitcast %parallel_loop3A_800 : vector<16xi32> to vector<32xbf16>
      %parallel_loop3A_802 = arith.addf %parallel_loop3A_796, %parallel_loop3A_801 : vector<32xbf16>
      %parallel_loop3A_803 = arith.constant 5 : i32
      %parallel_loop3A_804 = vector.broadcast %parallel_loop3A_803 : i32 to vector<16xi32>
      %parallel_loop3A_805 = arith.addi %parallel_loop3A_73, %parallel_loop3A_804 : vector<16xi32>
      %parallel_loop3A_806 = tpu.vector_load_idx %arg5[%parallel_loop3A_805] : memref<5408xi32, #tpu.memory_space<vmem>>[vector<16xi32>], vector<16xi32>,
      %parallel_loop3A_807 = vector.bitcast %parallel_loop3A_806 : vector<16xi32> to vector<32xbf16>
      %parallel_loop3A_808 = arith.addf %parallel_loop3A_802, %parallel_loop3A_807 : vector<32xbf16>
      %parallel_loop3A_809 = arith.constant 5 : i32
      %parallel_loop3A_810 = vector.broadcast %parallel_loop3A_809 : i32 to vector<16xi32>
      %parallel_loop3A_811 = arith.addi %parallel_loop3A_83, %parallel_loop3A_810 : vector<16xi32>
      %parallel_loop3A_812 = tpu.vector_load_idx %arg5[%parallel_loop3A_811] : memref<5408xi32, #tpu.memory_space<vmem>>[vector<16xi32>], vector<16xi32>,
      %parallel_loop3A_813 = vector.bitcast %parallel_loop3A_812 : vector<16xi32> to vector<32xbf16>
      %parallel_loop3A_814 = arith.addf %parallel_loop3A_808, %parallel_loop3A_813 : vector<32xbf16>
      %parallel_loop3A_815 = arith.constant 5 : i32
      %parallel_loop3A_816 = vector.broadcast %parallel_loop3A_815 : i32 to vector<16xi32>
      %parallel_loop3A_817 = arith.addi %parallel_loop3A_93, %parallel_loop3A_816 : vector<16xi32>
      %parallel_loop3A_818 = tpu.vector_load_idx %arg5[%parallel_loop3A_817] : memref<5408xi32, #tpu.memory_space<vmem>>[vector<16xi32>], vector<16xi32>,
      %parallel_loop3A_819 = vector.bitcast %parallel_loop3A_818 : vector<16xi32> to vector<32xbf16>
      %parallel_loop3A_820 = arith.addf %parallel_loop3A_814, %parallel_loop3A_819 : vector<32xbf16>
      %parallel_loop3A_821 = arith.constant 5 : i32
      %parallel_loop3A_822 = vector.broadcast %parallel_loop3A_821 : i32 to vector<16xi32>
      %parallel_loop3A_823 = arith.addi %parallel_loop3A_103, %parallel_loop3A_822 : vector<16xi32>
      %parallel_loop3A_824 = tpu.vector_load_idx %arg5[%parallel_loop3A_823] : memref<5408xi32, #tpu.memory_space<vmem>>[vector<16xi32>], vector<16xi32>,
      %parallel_loop3A_825 = vector.bitcast %parallel_loop3A_824 : vector<16xi32> to vector<32xbf16>
      %parallel_loop3A_826 = arith.addf %parallel_loop3A_820, %parallel_loop3A_825 : vector<32xbf16>
      %parallel_loop3A_827 = arith.constant 5 : i32
      %parallel_loop3A_828 = vector.broadcast %parallel_loop3A_827 : i32 to vector<16xi32>
      %parallel_loop3A_829 = arith.addi %parallel_loop3A_113, %parallel_loop3A_828 : vector<16xi32>
      %parallel_loop3A_830 = tpu.vector_load_idx %arg5[%parallel_loop3A_829] : memref<5408xi32, #tpu.memory_space<vmem>>[vector<16xi32>], vector<16xi32>,
      %parallel_loop3A_831 = vector.bitcast %parallel_loop3A_830 : vector<16xi32> to vector<32xbf16>
      %parallel_loop3A_832 = arith.addf %parallel_loop3A_826, %parallel_loop3A_831 : vector<32xbf16>
      %parallel_loop3A_833 = arith.constant 5 : i32
      %parallel_loop3A_834 = vector.broadcast %parallel_loop3A_833 : i32 to vector<16xi32>
      %parallel_loop3A_835 = arith.addi %parallel_loop3A_123, %parallel_loop3A_834 : vector<16xi32>
      %parallel_loop3A_836 = tpu.vector_load_idx %arg5[%parallel_loop3A_835] : memref<5408xi32, #tpu.memory_space<vmem>>[vector<16xi32>], vector<16xi32>,
      %parallel_loop3A_837 = vector.bitcast %parallel_loop3A_836 : vector<16xi32> to vector<32xbf16>
      %parallel_loop3A_838 = arith.constant 5 : i32
      %parallel_loop3A_839 = vector.broadcast %parallel_loop3A_838 : i32 to vector<16xi32>
      %parallel_loop3A_840 = arith.addi %parallel_loop3A_133, %parallel_loop3A_839 : vector<16xi32>
      %parallel_loop3A_841 = tpu.vector_load_idx %arg5[%parallel_loop3A_840] : memref<5408xi32, #tpu.memory_space<vmem>>[vector<16xi32>], vector<16xi32>,
      %parallel_loop3A_842 = vector.bitcast %parallel_loop3A_841 : vector<16xi32> to vector<32xbf16>
      %parallel_loop3A_843 = arith.addf %parallel_loop3A_837, %parallel_loop3A_842 : vector<32xbf16>
      %parallel_loop3A_844 = arith.constant 5 : i32
      %parallel_loop3A_845 = vector.broadcast %parallel_loop3A_844 : i32 to vector<16xi32>
      %parallel_loop3A_846 = arith.addi %parallel_loop3A_143, %parallel_loop3A_845 : vector<16xi32>
      %parallel_loop3A_847 = tpu.vector_load_idx %arg5[%parallel_loop3A_846] : memref<5408xi32, #tpu.memory_space<vmem>>[vector<16xi32>], vector<16xi32>,
      %parallel_loop3A_848 = vector.bitcast %parallel_loop3A_847 : vector<16xi32> to vector<32xbf16>
      %parallel_loop3A_849 = arith.addf %parallel_loop3A_843, %parallel_loop3A_848 : vector<32xbf16>
      %parallel_loop3A_850 = arith.constant 5 : i32
      %parallel_loop3A_851 = vector.broadcast %parallel_loop3A_850 : i32 to vector<16xi32>
      %parallel_loop3A_852 = arith.addi %parallel_loop3A_153, %parallel_loop3A_851 : vector<16xi32>
      %parallel_loop3A_853 = tpu.vector_load_idx %arg5[%parallel_loop3A_852] : memref<5408xi32, #tpu.memory_space<vmem>>[vector<16xi32>], vector<16xi32>,
      %parallel_loop3A_854 = vector.bitcast %parallel_loop3A_853 : vector<16xi32> to vector<32xbf16>
      %parallel_loop3A_855 = arith.addf %parallel_loop3A_849, %parallel_loop3A_854 : vector<32xbf16>
      %parallel_loop3A_856 = arith.constant 5 : i32
      %parallel_loop3A_857 = vector.broadcast %parallel_loop3A_856 : i32 to vector<16xi32>
      %parallel_loop3A_858 = arith.addi %parallel_loop3A_163, %parallel_loop3A_857 : vector<16xi32>
      %parallel_loop3A_859 = tpu.vector_load_idx %arg5[%parallel_loop3A_858] : memref<5408xi32, #tpu.memory_space<vmem>>[vector<16xi32>], vector<16xi32>,
      %parallel_loop3A_860 = vector.bitcast %parallel_loop3A_859 : vector<16xi32> to vector<32xbf16>
      %parallel_loop3A_861 = arith.addf %parallel_loop3A_855, %parallel_loop3A_860 : vector<32xbf16>
      %parallel_loop3A_862 = arith.constant 5 : i32
      %parallel_loop3A_863 = vector.broadcast %parallel_loop3A_862 : i32 to vector<16xi32>
      %parallel_loop3A_864 = arith.addi %parallel_loop3A_173, %parallel_loop3A_863 : vector<16xi32>
      %parallel_loop3A_865 = tpu.vector_load_idx %arg5[%parallel_loop3A_864] : memref<5408xi32, #tpu.memory_space<vmem>>[vector<16xi32>], vector<16xi32>,
      %parallel_loop3A_866 = vector.bitcast %parallel_loop3A_865 : vector<16xi32> to vector<32xbf16>
      %parallel_loop3A_867 = arith.addf %parallel_loop3A_861, %parallel_loop3A_866 : vector<32xbf16>
      %parallel_loop3A_868 = arith.constant 5 : i32
      %parallel_loop3A_869 = vector.broadcast %parallel_loop3A_868 : i32 to vector<16xi32>
      %parallel_loop3A_870 = arith.addi %parallel_loop3A_183, %parallel_loop3A_869 : vector<16xi32>
      %parallel_loop3A_871 = tpu.vector_load_idx %arg5[%parallel_loop3A_870] : memref<5408xi32, #tpu.memory_space<vmem>>[vector<16xi32>], vector<16xi32>,
      %parallel_loop3A_872 = vector.bitcast %parallel_loop3A_871 : vector<16xi32> to vector<32xbf16>
      %parallel_loop3A_873 = arith.addf %parallel_loop3A_867, %parallel_loop3A_872 : vector<32xbf16>
      %parallel_loop3A_874 = arith.addf %parallel_loop3A_832, %parallel_loop3A_873 : vector<32xbf16>
      %parallel_loop3A_875 = tpu.unpack_subelements %parallel_loop3A_874, 0 {pack_format = #tpu.pack_format<interleaved>} : vector<32xbf16> -> vector<16xf32>
      %parallel_loop3A_876 = tpu.unpack_subelements %parallel_loop3A_874, 1 {pack_format = #tpu.pack_format<interleaved>} : vector<32xbf16> -> vector<16xf32>
      %parallel_loop3A_877 = arith.constant 52 : i32
      %parallel_loop3A_878 = vector.broadcast %parallel_loop3A_877 : i32 to vector<16xi32>
      %parallel_loop3A_879 = arith.addi %parallel_loop3A_33, %parallel_loop3A_878 : vector<16xi32>
      tpu.vector_store_idx %arg7[%parallel_loop3A_26, %parallel_loop3A_879], %parallel_loop3A_875 : memref<32x2560xf32, #tpu.memory_space<vmem>>[vector<16xi32>, vector<16xi32>], vector<16xf32>,
      %parallel_loop3A_880 = arith.constant 53 : i32
      %parallel_loop3A_881 = vector.broadcast %parallel_loop3A_880 : i32 to vector<16xi32>
      %parallel_loop3A_882 = arith.addi %parallel_loop3A_33, %parallel_loop3A_881 : vector<16xi32>
      tpu.vector_store_idx %arg7[%parallel_loop3A_26, %parallel_loop3A_882], %parallel_loop3A_876 : memref<32x2560xf32, #tpu.memory_space<vmem>>[vector<16xi32>, vector<16xi32>], vector<16xf32>,
      %parallel_loop3A_883 = arith.constant 5 : i32
      %parallel_loop3A_884 = vector.broadcast %parallel_loop3A_883 : i32 to vector<16xi32>
      %parallel_loop3A_885 = arith.addi %parallel_loop3A_193, %parallel_loop3A_884 : vector<16xi32>
      %parallel_loop3A_886 = tpu.vector_load_idx %arg5[%parallel_loop3A_885] : memref<5408xi32, #tpu.memory_space<vmem>>[vector<16xi32>], vector<16xi32>,
      %parallel_loop3A_887 = vector.bitcast %parallel_loop3A_886 : vector<16xi32> to vector<32xbf16>
      %parallel_loop3A_888 = tpu.unpack_subelements %parallel_loop3A_887, 0 {pack_format = #tpu.pack_format<interleaved>} : vector<32xbf16> -> vector<16xf32>
      %parallel_loop3A_889 = tpu.unpack_subelements %parallel_loop3A_887, 1 {pack_format = #tpu.pack_format<interleaved>} : vector<32xbf16> -> vector<16xf32>
      %parallel_loop3A_890 = arith.constant 94 : i32
      %parallel_loop3A_891 = vector.broadcast %parallel_loop3A_890 : i32 to vector<16xi32>
      %parallel_loop3A_892 = arith.addi %parallel_loop3A_33, %parallel_loop3A_891 : vector<16xi32>
      tpu.vector_store_idx %arg7[%parallel_loop3A_26, %parallel_loop3A_892], %parallel_loop3A_888 : memref<32x2560xf32, #tpu.memory_space<vmem>>[vector<16xi32>, vector<16xi32>], vector<16xf32>,
      %parallel_loop3A_893 = arith.constant 95 : i32
      %parallel_loop3A_894 = vector.broadcast %parallel_loop3A_893 : i32 to vector<16xi32>
      %parallel_loop3A_895 = arith.addi %parallel_loop3A_33, %parallel_loop3A_894 : vector<16xi32>
      tpu.vector_store_idx %arg7[%parallel_loop3A_26, %parallel_loop3A_895], %parallel_loop3A_889 : memref<32x2560xf32, #tpu.memory_space<vmem>>[vector<16xi32>, vector<16xi32>], vector<16xf32>,
      %parallel_loop3A_896 = arith.constant 6 : i32
      %parallel_loop3A_897 = vector.broadcast %parallel_loop3A_896 : i32 to vector<16xi32>
      %parallel_loop3A_898 = arith.addi %parallel_loop3A_43, %parallel_loop3A_897 : vector<16xi32>
      %parallel_loop3A_899 = tpu.vector_load_idx %arg5[%parallel_loop3A_898] : memref<5408xi32, #tpu.memory_space<vmem>>[vector<16xi32>], vector<16xi32>,
      %parallel_loop3A_900 = vector.bitcast %parallel_loop3A_899 : vector<16xi32> to vector<32xbf16>
      %parallel_loop3A_901 = tpu.unpack_subelements %parallel_loop3A_900, 0 {pack_format = #tpu.pack_format<interleaved>} : vector<32xbf16> -> vector<16xf32>
      %parallel_loop3A_902 = tpu.unpack_subelements %parallel_loop3A_900, 1 {pack_format = #tpu.pack_format<interleaved>} : vector<32xbf16> -> vector<16xf32>
      %parallel_loop3A_903 = arith.constant 12 : i32
      %parallel_loop3A_904 = vector.broadcast %parallel_loop3A_903 : i32 to vector<16xi32>
      %parallel_loop3A_905 = arith.addi %parallel_loop3A_33, %parallel_loop3A_904 : vector<16xi32>
      tpu.vector_store_idx %arg7[%parallel_loop3A_26, %parallel_loop3A_905], %parallel_loop3A_901 : memref<32x2560xf32, #tpu.memory_space<vmem>>[vector<16xi32>, vector<16xi32>], vector<16xf32>,
      %parallel_loop3A_906 = arith.constant 13 : i32
      %parallel_loop3A_907 = vector.broadcast %parallel_loop3A_906 : i32 to vector<16xi32>
      %parallel_loop3A_908 = arith.addi %parallel_loop3A_33, %parallel_loop3A_907 : vector<16xi32>
      tpu.vector_store_idx %arg7[%parallel_loop3A_26, %parallel_loop3A_908], %parallel_loop3A_902 : memref<32x2560xf32, #tpu.memory_space<vmem>>[vector<16xi32>, vector<16xi32>], vector<16xf32>,
      %parallel_loop3A_909 = arith.constant 6 : i32
      %parallel_loop3A_910 = vector.broadcast %parallel_loop3A_909 : i32 to vector<16xi32>
      %parallel_loop3A_911 = arith.addi %parallel_loop3A_53, %parallel_loop3A_910 : vector<16xi32>
      %parallel_loop3A_912 = tpu.vector_load_idx %arg5[%parallel_loop3A_911] : memref<5408xi32, #tpu.memory_space<vmem>>[vector<16xi32>], vector<16xi32>,
      %parallel_loop3A_913 = vector.bitcast %parallel_loop3A_912 : vector<16xi32> to vector<32xbf16>
      %parallel_loop3A_914 = arith.constant 6 : i32
      %parallel_loop3A_915 = vector.broadcast %parallel_loop3A_914 : i32 to vector<16xi32>
      %parallel_loop3A_916 = arith.addi %parallel_loop3A_63, %parallel_loop3A_915 : vector<16xi32>
      %parallel_loop3A_917 = tpu.vector_load_idx %arg5[%parallel_loop3A_916] : memref<5408xi32, #tpu.memory_space<vmem>>[vector<16xi32>], vector<16xi32>,
      %parallel_loop3A_918 = vector.bitcast %parallel_loop3A_917 : vector<16xi32> to vector<32xbf16>
      %parallel_loop3A_919 = arith.addf %parallel_loop3A_913, %parallel_loop3A_918 : vector<32xbf16>
      %parallel_loop3A_920 = arith.constant 6 : i32
      %parallel_loop3A_921 = vector.broadcast %parallel_loop3A_920 : i32 to vector<16xi32>
      %parallel_loop3A_922 = arith.addi %parallel_loop3A_73, %parallel_loop3A_921 : vector<16xi32>
      %parallel_loop3A_923 = tpu.vector_load_idx %arg5[%parallel_loop3A_922] : memref<5408xi32, #tpu.memory_space<vmem>>[vector<16xi32>], vector<16xi32>,
      %parallel_loop3A_924 = vector.bitcast %parallel_loop3A_923 : vector<16xi32> to vector<32xbf16>
      %parallel_loop3A_925 = arith.addf %parallel_loop3A_919, %parallel_loop3A_924 : vector<32xbf16>
      %parallel_loop3A_926 = arith.constant 6 : i32
      %parallel_loop3A_927 = vector.broadcast %parallel_loop3A_926 : i32 to vector<16xi32>
      %parallel_loop3A_928 = arith.addi %parallel_loop3A_83, %parallel_loop3A_927 : vector<16xi32>
      %parallel_loop3A_929 = tpu.vector_load_idx %arg5[%parallel_loop3A_928] : memref<5408xi32, #tpu.memory_space<vmem>>[vector<16xi32>], vector<16xi32>,
      %parallel_loop3A_930 = vector.bitcast %parallel_loop3A_929 : vector<16xi32> to vector<32xbf16>
      %parallel_loop3A_931 = arith.addf %parallel_loop3A_925, %parallel_loop3A_930 : vector<32xbf16>
      %parallel_loop3A_932 = arith.constant 6 : i32
      %parallel_loop3A_933 = vector.broadcast %parallel_loop3A_932 : i32 to vector<16xi32>
      %parallel_loop3A_934 = arith.addi %parallel_loop3A_93, %parallel_loop3A_933 : vector<16xi32>
      %parallel_loop3A_935 = tpu.vector_load_idx %arg5[%parallel_loop3A_934] : memref<5408xi32, #tpu.memory_space<vmem>>[vector<16xi32>], vector<16xi32>,
      %parallel_loop3A_936 = vector.bitcast %parallel_loop3A_935 : vector<16xi32> to vector<32xbf16>
      %parallel_loop3A_937 = arith.addf %parallel_loop3A_931, %parallel_loop3A_936 : vector<32xbf16>
      %parallel_loop3A_938 = arith.constant 6 : i32
      %parallel_loop3A_939 = vector.broadcast %parallel_loop3A_938 : i32 to vector<16xi32>
      %parallel_loop3A_940 = arith.addi %parallel_loop3A_103, %parallel_loop3A_939 : vector<16xi32>
      %parallel_loop3A_941 = tpu.vector_load_idx %arg5[%parallel_loop3A_940] : memref<5408xi32, #tpu.memory_space<vmem>>[vector<16xi32>], vector<16xi32>,
      %parallel_loop3A_942 = vector.bitcast %parallel_loop3A_941 : vector<16xi32> to vector<32xbf16>
      %parallel_loop3A_943 = arith.addf %parallel_loop3A_937, %parallel_loop3A_942 : vector<32xbf16>
      %parallel_loop3A_944 = arith.constant 6 : i32
      %parallel_loop3A_945 = vector.broadcast %parallel_loop3A_944 : i32 to vector<16xi32>
      %parallel_loop3A_946 = arith.addi %parallel_loop3A_113, %parallel_loop3A_945 : vector<16xi32>
      %parallel_loop3A_947 = tpu.vector_load_idx %arg5[%parallel_loop3A_946] : memref<5408xi32, #tpu.memory_space<vmem>>[vector<16xi32>], vector<16xi32>,
      %parallel_loop3A_948 = vector.bitcast %parallel_loop3A_947 : vector<16xi32> to vector<32xbf16>
      %parallel_loop3A_949 = arith.addf %parallel_loop3A_943, %parallel_loop3A_948 : vector<32xbf16>
      %parallel_loop3A_950 = arith.constant 6 : i32
      %parallel_loop3A_951 = vector.broadcast %parallel_loop3A_950 : i32 to vector<16xi32>
      %parallel_loop3A_952 = arith.addi %parallel_loop3A_123, %parallel_loop3A_951 : vector<16xi32>
      %parallel_loop3A_953 = tpu.vector_load_idx %arg5[%parallel_loop3A_952] : memref<5408xi32, #tpu.memory_space<vmem>>[vector<16xi32>], vector<16xi32>,
      %parallel_loop3A_954 = vector.bitcast %parallel_loop3A_953 : vector<16xi32> to vector<32xbf16>
      %parallel_loop3A_955 = arith.constant 6 : i32
      %parallel_loop3A_956 = vector.broadcast %parallel_loop3A_955 : i32 to vector<16xi32>
      %parallel_loop3A_957 = arith.addi %parallel_loop3A_133, %parallel_loop3A_956 : vector<16xi32>
      %parallel_loop3A_958 = tpu.vector_load_idx %arg5[%parallel_loop3A_957] : memref<5408xi32, #tpu.memory_space<vmem>>[vector<16xi32>], vector<16xi32>,
      %parallel_loop3A_959 = vector.bitcast %parallel_loop3A_958 : vector<16xi32> to vector<32xbf16>
      %parallel_loop3A_960 = arith.addf %parallel_loop3A_954, %parallel_loop3A_959 : vector<32xbf16>
      %parallel_loop3A_961 = arith.constant 6 : i32
      %parallel_loop3A_962 = vector.broadcast %parallel_loop3A_961 : i32 to vector<16xi32>
      %parallel_loop3A_963 = arith.addi %parallel_loop3A_143, %parallel_loop3A_962 : vector<16xi32>
      %parallel_loop3A_964 = tpu.vector_load_idx %arg5[%parallel_loop3A_963] : memref<5408xi32, #tpu.memory_space<vmem>>[vector<16xi32>], vector<16xi32>,
      %parallel_loop3A_965 = vector.bitcast %parallel_loop3A_964 : vector<16xi32> to vector<32xbf16>
      %parallel_loop3A_966 = arith.addf %parallel_loop3A_960, %parallel_loop3A_965 : vector<32xbf16>
      %parallel_loop3A_967 = arith.constant 6 : i32
      %parallel_loop3A_968 = vector.broadcast %parallel_loop3A_967 : i32 to vector<16xi32>
      %parallel_loop3A_969 = arith.addi %parallel_loop3A_153, %parallel_loop3A_968 : vector<16xi32>
      %parallel_loop3A_970 = tpu.vector_load_idx %arg5[%parallel_loop3A_969] : memref<5408xi32, #tpu.memory_space<vmem>>[vector<16xi32>], vector<16xi32>,
      %parallel_loop3A_971 = vector.bitcast %parallel_loop3A_970 : vector<16xi32> to vector<32xbf16>
      %parallel_loop3A_972 = arith.addf %parallel_loop3A_966, %parallel_loop3A_971 : vector<32xbf16>
      %parallel_loop3A_973 = arith.constant 6 : i32
      %parallel_loop3A_974 = vector.broadcast %parallel_loop3A_973 : i32 to vector<16xi32>
      %parallel_loop3A_975 = arith.addi %parallel_loop3A_163, %parallel_loop3A_974 : vector<16xi32>
      %parallel_loop3A_976 = tpu.vector_load_idx %arg5[%parallel_loop3A_975] : memref<5408xi32, #tpu.memory_space<vmem>>[vector<16xi32>], vector<16xi32>,
      %parallel_loop3A_977 = vector.bitcast %parallel_loop3A_976 : vector<16xi32> to vector<32xbf16>
      %parallel_loop3A_978 = arith.addf %parallel_loop3A_972, %parallel_loop3A_977 : vector<32xbf16>
      %parallel_loop3A_979 = arith.constant 6 : i32
      %parallel_loop3A_980 = vector.broadcast %parallel_loop3A_979 : i32 to vector<16xi32>
      %parallel_loop3A_981 = arith.addi %parallel_loop3A_173, %parallel_loop3A_980 : vector<16xi32>
      %parallel_loop3A_982 = tpu.vector_load_idx %arg5[%parallel_loop3A_981] : memref<5408xi32, #tpu.memory_space<vmem>>[vector<16xi32>], vector<16xi32>,
      %parallel_loop3A_983 = vector.bitcast %parallel_loop3A_982 : vector<16xi32> to vector<32xbf16>
      %parallel_loop3A_984 = arith.addf %parallel_loop3A_978, %parallel_loop3A_983 : vector<32xbf16>
      %parallel_loop3A_985 = arith.constant 6 : i32
      %parallel_loop3A_986 = vector.broadcast %parallel_loop3A_985 : i32 to vector<16xi32>
      %parallel_loop3A_987 = arith.addi %parallel_loop3A_183, %parallel_loop3A_986 : vector<16xi32>
      %parallel_loop3A_988 = tpu.vector_load_idx %arg5[%parallel_loop3A_987] : memref<5408xi32, #tpu.memory_space<vmem>>[vector<16xi32>], vector<16xi32>,
      %parallel_loop3A_989 = vector.bitcast %parallel_loop3A_988 : vector<16xi32> to vector<32xbf16>
      %parallel_loop3A_990 = arith.addf %parallel_loop3A_984, %parallel_loop3A_989 : vector<32xbf16>
      %parallel_loop3A_991 = arith.addf %parallel_loop3A_949, %parallel_loop3A_990 : vector<32xbf16>
      %parallel_loop3A_992 = tpu.unpack_subelements %parallel_loop3A_991, 0 {pack_format = #tpu.pack_format<interleaved>} : vector<32xbf16> -> vector<16xf32>
      %parallel_loop3A_993 = tpu.unpack_subelements %parallel_loop3A_991, 1 {pack_format = #tpu.pack_format<interleaved>} : vector<32xbf16> -> vector<16xf32>
      %parallel_loop3A_994 = arith.constant 54 : i32
      %parallel_loop3A_995 = vector.broadcast %parallel_loop3A_994 : i32 to vector<16xi32>
      %parallel_loop3A_996 = arith.addi %parallel_loop3A_33, %parallel_loop3A_995 : vector<16xi32>
      tpu.vector_store_idx %arg7[%parallel_loop3A_26, %parallel_loop3A_996], %parallel_loop3A_992 : memref<32x2560xf32, #tpu.memory_space<vmem>>[vector<16xi32>, vector<16xi32>], vector<16xf32>,
      %parallel_loop3A_997 = arith.constant 55 : i32
      %parallel_loop3A_998 = vector.broadcast %parallel_loop3A_997 : i32 to vector<16xi32>
      %parallel_loop3A_999 = arith.addi %parallel_loop3A_33, %parallel_loop3A_998 : vector<16xi32>
      tpu.vector_store_idx %arg7[%parallel_loop3A_26, %parallel_loop3A_999], %parallel_loop3A_993 : memref<32x2560xf32, #tpu.memory_space<vmem>>[vector<16xi32>, vector<16xi32>], vector<16xf32>,
      %parallel_loop3A_1000 = arith.constant 6 : i32
      %parallel_loop3A_1001 = vector.broadcast %parallel_loop3A_1000 : i32 to vector<16xi32>
      %parallel_loop3A_1002 = arith.addi %parallel_loop3A_193, %parallel_loop3A_1001 : vector<16xi32>
      %parallel_loop3A_1003 = tpu.vector_load_idx %arg5[%parallel_loop3A_1002] : memref<5408xi32, #tpu.memory_space<vmem>>[vector<16xi32>], vector<16xi32>,
      %parallel_loop3A_1004 = vector.bitcast %parallel_loop3A_1003 : vector<16xi32> to vector<32xbf16>
      %parallel_loop3A_1005 = tpu.unpack_subelements %parallel_loop3A_1004, 0 {pack_format = #tpu.pack_format<interleaved>} : vector<32xbf16> -> vector<16xf32>
      %parallel_loop3A_1006 = tpu.unpack_subelements %parallel_loop3A_1004, 1 {pack_format = #tpu.pack_format<interleaved>} : vector<32xbf16> -> vector<16xf32>
      %parallel_loop3A_1007 = arith.constant 96 : i32
      %parallel_loop3A_1008 = vector.broadcast %parallel_loop3A_1007 : i32 to vector<16xi32>
      %parallel_loop3A_1009 = arith.addi %parallel_loop3A_33, %parallel_loop3A_1008 : vector<16xi32>
      tpu.vector_store_idx %arg7[%parallel_loop3A_26, %parallel_loop3A_1009], %parallel_loop3A_1005 : memref<32x2560xf32, #tpu.memory_space<vmem>>[vector<16xi32>, vector<16xi32>], vector<16xf32>,
      %parallel_loop3A_1010 = arith.constant 97 : i32
      %parallel_loop3A_1011 = vector.broadcast %parallel_loop3A_1010 : i32 to vector<16xi32>
      %parallel_loop3A_1012 = arith.addi %parallel_loop3A_33, %parallel_loop3A_1011 : vector<16xi32>
      tpu.vector_store_idx %arg7[%parallel_loop3A_26, %parallel_loop3A_1012], %parallel_loop3A_1006 : memref<32x2560xf32, #tpu.memory_space<vmem>>[vector<16xi32>, vector<16xi32>], vector<16xf32>,
      %parallel_loop3A_1013 = arith.constant 7 : i32
      %parallel_loop3A_1014 = vector.broadcast %parallel_loop3A_1013 : i32 to vector<16xi32>
      %parallel_loop3A_1015 = arith.addi %parallel_loop3A_43, %parallel_loop3A_1014 : vector<16xi32>
      %parallel_loop3A_1016 = tpu.vector_load_idx %arg5[%parallel_loop3A_1015] : memref<5408xi32, #tpu.memory_space<vmem>>[vector<16xi32>], vector<16xi32>,
      %parallel_loop3A_1017 = vector.bitcast %parallel_loop3A_1016 : vector<16xi32> to vector<32xbf16>
      %parallel_loop3A_1018 = tpu.unpack_subelements %parallel_loop3A_1017, 0 {pack_format = #tpu.pack_format<interleaved>} : vector<32xbf16> -> vector<16xf32>
      %parallel_loop3A_1019 = tpu.unpack_subelements %parallel_loop3A_1017, 1 {pack_format = #tpu.pack_format<interleaved>} : vector<32xbf16> -> vector<16xf32>
      %parallel_loop3A_1020 = arith.constant 14 : i32
      %parallel_loop3A_1021 = vector.broadcast %parallel_loop3A_1020 : i32 to vector<16xi32>
      %parallel_loop3A_1022 = arith.addi %parallel_loop3A_33, %parallel_loop3A_1021 : vector<16xi32>
      tpu.vector_store_idx %arg7[%parallel_loop3A_26, %parallel_loop3A_1022], %parallel_loop3A_1018 : memref<32x2560xf32, #tpu.memory_space<vmem>>[vector<16xi32>, vector<16xi32>], vector<16xf32>,
      %parallel_loop3A_1023 = arith.constant 15 : i32
      %parallel_loop3A_1024 = vector.broadcast %parallel_loop3A_1023 : i32 to vector<16xi32>
      %parallel_loop3A_1025 = arith.addi %parallel_loop3A_33, %parallel_loop3A_1024 : vector<16xi32>
      tpu.vector_store_idx %arg7[%parallel_loop3A_26, %parallel_loop3A_1025], %parallel_loop3A_1019 : memref<32x2560xf32, #tpu.memory_space<vmem>>[vector<16xi32>, vector<16xi32>], vector<16xf32>,
      %parallel_loop3A_1026 = arith.constant 7 : i32
      %parallel_loop3A_1027 = vector.broadcast %parallel_loop3A_1026 : i32 to vector<16xi32>
      %parallel_loop3A_1028 = arith.addi %parallel_loop3A_53, %parallel_loop3A_1027 : vector<16xi32>
      %parallel_loop3A_1029 = tpu.vector_load_idx %arg5[%parallel_loop3A_1028] : memref<5408xi32, #tpu.memory_space<vmem>>[vector<16xi32>], vector<16xi32>,
      %parallel_loop3A_1030 = vector.bitcast %parallel_loop3A_1029 : vector<16xi32> to vector<32xbf16>
      %parallel_loop3A_1031 = arith.constant 7 : i32
      %parallel_loop3A_1032 = vector.broadcast %parallel_loop3A_1031 : i32 to vector<16xi32>
      %parallel_loop3A_1033 = arith.addi %parallel_loop3A_63, %parallel_loop3A_1032 : vector<16xi32>
      %parallel_loop3A_1034 = tpu.vector_load_idx %arg5[%parallel_loop3A_1033] : memref<5408xi32, #tpu.memory_space<vmem>>[vector<16xi32>], vector<16xi32>,
      %parallel_loop3A_1035 = vector.bitcast %parallel_loop3A_1034 : vector<16xi32> to vector<32xbf16>
      %parallel_loop3A_1036 = arith.addf %parallel_loop3A_1030, %parallel_loop3A_1035 : vector<32xbf16>
      %parallel_loop3A_1037 = arith.constant 7 : i32
      %parallel_loop3A_1038 = vector.broadcast %parallel_loop3A_1037 : i32 to vector<16xi32>
      %parallel_loop3A_1039 = arith.addi %parallel_loop3A_73, %parallel_loop3A_1038 : vector<16xi32>
      %parallel_loop3A_1040 = tpu.vector_load_idx %arg5[%parallel_loop3A_1039] : memref<5408xi32, #tpu.memory_space<vmem>>[vector<16xi32>], vector<16xi32>,
      %parallel_loop3A_1041 = vector.bitcast %parallel_loop3A_1040 : vector<16xi32> to vector<32xbf16>
      %parallel_loop3A_1042 = arith.addf %parallel_loop3A_1036, %parallel_loop3A_1041 : vector<32xbf16>
      %parallel_loop3A_1043 = arith.constant 7 : i32
      %parallel_loop3A_1044 = vector.broadcast %parallel_loop3A_1043 : i32 to vector<16xi32>
      %parallel_loop3A_1045 = arith.addi %parallel_loop3A_83, %parallel_loop3A_1044 : vector<16xi32>
      %parallel_loop3A_1046 = tpu.vector_load_idx %arg5[%parallel_loop3A_1045] : memref<5408xi32, #tpu.memory_space<vmem>>[vector<16xi32>], vector<16xi32>,
      %parallel_loop3A_1047 = vector.bitcast %parallel_loop3A_1046 : vector<16xi32> to vector<32xbf16>
      %parallel_loop3A_1048 = arith.addf %parallel_loop3A_1042, %parallel_loop3A_1047 : vector<32xbf16>
      %parallel_loop3A_1049 = arith.constant 7 : i32
      %parallel_loop3A_1050 = vector.broadcast %parallel_loop3A_1049 : i32 to vector<16xi32>
      %parallel_loop3A_1051 = arith.addi %parallel_loop3A_93, %parallel_loop3A_1050 : vector<16xi32>
      %parallel_loop3A_1052 = tpu.vector_load_idx %arg5[%parallel_loop3A_1051] : memref<5408xi32, #tpu.memory_space<vmem>>[vector<16xi32>], vector<16xi32>,
      %parallel_loop3A_1053 = vector.bitcast %parallel_loop3A_1052 : vector<16xi32> to vector<32xbf16>
      %parallel_loop3A_1054 = arith.addf %parallel_loop3A_1048, %parallel_loop3A_1053 : vector<32xbf16>
      %parallel_loop3A_1055 = arith.constant 7 : i32
      %parallel_loop3A_1056 = vector.broadcast %parallel_loop3A_1055 : i32 to vector<16xi32>
      %parallel_loop3A_1057 = arith.addi %parallel_loop3A_103, %parallel_loop3A_1056 : vector<16xi32>
      %parallel_loop3A_1058 = tpu.vector_load_idx %arg5[%parallel_loop3A_1057] : memref<5408xi32, #tpu.memory_space<vmem>>[vector<16xi32>], vector<16xi32>,
      %parallel_loop3A_1059 = vector.bitcast %parallel_loop3A_1058 : vector<16xi32> to vector<32xbf16>
      %parallel_loop3A_1060 = arith.addf %parallel_loop3A_1054, %parallel_loop3A_1059 : vector<32xbf16>
      %parallel_loop3A_1061 = arith.constant 7 : i32
      %parallel_loop3A_1062 = vector.broadcast %parallel_loop3A_1061 : i32 to vector<16xi32>
      %parallel_loop3A_1063 = arith.addi %parallel_loop3A_113, %parallel_loop3A_1062 : vector<16xi32>
      %parallel_loop3A_1064 = tpu.vector_load_idx %arg5[%parallel_loop3A_1063] : memref<5408xi32, #tpu.memory_space<vmem>>[vector<16xi32>], vector<16xi32>,
      %parallel_loop3A_1065 = vector.bitcast %parallel_loop3A_1064 : vector<16xi32> to vector<32xbf16>
      %parallel_loop3A_1066 = arith.addf %parallel_loop3A_1060, %parallel_loop3A_1065 : vector<32xbf16>
      %parallel_loop3A_1067 = arith.constant 7 : i32
      %parallel_loop3A_1068 = vector.broadcast %parallel_loop3A_1067 : i32 to vector<16xi32>
      %parallel_loop3A_1069 = arith.addi %parallel_loop3A_123, %parallel_loop3A_1068 : vector<16xi32>
      %parallel_loop3A_1070 = tpu.vector_load_idx %arg5[%parallel_loop3A_1069] : memref<5408xi32, #tpu.memory_space<vmem>>[vector<16xi32>], vector<16xi32>,
      %parallel_loop3A_1071 = vector.bitcast %parallel_loop3A_1070 : vector<16xi32> to vector<32xbf16>
      %parallel_loop3A_1072 = arith.constant 7 : i32
      %parallel_loop3A_1073 = vector.broadcast %parallel_loop3A_1072 : i32 to vector<16xi32>
      %parallel_loop3A_1074 = arith.addi %parallel_loop3A_133, %parallel_loop3A_1073 : vector<16xi32>
      %parallel_loop3A_1075 = tpu.vector_load_idx %arg5[%parallel_loop3A_1074] : memref<5408xi32, #tpu.memory_space<vmem>>[vector<16xi32>], vector<16xi32>,
      %parallel_loop3A_1076 = vector.bitcast %parallel_loop3A_1075 : vector<16xi32> to vector<32xbf16>
      %parallel_loop3A_1077 = arith.addf %parallel_loop3A_1071, %parallel_loop3A_1076 : vector<32xbf16>
      %parallel_loop3A_1078 = arith.constant 7 : i32
      %parallel_loop3A_1079 = vector.broadcast %parallel_loop3A_1078 : i32 to vector<16xi32>
      %parallel_loop3A_1080 = arith.addi %parallel_loop3A_143, %parallel_loop3A_1079 : vector<16xi32>
      %parallel_loop3A_1081 = tpu.vector_load_idx %arg5[%parallel_loop3A_1080] : memref<5408xi32, #tpu.memory_space<vmem>>[vector<16xi32>], vector<16xi32>,
      %parallel_loop3A_1082 = vector.bitcast %parallel_loop3A_1081 : vector<16xi32> to vector<32xbf16>
      %parallel_loop3A_1083 = arith.addf %parallel_loop3A_1077, %parallel_loop3A_1082 : vector<32xbf16>
      %parallel_loop3A_1084 = arith.constant 7 : i32
      %parallel_loop3A_1085 = vector.broadcast %parallel_loop3A_1084 : i32 to vector<16xi32>
      %parallel_loop3A_1086 = arith.addi %parallel_loop3A_153, %parallel_loop3A_1085 : vector<16xi32>
      %parallel_loop3A_1087 = tpu.vector_load_idx %arg5[%parallel_loop3A_1086] : memref<5408xi32, #tpu.memory_space<vmem>>[vector<16xi32>], vector<16xi32>,
      %parallel_loop3A_1088 = vector.bitcast %parallel_loop3A_1087 : vector<16xi32> to vector<32xbf16>
      %parallel_loop3A_1089 = arith.addf %parallel_loop3A_1083, %parallel_loop3A_1088 : vector<32xbf16>
      %parallel_loop3A_1090 = arith.constant 7 : i32
      %parallel_loop3A_1091 = vector.broadcast %parallel_loop3A_1090 : i32 to vector<16xi32>
      %parallel_loop3A_1092 = arith.addi %parallel_loop3A_163, %parallel_loop3A_1091 : vector<16xi32>
      %parallel_loop3A_1093 = tpu.vector_load_idx %arg5[%parallel_loop3A_1092] : memref<5408xi32, #tpu.memory_space<vmem>>[vector<16xi32>], vector<16xi32>,
      %parallel_loop3A_1094 = vector.bitcast %parallel_loop3A_1093 : vector<16xi32> to vector<32xbf16>
      %parallel_loop3A_1095 = arith.addf %parallel_loop3A_1089, %parallel_loop3A_1094 : vector<32xbf16>
      %parallel_loop3A_1096 = arith.constant 7 : i32
      %parallel_loop3A_1097 = vector.broadcast %parallel_loop3A_1096 : i32 to vector<16xi32>
      %parallel_loop3A_1098 = arith.addi %parallel_loop3A_173, %parallel_loop3A_1097 : vector<16xi32>
      %parallel_loop3A_1099 = tpu.vector_load_idx %arg5[%parallel_loop3A_1098] : memref<5408xi32, #tpu.memory_space<vmem>>[vector<16xi32>], vector<16xi32>,
      %parallel_loop3A_1100 = vector.bitcast %parallel_loop3A_1099 : vector<16xi32> to vector<32xbf16>
      %parallel_loop3A_1101 = arith.addf %parallel_loop3A_1095, %parallel_loop3A_1100 : vector<32xbf16>
      %parallel_loop3A_1102 = arith.constant 7 : i32
      %parallel_loop3A_1103 = vector.broadcast %parallel_loop3A_1102 : i32 to vector<16xi32>
      %parallel_loop3A_1104 = arith.addi %parallel_loop3A_183, %parallel_loop3A_1103 : vector<16xi32>
      %parallel_loop3A_1105 = tpu.vector_load_idx %arg5[%parallel_loop3A_1104] : memref<5408xi32, #tpu.memory_space<vmem>>[vector<16xi32>], vector<16xi32>,
      %parallel_loop3A_1106 = vector.bitcast %parallel_loop3A_1105 : vector<16xi32> to vector<32xbf16>
      %parallel_loop3A_1107 = arith.addf %parallel_loop3A_1101, %parallel_loop3A_1106 : vector<32xbf16>
      %parallel_loop3A_1108 = arith.addf %parallel_loop3A_1066, %parallel_loop3A_1107 : vector<32xbf16>
      %parallel_loop3A_1109 = tpu.unpack_subelements %parallel_loop3A_1108, 0 {pack_format = #tpu.pack_format<interleaved>} : vector<32xbf16> -> vector<16xf32>
      %parallel_loop3A_1110 = tpu.unpack_subelements %parallel_loop3A_1108, 1 {pack_format = #tpu.pack_format<interleaved>} : vector<32xbf16> -> vector<16xf32>
      %parallel_loop3A_1111 = arith.constant 56 : i32
      %parallel_loop3A_1112 = vector.broadcast %parallel_loop3A_1111 : i32 to vector<16xi32>
      %parallel_loop3A_1113 = arith.addi %parallel_loop3A_33, %parallel_loop3A_1112 : vector<16xi32>
      tpu.vector_store_idx %arg7[%parallel_loop3A_26, %parallel_loop3A_1113], %parallel_loop3A_1109 : memref<32x2560xf32, #tpu.memory_space<vmem>>[vector<16xi32>, vector<16xi32>], vector<16xf32>,
      %parallel_loop3A_1114 = arith.constant 57 : i32
      %parallel_loop3A_1115 = vector.broadcast %parallel_loop3A_1114 : i32 to vector<16xi32>
      %parallel_loop3A_1116 = arith.addi %parallel_loop3A_33, %parallel_loop3A_1115 : vector<16xi32>
      tpu.vector_store_idx %arg7[%parallel_loop3A_26, %parallel_loop3A_1116], %parallel_loop3A_1110 : memref<32x2560xf32, #tpu.memory_space<vmem>>[vector<16xi32>, vector<16xi32>], vector<16xf32>,
      %parallel_loop3A_1117 = arith.constant 7 : i32
      %parallel_loop3A_1118 = vector.broadcast %parallel_loop3A_1117 : i32 to vector<16xi32>
      %parallel_loop3A_1119 = arith.addi %parallel_loop3A_193, %parallel_loop3A_1118 : vector<16xi32>
      %parallel_loop3A_1120 = tpu.vector_load_idx %arg5[%parallel_loop3A_1119] : memref<5408xi32, #tpu.memory_space<vmem>>[vector<16xi32>], vector<16xi32>,
      %parallel_loop3A_1121 = vector.bitcast %parallel_loop3A_1120 : vector<16xi32> to vector<32xbf16>
      %parallel_loop3A_1122 = tpu.unpack_subelements %parallel_loop3A_1121, 0 {pack_format = #tpu.pack_format<interleaved>} : vector<32xbf16> -> vector<16xf32>
      %parallel_loop3A_1123 = tpu.unpack_subelements %parallel_loop3A_1121, 1 {pack_format = #tpu.pack_format<interleaved>} : vector<32xbf16> -> vector<16xf32>
      %parallel_loop3A_1124 = arith.constant 98 : i32
      %parallel_loop3A_1125 = vector.broadcast %parallel_loop3A_1124 : i32 to vector<16xi32>
      %parallel_loop3A_1126 = arith.addi %parallel_loop3A_33, %parallel_loop3A_1125 : vector<16xi32>
      tpu.vector_store_idx %arg7[%parallel_loop3A_26, %parallel_loop3A_1126], %parallel_loop3A_1122 : memref<32x2560xf32, #tpu.memory_space<vmem>>[vector<16xi32>, vector<16xi32>], vector<16xf32>,
      %parallel_loop3A_1127 = arith.constant 99 : i32
      %parallel_loop3A_1128 = vector.broadcast %parallel_loop3A_1127 : i32 to vector<16xi32>
      %parallel_loop3A_1129 = arith.addi %parallel_loop3A_33, %parallel_loop3A_1128 : vector<16xi32>
      tpu.vector_store_idx %arg7[%parallel_loop3A_26, %parallel_loop3A_1129], %parallel_loop3A_1123 : memref<32x2560xf32, #tpu.memory_space<vmem>>[vector<16xi32>, vector<16xi32>], vector<16xf32>,
      %parallel_loop3A_1130 = arith.constant 8 : i32
      %parallel_loop3A_1131 = vector.broadcast %parallel_loop3A_1130 : i32 to vector<16xi32>
      %parallel_loop3A_1132 = arith.addi %parallel_loop3A_43, %parallel_loop3A_1131 : vector<16xi32>
      %parallel_loop3A_1133 = tpu.vector_load_idx %arg5[%parallel_loop3A_1132] : memref<5408xi32, #tpu.memory_space<vmem>>[vector<16xi32>], vector<16xi32>,
      %parallel_loop3A_1134 = vector.bitcast %parallel_loop3A_1133 : vector<16xi32> to vector<32xbf16>
      %parallel_loop3A_1135 = tpu.unpack_subelements %parallel_loop3A_1134, 0 {pack_format = #tpu.pack_format<interleaved>} : vector<32xbf16> -> vector<16xf32>
      %parallel_loop3A_1136 = tpu.unpack_subelements %parallel_loop3A_1134, 1 {pack_format = #tpu.pack_format<interleaved>} : vector<32xbf16> -> vector<16xf32>
      %parallel_loop3A_1137 = arith.constant 16 : i32
      %parallel_loop3A_1138 = vector.broadcast %parallel_loop3A_1137 : i32 to vector<16xi32>
      %parallel_loop3A_1139 = arith.addi %parallel_loop3A_33, %parallel_loop3A_1138 : vector<16xi32>
      tpu.vector_store_idx %arg7[%parallel_loop3A_26, %parallel_loop3A_1139], %parallel_loop3A_1135 : memref<32x2560xf32, #tpu.memory_space<vmem>>[vector<16xi32>, vector<16xi32>], vector<16xf32>,
      %parallel_loop3A_1140 = arith.constant 17 : i32
      %parallel_loop3A_1141 = vector.broadcast %parallel_loop3A_1140 : i32 to vector<16xi32>
      %parallel_loop3A_1142 = arith.addi %parallel_loop3A_33, %parallel_loop3A_1141 : vector<16xi32>
      tpu.vector_store_idx %arg7[%parallel_loop3A_26, %parallel_loop3A_1142], %parallel_loop3A_1136 : memref<32x2560xf32, #tpu.memory_space<vmem>>[vector<16xi32>, vector<16xi32>], vector<16xf32>,
      %parallel_loop3A_1143 = arith.constant 8 : i32
      %parallel_loop3A_1144 = vector.broadcast %parallel_loop3A_1143 : i32 to vector<16xi32>
      %parallel_loop3A_1145 = arith.addi %parallel_loop3A_53, %parallel_loop3A_1144 : vector<16xi32>
      %parallel_loop3A_1146 = tpu.vector_load_idx %arg5[%parallel_loop3A_1145] : memref<5408xi32, #tpu.memory_space<vmem>>[vector<16xi32>], vector<16xi32>,
      %parallel_loop3A_1147 = vector.bitcast %parallel_loop3A_1146 : vector<16xi32> to vector<32xbf16>
      %parallel_loop3A_1148 = arith.constant 8 : i32
      %parallel_loop3A_1149 = vector.broadcast %parallel_loop3A_1148 : i32 to vector<16xi32>
      %parallel_loop3A_1150 = arith.addi %parallel_loop3A_63, %parallel_loop3A_1149 : vector<16xi32>
      %parallel_loop3A_1151 = tpu.vector_load_idx %arg5[%parallel_loop3A_1150] : memref<5408xi32, #tpu.memory_space<vmem>>[vector<16xi32>], vector<16xi32>,
      %parallel_loop3A_1152 = vector.bitcast %parallel_loop3A_1151 : vector<16xi32> to vector<32xbf16>
      %parallel_loop3A_1153 = arith.addf %parallel_loop3A_1147, %parallel_loop3A_1152 : vector<32xbf16>
      %parallel_loop3A_1154 = arith.constant 8 : i32
      %parallel_loop3A_1155 = vector.broadcast %parallel_loop3A_1154 : i32 to vector<16xi32>
      %parallel_loop3A_1156 = arith.addi %parallel_loop3A_73, %parallel_loop3A_1155 : vector<16xi32>
      %parallel_loop3A_1157 = tpu.vector_load_idx %arg5[%parallel_loop3A_1156] : memref<5408xi32, #tpu.memory_space<vmem>>[vector<16xi32>], vector<16xi32>,
      %parallel_loop3A_1158 = vector.bitcast %parallel_loop3A_1157 : vector<16xi32> to vector<32xbf16>
      %parallel_loop3A_1159 = arith.addf %parallel_loop3A_1153, %parallel_loop3A_1158 : vector<32xbf16>
      %parallel_loop3A_1160 = arith.constant 8 : i32
      %parallel_loop3A_1161 = vector.broadcast %parallel_loop3A_1160 : i32 to vector<16xi32>
      %parallel_loop3A_1162 = arith.addi %parallel_loop3A_83, %parallel_loop3A_1161 : vector<16xi32>
      %parallel_loop3A_1163 = tpu.vector_load_idx %arg5[%parallel_loop3A_1162] : memref<5408xi32, #tpu.memory_space<vmem>>[vector<16xi32>], vector<16xi32>,
      %parallel_loop3A_1164 = vector.bitcast %parallel_loop3A_1163 : vector<16xi32> to vector<32xbf16>
      %parallel_loop3A_1165 = arith.addf %parallel_loop3A_1159, %parallel_loop3A_1164 : vector<32xbf16>
      %parallel_loop3A_1166 = arith.constant 8 : i32
      %parallel_loop3A_1167 = vector.broadcast %parallel_loop3A_1166 : i32 to vector<16xi32>
      %parallel_loop3A_1168 = arith.addi %parallel_loop3A_93, %parallel_loop3A_1167 : vector<16xi32>
      %parallel_loop3A_1169 = tpu.vector_load_idx %arg5[%parallel_loop3A_1168] : memref<5408xi32, #tpu.memory_space<vmem>>[vector<16xi32>], vector<16xi32>,
      %parallel_loop3A_1170 = vector.bitcast %parallel_loop3A_1169 : vector<16xi32> to vector<32xbf16>
      %parallel_loop3A_1171 = arith.addf %parallel_loop3A_1165, %parallel_loop3A_1170 : vector<32xbf16>
      %parallel_loop3A_1172 = arith.constant 8 : i32
      %parallel_loop3A_1173 = vector.broadcast %parallel_loop3A_1172 : i32 to vector<16xi32>
      %parallel_loop3A_1174 = arith.addi %parallel_loop3A_103, %parallel_loop3A_1173 : vector<16xi32>
      %parallel_loop3A_1175 = tpu.vector_load_idx %arg5[%parallel_loop3A_1174] : memref<5408xi32, #tpu.memory_space<vmem>>[vector<16xi32>], vector<16xi32>,
      %parallel_loop3A_1176 = vector.bitcast %parallel_loop3A_1175 : vector<16xi32> to vector<32xbf16>
      %parallel_loop3A_1177 = arith.addf %parallel_loop3A_1171, %parallel_loop3A_1176 : vector<32xbf16>
      %parallel_loop3A_1178 = arith.constant 8 : i32
      %parallel_loop3A_1179 = vector.broadcast %parallel_loop3A_1178 : i32 to vector<16xi32>
      %parallel_loop3A_1180 = arith.addi %parallel_loop3A_113, %parallel_loop3A_1179 : vector<16xi32>
      %parallel_loop3A_1181 = tpu.vector_load_idx %arg5[%parallel_loop3A_1180] : memref<5408xi32, #tpu.memory_space<vmem>>[vector<16xi32>], vector<16xi32>,
      %parallel_loop3A_1182 = vector.bitcast %parallel_loop3A_1181 : vector<16xi32> to vector<32xbf16>
      %parallel_loop3A_1183 = arith.addf %parallel_loop3A_1177, %parallel_loop3A_1182 : vector<32xbf16>
      %parallel_loop3A_1184 = arith.constant 8 : i32
      %parallel_loop3A_1185 = vector.broadcast %parallel_loop3A_1184 : i32 to vector<16xi32>
      %parallel_loop3A_1186 = arith.addi %parallel_loop3A_123, %parallel_loop3A_1185 : vector<16xi32>
      %parallel_loop3A_1187 = tpu.vector_load_idx %arg5[%parallel_loop3A_1186] : memref<5408xi32, #tpu.memory_space<vmem>>[vector<16xi32>], vector<16xi32>,
      %parallel_loop3A_1188 = vector.bitcast %parallel_loop3A_1187 : vector<16xi32> to vector<32xbf16>
      %parallel_loop3A_1189 = arith.constant 8 : i32
      %parallel_loop3A_1190 = vector.broadcast %parallel_loop3A_1189 : i32 to vector<16xi32>
      %parallel_loop3A_1191 = arith.addi %parallel_loop3A_133, %parallel_loop3A_1190 : vector<16xi32>
      %parallel_loop3A_1192 = tpu.vector_load_idx %arg5[%parallel_loop3A_1191] : memref<5408xi32, #tpu.memory_space<vmem>>[vector<16xi32>], vector<16xi32>,
      %parallel_loop3A_1193 = vector.bitcast %parallel_loop3A_1192 : vector<16xi32> to vector<32xbf16>
      %parallel_loop3A_1194 = arith.addf %parallel_loop3A_1188, %parallel_loop3A_1193 : vector<32xbf16>
      %parallel_loop3A_1195 = arith.constant 8 : i32
      %parallel_loop3A_1196 = vector.broadcast %parallel_loop3A_1195 : i32 to vector<16xi32>
      %parallel_loop3A_1197 = arith.addi %parallel_loop3A_143, %parallel_loop3A_1196 : vector<16xi32>
      %parallel_loop3A_1198 = tpu.vector_load_idx %arg5[%parallel_loop3A_1197] : memref<5408xi32, #tpu.memory_space<vmem>>[vector<16xi32>], vector<16xi32>,
      %parallel_loop3A_1199 = vector.bitcast %parallel_loop3A_1198 : vector<16xi32> to vector<32xbf16>
      %parallel_loop3A_1200 = arith.addf %parallel_loop3A_1194, %parallel_loop3A_1199 : vector<32xbf16>
      %parallel_loop3A_1201 = arith.constant 8 : i32
      %parallel_loop3A_1202 = vector.broadcast %parallel_loop3A_1201 : i32 to vector<16xi32>
      %parallel_loop3A_1203 = arith.addi %parallel_loop3A_153, %parallel_loop3A_1202 : vector<16xi32>
      %parallel_loop3A_1204 = tpu.vector_load_idx %arg5[%parallel_loop3A_1203] : memref<5408xi32, #tpu.memory_space<vmem>>[vector<16xi32>], vector<16xi32>,
      %parallel_loop3A_1205 = vector.bitcast %parallel_loop3A_1204 : vector<16xi32> to vector<32xbf16>
      %parallel_loop3A_1206 = arith.addf %parallel_loop3A_1200, %parallel_loop3A_1205 : vector<32xbf16>
      %parallel_loop3A_1207 = arith.constant 8 : i32
      %parallel_loop3A_1208 = vector.broadcast %parallel_loop3A_1207 : i32 to vector<16xi32>
      %parallel_loop3A_1209 = arith.addi %parallel_loop3A_163, %parallel_loop3A_1208 : vector<16xi32>
      %parallel_loop3A_1210 = tpu.vector_load_idx %arg5[%parallel_loop3A_1209] : memref<5408xi32, #tpu.memory_space<vmem>>[vector<16xi32>], vector<16xi32>,
      %parallel_loop3A_1211 = vector.bitcast %parallel_loop3A_1210 : vector<16xi32> to vector<32xbf16>
      %parallel_loop3A_1212 = arith.addf %parallel_loop3A_1206, %parallel_loop3A_1211 : vector<32xbf16>
      %parallel_loop3A_1213 = arith.constant 8 : i32
      %parallel_loop3A_1214 = vector.broadcast %parallel_loop3A_1213 : i32 to vector<16xi32>
      %parallel_loop3A_1215 = arith.addi %parallel_loop3A_173, %parallel_loop3A_1214 : vector<16xi32>
      %parallel_loop3A_1216 = tpu.vector_load_idx %arg5[%parallel_loop3A_1215] : memref<5408xi32, #tpu.memory_space<vmem>>[vector<16xi32>], vector<16xi32>,
      %parallel_loop3A_1217 = vector.bitcast %parallel_loop3A_1216 : vector<16xi32> to vector<32xbf16>
      %parallel_loop3A_1218 = arith.addf %parallel_loop3A_1212, %parallel_loop3A_1217 : vector<32xbf16>
      %parallel_loop3A_1219 = arith.constant 8 : i32
      %parallel_loop3A_1220 = vector.broadcast %parallel_loop3A_1219 : i32 to vector<16xi32>
      %parallel_loop3A_1221 = arith.addi %parallel_loop3A_183, %parallel_loop3A_1220 : vector<16xi32>
      %parallel_loop3A_1222 = tpu.vector_load_idx %arg5[%parallel_loop3A_1221] : memref<5408xi32, #tpu.memory_space<vmem>>[vector<16xi32>], vector<16xi32>,
      %parallel_loop3A_1223 = vector.bitcast %parallel_loop3A_1222 : vector<16xi32> to vector<32xbf16>
      %parallel_loop3A_1224 = arith.addf %parallel_loop3A_1218, %parallel_loop3A_1223 : vector<32xbf16>
      %parallel_loop3A_1225 = arith.addf %parallel_loop3A_1183, %parallel_loop3A_1224 : vector<32xbf16>
      %parallel_loop3A_1226 = tpu.unpack_subelements %parallel_loop3A_1225, 0 {pack_format = #tpu.pack_format<interleaved>} : vector<32xbf16> -> vector<16xf32>
      %parallel_loop3A_1227 = tpu.unpack_subelements %parallel_loop3A_1225, 1 {pack_format = #tpu.pack_format<interleaved>} : vector<32xbf16> -> vector<16xf32>
      %parallel_loop3A_1228 = arith.constant 58 : i32
      %parallel_loop3A_1229 = vector.broadcast %parallel_loop3A_1228 : i32 to vector<16xi32>
      %parallel_loop3A_1230 = arith.addi %parallel_loop3A_33, %parallel_loop3A_1229 : vector<16xi32>
      tpu.vector_store_idx %arg7[%parallel_loop3A_26, %parallel_loop3A_1230], %parallel_loop3A_1226 : memref<32x2560xf32, #tpu.memory_space<vmem>>[vector<16xi32>, vector<16xi32>], vector<16xf32>,
      %parallel_loop3A_1231 = arith.constant 59 : i32
      %parallel_loop3A_1232 = vector.broadcast %parallel_loop3A_1231 : i32 to vector<16xi32>
      %parallel_loop3A_1233 = arith.addi %parallel_loop3A_33, %parallel_loop3A_1232 : vector<16xi32>
      tpu.vector_store_idx %arg7[%parallel_loop3A_26, %parallel_loop3A_1233], %parallel_loop3A_1227 : memref<32x2560xf32, #tpu.memory_space<vmem>>[vector<16xi32>, vector<16xi32>], vector<16xf32>,
      %parallel_loop3A_1234 = arith.constant 8 : i32
      %parallel_loop3A_1235 = vector.broadcast %parallel_loop3A_1234 : i32 to vector<16xi32>
      %parallel_loop3A_1236 = arith.addi %parallel_loop3A_193, %parallel_loop3A_1235 : vector<16xi32>
      %parallel_loop3A_1237 = tpu.vector_load_idx %arg5[%parallel_loop3A_1236] : memref<5408xi32, #tpu.memory_space<vmem>>[vector<16xi32>], vector<16xi32>,
      %parallel_loop3A_1238 = vector.bitcast %parallel_loop3A_1237 : vector<16xi32> to vector<32xbf16>
      %parallel_loop3A_1239 = tpu.unpack_subelements %parallel_loop3A_1238, 0 {pack_format = #tpu.pack_format<interleaved>} : vector<32xbf16> -> vector<16xf32>
      %parallel_loop3A_1240 = tpu.unpack_subelements %parallel_loop3A_1238, 1 {pack_format = #tpu.pack_format<interleaved>} : vector<32xbf16> -> vector<16xf32>
      %parallel_loop3A_1241 = arith.constant 100 : i32
      %parallel_loop3A_1242 = vector.broadcast %parallel_loop3A_1241 : i32 to vector<16xi32>
      %parallel_loop3A_1243 = arith.addi %parallel_loop3A_33, %parallel_loop3A_1242 : vector<16xi32>
      tpu.vector_store_idx %arg7[%parallel_loop3A_26, %parallel_loop3A_1243], %parallel_loop3A_1239 : memref<32x2560xf32, #tpu.memory_space<vmem>>[vector<16xi32>, vector<16xi32>], vector<16xf32>,
      %parallel_loop3A_1244 = arith.constant 101 : i32
      %parallel_loop3A_1245 = vector.broadcast %parallel_loop3A_1244 : i32 to vector<16xi32>
      %parallel_loop3A_1246 = arith.addi %parallel_loop3A_33, %parallel_loop3A_1245 : vector<16xi32>
      tpu.vector_store_idx %arg7[%parallel_loop3A_26, %parallel_loop3A_1246], %parallel_loop3A_1240 : memref<32x2560xf32, #tpu.memory_space<vmem>>[vector<16xi32>, vector<16xi32>], vector<16xf32>,
      %parallel_loop3A_1247 = arith.constant 9 : i32
      %parallel_loop3A_1248 = vector.broadcast %parallel_loop3A_1247 : i32 to vector<16xi32>
      %parallel_loop3A_1249 = arith.addi %parallel_loop3A_43, %parallel_loop3A_1248 : vector<16xi32>
      %parallel_loop3A_1250 = tpu.vector_load_idx %arg5[%parallel_loop3A_1249] : memref<5408xi32, #tpu.memory_space<vmem>>[vector<16xi32>], vector<16xi32>,
      %parallel_loop3A_1251 = vector.bitcast %parallel_loop3A_1250 : vector<16xi32> to vector<32xbf16>
      %parallel_loop3A_1252 = tpu.unpack_subelements %parallel_loop3A_1251, 0 {pack_format = #tpu.pack_format<interleaved>} : vector<32xbf16> -> vector<16xf32>
      %parallel_loop3A_1253 = tpu.unpack_subelements %parallel_loop3A_1251, 1 {pack_format = #tpu.pack_format<interleaved>} : vector<32xbf16> -> vector<16xf32>
      %parallel_loop3A_1254 = arith.constant 18 : i32
      %parallel_loop3A_1255 = vector.broadcast %parallel_loop3A_1254 : i32 to vector<16xi32>
      %parallel_loop3A_1256 = arith.addi %parallel_loop3A_33, %parallel_loop3A_1255 : vector<16xi32>
      tpu.vector_store_idx %arg7[%parallel_loop3A_26, %parallel_loop3A_1256], %parallel_loop3A_1252 : memref<32x2560xf32, #tpu.memory_space<vmem>>[vector<16xi32>, vector<16xi32>], vector<16xf32>,
      %parallel_loop3A_1257 = arith.constant 19 : i32
      %parallel_loop3A_1258 = vector.broadcast %parallel_loop3A_1257 : i32 to vector<16xi32>
      %parallel_loop3A_1259 = arith.addi %parallel_loop3A_33, %parallel_loop3A_1258 : vector<16xi32>
      tpu.vector_store_idx %arg7[%parallel_loop3A_26, %parallel_loop3A_1259], %parallel_loop3A_1253 : memref<32x2560xf32, #tpu.memory_space<vmem>>[vector<16xi32>, vector<16xi32>], vector<16xf32>,
      %parallel_loop3A_1260 = arith.constant 9 : i32
      %parallel_loop3A_1261 = vector.broadcast %parallel_loop3A_1260 : i32 to vector<16xi32>
      %parallel_loop3A_1262 = arith.addi %parallel_loop3A_53, %parallel_loop3A_1261 : vector<16xi32>
      %parallel_loop3A_1263 = tpu.vector_load_idx %arg5[%parallel_loop3A_1262] : memref<5408xi32, #tpu.memory_space<vmem>>[vector<16xi32>], vector<16xi32>,
      %parallel_loop3A_1264 = vector.bitcast %parallel_loop3A_1263 : vector<16xi32> to vector<32xbf16>
      %parallel_loop3A_1265 = arith.constant 9 : i32
      %parallel_loop3A_1266 = vector.broadcast %parallel_loop3A_1265 : i32 to vector<16xi32>
      %parallel_loop3A_1267 = arith.addi %parallel_loop3A_63, %parallel_loop3A_1266 : vector<16xi32>
      %parallel_loop3A_1268 = tpu.vector_load_idx %arg5[%parallel_loop3A_1267] : memref<5408xi32, #tpu.memory_space<vmem>>[vector<16xi32>], vector<16xi32>,
      %parallel_loop3A_1269 = vector.bitcast %parallel_loop3A_1268 : vector<16xi32> to vector<32xbf16>
      %parallel_loop3A_1270 = arith.addf %parallel_loop3A_1264, %parallel_loop3A_1269 : vector<32xbf16>
      %parallel_loop3A_1271 = arith.constant 9 : i32
      %parallel_loop3A_1272 = vector.broadcast %parallel_loop3A_1271 : i32 to vector<16xi32>
      %parallel_loop3A_1273 = arith.addi %parallel_loop3A_73, %parallel_loop3A_1272 : vector<16xi32>
      %parallel_loop3A_1274 = tpu.vector_load_idx %arg5[%parallel_loop3A_1273] : memref<5408xi32, #tpu.memory_space<vmem>>[vector<16xi32>], vector<16xi32>,
      %parallel_loop3A_1275 = vector.bitcast %parallel_loop3A_1274 : vector<16xi32> to vector<32xbf16>
      %parallel_loop3A_1276 = arith.addf %parallel_loop3A_1270, %parallel_loop3A_1275 : vector<32xbf16>
      %parallel_loop3A_1277 = arith.constant 9 : i32
      %parallel_loop3A_1278 = vector.broadcast %parallel_loop3A_1277 : i32 to vector<16xi32>
      %parallel_loop3A_1279 = arith.addi %parallel_loop3A_83, %parallel_loop3A_1278 : vector<16xi32>
      %parallel_loop3A_1280 = tpu.vector_load_idx %arg5[%parallel_loop3A_1279] : memref<5408xi32, #tpu.memory_space<vmem>>[vector<16xi32>], vector<16xi32>,
      %parallel_loop3A_1281 = vector.bitcast %parallel_loop3A_1280 : vector<16xi32> to vector<32xbf16>
      %parallel_loop3A_1282 = arith.addf %parallel_loop3A_1276, %parallel_loop3A_1281 : vector<32xbf16>
      %parallel_loop3A_1283 = arith.constant 9 : i32
      %parallel_loop3A_1284 = vector.broadcast %parallel_loop3A_1283 : i32 to vector<16xi32>
      %parallel_loop3A_1285 = arith.addi %parallel_loop3A_93, %parallel_loop3A_1284 : vector<16xi32>
      %parallel_loop3A_1286 = tpu.vector_load_idx %arg5[%parallel_loop3A_1285] : memref<5408xi32, #tpu.memory_space<vmem>>[vector<16xi32>], vector<16xi32>,
      %parallel_loop3A_1287 = vector.bitcast %parallel_loop3A_1286 : vector<16xi32> to vector<32xbf16>
      %parallel_loop3A_1288 = arith.addf %parallel_loop3A_1282, %parallel_loop3A_1287 : vector<32xbf16>
      %parallel_loop3A_1289 = arith.constant 9 : i32
      %parallel_loop3A_1290 = vector.broadcast %parallel_loop3A_1289 : i32 to vector<16xi32>
      %parallel_loop3A_1291 = arith.addi %parallel_loop3A_103, %parallel_loop3A_1290 : vector<16xi32>
      %parallel_loop3A_1292 = tpu.vector_load_idx %arg5[%parallel_loop3A_1291] : memref<5408xi32, #tpu.memory_space<vmem>>[vector<16xi32>], vector<16xi32>,
      %parallel_loop3A_1293 = vector.bitcast %parallel_loop3A_1292 : vector<16xi32> to vector<32xbf16>
      %parallel_loop3A_1294 = arith.addf %parallel_loop3A_1288, %parallel_loop3A_1293 : vector<32xbf16>
      %parallel_loop3A_1295 = arith.constant 9 : i32
      %parallel_loop3A_1296 = vector.broadcast %parallel_loop3A_1295 : i32 to vector<16xi32>
      %parallel_loop3A_1297 = arith.addi %parallel_loop3A_113, %parallel_loop3A_1296 : vector<16xi32>
      %parallel_loop3A_1298 = tpu.vector_load_idx %arg5[%parallel_loop3A_1297] : memref<5408xi32, #tpu.memory_space<vmem>>[vector<16xi32>], vector<16xi32>,
      %parallel_loop3A_1299 = vector.bitcast %parallel_loop3A_1298 : vector<16xi32> to vector<32xbf16>
      %parallel_loop3A_1300 = arith.addf %parallel_loop3A_1294, %parallel_loop3A_1299 : vector<32xbf16>
      %parallel_loop3A_1301 = arith.constant 9 : i32
      %parallel_loop3A_1302 = vector.broadcast %parallel_loop3A_1301 : i32 to vector<16xi32>
      %parallel_loop3A_1303 = arith.addi %parallel_loop3A_123, %parallel_loop3A_1302 : vector<16xi32>
      %parallel_loop3A_1304 = tpu.vector_load_idx %arg5[%parallel_loop3A_1303] : memref<5408xi32, #tpu.memory_space<vmem>>[vector<16xi32>], vector<16xi32>,
      %parallel_loop3A_1305 = vector.bitcast %parallel_loop3A_1304 : vector<16xi32> to vector<32xbf16>
      %parallel_loop3A_1306 = arith.constant 9 : i32
      %parallel_loop3A_1307 = vector.broadcast %parallel_loop3A_1306 : i32 to vector<16xi32>
      %parallel_loop3A_1308 = arith.addi %parallel_loop3A_133, %parallel_loop3A_1307 : vector<16xi32>
      %parallel_loop3A_1309 = tpu.vector_load_idx %arg5[%parallel_loop3A_1308] : memref<5408xi32, #tpu.memory_space<vmem>>[vector<16xi32>], vector<16xi32>,
      %parallel_loop3A_1310 = vector.bitcast %parallel_loop3A_1309 : vector<16xi32> to vector<32xbf16>
      %parallel_loop3A_1311 = arith.addf %parallel_loop3A_1305, %parallel_loop3A_1310 : vector<32xbf16>
      %parallel_loop3A_1312 = arith.constant 9 : i32
      %parallel_loop3A_1313 = vector.broadcast %parallel_loop3A_1312 : i32 to vector<16xi32>
      %parallel_loop3A_1314 = arith.addi %parallel_loop3A_143, %parallel_loop3A_1313 : vector<16xi32>
      %parallel_loop3A_1315 = tpu.vector_load_idx %arg5[%parallel_loop3A_1314] : memref<5408xi32, #tpu.memory_space<vmem>>[vector<16xi32>], vector<16xi32>,
      %parallel_loop3A_1316 = vector.bitcast %parallel_loop3A_1315 : vector<16xi32> to vector<32xbf16>
      %parallel_loop3A_1317 = arith.addf %parallel_loop3A_1311, %parallel_loop3A_1316 : vector<32xbf16>
      %parallel_loop3A_1318 = arith.constant 9 : i32
      %parallel_loop3A_1319 = vector.broadcast %parallel_loop3A_1318 : i32 to vector<16xi32>
      %parallel_loop3A_1320 = arith.addi %parallel_loop3A_153, %parallel_loop3A_1319 : vector<16xi32>
      %parallel_loop3A_1321 = tpu.vector_load_idx %arg5[%parallel_loop3A_1320] : memref<5408xi32, #tpu.memory_space<vmem>>[vector<16xi32>], vector<16xi32>,
      %parallel_loop3A_1322 = vector.bitcast %parallel_loop3A_1321 : vector<16xi32> to vector<32xbf16>
      %parallel_loop3A_1323 = arith.addf %parallel_loop3A_1317, %parallel_loop3A_1322 : vector<32xbf16>
      %parallel_loop3A_1324 = arith.constant 9 : i32
      %parallel_loop3A_1325 = vector.broadcast %parallel_loop3A_1324 : i32 to vector<16xi32>
      %parallel_loop3A_1326 = arith.addi %parallel_loop3A_163, %parallel_loop3A_1325 : vector<16xi32>
      %parallel_loop3A_1327 = tpu.vector_load_idx %arg5[%parallel_loop3A_1326] : memref<5408xi32, #tpu.memory_space<vmem>>[vector<16xi32>], vector<16xi32>,
      %parallel_loop3A_1328 = vector.bitcast %parallel_loop3A_1327 : vector<16xi32> to vector<32xbf16>
      %parallel_loop3A_1329 = arith.addf %parallel_loop3A_1323, %parallel_loop3A_1328 : vector<32xbf16>
      %parallel_loop3A_1330 = arith.constant 9 : i32
      %parallel_loop3A_1331 = vector.broadcast %parallel_loop3A_1330 : i32 to vector<16xi32>
      %parallel_loop3A_1332 = arith.addi %parallel_loop3A_173, %parallel_loop3A_1331 : vector<16xi32>
      %parallel_loop3A_1333 = tpu.vector_load_idx %arg5[%parallel_loop3A_1332] : memref<5408xi32, #tpu.memory_space<vmem>>[vector<16xi32>], vector<16xi32>,
      %parallel_loop3A_1334 = vector.bitcast %parallel_loop3A_1333 : vector<16xi32> to vector<32xbf16>
      %parallel_loop3A_1335 = arith.addf %parallel_loop3A_1329, %parallel_loop3A_1334 : vector<32xbf16>
      %parallel_loop3A_1336 = arith.constant 9 : i32
      %parallel_loop3A_1337 = vector.broadcast %parallel_loop3A_1336 : i32 to vector<16xi32>
      %parallel_loop3A_1338 = arith.addi %parallel_loop3A_183, %parallel_loop3A_1337 : vector<16xi32>
      %parallel_loop3A_1339 = tpu.vector_load_idx %arg5[%parallel_loop3A_1338] : memref<5408xi32, #tpu.memory_space<vmem>>[vector<16xi32>], vector<16xi32>,
      %parallel_loop3A_1340 = vector.bitcast %parallel_loop3A_1339 : vector<16xi32> to vector<32xbf16>
      %parallel_loop3A_1341 = arith.addf %parallel_loop3A_1335, %parallel_loop3A_1340 : vector<32xbf16>
      %parallel_loop3A_1342 = arith.addf %parallel_loop3A_1300, %parallel_loop3A_1341 : vector<32xbf16>
      %parallel_loop3A_1343 = tpu.unpack_subelements %parallel_loop3A_1342, 0 {pack_format = #tpu.pack_format<interleaved>} : vector<32xbf16> -> vector<16xf32>
      %parallel_loop3A_1344 = tpu.unpack_subelements %parallel_loop3A_1342, 1 {pack_format = #tpu.pack_format<interleaved>} : vector<32xbf16> -> vector<16xf32>
      %parallel_loop3A_1345 = arith.constant 60 : i32
      %parallel_loop3A_1346 = vector.broadcast %parallel_loop3A_1345 : i32 to vector<16xi32>
      %parallel_loop3A_1347 = arith.addi %parallel_loop3A_33, %parallel_loop3A_1346 : vector<16xi32>
      tpu.vector_store_idx %arg7[%parallel_loop3A_26, %parallel_loop3A_1347], %parallel_loop3A_1343 : memref<32x2560xf32, #tpu.memory_space<vmem>>[vector<16xi32>, vector<16xi32>], vector<16xf32>,
      %parallel_loop3A_1348 = arith.constant 61 : i32
      %parallel_loop3A_1349 = vector.broadcast %parallel_loop3A_1348 : i32 to vector<16xi32>
      %parallel_loop3A_1350 = arith.addi %parallel_loop3A_33, %parallel_loop3A_1349 : vector<16xi32>
      tpu.vector_store_idx %arg7[%parallel_loop3A_26, %parallel_loop3A_1350], %parallel_loop3A_1344 : memref<32x2560xf32, #tpu.memory_space<vmem>>[vector<16xi32>, vector<16xi32>], vector<16xf32>,
      %parallel_loop3A_1351 = arith.constant 9 : i32
      %parallel_loop3A_1352 = vector.broadcast %parallel_loop3A_1351 : i32 to vector<16xi32>
      %parallel_loop3A_1353 = arith.addi %parallel_loop3A_193, %parallel_loop3A_1352 : vector<16xi32>
      %parallel_loop3A_1354 = tpu.vector_load_idx %arg5[%parallel_loop3A_1353] : memref<5408xi32, #tpu.memory_space<vmem>>[vector<16xi32>], vector<16xi32>,
      %parallel_loop3A_1355 = vector.bitcast %parallel_loop3A_1354 : vector<16xi32> to vector<32xbf16>
      %parallel_loop3A_1356 = tpu.unpack_subelements %parallel_loop3A_1355, 0 {pack_format = #tpu.pack_format<interleaved>} : vector<32xbf16> -> vector<16xf32>
      %parallel_loop3A_1357 = tpu.unpack_subelements %parallel_loop3A_1355, 1 {pack_format = #tpu.pack_format<interleaved>} : vector<32xbf16> -> vector<16xf32>
      %parallel_loop3A_1358 = arith.constant 102 : i32
      %parallel_loop3A_1359 = vector.broadcast %parallel_loop3A_1358 : i32 to vector<16xi32>
      %parallel_loop3A_1360 = arith.addi %parallel_loop3A_33, %parallel_loop3A_1359 : vector<16xi32>
      tpu.vector_store_idx %arg7[%parallel_loop3A_26, %parallel_loop3A_1360], %parallel_loop3A_1356 : memref<32x2560xf32, #tpu.memory_space<vmem>>[vector<16xi32>, vector<16xi32>], vector<16xf32>,
      %parallel_loop3A_1361 = arith.constant 103 : i32
      %parallel_loop3A_1362 = vector.broadcast %parallel_loop3A_1361 : i32 to vector<16xi32>
      %parallel_loop3A_1363 = arith.addi %parallel_loop3A_33, %parallel_loop3A_1362 : vector<16xi32>
      tpu.vector_store_idx %arg7[%parallel_loop3A_26, %parallel_loop3A_1363], %parallel_loop3A_1357 : memref<32x2560xf32, #tpu.memory_space<vmem>>[vector<16xi32>, vector<16xi32>], vector<16xf32>,
      %parallel_loop3A_1364 = arith.constant 10 : i32
      %parallel_loop3A_1365 = vector.broadcast %parallel_loop3A_1364 : i32 to vector<16xi32>
      %parallel_loop3A_1366 = arith.addi %parallel_loop3A_43, %parallel_loop3A_1365 : vector<16xi32>
      %parallel_loop3A_1367 = tpu.vector_load_idx %arg5[%parallel_loop3A_1366] : memref<5408xi32, #tpu.memory_space<vmem>>[vector<16xi32>], vector<16xi32>,
      %parallel_loop3A_1368 = vector.bitcast %parallel_loop3A_1367 : vector<16xi32> to vector<32xbf16>
      %parallel_loop3A_1369 = tpu.unpack_subelements %parallel_loop3A_1368, 0 {pack_format = #tpu.pack_format<interleaved>} : vector<32xbf16> -> vector<16xf32>
      %parallel_loop3A_1370 = tpu.unpack_subelements %parallel_loop3A_1368, 1 {pack_format = #tpu.pack_format<interleaved>} : vector<32xbf16> -> vector<16xf32>
      %parallel_loop3A_1371 = arith.constant 20 : i32
      %parallel_loop3A_1372 = vector.broadcast %parallel_loop3A_1371 : i32 to vector<16xi32>
      %parallel_loop3A_1373 = arith.addi %parallel_loop3A_33, %parallel_loop3A_1372 : vector<16xi32>
      tpu.vector_store_idx %arg7[%parallel_loop3A_26, %parallel_loop3A_1373], %parallel_loop3A_1369 : memref<32x2560xf32, #tpu.memory_space<vmem>>[vector<16xi32>, vector<16xi32>], vector<16xf32>,
      %parallel_loop3A_1374 = arith.constant 21 : i32
      %parallel_loop3A_1375 = vector.broadcast %parallel_loop3A_1374 : i32 to vector<16xi32>
      %parallel_loop3A_1376 = arith.addi %parallel_loop3A_33, %parallel_loop3A_1375 : vector<16xi32>
      tpu.vector_store_idx %arg7[%parallel_loop3A_26, %parallel_loop3A_1376], %parallel_loop3A_1370 : memref<32x2560xf32, #tpu.memory_space<vmem>>[vector<16xi32>, vector<16xi32>], vector<16xf32>,
      %parallel_loop3A_1377 = arith.constant 10 : i32
      %parallel_loop3A_1378 = vector.broadcast %parallel_loop3A_1377 : i32 to vector<16xi32>
      %parallel_loop3A_1379 = arith.addi %parallel_loop3A_53, %parallel_loop3A_1378 : vector<16xi32>
      %parallel_loop3A_1380 = tpu.vector_load_idx %arg5[%parallel_loop3A_1379] : memref<5408xi32, #tpu.memory_space<vmem>>[vector<16xi32>], vector<16xi32>,
      %parallel_loop3A_1381 = vector.bitcast %parallel_loop3A_1380 : vector<16xi32> to vector<32xbf16>
      %parallel_loop3A_1382 = arith.constant 10 : i32
      %parallel_loop3A_1383 = vector.broadcast %parallel_loop3A_1382 : i32 to vector<16xi32>
      %parallel_loop3A_1384 = arith.addi %parallel_loop3A_63, %parallel_loop3A_1383 : vector<16xi32>
      %parallel_loop3A_1385 = tpu.vector_load_idx %arg5[%parallel_loop3A_1384] : memref<5408xi32, #tpu.memory_space<vmem>>[vector<16xi32>], vector<16xi32>,
      %parallel_loop3A_1386 = vector.bitcast %parallel_loop3A_1385 : vector<16xi32> to vector<32xbf16>
      %parallel_loop3A_1387 = arith.addf %parallel_loop3A_1381, %parallel_loop3A_1386 : vector<32xbf16>
      %parallel_loop3A_1388 = arith.constant 10 : i32
      %parallel_loop3A_1389 = vector.broadcast %parallel_loop3A_1388 : i32 to vector<16xi32>
      %parallel_loop3A_1390 = arith.addi %parallel_loop3A_73, %parallel_loop3A_1389 : vector<16xi32>
      %parallel_loop3A_1391 = tpu.vector_load_idx %arg5[%parallel_loop3A_1390] : memref<5408xi32, #tpu.memory_space<vmem>>[vector<16xi32>], vector<16xi32>,
      %parallel_loop3A_1392 = vector.bitcast %parallel_loop3A_1391 : vector<16xi32> to vector<32xbf16>
      %parallel_loop3A_1393 = arith.addf %parallel_loop3A_1387, %parallel_loop3A_1392 : vector<32xbf16>
      %parallel_loop3A_1394 = arith.constant 10 : i32
      %parallel_loop3A_1395 = vector.broadcast %parallel_loop3A_1394 : i32 to vector<16xi32>
      %parallel_loop3A_1396 = arith.addi %parallel_loop3A_83, %parallel_loop3A_1395 : vector<16xi32>
      %parallel_loop3A_1397 = tpu.vector_load_idx %arg5[%parallel_loop3A_1396] : memref<5408xi32, #tpu.memory_space<vmem>>[vector<16xi32>], vector<16xi32>,
      %parallel_loop3A_1398 = vector.bitcast %parallel_loop3A_1397 : vector<16xi32> to vector<32xbf16>
      %parallel_loop3A_1399 = arith.addf %parallel_loop3A_1393, %parallel_loop3A_1398 : vector<32xbf16>
      %parallel_loop3A_1400 = arith.constant 10 : i32
      %parallel_loop3A_1401 = vector.broadcast %parallel_loop3A_1400 : i32 to vector<16xi32>
      %parallel_loop3A_1402 = arith.addi %parallel_loop3A_93, %parallel_loop3A_1401 : vector<16xi32>
      %parallel_loop3A_1403 = tpu.vector_load_idx %arg5[%parallel_loop3A_1402] : memref<5408xi32, #tpu.memory_space<vmem>>[vector<16xi32>], vector<16xi32>,
      %parallel_loop3A_1404 = vector.bitcast %parallel_loop3A_1403 : vector<16xi32> to vector<32xbf16>
      %parallel_loop3A_1405 = arith.addf %parallel_loop3A_1399, %parallel_loop3A_1404 : vector<32xbf16>
      %parallel_loop3A_1406 = arith.constant 10 : i32
      %parallel_loop3A_1407 = vector.broadcast %parallel_loop3A_1406 : i32 to vector<16xi32>
      %parallel_loop3A_1408 = arith.addi %parallel_loop3A_103, %parallel_loop3A_1407 : vector<16xi32>
      %parallel_loop3A_1409 = tpu.vector_load_idx %arg5[%parallel_loop3A_1408] : memref<5408xi32, #tpu.memory_space<vmem>>[vector<16xi32>], vector<16xi32>,
      %parallel_loop3A_1410 = vector.bitcast %parallel_loop3A_1409 : vector<16xi32> to vector<32xbf16>
      %parallel_loop3A_1411 = arith.addf %parallel_loop3A_1405, %parallel_loop3A_1410 : vector<32xbf16>
      %parallel_loop3A_1412 = arith.constant 10 : i32
      %parallel_loop3A_1413 = vector.broadcast %parallel_loop3A_1412 : i32 to vector<16xi32>
      %parallel_loop3A_1414 = arith.addi %parallel_loop3A_113, %parallel_loop3A_1413 : vector<16xi32>
      %parallel_loop3A_1415 = tpu.vector_load_idx %arg5[%parallel_loop3A_1414] : memref<5408xi32, #tpu.memory_space<vmem>>[vector<16xi32>], vector<16xi32>,
      %parallel_loop3A_1416 = vector.bitcast %parallel_loop3A_1415 : vector<16xi32> to vector<32xbf16>
      %parallel_loop3A_1417 = arith.addf %parallel_loop3A_1411, %parallel_loop3A_1416 : vector<32xbf16>
      %parallel_loop3A_1418 = arith.constant 10 : i32
      %parallel_loop3A_1419 = vector.broadcast %parallel_loop3A_1418 : i32 to vector<16xi32>
      %parallel_loop3A_1420 = arith.addi %parallel_loop3A_123, %parallel_loop3A_1419 : vector<16xi32>
      %parallel_loop3A_1421 = tpu.vector_load_idx %arg5[%parallel_loop3A_1420] : memref<5408xi32, #tpu.memory_space<vmem>>[vector<16xi32>], vector<16xi32>,
      %parallel_loop3A_1422 = vector.bitcast %parallel_loop3A_1421 : vector<16xi32> to vector<32xbf16>
      %parallel_loop3A_1423 = arith.constant 10 : i32
      %parallel_loop3A_1424 = vector.broadcast %parallel_loop3A_1423 : i32 to vector<16xi32>
      %parallel_loop3A_1425 = arith.addi %parallel_loop3A_133, %parallel_loop3A_1424 : vector<16xi32>
      %parallel_loop3A_1426 = tpu.vector_load_idx %arg5[%parallel_loop3A_1425] : memref<5408xi32, #tpu.memory_space<vmem>>[vector<16xi32>], vector<16xi32>,
      %parallel_loop3A_1427 = vector.bitcast %parallel_loop3A_1426 : vector<16xi32> to vector<32xbf16>
      %parallel_loop3A_1428 = arith.addf %parallel_loop3A_1422, %parallel_loop3A_1427 : vector<32xbf16>
      %parallel_loop3A_1429 = arith.constant 10 : i32
      %parallel_loop3A_1430 = vector.broadcast %parallel_loop3A_1429 : i32 to vector<16xi32>
      %parallel_loop3A_1431 = arith.addi %parallel_loop3A_143, %parallel_loop3A_1430 : vector<16xi32>
      %parallel_loop3A_1432 = tpu.vector_load_idx %arg5[%parallel_loop3A_1431] : memref<5408xi32, #tpu.memory_space<vmem>>[vector<16xi32>], vector<16xi32>,
      %parallel_loop3A_1433 = vector.bitcast %parallel_loop3A_1432 : vector<16xi32> to vector<32xbf16>
      %parallel_loop3A_1434 = arith.addf %parallel_loop3A_1428, %parallel_loop3A_1433 : vector<32xbf16>
      %parallel_loop3A_1435 = arith.constant 10 : i32
      %parallel_loop3A_1436 = vector.broadcast %parallel_loop3A_1435 : i32 to vector<16xi32>
      %parallel_loop3A_1437 = arith.addi %parallel_loop3A_153, %parallel_loop3A_1436 : vector<16xi32>
      %parallel_loop3A_1438 = tpu.vector_load_idx %arg5[%parallel_loop3A_1437] : memref<5408xi32, #tpu.memory_space<vmem>>[vector<16xi32>], vector<16xi32>,
      %parallel_loop3A_1439 = vector.bitcast %parallel_loop3A_1438 : vector<16xi32> to vector<32xbf16>
      %parallel_loop3A_1440 = arith.addf %parallel_loop3A_1434, %parallel_loop3A_1439 : vector<32xbf16>
      %parallel_loop3A_1441 = arith.constant 10 : i32
      %parallel_loop3A_1442 = vector.broadcast %parallel_loop3A_1441 : i32 to vector<16xi32>
      %parallel_loop3A_1443 = arith.addi %parallel_loop3A_163, %parallel_loop3A_1442 : vector<16xi32>
      %parallel_loop3A_1444 = tpu.vector_load_idx %arg5[%parallel_loop3A_1443] : memref<5408xi32, #tpu.memory_space<vmem>>[vector<16xi32>], vector<16xi32>,
      %parallel_loop3A_1445 = vector.bitcast %parallel_loop3A_1444 : vector<16xi32> to vector<32xbf16>
      %parallel_loop3A_1446 = arith.addf %parallel_loop3A_1440, %parallel_loop3A_1445 : vector<32xbf16>
      %parallel_loop3A_1447 = arith.constant 10 : i32
      %parallel_loop3A_1448 = vector.broadcast %parallel_loop3A_1447 : i32 to vector<16xi32>
      %parallel_loop3A_1449 = arith.addi %parallel_loop3A_173, %parallel_loop3A_1448 : vector<16xi32>
      %parallel_loop3A_1450 = tpu.vector_load_idx %arg5[%parallel_loop3A_1449] : memref<5408xi32, #tpu.memory_space<vmem>>[vector<16xi32>], vector<16xi32>,
      %parallel_loop3A_1451 = vector.bitcast %parallel_loop3A_1450 : vector<16xi32> to vector<32xbf16>
      %parallel_loop3A_1452 = arith.addf %parallel_loop3A_1446, %parallel_loop3A_1451 : vector<32xbf16>
      %parallel_loop3A_1453 = arith.constant 10 : i32
      %parallel_loop3A_1454 = vector.broadcast %parallel_loop3A_1453 : i32 to vector<16xi32>
      %parallel_loop3A_1455 = arith.addi %parallel_loop3A_183, %parallel_loop3A_1454 : vector<16xi32>
      %parallel_loop3A_1456 = tpu.vector_load_idx %arg5[%parallel_loop3A_1455] : memref<5408xi32, #tpu.memory_space<vmem>>[vector<16xi32>], vector<16xi32>,
      %parallel_loop3A_1457 = vector.bitcast %parallel_loop3A_1456 : vector<16xi32> to vector<32xbf16>
      %parallel_loop3A_1458 = arith.addf %parallel_loop3A_1452, %parallel_loop3A_1457 : vector<32xbf16>
      %parallel_loop3A_1459 = arith.addf %parallel_loop3A_1417, %parallel_loop3A_1458 : vector<32xbf16>
      %parallel_loop3A_1460 = tpu.unpack_subelements %parallel_loop3A_1459, 0 {pack_format = #tpu.pack_format<interleaved>} : vector<32xbf16> -> vector<16xf32>
      %parallel_loop3A_1461 = tpu.unpack_subelements %parallel_loop3A_1459, 1 {pack_format = #tpu.pack_format<interleaved>} : vector<32xbf16> -> vector<16xf32>
      %parallel_loop3A_1462 = arith.constant 62 : i32
      %parallel_loop3A_1463 = vector.broadcast %parallel_loop3A_1462 : i32 to vector<16xi32>
      %parallel_loop3A_1464 = arith.addi %parallel_loop3A_33, %parallel_loop3A_1463 : vector<16xi32>
      tpu.vector_store_idx %arg7[%parallel_loop3A_26, %parallel_loop3A_1464], %parallel_loop3A_1460 : memref<32x2560xf32, #tpu.memory_space<vmem>>[vector<16xi32>, vector<16xi32>], vector<16xf32>,
      %parallel_loop3A_1465 = arith.constant 63 : i32
      %parallel_loop3A_1466 = vector.broadcast %parallel_loop3A_1465 : i32 to vector<16xi32>
      %parallel_loop3A_1467 = arith.addi %parallel_loop3A_33, %parallel_loop3A_1466 : vector<16xi32>
      tpu.vector_store_idx %arg7[%parallel_loop3A_26, %parallel_loop3A_1467], %parallel_loop3A_1461 : memref<32x2560xf32, #tpu.memory_space<vmem>>[vector<16xi32>, vector<16xi32>], vector<16xf32>,
      %parallel_loop3A_1468 = arith.constant 10 : i32
      %parallel_loop3A_1469 = vector.broadcast %parallel_loop3A_1468 : i32 to vector<16xi32>
      %parallel_loop3A_1470 = arith.addi %parallel_loop3A_193, %parallel_loop3A_1469 : vector<16xi32>
      %parallel_loop3A_1471 = tpu.vector_load_idx %arg5[%parallel_loop3A_1470] : memref<5408xi32, #tpu.memory_space<vmem>>[vector<16xi32>], vector<16xi32>,
      %parallel_loop3A_1472 = vector.bitcast %parallel_loop3A_1471 : vector<16xi32> to vector<32xbf16>
      %parallel_loop3A_1473 = tpu.unpack_subelements %parallel_loop3A_1472, 0 {pack_format = #tpu.pack_format<interleaved>} : vector<32xbf16> -> vector<16xf32>
      %parallel_loop3A_1474 = tpu.unpack_subelements %parallel_loop3A_1472, 1 {pack_format = #tpu.pack_format<interleaved>} : vector<32xbf16> -> vector<16xf32>
      %parallel_loop3A_1475 = arith.constant 104 : i32
      %parallel_loop3A_1476 = vector.broadcast %parallel_loop3A_1475 : i32 to vector<16xi32>
      %parallel_loop3A_1477 = arith.addi %parallel_loop3A_33, %parallel_loop3A_1476 : vector<16xi32>
      tpu.vector_store_idx %arg7[%parallel_loop3A_26, %parallel_loop3A_1477], %parallel_loop3A_1473 : memref<32x2560xf32, #tpu.memory_space<vmem>>[vector<16xi32>, vector<16xi32>], vector<16xf32>,
      %parallel_loop3A_1478 = arith.constant 105 : i32
      %parallel_loop3A_1479 = vector.broadcast %parallel_loop3A_1478 : i32 to vector<16xi32>
      %parallel_loop3A_1480 = arith.addi %parallel_loop3A_33, %parallel_loop3A_1479 : vector<16xi32>
      tpu.vector_store_idx %arg7[%parallel_loop3A_26, %parallel_loop3A_1480], %parallel_loop3A_1474 : memref<32x2560xf32, #tpu.memory_space<vmem>>[vector<16xi32>, vector<16xi32>], vector<16xf32>,
      %parallel_loop3A_1481 = arith.constant 11 : i32
      %parallel_loop3A_1482 = vector.broadcast %parallel_loop3A_1481 : i32 to vector<16xi32>
      %parallel_loop3A_1483 = arith.addi %parallel_loop3A_43, %parallel_loop3A_1482 : vector<16xi32>
      %parallel_loop3A_1484 = tpu.vector_load_idx %arg5[%parallel_loop3A_1483] : memref<5408xi32, #tpu.memory_space<vmem>>[vector<16xi32>], vector<16xi32>,
      %parallel_loop3A_1485 = vector.bitcast %parallel_loop3A_1484 : vector<16xi32> to vector<32xbf16>
      %parallel_loop3A_1486 = tpu.unpack_subelements %parallel_loop3A_1485, 0 {pack_format = #tpu.pack_format<interleaved>} : vector<32xbf16> -> vector<16xf32>
      %parallel_loop3A_1487 = tpu.unpack_subelements %parallel_loop3A_1485, 1 {pack_format = #tpu.pack_format<interleaved>} : vector<32xbf16> -> vector<16xf32>
      %parallel_loop3A_1488 = arith.constant 22 : i32
      %parallel_loop3A_1489 = vector.broadcast %parallel_loop3A_1488 : i32 to vector<16xi32>
      %parallel_loop3A_1490 = arith.addi %parallel_loop3A_33, %parallel_loop3A_1489 : vector<16xi32>
      tpu.vector_store_idx %arg7[%parallel_loop3A_26, %parallel_loop3A_1490], %parallel_loop3A_1486 : memref<32x2560xf32, #tpu.memory_space<vmem>>[vector<16xi32>, vector<16xi32>], vector<16xf32>,
      %parallel_loop3A_1491 = arith.constant 23 : i32
      %parallel_loop3A_1492 = vector.broadcast %parallel_loop3A_1491 : i32 to vector<16xi32>
      %parallel_loop3A_1493 = arith.addi %parallel_loop3A_33, %parallel_loop3A_1492 : vector<16xi32>
      tpu.vector_store_idx %arg7[%parallel_loop3A_26, %parallel_loop3A_1493], %parallel_loop3A_1487 : memref<32x2560xf32, #tpu.memory_space<vmem>>[vector<16xi32>, vector<16xi32>], vector<16xf32>,
      %parallel_loop3A_1494 = arith.constant 11 : i32
      %parallel_loop3A_1495 = vector.broadcast %parallel_loop3A_1494 : i32 to vector<16xi32>
      %parallel_loop3A_1496 = arith.addi %parallel_loop3A_53, %parallel_loop3A_1495 : vector<16xi32>
      %parallel_loop3A_1497 = tpu.vector_load_idx %arg5[%parallel_loop3A_1496] : memref<5408xi32, #tpu.memory_space<vmem>>[vector<16xi32>], vector<16xi32>,
      %parallel_loop3A_1498 = vector.bitcast %parallel_loop3A_1497 : vector<16xi32> to vector<32xbf16>
      %parallel_loop3A_1499 = arith.constant 11 : i32
      %parallel_loop3A_1500 = vector.broadcast %parallel_loop3A_1499 : i32 to vector<16xi32>
      %parallel_loop3A_1501 = arith.addi %parallel_loop3A_63, %parallel_loop3A_1500 : vector<16xi32>
      %parallel_loop3A_1502 = tpu.vector_load_idx %arg5[%parallel_loop3A_1501] : memref<5408xi32, #tpu.memory_space<vmem>>[vector<16xi32>], vector<16xi32>,
      %parallel_loop3A_1503 = vector.bitcast %parallel_loop3A_1502 : vector<16xi32> to vector<32xbf16>
      %parallel_loop3A_1504 = arith.addf %parallel_loop3A_1498, %parallel_loop3A_1503 : vector<32xbf16>
      %parallel_loop3A_1505 = arith.constant 11 : i32
      %parallel_loop3A_1506 = vector.broadcast %parallel_loop3A_1505 : i32 to vector<16xi32>
      %parallel_loop3A_1507 = arith.addi %parallel_loop3A_73, %parallel_loop3A_1506 : vector<16xi32>
      %parallel_loop3A_1508 = tpu.vector_load_idx %arg5[%parallel_loop3A_1507] : memref<5408xi32, #tpu.memory_space<vmem>>[vector<16xi32>], vector<16xi32>,
      %parallel_loop3A_1509 = vector.bitcast %parallel_loop3A_1508 : vector<16xi32> to vector<32xbf16>
      %parallel_loop3A_1510 = arith.addf %parallel_loop3A_1504, %parallel_loop3A_1509 : vector<32xbf16>
      %parallel_loop3A_1511 = arith.constant 11 : i32
      %parallel_loop3A_1512 = vector.broadcast %parallel_loop3A_1511 : i32 to vector<16xi32>
      %parallel_loop3A_1513 = arith.addi %parallel_loop3A_83, %parallel_loop3A_1512 : vector<16xi32>
      %parallel_loop3A_1514 = tpu.vector_load_idx %arg5[%parallel_loop3A_1513] : memref<5408xi32, #tpu.memory_space<vmem>>[vector<16xi32>], vector<16xi32>,
      %parallel_loop3A_1515 = vector.bitcast %parallel_loop3A_1514 : vector<16xi32> to vector<32xbf16>
      %parallel_loop3A_1516 = arith.addf %parallel_loop3A_1510, %parallel_loop3A_1515 : vector<32xbf16>
      %parallel_loop3A_1517 = arith.constant 11 : i32
      %parallel_loop3A_1518 = vector.broadcast %parallel_loop3A_1517 : i32 to vector<16xi32>
      %parallel_loop3A_1519 = arith.addi %parallel_loop3A_93, %parallel_loop3A_1518 : vector<16xi32>
      %parallel_loop3A_1520 = tpu.vector_load_idx %arg5[%parallel_loop3A_1519] : memref<5408xi32, #tpu.memory_space<vmem>>[vector<16xi32>], vector<16xi32>,
      %parallel_loop3A_1521 = vector.bitcast %parallel_loop3A_1520 : vector<16xi32> to vector<32xbf16>
      %parallel_loop3A_1522 = arith.addf %parallel_loop3A_1516, %parallel_loop3A_1521 : vector<32xbf16>
      %parallel_loop3A_1523 = arith.constant 11 : i32
      %parallel_loop3A_1524 = vector.broadcast %parallel_loop3A_1523 : i32 to vector<16xi32>
      %parallel_loop3A_1525 = arith.addi %parallel_loop3A_103, %parallel_loop3A_1524 : vector<16xi32>
      %parallel_loop3A_1526 = tpu.vector_load_idx %arg5[%parallel_loop3A_1525] : memref<5408xi32, #tpu.memory_space<vmem>>[vector<16xi32>], vector<16xi32>,
      %parallel_loop3A_1527 = vector.bitcast %parallel_loop3A_1526 : vector<16xi32> to vector<32xbf16>
      %parallel_loop3A_1528 = arith.addf %parallel_loop3A_1522, %parallel_loop3A_1527 : vector<32xbf16>
      %parallel_loop3A_1529 = arith.constant 11 : i32
      %parallel_loop3A_1530 = vector.broadcast %parallel_loop3A_1529 : i32 to vector<16xi32>
      %parallel_loop3A_1531 = arith.addi %parallel_loop3A_113, %parallel_loop3A_1530 : vector<16xi32>
      %parallel_loop3A_1532 = tpu.vector_load_idx %arg5[%parallel_loop3A_1531] : memref<5408xi32, #tpu.memory_space<vmem>>[vector<16xi32>], vector<16xi32>,
      %parallel_loop3A_1533 = vector.bitcast %parallel_loop3A_1532 : vector<16xi32> to vector<32xbf16>
      %parallel_loop3A_1534 = arith.addf %parallel_loop3A_1528, %parallel_loop3A_1533 : vector<32xbf16>
      %parallel_loop3A_1535 = arith.constant 11 : i32
      %parallel_loop3A_1536 = vector.broadcast %parallel_loop3A_1535 : i32 to vector<16xi32>
      %parallel_loop3A_1537 = arith.addi %parallel_loop3A_123, %parallel_loop3A_1536 : vector<16xi32>
      %parallel_loop3A_1538 = tpu.vector_load_idx %arg5[%parallel_loop3A_1537] : memref<5408xi32, #tpu.memory_space<vmem>>[vector<16xi32>], vector<16xi32>,
      %parallel_loop3A_1539 = vector.bitcast %parallel_loop3A_1538 : vector<16xi32> to vector<32xbf16>
      %parallel_loop3A_1540 = arith.constant 11 : i32
      %parallel_loop3A_1541 = vector.broadcast %parallel_loop3A_1540 : i32 to vector<16xi32>
      %parallel_loop3A_1542 = arith.addi %parallel_loop3A_133, %parallel_loop3A_1541 : vector<16xi32>
      %parallel_loop3A_1543 = tpu.vector_load_idx %arg5[%parallel_loop3A_1542] : memref<5408xi32, #tpu.memory_space<vmem>>[vector<16xi32>], vector<16xi32>,
      %parallel_loop3A_1544 = vector.bitcast %parallel_loop3A_1543 : vector<16xi32> to vector<32xbf16>
      %parallel_loop3A_1545 = arith.addf %parallel_loop3A_1539, %parallel_loop3A_1544 : vector<32xbf16>
      %parallel_loop3A_1546 = arith.constant 11 : i32
      %parallel_loop3A_1547 = vector.broadcast %parallel_loop3A_1546 : i32 to vector<16xi32>
      %parallel_loop3A_1548 = arith.addi %parallel_loop3A_143, %parallel_loop3A_1547 : vector<16xi32>
      %parallel_loop3A_1549 = tpu.vector_load_idx %arg5[%parallel_loop3A_1548] : memref<5408xi32, #tpu.memory_space<vmem>>[vector<16xi32>], vector<16xi32>,
      %parallel_loop3A_1550 = vector.bitcast %parallel_loop3A_1549 : vector<16xi32> to vector<32xbf16>
      %parallel_loop3A_1551 = arith.addf %parallel_loop3A_1545, %parallel_loop3A_1550 : vector<32xbf16>
      %parallel_loop3A_1552 = arith.constant 11 : i32
      %parallel_loop3A_1553 = vector.broadcast %parallel_loop3A_1552 : i32 to vector<16xi32>
      %parallel_loop3A_1554 = arith.addi %parallel_loop3A_153, %parallel_loop3A_1553 : vector<16xi32>
      %parallel_loop3A_1555 = tpu.vector_load_idx %arg5[%parallel_loop3A_1554] : memref<5408xi32, #tpu.memory_space<vmem>>[vector<16xi32>], vector<16xi32>,
      %parallel_loop3A_1556 = vector.bitcast %parallel_loop3A_1555 : vector<16xi32> to vector<32xbf16>
      %parallel_loop3A_1557 = arith.addf %parallel_loop3A_1551, %parallel_loop3A_1556 : vector<32xbf16>
      %parallel_loop3A_1558 = arith.constant 11 : i32
      %parallel_loop3A_1559 = vector.broadcast %parallel_loop3A_1558 : i32 to vector<16xi32>
      %parallel_loop3A_1560 = arith.addi %parallel_loop3A_163, %parallel_loop3A_1559 : vector<16xi32>
      %parallel_loop3A_1561 = tpu.vector_load_idx %arg5[%parallel_loop3A_1560] : memref<5408xi32, #tpu.memory_space<vmem>>[vector<16xi32>], vector<16xi32>,
      %parallel_loop3A_1562 = vector.bitcast %parallel_loop3A_1561 : vector<16xi32> to vector<32xbf16>
      %parallel_loop3A_1563 = arith.addf %parallel_loop3A_1557, %parallel_loop3A_1562 : vector<32xbf16>
      %parallel_loop3A_1564 = arith.constant 11 : i32
      %parallel_loop3A_1565 = vector.broadcast %parallel_loop3A_1564 : i32 to vector<16xi32>
      %parallel_loop3A_1566 = arith.addi %parallel_loop3A_173, %parallel_loop3A_1565 : vector<16xi32>
      %parallel_loop3A_1567 = tpu.vector_load_idx %arg5[%parallel_loop3A_1566] : memref<5408xi32, #tpu.memory_space<vmem>>[vector<16xi32>], vector<16xi32>,
      %parallel_loop3A_1568 = vector.bitcast %parallel_loop3A_1567 : vector<16xi32> to vector<32xbf16>
      %parallel_loop3A_1569 = arith.addf %parallel_loop3A_1563, %parallel_loop3A_1568 : vector<32xbf16>
      %parallel_loop3A_1570 = arith.constant 11 : i32
      %parallel_loop3A_1571 = vector.broadcast %parallel_loop3A_1570 : i32 to vector<16xi32>
      %parallel_loop3A_1572 = arith.addi %parallel_loop3A_183, %parallel_loop3A_1571 : vector<16xi32>
      %parallel_loop3A_1573 = tpu.vector_load_idx %arg5[%parallel_loop3A_1572] : memref<5408xi32, #tpu.memory_space<vmem>>[vector<16xi32>], vector<16xi32>,
      %parallel_loop3A_1574 = vector.bitcast %parallel_loop3A_1573 : vector<16xi32> to vector<32xbf16>
      %parallel_loop3A_1575 = arith.addf %parallel_loop3A_1569, %parallel_loop3A_1574 : vector<32xbf16>
      %parallel_loop3A_1576 = arith.addf %parallel_loop3A_1534, %parallel_loop3A_1575 : vector<32xbf16>
      %parallel_loop3A_1577 = tpu.unpack_subelements %parallel_loop3A_1576, 0 {pack_format = #tpu.pack_format<interleaved>} : vector<32xbf16> -> vector<16xf32>
      %parallel_loop3A_1578 = tpu.unpack_subelements %parallel_loop3A_1576, 1 {pack_format = #tpu.pack_format<interleaved>} : vector<32xbf16> -> vector<16xf32>
      %parallel_loop3A_1579 = arith.constant 64 : i32
      %parallel_loop3A_1580 = vector.broadcast %parallel_loop3A_1579 : i32 to vector<16xi32>
      %parallel_loop3A_1581 = arith.addi %parallel_loop3A_33, %parallel_loop3A_1580 : vector<16xi32>
      tpu.vector_store_idx %arg7[%parallel_loop3A_26, %parallel_loop3A_1581], %parallel_loop3A_1577 : memref<32x2560xf32, #tpu.memory_space<vmem>>[vector<16xi32>, vector<16xi32>], vector<16xf32>,
      %parallel_loop3A_1582 = arith.constant 65 : i32
      %parallel_loop3A_1583 = vector.broadcast %parallel_loop3A_1582 : i32 to vector<16xi32>
      %parallel_loop3A_1584 = arith.addi %parallel_loop3A_33, %parallel_loop3A_1583 : vector<16xi32>
      tpu.vector_store_idx %arg7[%parallel_loop3A_26, %parallel_loop3A_1584], %parallel_loop3A_1578 : memref<32x2560xf32, #tpu.memory_space<vmem>>[vector<16xi32>, vector<16xi32>], vector<16xf32>,
      %parallel_loop3A_1585 = arith.constant 11 : i32
      %parallel_loop3A_1586 = vector.broadcast %parallel_loop3A_1585 : i32 to vector<16xi32>
      %parallel_loop3A_1587 = arith.addi %parallel_loop3A_193, %parallel_loop3A_1586 : vector<16xi32>
      %parallel_loop3A_1588 = tpu.vector_load_idx %arg5[%parallel_loop3A_1587] : memref<5408xi32, #tpu.memory_space<vmem>>[vector<16xi32>], vector<16xi32>,
      %parallel_loop3A_1589 = vector.bitcast %parallel_loop3A_1588 : vector<16xi32> to vector<32xbf16>
      %parallel_loop3A_1590 = tpu.unpack_subelements %parallel_loop3A_1589, 0 {pack_format = #tpu.pack_format<interleaved>} : vector<32xbf16> -> vector<16xf32>
      %parallel_loop3A_1591 = tpu.unpack_subelements %parallel_loop3A_1589, 1 {pack_format = #tpu.pack_format<interleaved>} : vector<32xbf16> -> vector<16xf32>
      %parallel_loop3A_1592 = arith.constant 106 : i32
      %parallel_loop3A_1593 = vector.broadcast %parallel_loop3A_1592 : i32 to vector<16xi32>
      %parallel_loop3A_1594 = arith.addi %parallel_loop3A_33, %parallel_loop3A_1593 : vector<16xi32>
      tpu.vector_store_idx %arg7[%parallel_loop3A_26, %parallel_loop3A_1594], %parallel_loop3A_1590 : memref<32x2560xf32, #tpu.memory_space<vmem>>[vector<16xi32>, vector<16xi32>], vector<16xf32>,
      %parallel_loop3A_1595 = arith.constant 107 : i32
      %parallel_loop3A_1596 = vector.broadcast %parallel_loop3A_1595 : i32 to vector<16xi32>
      %parallel_loop3A_1597 = arith.addi %parallel_loop3A_33, %parallel_loop3A_1596 : vector<16xi32>
      tpu.vector_store_idx %arg7[%parallel_loop3A_26, %parallel_loop3A_1597], %parallel_loop3A_1591 : memref<32x2560xf32, #tpu.memory_space<vmem>>[vector<16xi32>, vector<16xi32>], vector<16xf32>,
      %parallel_loop3A_1598 = arith.constant 12 : i32
      %parallel_loop3A_1599 = vector.broadcast %parallel_loop3A_1598 : i32 to vector<16xi32>
      %parallel_loop3A_1600 = arith.addi %parallel_loop3A_43, %parallel_loop3A_1599 : vector<16xi32>
      %parallel_loop3A_1601 = tpu.vector_load_idx %arg5[%parallel_loop3A_1600] : memref<5408xi32, #tpu.memory_space<vmem>>[vector<16xi32>], vector<16xi32>,
      %parallel_loop3A_1602 = vector.bitcast %parallel_loop3A_1601 : vector<16xi32> to vector<32xbf16>
      %parallel_loop3A_1603 = tpu.unpack_subelements %parallel_loop3A_1602, 0 {pack_format = #tpu.pack_format<interleaved>} : vector<32xbf16> -> vector<16xf32>
      %parallel_loop3A_1604 = tpu.unpack_subelements %parallel_loop3A_1602, 1 {pack_format = #tpu.pack_format<interleaved>} : vector<32xbf16> -> vector<16xf32>
      %parallel_loop3A_1605 = arith.constant 24 : i32
      %parallel_loop3A_1606 = vector.broadcast %parallel_loop3A_1605 : i32 to vector<16xi32>
      %parallel_loop3A_1607 = arith.addi %parallel_loop3A_33, %parallel_loop3A_1606 : vector<16xi32>
      tpu.vector_store_idx %arg7[%parallel_loop3A_26, %parallel_loop3A_1607], %parallel_loop3A_1603 : memref<32x2560xf32, #tpu.memory_space<vmem>>[vector<16xi32>, vector<16xi32>], vector<16xf32>,
      %parallel_loop3A_1608 = arith.constant 25 : i32
      %parallel_loop3A_1609 = vector.broadcast %parallel_loop3A_1608 : i32 to vector<16xi32>
      %parallel_loop3A_1610 = arith.addi %parallel_loop3A_33, %parallel_loop3A_1609 : vector<16xi32>
      tpu.vector_store_idx %arg7[%parallel_loop3A_26, %parallel_loop3A_1610], %parallel_loop3A_1604 : memref<32x2560xf32, #tpu.memory_space<vmem>>[vector<16xi32>, vector<16xi32>], vector<16xf32>,
      %parallel_loop3A_1611 = arith.constant 12 : i32
      %parallel_loop3A_1612 = vector.broadcast %parallel_loop3A_1611 : i32 to vector<16xi32>
      %parallel_loop3A_1613 = arith.addi %parallel_loop3A_53, %parallel_loop3A_1612 : vector<16xi32>
      %parallel_loop3A_1614 = tpu.vector_load_idx %arg5[%parallel_loop3A_1613] : memref<5408xi32, #tpu.memory_space<vmem>>[vector<16xi32>], vector<16xi32>,
      %parallel_loop3A_1615 = vector.bitcast %parallel_loop3A_1614 : vector<16xi32> to vector<32xbf16>
      %parallel_loop3A_1616 = arith.constant 12 : i32
      %parallel_loop3A_1617 = vector.broadcast %parallel_loop3A_1616 : i32 to vector<16xi32>
      %parallel_loop3A_1618 = arith.addi %parallel_loop3A_63, %parallel_loop3A_1617 : vector<16xi32>
      %parallel_loop3A_1619 = tpu.vector_load_idx %arg5[%parallel_loop3A_1618] : memref<5408xi32, #tpu.memory_space<vmem>>[vector<16xi32>], vector<16xi32>,
      %parallel_loop3A_1620 = vector.bitcast %parallel_loop3A_1619 : vector<16xi32> to vector<32xbf16>
      %parallel_loop3A_1621 = arith.addf %parallel_loop3A_1615, %parallel_loop3A_1620 : vector<32xbf16>
      %parallel_loop3A_1622 = arith.constant 12 : i32
      %parallel_loop3A_1623 = vector.broadcast %parallel_loop3A_1622 : i32 to vector<16xi32>
      %parallel_loop3A_1624 = arith.addi %parallel_loop3A_73, %parallel_loop3A_1623 : vector<16xi32>
      %parallel_loop3A_1625 = tpu.vector_load_idx %arg5[%parallel_loop3A_1624] : memref<5408xi32, #tpu.memory_space<vmem>>[vector<16xi32>], vector<16xi32>,
      %parallel_loop3A_1626 = vector.bitcast %parallel_loop3A_1625 : vector<16xi32> to vector<32xbf16>
      %parallel_loop3A_1627 = arith.addf %parallel_loop3A_1621, %parallel_loop3A_1626 : vector<32xbf16>
      %parallel_loop3A_1628 = arith.constant 12 : i32
      %parallel_loop3A_1629 = vector.broadcast %parallel_loop3A_1628 : i32 to vector<16xi32>
      %parallel_loop3A_1630 = arith.addi %parallel_loop3A_83, %parallel_loop3A_1629 : vector<16xi32>
      %parallel_loop3A_1631 = tpu.vector_load_idx %arg5[%parallel_loop3A_1630] : memref<5408xi32, #tpu.memory_space<vmem>>[vector<16xi32>], vector<16xi32>,
      %parallel_loop3A_1632 = vector.bitcast %parallel_loop3A_1631 : vector<16xi32> to vector<32xbf16>
      %parallel_loop3A_1633 = arith.addf %parallel_loop3A_1627, %parallel_loop3A_1632 : vector<32xbf16>
      %parallel_loop3A_1634 = arith.constant 12 : i32
      %parallel_loop3A_1635 = vector.broadcast %parallel_loop3A_1634 : i32 to vector<16xi32>
      %parallel_loop3A_1636 = arith.addi %parallel_loop3A_93, %parallel_loop3A_1635 : vector<16xi32>
      %parallel_loop3A_1637 = tpu.vector_load_idx %arg5[%parallel_loop3A_1636] : memref<5408xi32, #tpu.memory_space<vmem>>[vector<16xi32>], vector<16xi32>,
      %parallel_loop3A_1638 = vector.bitcast %parallel_loop3A_1637 : vector<16xi32> to vector<32xbf16>
      %parallel_loop3A_1639 = arith.addf %parallel_loop3A_1633, %parallel_loop3A_1638 : vector<32xbf16>
      %parallel_loop3A_1640 = arith.constant 12 : i32
      %parallel_loop3A_1641 = vector.broadcast %parallel_loop3A_1640 : i32 to vector<16xi32>
      %parallel_loop3A_1642 = arith.addi %parallel_loop3A_103, %parallel_loop3A_1641 : vector<16xi32>
      %parallel_loop3A_1643 = tpu.vector_load_idx %arg5[%parallel_loop3A_1642] : memref<5408xi32, #tpu.memory_space<vmem>>[vector<16xi32>], vector<16xi32>,
      %parallel_loop3A_1644 = vector.bitcast %parallel_loop3A_1643 : vector<16xi32> to vector<32xbf16>
      %parallel_loop3A_1645 = arith.addf %parallel_loop3A_1639, %parallel_loop3A_1644 : vector<32xbf16>
      %parallel_loop3A_1646 = arith.constant 12 : i32
      %parallel_loop3A_1647 = vector.broadcast %parallel_loop3A_1646 : i32 to vector<16xi32>
      %parallel_loop3A_1648 = arith.addi %parallel_loop3A_113, %parallel_loop3A_1647 : vector<16xi32>
      %parallel_loop3A_1649 = tpu.vector_load_idx %arg5[%parallel_loop3A_1648] : memref<5408xi32, #tpu.memory_space<vmem>>[vector<16xi32>], vector<16xi32>,
      %parallel_loop3A_1650 = vector.bitcast %parallel_loop3A_1649 : vector<16xi32> to vector<32xbf16>
      %parallel_loop3A_1651 = arith.addf %parallel_loop3A_1645, %parallel_loop3A_1650 : vector<32xbf16>
      %parallel_loop3A_1652 = arith.constant 12 : i32
      %parallel_loop3A_1653 = vector.broadcast %parallel_loop3A_1652 : i32 to vector<16xi32>
      %parallel_loop3A_1654 = arith.addi %parallel_loop3A_123, %parallel_loop3A_1653 : vector<16xi32>
      %parallel_loop3A_1655 = tpu.vector_load_idx %arg5[%parallel_loop3A_1654] : memref<5408xi32, #tpu.memory_space<vmem>>[vector<16xi32>], vector<16xi32>,
      %parallel_loop3A_1656 = vector.bitcast %parallel_loop3A_1655 : vector<16xi32> to vector<32xbf16>
      %parallel_loop3A_1657 = arith.constant 12 : i32
      %parallel_loop3A_1658 = vector.broadcast %parallel_loop3A_1657 : i32 to vector<16xi32>
      %parallel_loop3A_1659 = arith.addi %parallel_loop3A_133, %parallel_loop3A_1658 : vector<16xi32>
      %parallel_loop3A_1660 = tpu.vector_load_idx %arg5[%parallel_loop3A_1659] : memref<5408xi32, #tpu.memory_space<vmem>>[vector<16xi32>], vector<16xi32>,
      %parallel_loop3A_1661 = vector.bitcast %parallel_loop3A_1660 : vector<16xi32> to vector<32xbf16>
      %parallel_loop3A_1662 = arith.addf %parallel_loop3A_1656, %parallel_loop3A_1661 : vector<32xbf16>
      %parallel_loop3A_1663 = arith.constant 12 : i32
      %parallel_loop3A_1664 = vector.broadcast %parallel_loop3A_1663 : i32 to vector<16xi32>
      %parallel_loop3A_1665 = arith.addi %parallel_loop3A_143, %parallel_loop3A_1664 : vector<16xi32>
      %parallel_loop3A_1666 = tpu.vector_load_idx %arg5[%parallel_loop3A_1665] : memref<5408xi32, #tpu.memory_space<vmem>>[vector<16xi32>], vector<16xi32>,
      %parallel_loop3A_1667 = vector.bitcast %parallel_loop3A_1666 : vector<16xi32> to vector<32xbf16>
      %parallel_loop3A_1668 = arith.addf %parallel_loop3A_1662, %parallel_loop3A_1667 : vector<32xbf16>
      %parallel_loop3A_1669 = arith.constant 12 : i32
      %parallel_loop3A_1670 = vector.broadcast %parallel_loop3A_1669 : i32 to vector<16xi32>
      %parallel_loop3A_1671 = arith.addi %parallel_loop3A_153, %parallel_loop3A_1670 : vector<16xi32>
      %parallel_loop3A_1672 = tpu.vector_load_idx %arg5[%parallel_loop3A_1671] : memref<5408xi32, #tpu.memory_space<vmem>>[vector<16xi32>], vector<16xi32>,
      %parallel_loop3A_1673 = vector.bitcast %parallel_loop3A_1672 : vector<16xi32> to vector<32xbf16>
      %parallel_loop3A_1674 = arith.addf %parallel_loop3A_1668, %parallel_loop3A_1673 : vector<32xbf16>
      %parallel_loop3A_1675 = arith.constant 12 : i32
      %parallel_loop3A_1676 = vector.broadcast %parallel_loop3A_1675 : i32 to vector<16xi32>
      %parallel_loop3A_1677 = arith.addi %parallel_loop3A_163, %parallel_loop3A_1676 : vector<16xi32>
      %parallel_loop3A_1678 = tpu.vector_load_idx %arg5[%parallel_loop3A_1677] : memref<5408xi32, #tpu.memory_space<vmem>>[vector<16xi32>], vector<16xi32>,
      %parallel_loop3A_1679 = vector.bitcast %parallel_loop3A_1678 : vector<16xi32> to vector<32xbf16>
      %parallel_loop3A_1680 = arith.addf %parallel_loop3A_1674, %parallel_loop3A_1679 : vector<32xbf16>
      %parallel_loop3A_1681 = arith.constant 12 : i32
      %parallel_loop3A_1682 = vector.broadcast %parallel_loop3A_1681 : i32 to vector<16xi32>
      %parallel_loop3A_1683 = arith.addi %parallel_loop3A_173, %parallel_loop3A_1682 : vector<16xi32>
      %parallel_loop3A_1684 = tpu.vector_load_idx %arg5[%parallel_loop3A_1683] : memref<5408xi32, #tpu.memory_space<vmem>>[vector<16xi32>], vector<16xi32>,
      %parallel_loop3A_1685 = vector.bitcast %parallel_loop3A_1684 : vector<16xi32> to vector<32xbf16>
      %parallel_loop3A_1686 = arith.addf %parallel_loop3A_1680, %parallel_loop3A_1685 : vector<32xbf16>
      %parallel_loop3A_1687 = arith.constant 12 : i32
      %parallel_loop3A_1688 = vector.broadcast %parallel_loop3A_1687 : i32 to vector<16xi32>
      %parallel_loop3A_1689 = arith.addi %parallel_loop3A_183, %parallel_loop3A_1688 : vector<16xi32>
      %parallel_loop3A_1690 = tpu.vector_load_idx %arg5[%parallel_loop3A_1689] : memref<5408xi32, #tpu.memory_space<vmem>>[vector<16xi32>], vector<16xi32>,
      %parallel_loop3A_1691 = vector.bitcast %parallel_loop3A_1690 : vector<16xi32> to vector<32xbf16>
      %parallel_loop3A_1692 = arith.addf %parallel_loop3A_1686, %parallel_loop3A_1691 : vector<32xbf16>
      %parallel_loop3A_1693 = arith.addf %parallel_loop3A_1651, %parallel_loop3A_1692 : vector<32xbf16>
      %parallel_loop3A_1694 = tpu.unpack_subelements %parallel_loop3A_1693, 0 {pack_format = #tpu.pack_format<interleaved>} : vector<32xbf16> -> vector<16xf32>
      %parallel_loop3A_1695 = tpu.unpack_subelements %parallel_loop3A_1693, 1 {pack_format = #tpu.pack_format<interleaved>} : vector<32xbf16> -> vector<16xf32>
      %parallel_loop3A_1696 = arith.constant 66 : i32
      %parallel_loop3A_1697 = vector.broadcast %parallel_loop3A_1696 : i32 to vector<16xi32>
      %parallel_loop3A_1698 = arith.addi %parallel_loop3A_33, %parallel_loop3A_1697 : vector<16xi32>
      tpu.vector_store_idx %arg7[%parallel_loop3A_26, %parallel_loop3A_1698], %parallel_loop3A_1694 : memref<32x2560xf32, #tpu.memory_space<vmem>>[vector<16xi32>, vector<16xi32>], vector<16xf32>,
      %parallel_loop3A_1699 = arith.constant 67 : i32
      %parallel_loop3A_1700 = vector.broadcast %parallel_loop3A_1699 : i32 to vector<16xi32>
      %parallel_loop3A_1701 = arith.addi %parallel_loop3A_33, %parallel_loop3A_1700 : vector<16xi32>
      tpu.vector_store_idx %arg7[%parallel_loop3A_26, %parallel_loop3A_1701], %parallel_loop3A_1695 : memref<32x2560xf32, #tpu.memory_space<vmem>>[vector<16xi32>, vector<16xi32>], vector<16xf32>,
      %parallel_loop3A_1702 = arith.constant 12 : i32
      %parallel_loop3A_1703 = vector.broadcast %parallel_loop3A_1702 : i32 to vector<16xi32>
      %parallel_loop3A_1704 = arith.addi %parallel_loop3A_193, %parallel_loop3A_1703 : vector<16xi32>
      %parallel_loop3A_1705 = tpu.vector_load_idx %arg5[%parallel_loop3A_1704] : memref<5408xi32, #tpu.memory_space<vmem>>[vector<16xi32>], vector<16xi32>,
      %parallel_loop3A_1706 = vector.bitcast %parallel_loop3A_1705 : vector<16xi32> to vector<32xbf16>
      %parallel_loop3A_1707 = tpu.unpack_subelements %parallel_loop3A_1706, 0 {pack_format = #tpu.pack_format<interleaved>} : vector<32xbf16> -> vector<16xf32>
      %parallel_loop3A_1708 = tpu.unpack_subelements %parallel_loop3A_1706, 1 {pack_format = #tpu.pack_format<interleaved>} : vector<32xbf16> -> vector<16xf32>
      %parallel_loop3A_1709 = arith.constant 108 : i32
      %parallel_loop3A_1710 = vector.broadcast %parallel_loop3A_1709 : i32 to vector<16xi32>
      %parallel_loop3A_1711 = arith.addi %parallel_loop3A_33, %parallel_loop3A_1710 : vector<16xi32>
      tpu.vector_store_idx %arg7[%parallel_loop3A_26, %parallel_loop3A_1711], %parallel_loop3A_1707 : memref<32x2560xf32, #tpu.memory_space<vmem>>[vector<16xi32>, vector<16xi32>], vector<16xf32>,
      %parallel_loop3A_1712 = arith.constant 109 : i32
      %parallel_loop3A_1713 = vector.broadcast %parallel_loop3A_1712 : i32 to vector<16xi32>
      %parallel_loop3A_1714 = arith.addi %parallel_loop3A_33, %parallel_loop3A_1713 : vector<16xi32>
      tpu.vector_store_idx %arg7[%parallel_loop3A_26, %parallel_loop3A_1714], %parallel_loop3A_1708 : memref<32x2560xf32, #tpu.memory_space<vmem>>[vector<16xi32>, vector<16xi32>], vector<16xf32>,
      %parallel_loop3A_1715 = arith.constant 13 : i32
      %parallel_loop3A_1716 = vector.broadcast %parallel_loop3A_1715 : i32 to vector<16xi32>
      %parallel_loop3A_1717 = arith.addi %parallel_loop3A_43, %parallel_loop3A_1716 : vector<16xi32>
      %parallel_loop3A_1718 = tpu.vector_load_idx %arg5[%parallel_loop3A_1717] : memref<5408xi32, #tpu.memory_space<vmem>>[vector<16xi32>], vector<16xi32>,
      %parallel_loop3A_1719 = vector.bitcast %parallel_loop3A_1718 : vector<16xi32> to vector<32xbf16>
      %parallel_loop3A_1720 = tpu.unpack_subelements %parallel_loop3A_1719, 0 {pack_format = #tpu.pack_format<interleaved>} : vector<32xbf16> -> vector<16xf32>
      %parallel_loop3A_1721 = tpu.unpack_subelements %parallel_loop3A_1719, 1 {pack_format = #tpu.pack_format<interleaved>} : vector<32xbf16> -> vector<16xf32>
      %parallel_loop3A_1722 = arith.constant 26 : i32
      %parallel_loop3A_1723 = vector.broadcast %parallel_loop3A_1722 : i32 to vector<16xi32>
      %parallel_loop3A_1724 = arith.addi %parallel_loop3A_33, %parallel_loop3A_1723 : vector<16xi32>
      tpu.vector_store_idx %arg7[%parallel_loop3A_26, %parallel_loop3A_1724], %parallel_loop3A_1720 : memref<32x2560xf32, #tpu.memory_space<vmem>>[vector<16xi32>, vector<16xi32>], vector<16xf32>,
      %parallel_loop3A_1725 = arith.constant 27 : i32
      %parallel_loop3A_1726 = vector.broadcast %parallel_loop3A_1725 : i32 to vector<16xi32>
      %parallel_loop3A_1727 = arith.addi %parallel_loop3A_33, %parallel_loop3A_1726 : vector<16xi32>
      tpu.vector_store_idx %arg7[%parallel_loop3A_26, %parallel_loop3A_1727], %parallel_loop3A_1721 : memref<32x2560xf32, #tpu.memory_space<vmem>>[vector<16xi32>, vector<16xi32>], vector<16xf32>,
      %parallel_loop3A_1728 = arith.constant 13 : i32
      %parallel_loop3A_1729 = vector.broadcast %parallel_loop3A_1728 : i32 to vector<16xi32>
      %parallel_loop3A_1730 = arith.addi %parallel_loop3A_53, %parallel_loop3A_1729 : vector<16xi32>
      %parallel_loop3A_1731 = tpu.vector_load_idx %arg5[%parallel_loop3A_1730] : memref<5408xi32, #tpu.memory_space<vmem>>[vector<16xi32>], vector<16xi32>,
      %parallel_loop3A_1732 = vector.bitcast %parallel_loop3A_1731 : vector<16xi32> to vector<32xbf16>
      %parallel_loop3A_1733 = arith.constant 13 : i32
      %parallel_loop3A_1734 = vector.broadcast %parallel_loop3A_1733 : i32 to vector<16xi32>
      %parallel_loop3A_1735 = arith.addi %parallel_loop3A_63, %parallel_loop3A_1734 : vector<16xi32>
      %parallel_loop3A_1736 = tpu.vector_load_idx %arg5[%parallel_loop3A_1735] : memref<5408xi32, #tpu.memory_space<vmem>>[vector<16xi32>], vector<16xi32>,
      %parallel_loop3A_1737 = vector.bitcast %parallel_loop3A_1736 : vector<16xi32> to vector<32xbf16>
      %parallel_loop3A_1738 = arith.addf %parallel_loop3A_1732, %parallel_loop3A_1737 : vector<32xbf16>
      %parallel_loop3A_1739 = arith.constant 13 : i32
      %parallel_loop3A_1740 = vector.broadcast %parallel_loop3A_1739 : i32 to vector<16xi32>
      %parallel_loop3A_1741 = arith.addi %parallel_loop3A_73, %parallel_loop3A_1740 : vector<16xi32>
      %parallel_loop3A_1742 = tpu.vector_load_idx %arg5[%parallel_loop3A_1741] : memref<5408xi32, #tpu.memory_space<vmem>>[vector<16xi32>], vector<16xi32>,
      %parallel_loop3A_1743 = vector.bitcast %parallel_loop3A_1742 : vector<16xi32> to vector<32xbf16>
      %parallel_loop3A_1744 = arith.addf %parallel_loop3A_1738, %parallel_loop3A_1743 : vector<32xbf16>
      %parallel_loop3A_1745 = arith.constant 13 : i32
      %parallel_loop3A_1746 = vector.broadcast %parallel_loop3A_1745 : i32 to vector<16xi32>
      %parallel_loop3A_1747 = arith.addi %parallel_loop3A_83, %parallel_loop3A_1746 : vector<16xi32>
      %parallel_loop3A_1748 = tpu.vector_load_idx %arg5[%parallel_loop3A_1747] : memref<5408xi32, #tpu.memory_space<vmem>>[vector<16xi32>], vector<16xi32>,
      %parallel_loop3A_1749 = vector.bitcast %parallel_loop3A_1748 : vector<16xi32> to vector<32xbf16>
      %parallel_loop3A_1750 = arith.addf %parallel_loop3A_1744, %parallel_loop3A_1749 : vector<32xbf16>
      %parallel_loop3A_1751 = arith.constant 13 : i32
      %parallel_loop3A_1752 = vector.broadcast %parallel_loop3A_1751 : i32 to vector<16xi32>
      %parallel_loop3A_1753 = arith.addi %parallel_loop3A_93, %parallel_loop3A_1752 : vector<16xi32>
      %parallel_loop3A_1754 = tpu.vector_load_idx %arg5[%parallel_loop3A_1753] : memref<5408xi32, #tpu.memory_space<vmem>>[vector<16xi32>], vector<16xi32>,
      %parallel_loop3A_1755 = vector.bitcast %parallel_loop3A_1754 : vector<16xi32> to vector<32xbf16>
      %parallel_loop3A_1756 = arith.addf %parallel_loop3A_1750, %parallel_loop3A_1755 : vector<32xbf16>
      %parallel_loop3A_1757 = arith.constant 13 : i32
      %parallel_loop3A_1758 = vector.broadcast %parallel_loop3A_1757 : i32 to vector<16xi32>
      %parallel_loop3A_1759 = arith.addi %parallel_loop3A_103, %parallel_loop3A_1758 : vector<16xi32>
      %parallel_loop3A_1760 = tpu.vector_load_idx %arg5[%parallel_loop3A_1759] : memref<5408xi32, #tpu.memory_space<vmem>>[vector<16xi32>], vector<16xi32>,
      %parallel_loop3A_1761 = vector.bitcast %parallel_loop3A_1760 : vector<16xi32> to vector<32xbf16>
      %parallel_loop3A_1762 = arith.addf %parallel_loop3A_1756, %parallel_loop3A_1761 : vector<32xbf16>
      %parallel_loop3A_1763 = arith.constant 13 : i32
      %parallel_loop3A_1764 = vector.broadcast %parallel_loop3A_1763 : i32 to vector<16xi32>
      %parallel_loop3A_1765 = arith.addi %parallel_loop3A_113, %parallel_loop3A_1764 : vector<16xi32>
      %parallel_loop3A_1766 = tpu.vector_load_idx %arg5[%parallel_loop3A_1765] : memref<5408xi32, #tpu.memory_space<vmem>>[vector<16xi32>], vector<16xi32>,
      %parallel_loop3A_1767 = vector.bitcast %parallel_loop3A_1766 : vector<16xi32> to vector<32xbf16>
      %parallel_loop3A_1768 = arith.addf %parallel_loop3A_1762, %parallel_loop3A_1767 : vector<32xbf16>
      %parallel_loop3A_1769 = arith.constant 13 : i32
      %parallel_loop3A_1770 = vector.broadcast %parallel_loop3A_1769 : i32 to vector<16xi32>
      %parallel_loop3A_1771 = arith.addi %parallel_loop3A_123, %parallel_loop3A_1770 : vector<16xi32>
      %parallel_loop3A_1772 = tpu.vector_load_idx %arg5[%parallel_loop3A_1771] : memref<5408xi32, #tpu.memory_space<vmem>>[vector<16xi32>], vector<16xi32>,
      %parallel_loop3A_1773 = vector.bitcast %parallel_loop3A_1772 : vector<16xi32> to vector<32xbf16>
      %parallel_loop3A_1774 = arith.constant 13 : i32
      %parallel_loop3A_1775 = vector.broadcast %parallel_loop3A_1774 : i32 to vector<16xi32>
      %parallel_loop3A_1776 = arith.addi %parallel_loop3A_133, %parallel_loop3A_1775 : vector<16xi32>
      %parallel_loop3A_1777 = tpu.vector_load_idx %arg5[%parallel_loop3A_1776] : memref<5408xi32, #tpu.memory_space<vmem>>[vector<16xi32>], vector<16xi32>,
      %parallel_loop3A_1778 = vector.bitcast %parallel_loop3A_1777 : vector<16xi32> to vector<32xbf16>
      %parallel_loop3A_1779 = arith.addf %parallel_loop3A_1773, %parallel_loop3A_1778 : vector<32xbf16>
      %parallel_loop3A_1780 = arith.constant 13 : i32
      %parallel_loop3A_1781 = vector.broadcast %parallel_loop3A_1780 : i32 to vector<16xi32>
      %parallel_loop3A_1782 = arith.addi %parallel_loop3A_143, %parallel_loop3A_1781 : vector<16xi32>
      %parallel_loop3A_1783 = tpu.vector_load_idx %arg5[%parallel_loop3A_1782] : memref<5408xi32, #tpu.memory_space<vmem>>[vector<16xi32>], vector<16xi32>,
      %parallel_loop3A_1784 = vector.bitcast %parallel_loop3A_1783 : vector<16xi32> to vector<32xbf16>
      %parallel_loop3A_1785 = arith.addf %parallel_loop3A_1779, %parallel_loop3A_1784 : vector<32xbf16>
      %parallel_loop3A_1786 = arith.constant 13 : i32
      %parallel_loop3A_1787 = vector.broadcast %parallel_loop3A_1786 : i32 to vector<16xi32>
      %parallel_loop3A_1788 = arith.addi %parallel_loop3A_153, %parallel_loop3A_1787 : vector<16xi32>
      %parallel_loop3A_1789 = tpu.vector_load_idx %arg5[%parallel_loop3A_1788] : memref<5408xi32, #tpu.memory_space<vmem>>[vector<16xi32>], vector<16xi32>,
      %parallel_loop3A_1790 = vector.bitcast %parallel_loop3A_1789 : vector<16xi32> to vector<32xbf16>
      %parallel_loop3A_1791 = arith.addf %parallel_loop3A_1785, %parallel_loop3A_1790 : vector<32xbf16>
      %parallel_loop3A_1792 = arith.constant 13 : i32
      %parallel_loop3A_1793 = vector.broadcast %parallel_loop3A_1792 : i32 to vector<16xi32>
      %parallel_loop3A_1794 = arith.addi %parallel_loop3A_163, %parallel_loop3A_1793 : vector<16xi32>
      %parallel_loop3A_1795 = tpu.vector_load_idx %arg5[%parallel_loop3A_1794] : memref<5408xi32, #tpu.memory_space<vmem>>[vector<16xi32>], vector<16xi32>,
      %parallel_loop3A_1796 = vector.bitcast %parallel_loop3A_1795 : vector<16xi32> to vector<32xbf16>
      %parallel_loop3A_1797 = arith.addf %parallel_loop3A_1791, %parallel_loop3A_1796 : vector<32xbf16>
      %parallel_loop3A_1798 = arith.constant 13 : i32
      %parallel_loop3A_1799 = vector.broadcast %parallel_loop3A_1798 : i32 to vector<16xi32>
      %parallel_loop3A_1800 = arith.addi %parallel_loop3A_173, %parallel_loop3A_1799 : vector<16xi32>
      %parallel_loop3A_1801 = tpu.vector_load_idx %arg5[%parallel_loop3A_1800] : memref<5408xi32, #tpu.memory_space<vmem>>[vector<16xi32>], vector<16xi32>,
      %parallel_loop3A_1802 = vector.bitcast %parallel_loop3A_1801 : vector<16xi32> to vector<32xbf16>
      %parallel_loop3A_1803 = arith.addf %parallel_loop3A_1797, %parallel_loop3A_1802 : vector<32xbf16>
      %parallel_loop3A_1804 = arith.constant 13 : i32
      %parallel_loop3A_1805 = vector.broadcast %parallel_loop3A_1804 : i32 to vector<16xi32>
      %parallel_loop3A_1806 = arith.addi %parallel_loop3A_183, %parallel_loop3A_1805 : vector<16xi32>
      %parallel_loop3A_1807 = tpu.vector_load_idx %arg5[%parallel_loop3A_1806] : memref<5408xi32, #tpu.memory_space<vmem>>[vector<16xi32>], vector<16xi32>,
      %parallel_loop3A_1808 = vector.bitcast %parallel_loop3A_1807 : vector<16xi32> to vector<32xbf16>
      %parallel_loop3A_1809 = arith.addf %parallel_loop3A_1803, %parallel_loop3A_1808 : vector<32xbf16>
      %parallel_loop3A_1810 = arith.addf %parallel_loop3A_1768, %parallel_loop3A_1809 : vector<32xbf16>
      %parallel_loop3A_1811 = tpu.unpack_subelements %parallel_loop3A_1810, 0 {pack_format = #tpu.pack_format<interleaved>} : vector<32xbf16> -> vector<16xf32>
      %parallel_loop3A_1812 = tpu.unpack_subelements %parallel_loop3A_1810, 1 {pack_format = #tpu.pack_format<interleaved>} : vector<32xbf16> -> vector<16xf32>
      %parallel_loop3A_1813 = arith.constant 68 : i32
      %parallel_loop3A_1814 = vector.broadcast %parallel_loop3A_1813 : i32 to vector<16xi32>
      %parallel_loop3A_1815 = arith.addi %parallel_loop3A_33, %parallel_loop3A_1814 : vector<16xi32>
      tpu.vector_store_idx %arg7[%parallel_loop3A_26, %parallel_loop3A_1815], %parallel_loop3A_1811 : memref<32x2560xf32, #tpu.memory_space<vmem>>[vector<16xi32>, vector<16xi32>], vector<16xf32>,
      %parallel_loop3A_1816 = arith.constant 69 : i32
      %parallel_loop3A_1817 = vector.broadcast %parallel_loop3A_1816 : i32 to vector<16xi32>
      %parallel_loop3A_1818 = arith.addi %parallel_loop3A_33, %parallel_loop3A_1817 : vector<16xi32>
      tpu.vector_store_idx %arg7[%parallel_loop3A_26, %parallel_loop3A_1818], %parallel_loop3A_1812 : memref<32x2560xf32, #tpu.memory_space<vmem>>[vector<16xi32>, vector<16xi32>], vector<16xf32>,
      %parallel_loop3A_1819 = arith.constant 13 : i32
      %parallel_loop3A_1820 = vector.broadcast %parallel_loop3A_1819 : i32 to vector<16xi32>
      %parallel_loop3A_1821 = arith.addi %parallel_loop3A_193, %parallel_loop3A_1820 : vector<16xi32>
      %parallel_loop3A_1822 = tpu.vector_load_idx %arg5[%parallel_loop3A_1821] : memref<5408xi32, #tpu.memory_space<vmem>>[vector<16xi32>], vector<16xi32>,
      %parallel_loop3A_1823 = vector.bitcast %parallel_loop3A_1822 : vector<16xi32> to vector<32xbf16>
      %parallel_loop3A_1824 = tpu.unpack_subelements %parallel_loop3A_1823, 0 {pack_format = #tpu.pack_format<interleaved>} : vector<32xbf16> -> vector<16xf32>
      %parallel_loop3A_1825 = tpu.unpack_subelements %parallel_loop3A_1823, 1 {pack_format = #tpu.pack_format<interleaved>} : vector<32xbf16> -> vector<16xf32>
      %parallel_loop3A_1826 = arith.constant 110 : i32
      %parallel_loop3A_1827 = vector.broadcast %parallel_loop3A_1826 : i32 to vector<16xi32>
      %parallel_loop3A_1828 = arith.addi %parallel_loop3A_33, %parallel_loop3A_1827 : vector<16xi32>
      tpu.vector_store_idx %arg7[%parallel_loop3A_26, %parallel_loop3A_1828], %parallel_loop3A_1824 : memref<32x2560xf32, #tpu.memory_space<vmem>>[vector<16xi32>, vector<16xi32>], vector<16xf32>,
      %parallel_loop3A_1829 = arith.constant 111 : i32
      %parallel_loop3A_1830 = vector.broadcast %parallel_loop3A_1829 : i32 to vector<16xi32>
      %parallel_loop3A_1831 = arith.addi %parallel_loop3A_33, %parallel_loop3A_1830 : vector<16xi32>
      tpu.vector_store_idx %arg7[%parallel_loop3A_26, %parallel_loop3A_1831], %parallel_loop3A_1825 : memref<32x2560xf32, #tpu.memory_space<vmem>>[vector<16xi32>, vector<16xi32>], vector<16xf32>,
      %parallel_loop3A_1832 = arith.constant 14 : i32
      %parallel_loop3A_1833 = vector.broadcast %parallel_loop3A_1832 : i32 to vector<16xi32>
      %parallel_loop3A_1834 = arith.addi %parallel_loop3A_43, %parallel_loop3A_1833 : vector<16xi32>
      %parallel_loop3A_1835 = tpu.vector_load_idx %arg5[%parallel_loop3A_1834] : memref<5408xi32, #tpu.memory_space<vmem>>[vector<16xi32>], vector<16xi32>,
      %parallel_loop3A_1836 = vector.bitcast %parallel_loop3A_1835 : vector<16xi32> to vector<32xbf16>
      %parallel_loop3A_1837 = tpu.unpack_subelements %parallel_loop3A_1836, 0 {pack_format = #tpu.pack_format<interleaved>} : vector<32xbf16> -> vector<16xf32>
      %parallel_loop3A_1838 = tpu.unpack_subelements %parallel_loop3A_1836, 1 {pack_format = #tpu.pack_format<interleaved>} : vector<32xbf16> -> vector<16xf32>
      %parallel_loop3A_1839 = arith.constant 28 : i32
      %parallel_loop3A_1840 = vector.broadcast %parallel_loop3A_1839 : i32 to vector<16xi32>
      %parallel_loop3A_1841 = arith.addi %parallel_loop3A_33, %parallel_loop3A_1840 : vector<16xi32>
      tpu.vector_store_idx %arg7[%parallel_loop3A_26, %parallel_loop3A_1841], %parallel_loop3A_1837 : memref<32x2560xf32, #tpu.memory_space<vmem>>[vector<16xi32>, vector<16xi32>], vector<16xf32>,
      %parallel_loop3A_1842 = arith.constant 29 : i32
      %parallel_loop3A_1843 = vector.broadcast %parallel_loop3A_1842 : i32 to vector<16xi32>
      %parallel_loop3A_1844 = arith.addi %parallel_loop3A_33, %parallel_loop3A_1843 : vector<16xi32>
      tpu.vector_store_idx %arg7[%parallel_loop3A_26, %parallel_loop3A_1844], %parallel_loop3A_1838 : memref<32x2560xf32, #tpu.memory_space<vmem>>[vector<16xi32>, vector<16xi32>], vector<16xf32>,
      %parallel_loop3A_1845 = arith.constant 14 : i32
      %parallel_loop3A_1846 = vector.broadcast %parallel_loop3A_1845 : i32 to vector<16xi32>
      %parallel_loop3A_1847 = arith.addi %parallel_loop3A_53, %parallel_loop3A_1846 : vector<16xi32>
      %parallel_loop3A_1848 = tpu.vector_load_idx %arg5[%parallel_loop3A_1847] : memref<5408xi32, #tpu.memory_space<vmem>>[vector<16xi32>], vector<16xi32>,
      %parallel_loop3A_1849 = vector.bitcast %parallel_loop3A_1848 : vector<16xi32> to vector<32xbf16>
      %parallel_loop3A_1850 = arith.constant 14 : i32
      %parallel_loop3A_1851 = vector.broadcast %parallel_loop3A_1850 : i32 to vector<16xi32>
      %parallel_loop3A_1852 = arith.addi %parallel_loop3A_63, %parallel_loop3A_1851 : vector<16xi32>
      %parallel_loop3A_1853 = tpu.vector_load_idx %arg5[%parallel_loop3A_1852] : memref<5408xi32, #tpu.memory_space<vmem>>[vector<16xi32>], vector<16xi32>,
      %parallel_loop3A_1854 = vector.bitcast %parallel_loop3A_1853 : vector<16xi32> to vector<32xbf16>
      %parallel_loop3A_1855 = arith.addf %parallel_loop3A_1849, %parallel_loop3A_1854 : vector<32xbf16>
      %parallel_loop3A_1856 = arith.constant 14 : i32
      %parallel_loop3A_1857 = vector.broadcast %parallel_loop3A_1856 : i32 to vector<16xi32>
      %parallel_loop3A_1858 = arith.addi %parallel_loop3A_73, %parallel_loop3A_1857 : vector<16xi32>
      %parallel_loop3A_1859 = tpu.vector_load_idx %arg5[%parallel_loop3A_1858] : memref<5408xi32, #tpu.memory_space<vmem>>[vector<16xi32>], vector<16xi32>,
      %parallel_loop3A_1860 = vector.bitcast %parallel_loop3A_1859 : vector<16xi32> to vector<32xbf16>
      %parallel_loop3A_1861 = arith.addf %parallel_loop3A_1855, %parallel_loop3A_1860 : vector<32xbf16>
      %parallel_loop3A_1862 = arith.constant 14 : i32
      %parallel_loop3A_1863 = vector.broadcast %parallel_loop3A_1862 : i32 to vector<16xi32>
      %parallel_loop3A_1864 = arith.addi %parallel_loop3A_83, %parallel_loop3A_1863 : vector<16xi32>
      %parallel_loop3A_1865 = tpu.vector_load_idx %arg5[%parallel_loop3A_1864] : memref<5408xi32, #tpu.memory_space<vmem>>[vector<16xi32>], vector<16xi32>,
      %parallel_loop3A_1866 = vector.bitcast %parallel_loop3A_1865 : vector<16xi32> to vector<32xbf16>
      %parallel_loop3A_1867 = arith.addf %parallel_loop3A_1861, %parallel_loop3A_1866 : vector<32xbf16>
      %parallel_loop3A_1868 = arith.constant 14 : i32
      %parallel_loop3A_1869 = vector.broadcast %parallel_loop3A_1868 : i32 to vector<16xi32>
      %parallel_loop3A_1870 = arith.addi %parallel_loop3A_93, %parallel_loop3A_1869 : vector<16xi32>
      %parallel_loop3A_1871 = tpu.vector_load_idx %arg5[%parallel_loop3A_1870] : memref<5408xi32, #tpu.memory_space<vmem>>[vector<16xi32>], vector<16xi32>,
      %parallel_loop3A_1872 = vector.bitcast %parallel_loop3A_1871 : vector<16xi32> to vector<32xbf16>
      %parallel_loop3A_1873 = arith.addf %parallel_loop3A_1867, %parallel_loop3A_1872 : vector<32xbf16>
      %parallel_loop3A_1874 = arith.constant 14 : i32
      %parallel_loop3A_1875 = vector.broadcast %parallel_loop3A_1874 : i32 to vector<16xi32>
      %parallel_loop3A_1876 = arith.addi %parallel_loop3A_103, %parallel_loop3A_1875 : vector<16xi32>
      %parallel_loop3A_1877 = tpu.vector_load_idx %arg5[%parallel_loop3A_1876] : memref<5408xi32, #tpu.memory_space<vmem>>[vector<16xi32>], vector<16xi32>,
      %parallel_loop3A_1878 = vector.bitcast %parallel_loop3A_1877 : vector<16xi32> to vector<32xbf16>
      %parallel_loop3A_1879 = arith.addf %parallel_loop3A_1873, %parallel_loop3A_1878 : vector<32xbf16>
      %parallel_loop3A_1880 = arith.constant 14 : i32
      %parallel_loop3A_1881 = vector.broadcast %parallel_loop3A_1880 : i32 to vector<16xi32>
      %parallel_loop3A_1882 = arith.addi %parallel_loop3A_113, %parallel_loop3A_1881 : vector<16xi32>
      %parallel_loop3A_1883 = tpu.vector_load_idx %arg5[%parallel_loop3A_1882] : memref<5408xi32, #tpu.memory_space<vmem>>[vector<16xi32>], vector<16xi32>,
      %parallel_loop3A_1884 = vector.bitcast %parallel_loop3A_1883 : vector<16xi32> to vector<32xbf16>
      %parallel_loop3A_1885 = arith.addf %parallel_loop3A_1879, %parallel_loop3A_1884 : vector<32xbf16>
      %parallel_loop3A_1886 = arith.constant 14 : i32
      %parallel_loop3A_1887 = vector.broadcast %parallel_loop3A_1886 : i32 to vector<16xi32>
      %parallel_loop3A_1888 = arith.addi %parallel_loop3A_123, %parallel_loop3A_1887 : vector<16xi32>
      %parallel_loop3A_1889 = tpu.vector_load_idx %arg5[%parallel_loop3A_1888] : memref<5408xi32, #tpu.memory_space<vmem>>[vector<16xi32>], vector<16xi32>,
      %parallel_loop3A_1890 = vector.bitcast %parallel_loop3A_1889 : vector<16xi32> to vector<32xbf16>
      %parallel_loop3A_1891 = arith.constant 14 : i32
      %parallel_loop3A_1892 = vector.broadcast %parallel_loop3A_1891 : i32 to vector<16xi32>
      %parallel_loop3A_1893 = arith.addi %parallel_loop3A_133, %parallel_loop3A_1892 : vector<16xi32>
      %parallel_loop3A_1894 = tpu.vector_load_idx %arg5[%parallel_loop3A_1893] : memref<5408xi32, #tpu.memory_space<vmem>>[vector<16xi32>], vector<16xi32>,
      %parallel_loop3A_1895 = vector.bitcast %parallel_loop3A_1894 : vector<16xi32> to vector<32xbf16>
      %parallel_loop3A_1896 = arith.addf %parallel_loop3A_1890, %parallel_loop3A_1895 : vector<32xbf16>
      %parallel_loop3A_1897 = arith.constant 14 : i32
      %parallel_loop3A_1898 = vector.broadcast %parallel_loop3A_1897 : i32 to vector<16xi32>
      %parallel_loop3A_1899 = arith.addi %parallel_loop3A_143, %parallel_loop3A_1898 : vector<16xi32>
      %parallel_loop3A_1900 = tpu.vector_load_idx %arg5[%parallel_loop3A_1899] : memref<5408xi32, #tpu.memory_space<vmem>>[vector<16xi32>], vector<16xi32>,
      %parallel_loop3A_1901 = vector.bitcast %parallel_loop3A_1900 : vector<16xi32> to vector<32xbf16>
      %parallel_loop3A_1902 = arith.addf %parallel_loop3A_1896, %parallel_loop3A_1901 : vector<32xbf16>
      %parallel_loop3A_1903 = arith.constant 14 : i32
      %parallel_loop3A_1904 = vector.broadcast %parallel_loop3A_1903 : i32 to vector<16xi32>
      %parallel_loop3A_1905 = arith.addi %parallel_loop3A_153, %parallel_loop3A_1904 : vector<16xi32>
      %parallel_loop3A_1906 = tpu.vector_load_idx %arg5[%parallel_loop3A_1905] : memref<5408xi32, #tpu.memory_space<vmem>>[vector<16xi32>], vector<16xi32>,
      %parallel_loop3A_1907 = vector.bitcast %parallel_loop3A_1906 : vector<16xi32> to vector<32xbf16>
      %parallel_loop3A_1908 = arith.addf %parallel_loop3A_1902, %parallel_loop3A_1907 : vector<32xbf16>
      %parallel_loop3A_1909 = arith.constant 14 : i32
      %parallel_loop3A_1910 = vector.broadcast %parallel_loop3A_1909 : i32 to vector<16xi32>
      %parallel_loop3A_1911 = arith.addi %parallel_loop3A_163, %parallel_loop3A_1910 : vector<16xi32>
      %parallel_loop3A_1912 = tpu.vector_load_idx %arg5[%parallel_loop3A_1911] : memref<5408xi32, #tpu.memory_space<vmem>>[vector<16xi32>], vector<16xi32>,
      %parallel_loop3A_1913 = vector.bitcast %parallel_loop3A_1912 : vector<16xi32> to vector<32xbf16>
      %parallel_loop3A_1914 = arith.addf %parallel_loop3A_1908, %parallel_loop3A_1913 : vector<32xbf16>
      %parallel_loop3A_1915 = arith.constant 14 : i32
      %parallel_loop3A_1916 = vector.broadcast %parallel_loop3A_1915 : i32 to vector<16xi32>
      %parallel_loop3A_1917 = arith.addi %parallel_loop3A_173, %parallel_loop3A_1916 : vector<16xi32>
      %parallel_loop3A_1918 = tpu.vector_load_idx %arg5[%parallel_loop3A_1917] : memref<5408xi32, #tpu.memory_space<vmem>>[vector<16xi32>], vector<16xi32>,
      %parallel_loop3A_1919 = vector.bitcast %parallel_loop3A_1918 : vector<16xi32> to vector<32xbf16>
      %parallel_loop3A_1920 = arith.addf %parallel_loop3A_1914, %parallel_loop3A_1919 : vector<32xbf16>
      %parallel_loop3A_1921 = arith.constant 14 : i32
      %parallel_loop3A_1922 = vector.broadcast %parallel_loop3A_1921 : i32 to vector<16xi32>
      %parallel_loop3A_1923 = arith.addi %parallel_loop3A_183, %parallel_loop3A_1922 : vector<16xi32>
      %parallel_loop3A_1924 = tpu.vector_load_idx %arg5[%parallel_loop3A_1923] : memref<5408xi32, #tpu.memory_space<vmem>>[vector<16xi32>], vector<16xi32>,
      %parallel_loop3A_1925 = vector.bitcast %parallel_loop3A_1924 : vector<16xi32> to vector<32xbf16>
      %parallel_loop3A_1926 = arith.addf %parallel_loop3A_1920, %parallel_loop3A_1925 : vector<32xbf16>
      %parallel_loop3A_1927 = arith.addf %parallel_loop3A_1885, %parallel_loop3A_1926 : vector<32xbf16>
      %parallel_loop3A_1928 = tpu.unpack_subelements %parallel_loop3A_1927, 0 {pack_format = #tpu.pack_format<interleaved>} : vector<32xbf16> -> vector<16xf32>
      %parallel_loop3A_1929 = tpu.unpack_subelements %parallel_loop3A_1927, 1 {pack_format = #tpu.pack_format<interleaved>} : vector<32xbf16> -> vector<16xf32>
      %parallel_loop3A_1930 = arith.constant 70 : i32
      %parallel_loop3A_1931 = vector.broadcast %parallel_loop3A_1930 : i32 to vector<16xi32>
      %parallel_loop3A_1932 = arith.addi %parallel_loop3A_33, %parallel_loop3A_1931 : vector<16xi32>
      tpu.vector_store_idx %arg7[%parallel_loop3A_26, %parallel_loop3A_1932], %parallel_loop3A_1928 : memref<32x2560xf32, #tpu.memory_space<vmem>>[vector<16xi32>, vector<16xi32>], vector<16xf32>,
      %parallel_loop3A_1933 = arith.constant 71 : i32
      %parallel_loop3A_1934 = vector.broadcast %parallel_loop3A_1933 : i32 to vector<16xi32>
      %parallel_loop3A_1935 = arith.addi %parallel_loop3A_33, %parallel_loop3A_1934 : vector<16xi32>
      tpu.vector_store_idx %arg7[%parallel_loop3A_26, %parallel_loop3A_1935], %parallel_loop3A_1929 : memref<32x2560xf32, #tpu.memory_space<vmem>>[vector<16xi32>, vector<16xi32>], vector<16xf32>,
      %parallel_loop3A_1936 = arith.constant 14 : i32
      %parallel_loop3A_1937 = vector.broadcast %parallel_loop3A_1936 : i32 to vector<16xi32>
      %parallel_loop3A_1938 = arith.addi %parallel_loop3A_193, %parallel_loop3A_1937 : vector<16xi32>
      %parallel_loop3A_1939 = tpu.vector_load_idx %arg5[%parallel_loop3A_1938] : memref<5408xi32, #tpu.memory_space<vmem>>[vector<16xi32>], vector<16xi32>,
      %parallel_loop3A_1940 = vector.bitcast %parallel_loop3A_1939 : vector<16xi32> to vector<32xbf16>
      %parallel_loop3A_1941 = tpu.unpack_subelements %parallel_loop3A_1940, 0 {pack_format = #tpu.pack_format<interleaved>} : vector<32xbf16> -> vector<16xf32>
      %parallel_loop3A_1942 = tpu.unpack_subelements %parallel_loop3A_1940, 1 {pack_format = #tpu.pack_format<interleaved>} : vector<32xbf16> -> vector<16xf32>
      %parallel_loop3A_1943 = arith.constant 112 : i32
      %parallel_loop3A_1944 = vector.broadcast %parallel_loop3A_1943 : i32 to vector<16xi32>
      %parallel_loop3A_1945 = arith.addi %parallel_loop3A_33, %parallel_loop3A_1944 : vector<16xi32>
      tpu.vector_store_idx %arg7[%parallel_loop3A_26, %parallel_loop3A_1945], %parallel_loop3A_1941 : memref<32x2560xf32, #tpu.memory_space<vmem>>[vector<16xi32>, vector<16xi32>], vector<16xf32>,
      %parallel_loop3A_1946 = arith.constant 113 : i32
      %parallel_loop3A_1947 = vector.broadcast %parallel_loop3A_1946 : i32 to vector<16xi32>
      %parallel_loop3A_1948 = arith.addi %parallel_loop3A_33, %parallel_loop3A_1947 : vector<16xi32>
      tpu.vector_store_idx %arg7[%parallel_loop3A_26, %parallel_loop3A_1948], %parallel_loop3A_1942 : memref<32x2560xf32, #tpu.memory_space<vmem>>[vector<16xi32>, vector<16xi32>], vector<16xf32>,
      %parallel_loop3A_1949 = arith.constant 15 : i32
      %parallel_loop3A_1950 = vector.broadcast %parallel_loop3A_1949 : i32 to vector<16xi32>
      %parallel_loop3A_1951 = arith.addi %parallel_loop3A_43, %parallel_loop3A_1950 : vector<16xi32>
      %parallel_loop3A_1952 = tpu.vector_load_idx %arg5[%parallel_loop3A_1951] : memref<5408xi32, #tpu.memory_space<vmem>>[vector<16xi32>], vector<16xi32>,
      %parallel_loop3A_1953 = vector.bitcast %parallel_loop3A_1952 : vector<16xi32> to vector<32xbf16>
      %parallel_loop3A_1954 = tpu.unpack_subelements %parallel_loop3A_1953, 0 {pack_format = #tpu.pack_format<interleaved>} : vector<32xbf16> -> vector<16xf32>
      %parallel_loop3A_1955 = tpu.unpack_subelements %parallel_loop3A_1953, 1 {pack_format = #tpu.pack_format<interleaved>} : vector<32xbf16> -> vector<16xf32>
      %parallel_loop3A_1956 = arith.constant 30 : i32
      %parallel_loop3A_1957 = vector.broadcast %parallel_loop3A_1956 : i32 to vector<16xi32>
      %parallel_loop3A_1958 = arith.addi %parallel_loop3A_33, %parallel_loop3A_1957 : vector<16xi32>
      tpu.vector_store_idx %arg7[%parallel_loop3A_26, %parallel_loop3A_1958], %parallel_loop3A_1954 : memref<32x2560xf32, #tpu.memory_space<vmem>>[vector<16xi32>, vector<16xi32>], vector<16xf32>,
      %parallel_loop3A_1959 = arith.constant 31 : i32
      %parallel_loop3A_1960 = vector.broadcast %parallel_loop3A_1959 : i32 to vector<16xi32>
      %parallel_loop3A_1961 = arith.addi %parallel_loop3A_33, %parallel_loop3A_1960 : vector<16xi32>
      tpu.vector_store_idx %arg7[%parallel_loop3A_26, %parallel_loop3A_1961], %parallel_loop3A_1955 : memref<32x2560xf32, #tpu.memory_space<vmem>>[vector<16xi32>, vector<16xi32>], vector<16xf32>,
      %parallel_loop3A_1962 = arith.constant 15 : i32
      %parallel_loop3A_1963 = vector.broadcast %parallel_loop3A_1962 : i32 to vector<16xi32>
      %parallel_loop3A_1964 = arith.addi %parallel_loop3A_53, %parallel_loop3A_1963 : vector<16xi32>
      %parallel_loop3A_1965 = tpu.vector_load_idx %arg5[%parallel_loop3A_1964] : memref<5408xi32, #tpu.memory_space<vmem>>[vector<16xi32>], vector<16xi32>,
      %parallel_loop3A_1966 = vector.bitcast %parallel_loop3A_1965 : vector<16xi32> to vector<32xbf16>
      %parallel_loop3A_1967 = arith.constant 15 : i32
      %parallel_loop3A_1968 = vector.broadcast %parallel_loop3A_1967 : i32 to vector<16xi32>
      %parallel_loop3A_1969 = arith.addi %parallel_loop3A_63, %parallel_loop3A_1968 : vector<16xi32>
      %parallel_loop3A_1970 = tpu.vector_load_idx %arg5[%parallel_loop3A_1969] : memref<5408xi32, #tpu.memory_space<vmem>>[vector<16xi32>], vector<16xi32>,
      %parallel_loop3A_1971 = vector.bitcast %parallel_loop3A_1970 : vector<16xi32> to vector<32xbf16>
      %parallel_loop3A_1972 = arith.addf %parallel_loop3A_1966, %parallel_loop3A_1971 : vector<32xbf16>
      %parallel_loop3A_1973 = arith.constant 15 : i32
      %parallel_loop3A_1974 = vector.broadcast %parallel_loop3A_1973 : i32 to vector<16xi32>
      %parallel_loop3A_1975 = arith.addi %parallel_loop3A_73, %parallel_loop3A_1974 : vector<16xi32>
      %parallel_loop3A_1976 = tpu.vector_load_idx %arg5[%parallel_loop3A_1975] : memref<5408xi32, #tpu.memory_space<vmem>>[vector<16xi32>], vector<16xi32>,
      %parallel_loop3A_1977 = vector.bitcast %parallel_loop3A_1976 : vector<16xi32> to vector<32xbf16>
      %parallel_loop3A_1978 = arith.addf %parallel_loop3A_1972, %parallel_loop3A_1977 : vector<32xbf16>
      %parallel_loop3A_1979 = arith.constant 15 : i32
      %parallel_loop3A_1980 = vector.broadcast %parallel_loop3A_1979 : i32 to vector<16xi32>
      %parallel_loop3A_1981 = arith.addi %parallel_loop3A_83, %parallel_loop3A_1980 : vector<16xi32>
      %parallel_loop3A_1982 = tpu.vector_load_idx %arg5[%parallel_loop3A_1981] : memref<5408xi32, #tpu.memory_space<vmem>>[vector<16xi32>], vector<16xi32>,
      %parallel_loop3A_1983 = vector.bitcast %parallel_loop3A_1982 : vector<16xi32> to vector<32xbf16>
      %parallel_loop3A_1984 = arith.addf %parallel_loop3A_1978, %parallel_loop3A_1983 : vector<32xbf16>
      %parallel_loop3A_1985 = arith.constant 15 : i32
      %parallel_loop3A_1986 = vector.broadcast %parallel_loop3A_1985 : i32 to vector<16xi32>
      %parallel_loop3A_1987 = arith.addi %parallel_loop3A_93, %parallel_loop3A_1986 : vector<16xi32>
      %parallel_loop3A_1988 = tpu.vector_load_idx %arg5[%parallel_loop3A_1987] : memref<5408xi32, #tpu.memory_space<vmem>>[vector<16xi32>], vector<16xi32>,
      %parallel_loop3A_1989 = vector.bitcast %parallel_loop3A_1988 : vector<16xi32> to vector<32xbf16>
      %parallel_loop3A_1990 = arith.addf %parallel_loop3A_1984, %parallel_loop3A_1989 : vector<32xbf16>
      %parallel_loop3A_1991 = arith.constant 15 : i32
      %parallel_loop3A_1992 = vector.broadcast %parallel_loop3A_1991 : i32 to vector<16xi32>
      %parallel_loop3A_1993 = arith.addi %parallel_loop3A_103, %parallel_loop3A_1992 : vector<16xi32>
      %parallel_loop3A_1994 = tpu.vector_load_idx %arg5[%parallel_loop3A_1993] : memref<5408xi32, #tpu.memory_space<vmem>>[vector<16xi32>], vector<16xi32>,
      %parallel_loop3A_1995 = vector.bitcast %parallel_loop3A_1994 : vector<16xi32> to vector<32xbf16>
      %parallel_loop3A_1996 = arith.addf %parallel_loop3A_1990, %parallel_loop3A_1995 : vector<32xbf16>
      %parallel_loop3A_1997 = arith.constant 15 : i32
      %parallel_loop3A_1998 = vector.broadcast %parallel_loop3A_1997 : i32 to vector<16xi32>
      %parallel_loop3A_1999 = arith.addi %parallel_loop3A_113, %parallel_loop3A_1998 : vector<16xi32>
      %parallel_loop3A_2000 = tpu.vector_load_idx %arg5[%parallel_loop3A_1999] : memref<5408xi32, #tpu.memory_space<vmem>>[vector<16xi32>], vector<16xi32>,
      %parallel_loop3A_2001 = vector.bitcast %parallel_loop3A_2000 : vector<16xi32> to vector<32xbf16>
      %parallel_loop3A_2002 = arith.addf %parallel_loop3A_1996, %parallel_loop3A_2001 : vector<32xbf16>
      %parallel_loop3A_2003 = arith.constant 15 : i32
      %parallel_loop3A_2004 = vector.broadcast %parallel_loop3A_2003 : i32 to vector<16xi32>
      %parallel_loop3A_2005 = arith.addi %parallel_loop3A_123, %parallel_loop3A_2004 : vector<16xi32>
      %parallel_loop3A_2006 = tpu.vector_load_idx %arg5[%parallel_loop3A_2005] : memref<5408xi32, #tpu.memory_space<vmem>>[vector<16xi32>], vector<16xi32>,
      %parallel_loop3A_2007 = vector.bitcast %parallel_loop3A_2006 : vector<16xi32> to vector<32xbf16>
      %parallel_loop3A_2008 = arith.constant 15 : i32
      %parallel_loop3A_2009 = vector.broadcast %parallel_loop3A_2008 : i32 to vector<16xi32>
      %parallel_loop3A_2010 = arith.addi %parallel_loop3A_133, %parallel_loop3A_2009 : vector<16xi32>
      %parallel_loop3A_2011 = tpu.vector_load_idx %arg5[%parallel_loop3A_2010] : memref<5408xi32, #tpu.memory_space<vmem>>[vector<16xi32>], vector<16xi32>,
      %parallel_loop3A_2012 = vector.bitcast %parallel_loop3A_2011 : vector<16xi32> to vector<32xbf16>
      %parallel_loop3A_2013 = arith.addf %parallel_loop3A_2007, %parallel_loop3A_2012 : vector<32xbf16>
      %parallel_loop3A_2014 = arith.constant 15 : i32
      %parallel_loop3A_2015 = vector.broadcast %parallel_loop3A_2014 : i32 to vector<16xi32>
      %parallel_loop3A_2016 = arith.addi %parallel_loop3A_143, %parallel_loop3A_2015 : vector<16xi32>
      %parallel_loop3A_2017 = tpu.vector_load_idx %arg5[%parallel_loop3A_2016] : memref<5408xi32, #tpu.memory_space<vmem>>[vector<16xi32>], vector<16xi32>,
      %parallel_loop3A_2018 = vector.bitcast %parallel_loop3A_2017 : vector<16xi32> to vector<32xbf16>
      %parallel_loop3A_2019 = arith.addf %parallel_loop3A_2013, %parallel_loop3A_2018 : vector<32xbf16>
      %parallel_loop3A_2020 = arith.constant 15 : i32
      %parallel_loop3A_2021 = vector.broadcast %parallel_loop3A_2020 : i32 to vector<16xi32>
      %parallel_loop3A_2022 = arith.addi %parallel_loop3A_153, %parallel_loop3A_2021 : vector<16xi32>
      %parallel_loop3A_2023 = tpu.vector_load_idx %arg5[%parallel_loop3A_2022] : memref<5408xi32, #tpu.memory_space<vmem>>[vector<16xi32>], vector<16xi32>,
      %parallel_loop3A_2024 = vector.bitcast %parallel_loop3A_2023 : vector<16xi32> to vector<32xbf16>
      %parallel_loop3A_2025 = arith.addf %parallel_loop3A_2019, %parallel_loop3A_2024 : vector<32xbf16>
      %parallel_loop3A_2026 = arith.constant 15 : i32
      %parallel_loop3A_2027 = vector.broadcast %parallel_loop3A_2026 : i32 to vector<16xi32>
      %parallel_loop3A_2028 = arith.addi %parallel_loop3A_163, %parallel_loop3A_2027 : vector<16xi32>
      %parallel_loop3A_2029 = tpu.vector_load_idx %arg5[%parallel_loop3A_2028] : memref<5408xi32, #tpu.memory_space<vmem>>[vector<16xi32>], vector<16xi32>,
      %parallel_loop3A_2030 = vector.bitcast %parallel_loop3A_2029 : vector<16xi32> to vector<32xbf16>
      %parallel_loop3A_2031 = arith.addf %parallel_loop3A_2025, %parallel_loop3A_2030 : vector<32xbf16>
      %parallel_loop3A_2032 = arith.constant 15 : i32
      %parallel_loop3A_2033 = vector.broadcast %parallel_loop3A_2032 : i32 to vector<16xi32>
      %parallel_loop3A_2034 = arith.addi %parallel_loop3A_173, %parallel_loop3A_2033 : vector<16xi32>
      %parallel_loop3A_2035 = tpu.vector_load_idx %arg5[%parallel_loop3A_2034] : memref<5408xi32, #tpu.memory_space<vmem>>[vector<16xi32>], vector<16xi32>,
      %parallel_loop3A_2036 = vector.bitcast %parallel_loop3A_2035 : vector<16xi32> to vector<32xbf16>
      %parallel_loop3A_2037 = arith.addf %parallel_loop3A_2031, %parallel_loop3A_2036 : vector<32xbf16>
      %parallel_loop3A_2038 = arith.constant 15 : i32
      %parallel_loop3A_2039 = vector.broadcast %parallel_loop3A_2038 : i32 to vector<16xi32>
      %parallel_loop3A_2040 = arith.addi %parallel_loop3A_183, %parallel_loop3A_2039 : vector<16xi32>
      %parallel_loop3A_2041 = tpu.vector_load_idx %arg5[%parallel_loop3A_2040] : memref<5408xi32, #tpu.memory_space<vmem>>[vector<16xi32>], vector<16xi32>,
      %parallel_loop3A_2042 = vector.bitcast %parallel_loop3A_2041 : vector<16xi32> to vector<32xbf16>
      %parallel_loop3A_2043 = arith.addf %parallel_loop3A_2037, %parallel_loop3A_2042 : vector<32xbf16>
      %parallel_loop3A_2044 = arith.addf %parallel_loop3A_2002, %parallel_loop3A_2043 : vector<32xbf16>
      %parallel_loop3A_2045 = tpu.unpack_subelements %parallel_loop3A_2044, 0 {pack_format = #tpu.pack_format<interleaved>} : vector<32xbf16> -> vector<16xf32>
      %parallel_loop3A_2046 = tpu.unpack_subelements %parallel_loop3A_2044, 1 {pack_format = #tpu.pack_format<interleaved>} : vector<32xbf16> -> vector<16xf32>
      %parallel_loop3A_2047 = arith.constant 72 : i32
      %parallel_loop3A_2048 = vector.broadcast %parallel_loop3A_2047 : i32 to vector<16xi32>
      %parallel_loop3A_2049 = arith.addi %parallel_loop3A_33, %parallel_loop3A_2048 : vector<16xi32>
      tpu.vector_store_idx %arg7[%parallel_loop3A_26, %parallel_loop3A_2049], %parallel_loop3A_2045 : memref<32x2560xf32, #tpu.memory_space<vmem>>[vector<16xi32>, vector<16xi32>], vector<16xf32>,
      %parallel_loop3A_2050 = arith.constant 73 : i32
      %parallel_loop3A_2051 = vector.broadcast %parallel_loop3A_2050 : i32 to vector<16xi32>
      %parallel_loop3A_2052 = arith.addi %parallel_loop3A_33, %parallel_loop3A_2051 : vector<16xi32>
      tpu.vector_store_idx %arg7[%parallel_loop3A_26, %parallel_loop3A_2052], %parallel_loop3A_2046 : memref<32x2560xf32, #tpu.memory_space<vmem>>[vector<16xi32>, vector<16xi32>], vector<16xf32>,
      %parallel_loop3A_2053 = arith.constant 15 : i32
      %parallel_loop3A_2054 = vector.broadcast %parallel_loop3A_2053 : i32 to vector<16xi32>
      %parallel_loop3A_2055 = arith.addi %parallel_loop3A_193, %parallel_loop3A_2054 : vector<16xi32>
      %parallel_loop3A_2056 = tpu.vector_load_idx %arg5[%parallel_loop3A_2055] : memref<5408xi32, #tpu.memory_space<vmem>>[vector<16xi32>], vector<16xi32>,
      %parallel_loop3A_2057 = vector.bitcast %parallel_loop3A_2056 : vector<16xi32> to vector<32xbf16>
      %parallel_loop3A_2058 = tpu.unpack_subelements %parallel_loop3A_2057, 0 {pack_format = #tpu.pack_format<interleaved>} : vector<32xbf16> -> vector<16xf32>
      %parallel_loop3A_2059 = tpu.unpack_subelements %parallel_loop3A_2057, 1 {pack_format = #tpu.pack_format<interleaved>} : vector<32xbf16> -> vector<16xf32>
      %parallel_loop3A_2060 = arith.constant 114 : i32
      %parallel_loop3A_2061 = vector.broadcast %parallel_loop3A_2060 : i32 to vector<16xi32>
      %parallel_loop3A_2062 = arith.addi %parallel_loop3A_33, %parallel_loop3A_2061 : vector<16xi32>
      tpu.vector_store_idx %arg7[%parallel_loop3A_26, %parallel_loop3A_2062], %parallel_loop3A_2058 : memref<32x2560xf32, #tpu.memory_space<vmem>>[vector<16xi32>, vector<16xi32>], vector<16xf32>,
      %parallel_loop3A_2063 = arith.constant 115 : i32
      %parallel_loop3A_2064 = vector.broadcast %parallel_loop3A_2063 : i32 to vector<16xi32>
      %parallel_loop3A_2065 = arith.addi %parallel_loop3A_33, %parallel_loop3A_2064 : vector<16xi32>
      tpu.vector_store_idx %arg7[%parallel_loop3A_26, %parallel_loop3A_2065], %parallel_loop3A_2059 : memref<32x2560xf32, #tpu.memory_space<vmem>>[vector<16xi32>, vector<16xi32>], vector<16xf32>,
      %parallel_loop3A_2066 = arith.constant 16 : i32
      %parallel_loop3A_2067 = vector.broadcast %parallel_loop3A_2066 : i32 to vector<16xi32>
      %parallel_loop3A_2068 = arith.addi %parallel_loop3A_43, %parallel_loop3A_2067 : vector<16xi32>
      %parallel_loop3A_2069 = tpu.vector_load_idx %arg5[%parallel_loop3A_2068] : memref<5408xi32, #tpu.memory_space<vmem>>[vector<16xi32>], vector<16xi32>,
      %parallel_loop3A_2070 = vector.bitcast %parallel_loop3A_2069 : vector<16xi32> to vector<32xbf16>
      %parallel_loop3A_2071 = tpu.unpack_subelements %parallel_loop3A_2070, 0 {pack_format = #tpu.pack_format<interleaved>} : vector<32xbf16> -> vector<16xf32>
      %parallel_loop3A_2072 = tpu.unpack_subelements %parallel_loop3A_2070, 1 {pack_format = #tpu.pack_format<interleaved>} : vector<32xbf16> -> vector<16xf32>
      %parallel_loop3A_2073 = arith.constant 32 : i32
      %parallel_loop3A_2074 = vector.broadcast %parallel_loop3A_2073 : i32 to vector<16xi32>
      %parallel_loop3A_2075 = arith.addi %parallel_loop3A_33, %parallel_loop3A_2074 : vector<16xi32>
      tpu.vector_store_idx %arg7[%parallel_loop3A_26, %parallel_loop3A_2075], %parallel_loop3A_2071 : memref<32x2560xf32, #tpu.memory_space<vmem>>[vector<16xi32>, vector<16xi32>], vector<16xf32>,
      %parallel_loop3A_2076 = arith.constant 33 : i32
      %parallel_loop3A_2077 = vector.broadcast %parallel_loop3A_2076 : i32 to vector<16xi32>
      %parallel_loop3A_2078 = arith.addi %parallel_loop3A_33, %parallel_loop3A_2077 : vector<16xi32>
      tpu.vector_store_idx %arg7[%parallel_loop3A_26, %parallel_loop3A_2078], %parallel_loop3A_2072 : memref<32x2560xf32, #tpu.memory_space<vmem>>[vector<16xi32>, vector<16xi32>], vector<16xf32>,
      %parallel_loop3A_2079 = arith.constant 16 : i32
      %parallel_loop3A_2080 = vector.broadcast %parallel_loop3A_2079 : i32 to vector<16xi32>
      %parallel_loop3A_2081 = arith.addi %parallel_loop3A_53, %parallel_loop3A_2080 : vector<16xi32>
      %parallel_loop3A_2082 = tpu.vector_load_idx %arg5[%parallel_loop3A_2081] : memref<5408xi32, #tpu.memory_space<vmem>>[vector<16xi32>], vector<16xi32>,
      %parallel_loop3A_2083 = vector.bitcast %parallel_loop3A_2082 : vector<16xi32> to vector<32xbf16>
      %parallel_loop3A_2084 = arith.constant 16 : i32
      %parallel_loop3A_2085 = vector.broadcast %parallel_loop3A_2084 : i32 to vector<16xi32>
      %parallel_loop3A_2086 = arith.addi %parallel_loop3A_63, %parallel_loop3A_2085 : vector<16xi32>
      %parallel_loop3A_2087 = tpu.vector_load_idx %arg5[%parallel_loop3A_2086] : memref<5408xi32, #tpu.memory_space<vmem>>[vector<16xi32>], vector<16xi32>,
      %parallel_loop3A_2088 = vector.bitcast %parallel_loop3A_2087 : vector<16xi32> to vector<32xbf16>
      %parallel_loop3A_2089 = arith.addf %parallel_loop3A_2083, %parallel_loop3A_2088 : vector<32xbf16>
      %parallel_loop3A_2090 = arith.constant 16 : i32
      %parallel_loop3A_2091 = vector.broadcast %parallel_loop3A_2090 : i32 to vector<16xi32>
      %parallel_loop3A_2092 = arith.addi %parallel_loop3A_73, %parallel_loop3A_2091 : vector<16xi32>
      %parallel_loop3A_2093 = tpu.vector_load_idx %arg5[%parallel_loop3A_2092] : memref<5408xi32, #tpu.memory_space<vmem>>[vector<16xi32>], vector<16xi32>,
      %parallel_loop3A_2094 = vector.bitcast %parallel_loop3A_2093 : vector<16xi32> to vector<32xbf16>
      %parallel_loop3A_2095 = arith.addf %parallel_loop3A_2089, %parallel_loop3A_2094 : vector<32xbf16>
      %parallel_loop3A_2096 = arith.constant 16 : i32
      %parallel_loop3A_2097 = vector.broadcast %parallel_loop3A_2096 : i32 to vector<16xi32>
      %parallel_loop3A_2098 = arith.addi %parallel_loop3A_83, %parallel_loop3A_2097 : vector<16xi32>
      %parallel_loop3A_2099 = tpu.vector_load_idx %arg5[%parallel_loop3A_2098] : memref<5408xi32, #tpu.memory_space<vmem>>[vector<16xi32>], vector<16xi32>,
      %parallel_loop3A_2100 = vector.bitcast %parallel_loop3A_2099 : vector<16xi32> to vector<32xbf16>
      %parallel_loop3A_2101 = arith.addf %parallel_loop3A_2095, %parallel_loop3A_2100 : vector<32xbf16>
      %parallel_loop3A_2102 = arith.constant 16 : i32
      %parallel_loop3A_2103 = vector.broadcast %parallel_loop3A_2102 : i32 to vector<16xi32>
      %parallel_loop3A_2104 = arith.addi %parallel_loop3A_93, %parallel_loop3A_2103 : vector<16xi32>
      %parallel_loop3A_2105 = tpu.vector_load_idx %arg5[%parallel_loop3A_2104] : memref<5408xi32, #tpu.memory_space<vmem>>[vector<16xi32>], vector<16xi32>,
      %parallel_loop3A_2106 = vector.bitcast %parallel_loop3A_2105 : vector<16xi32> to vector<32xbf16>
      %parallel_loop3A_2107 = arith.addf %parallel_loop3A_2101, %parallel_loop3A_2106 : vector<32xbf16>
      %parallel_loop3A_2108 = arith.constant 16 : i32
      %parallel_loop3A_2109 = vector.broadcast %parallel_loop3A_2108 : i32 to vector<16xi32>
      %parallel_loop3A_2110 = arith.addi %parallel_loop3A_103, %parallel_loop3A_2109 : vector<16xi32>
      %parallel_loop3A_2111 = tpu.vector_load_idx %arg5[%parallel_loop3A_2110] : memref<5408xi32, #tpu.memory_space<vmem>>[vector<16xi32>], vector<16xi32>,
      %parallel_loop3A_2112 = vector.bitcast %parallel_loop3A_2111 : vector<16xi32> to vector<32xbf16>
      %parallel_loop3A_2113 = arith.addf %parallel_loop3A_2107, %parallel_loop3A_2112 : vector<32xbf16>
      %parallel_loop3A_2114 = arith.constant 16 : i32
      %parallel_loop3A_2115 = vector.broadcast %parallel_loop3A_2114 : i32 to vector<16xi32>
      %parallel_loop3A_2116 = arith.addi %parallel_loop3A_113, %parallel_loop3A_2115 : vector<16xi32>
      %parallel_loop3A_2117 = tpu.vector_load_idx %arg5[%parallel_loop3A_2116] : memref<5408xi32, #tpu.memory_space<vmem>>[vector<16xi32>], vector<16xi32>,
      %parallel_loop3A_2118 = vector.bitcast %parallel_loop3A_2117 : vector<16xi32> to vector<32xbf16>
      %parallel_loop3A_2119 = arith.addf %parallel_loop3A_2113, %parallel_loop3A_2118 : vector<32xbf16>
      %parallel_loop3A_2120 = arith.constant 16 : i32
      %parallel_loop3A_2121 = vector.broadcast %parallel_loop3A_2120 : i32 to vector<16xi32>
      %parallel_loop3A_2122 = arith.addi %parallel_loop3A_123, %parallel_loop3A_2121 : vector<16xi32>
      %parallel_loop3A_2123 = tpu.vector_load_idx %arg5[%parallel_loop3A_2122] : memref<5408xi32, #tpu.memory_space<vmem>>[vector<16xi32>], vector<16xi32>,
      %parallel_loop3A_2124 = vector.bitcast %parallel_loop3A_2123 : vector<16xi32> to vector<32xbf16>
      %parallel_loop3A_2125 = arith.constant 16 : i32
      %parallel_loop3A_2126 = vector.broadcast %parallel_loop3A_2125 : i32 to vector<16xi32>
      %parallel_loop3A_2127 = arith.addi %parallel_loop3A_133, %parallel_loop3A_2126 : vector<16xi32>
      %parallel_loop3A_2128 = tpu.vector_load_idx %arg5[%parallel_loop3A_2127] : memref<5408xi32, #tpu.memory_space<vmem>>[vector<16xi32>], vector<16xi32>,
      %parallel_loop3A_2129 = vector.bitcast %parallel_loop3A_2128 : vector<16xi32> to vector<32xbf16>
      %parallel_loop3A_2130 = arith.addf %parallel_loop3A_2124, %parallel_loop3A_2129 : vector<32xbf16>
      %parallel_loop3A_2131 = arith.constant 16 : i32
      %parallel_loop3A_2132 = vector.broadcast %parallel_loop3A_2131 : i32 to vector<16xi32>
      %parallel_loop3A_2133 = arith.addi %parallel_loop3A_143, %parallel_loop3A_2132 : vector<16xi32>
      %parallel_loop3A_2134 = tpu.vector_load_idx %arg5[%parallel_loop3A_2133] : memref<5408xi32, #tpu.memory_space<vmem>>[vector<16xi32>], vector<16xi32>,
      %parallel_loop3A_2135 = vector.bitcast %parallel_loop3A_2134 : vector<16xi32> to vector<32xbf16>
      %parallel_loop3A_2136 = arith.addf %parallel_loop3A_2130, %parallel_loop3A_2135 : vector<32xbf16>
      %parallel_loop3A_2137 = arith.constant 16 : i32
      %parallel_loop3A_2138 = vector.broadcast %parallel_loop3A_2137 : i32 to vector<16xi32>
      %parallel_loop3A_2139 = arith.addi %parallel_loop3A_153, %parallel_loop3A_2138 : vector<16xi32>
      %parallel_loop3A_2140 = tpu.vector_load_idx %arg5[%parallel_loop3A_2139] : memref<5408xi32, #tpu.memory_space<vmem>>[vector<16xi32>], vector<16xi32>,
      %parallel_loop3A_2141 = vector.bitcast %parallel_loop3A_2140 : vector<16xi32> to vector<32xbf16>
      %parallel_loop3A_2142 = arith.addf %parallel_loop3A_2136, %parallel_loop3A_2141 : vector<32xbf16>
      %parallel_loop3A_2143 = arith.constant 16 : i32
      %parallel_loop3A_2144 = vector.broadcast %parallel_loop3A_2143 : i32 to vector<16xi32>
      %parallel_loop3A_2145 = arith.addi %parallel_loop3A_163, %parallel_loop3A_2144 : vector<16xi32>
      %parallel_loop3A_2146 = tpu.vector_load_idx %arg5[%parallel_loop3A_2145] : memref<5408xi32, #tpu.memory_space<vmem>>[vector<16xi32>], vector<16xi32>,
      %parallel_loop3A_2147 = vector.bitcast %parallel_loop3A_2146 : vector<16xi32> to vector<32xbf16>
      %parallel_loop3A_2148 = arith.addf %parallel_loop3A_2142, %parallel_loop3A_2147 : vector<32xbf16>
      %parallel_loop3A_2149 = arith.constant 16 : i32
      %parallel_loop3A_2150 = vector.broadcast %parallel_loop3A_2149 : i32 to vector<16xi32>
      %parallel_loop3A_2151 = arith.addi %parallel_loop3A_173, %parallel_loop3A_2150 : vector<16xi32>
      %parallel_loop3A_2152 = tpu.vector_load_idx %arg5[%parallel_loop3A_2151] : memref<5408xi32, #tpu.memory_space<vmem>>[vector<16xi32>], vector<16xi32>,
      %parallel_loop3A_2153 = vector.bitcast %parallel_loop3A_2152 : vector<16xi32> to vector<32xbf16>
      %parallel_loop3A_2154 = arith.addf %parallel_loop3A_2148, %parallel_loop3A_2153 : vector<32xbf16>
      %parallel_loop3A_2155 = arith.constant 16 : i32
      %parallel_loop3A_2156 = vector.broadcast %parallel_loop3A_2155 : i32 to vector<16xi32>
      %parallel_loop3A_2157 = arith.addi %parallel_loop3A_183, %parallel_loop3A_2156 : vector<16xi32>
      %parallel_loop3A_2158 = tpu.vector_load_idx %arg5[%parallel_loop3A_2157] : memref<5408xi32, #tpu.memory_space<vmem>>[vector<16xi32>], vector<16xi32>,
      %parallel_loop3A_2159 = vector.bitcast %parallel_loop3A_2158 : vector<16xi32> to vector<32xbf16>
      %parallel_loop3A_2160 = arith.addf %parallel_loop3A_2154, %parallel_loop3A_2159 : vector<32xbf16>
      %parallel_loop3A_2161 = arith.addf %parallel_loop3A_2119, %parallel_loop3A_2160 : vector<32xbf16>
      %parallel_loop3A_2162 = tpu.unpack_subelements %parallel_loop3A_2161, 0 {pack_format = #tpu.pack_format<interleaved>} : vector<32xbf16> -> vector<16xf32>
      %parallel_loop3A_2163 = tpu.unpack_subelements %parallel_loop3A_2161, 1 {pack_format = #tpu.pack_format<interleaved>} : vector<32xbf16> -> vector<16xf32>
      %parallel_loop3A_2164 = arith.constant 74 : i32
      %parallel_loop3A_2165 = vector.broadcast %parallel_loop3A_2164 : i32 to vector<16xi32>
      %parallel_loop3A_2166 = arith.addi %parallel_loop3A_33, %parallel_loop3A_2165 : vector<16xi32>
      tpu.vector_store_idx %arg7[%parallel_loop3A_26, %parallel_loop3A_2166], %parallel_loop3A_2162 : memref<32x2560xf32, #tpu.memory_space<vmem>>[vector<16xi32>, vector<16xi32>], vector<16xf32>,
      %parallel_loop3A_2167 = arith.constant 75 : i32
      %parallel_loop3A_2168 = vector.broadcast %parallel_loop3A_2167 : i32 to vector<16xi32>
      %parallel_loop3A_2169 = arith.addi %parallel_loop3A_33, %parallel_loop3A_2168 : vector<16xi32>
      tpu.vector_store_idx %arg7[%parallel_loop3A_26, %parallel_loop3A_2169], %parallel_loop3A_2163 : memref<32x2560xf32, #tpu.memory_space<vmem>>[vector<16xi32>, vector<16xi32>], vector<16xf32>,
      %parallel_loop3A_2170 = arith.constant 16 : i32
      %parallel_loop3A_2171 = vector.broadcast %parallel_loop3A_2170 : i32 to vector<16xi32>
      %parallel_loop3A_2172 = arith.addi %parallel_loop3A_193, %parallel_loop3A_2171 : vector<16xi32>
      %parallel_loop3A_2173 = tpu.vector_load_idx %arg5[%parallel_loop3A_2172] : memref<5408xi32, #tpu.memory_space<vmem>>[vector<16xi32>], vector<16xi32>,
      %parallel_loop3A_2174 = vector.bitcast %parallel_loop3A_2173 : vector<16xi32> to vector<32xbf16>
      %parallel_loop3A_2175 = tpu.unpack_subelements %parallel_loop3A_2174, 0 {pack_format = #tpu.pack_format<interleaved>} : vector<32xbf16> -> vector<16xf32>
      %parallel_loop3A_2176 = tpu.unpack_subelements %parallel_loop3A_2174, 1 {pack_format = #tpu.pack_format<interleaved>} : vector<32xbf16> -> vector<16xf32>
      %parallel_loop3A_2177 = arith.constant 116 : i32
      %parallel_loop3A_2178 = vector.broadcast %parallel_loop3A_2177 : i32 to vector<16xi32>
      %parallel_loop3A_2179 = arith.addi %parallel_loop3A_33, %parallel_loop3A_2178 : vector<16xi32>
      tpu.vector_store_idx %arg7[%parallel_loop3A_26, %parallel_loop3A_2179], %parallel_loop3A_2175 : memref<32x2560xf32, #tpu.memory_space<vmem>>[vector<16xi32>, vector<16xi32>], vector<16xf32>,
      %parallel_loop3A_2180 = arith.constant 117 : i32
      %parallel_loop3A_2181 = vector.broadcast %parallel_loop3A_2180 : i32 to vector<16xi32>
      %parallel_loop3A_2182 = arith.addi %parallel_loop3A_33, %parallel_loop3A_2181 : vector<16xi32>
      tpu.vector_store_idx %arg7[%parallel_loop3A_26, %parallel_loop3A_2182], %parallel_loop3A_2176 : memref<32x2560xf32, #tpu.memory_space<vmem>>[vector<16xi32>, vector<16xi32>], vector<16xf32>,
      %parallel_loop3A_2183 = arith.constant 17 : i32
      %parallel_loop3A_2184 = vector.broadcast %parallel_loop3A_2183 : i32 to vector<16xi32>
      %parallel_loop3A_2185 = arith.addi %parallel_loop3A_43, %parallel_loop3A_2184 : vector<16xi32>
      %parallel_loop3A_2186 = tpu.vector_load_idx %arg5[%parallel_loop3A_2185] : memref<5408xi32, #tpu.memory_space<vmem>>[vector<16xi32>], vector<16xi32>,
      %parallel_loop3A_2187 = vector.bitcast %parallel_loop3A_2186 : vector<16xi32> to vector<32xbf16>
      %parallel_loop3A_2188 = tpu.unpack_subelements %parallel_loop3A_2187, 0 {pack_format = #tpu.pack_format<interleaved>} : vector<32xbf16> -> vector<16xf32>
      %parallel_loop3A_2189 = tpu.unpack_subelements %parallel_loop3A_2187, 1 {pack_format = #tpu.pack_format<interleaved>} : vector<32xbf16> -> vector<16xf32>
      %parallel_loop3A_2190 = arith.constant 34 : i32
      %parallel_loop3A_2191 = vector.broadcast %parallel_loop3A_2190 : i32 to vector<16xi32>
      %parallel_loop3A_2192 = arith.addi %parallel_loop3A_33, %parallel_loop3A_2191 : vector<16xi32>
      tpu.vector_store_idx %arg7[%parallel_loop3A_26, %parallel_loop3A_2192], %parallel_loop3A_2188 : memref<32x2560xf32, #tpu.memory_space<vmem>>[vector<16xi32>, vector<16xi32>], vector<16xf32>,
      %parallel_loop3A_2193 = arith.constant 35 : i32
      %parallel_loop3A_2194 = vector.broadcast %parallel_loop3A_2193 : i32 to vector<16xi32>
      %parallel_loop3A_2195 = arith.addi %parallel_loop3A_33, %parallel_loop3A_2194 : vector<16xi32>
      tpu.vector_store_idx %arg7[%parallel_loop3A_26, %parallel_loop3A_2195], %parallel_loop3A_2189 : memref<32x2560xf32, #tpu.memory_space<vmem>>[vector<16xi32>, vector<16xi32>], vector<16xf32>,
      %parallel_loop3A_2196 = arith.constant 17 : i32
      %parallel_loop3A_2197 = vector.broadcast %parallel_loop3A_2196 : i32 to vector<16xi32>
      %parallel_loop3A_2198 = arith.addi %parallel_loop3A_53, %parallel_loop3A_2197 : vector<16xi32>
      %parallel_loop3A_2199 = tpu.vector_load_idx %arg5[%parallel_loop3A_2198] : memref<5408xi32, #tpu.memory_space<vmem>>[vector<16xi32>], vector<16xi32>,
      %parallel_loop3A_2200 = vector.bitcast %parallel_loop3A_2199 : vector<16xi32> to vector<32xbf16>
      %parallel_loop3A_2201 = arith.constant 17 : i32
      %parallel_loop3A_2202 = vector.broadcast %parallel_loop3A_2201 : i32 to vector<16xi32>
      %parallel_loop3A_2203 = arith.addi %parallel_loop3A_63, %parallel_loop3A_2202 : vector<16xi32>
      %parallel_loop3A_2204 = tpu.vector_load_idx %arg5[%parallel_loop3A_2203] : memref<5408xi32, #tpu.memory_space<vmem>>[vector<16xi32>], vector<16xi32>,
      %parallel_loop3A_2205 = vector.bitcast %parallel_loop3A_2204 : vector<16xi32> to vector<32xbf16>
      %parallel_loop3A_2206 = arith.addf %parallel_loop3A_2200, %parallel_loop3A_2205 : vector<32xbf16>
      %parallel_loop3A_2207 = arith.constant 17 : i32
      %parallel_loop3A_2208 = vector.broadcast %parallel_loop3A_2207 : i32 to vector<16xi32>
      %parallel_loop3A_2209 = arith.addi %parallel_loop3A_73, %parallel_loop3A_2208 : vector<16xi32>
      %parallel_loop3A_2210 = tpu.vector_load_idx %arg5[%parallel_loop3A_2209] : memref<5408xi32, #tpu.memory_space<vmem>>[vector<16xi32>], vector<16xi32>,
      %parallel_loop3A_2211 = vector.bitcast %parallel_loop3A_2210 : vector<16xi32> to vector<32xbf16>
      %parallel_loop3A_2212 = arith.addf %parallel_loop3A_2206, %parallel_loop3A_2211 : vector<32xbf16>
      %parallel_loop3A_2213 = arith.constant 17 : i32
      %parallel_loop3A_2214 = vector.broadcast %parallel_loop3A_2213 : i32 to vector<16xi32>
      %parallel_loop3A_2215 = arith.addi %parallel_loop3A_83, %parallel_loop3A_2214 : vector<16xi32>
      %parallel_loop3A_2216 = tpu.vector_load_idx %arg5[%parallel_loop3A_2215] : memref<5408xi32, #tpu.memory_space<vmem>>[vector<16xi32>], vector<16xi32>,
      %parallel_loop3A_2217 = vector.bitcast %parallel_loop3A_2216 : vector<16xi32> to vector<32xbf16>
      %parallel_loop3A_2218 = arith.addf %parallel_loop3A_2212, %parallel_loop3A_2217 : vector<32xbf16>
      %parallel_loop3A_2219 = arith.constant 17 : i32
      %parallel_loop3A_2220 = vector.broadcast %parallel_loop3A_2219 : i32 to vector<16xi32>
      %parallel_loop3A_2221 = arith.addi %parallel_loop3A_93, %parallel_loop3A_2220 : vector<16xi32>
      %parallel_loop3A_2222 = tpu.vector_load_idx %arg5[%parallel_loop3A_2221] : memref<5408xi32, #tpu.memory_space<vmem>>[vector<16xi32>], vector<16xi32>,
      %parallel_loop3A_2223 = vector.bitcast %parallel_loop3A_2222 : vector<16xi32> to vector<32xbf16>
      %parallel_loop3A_2224 = arith.addf %parallel_loop3A_2218, %parallel_loop3A_2223 : vector<32xbf16>
      %parallel_loop3A_2225 = arith.constant 17 : i32
      %parallel_loop3A_2226 = vector.broadcast %parallel_loop3A_2225 : i32 to vector<16xi32>
      %parallel_loop3A_2227 = arith.addi %parallel_loop3A_103, %parallel_loop3A_2226 : vector<16xi32>
      %parallel_loop3A_2228 = tpu.vector_load_idx %arg5[%parallel_loop3A_2227] : memref<5408xi32, #tpu.memory_space<vmem>>[vector<16xi32>], vector<16xi32>,
      %parallel_loop3A_2229 = vector.bitcast %parallel_loop3A_2228 : vector<16xi32> to vector<32xbf16>
      %parallel_loop3A_2230 = arith.addf %parallel_loop3A_2224, %parallel_loop3A_2229 : vector<32xbf16>
      %parallel_loop3A_2231 = arith.constant 17 : i32
      %parallel_loop3A_2232 = vector.broadcast %parallel_loop3A_2231 : i32 to vector<16xi32>
      %parallel_loop3A_2233 = arith.addi %parallel_loop3A_113, %parallel_loop3A_2232 : vector<16xi32>
      %parallel_loop3A_2234 = tpu.vector_load_idx %arg5[%parallel_loop3A_2233] : memref<5408xi32, #tpu.memory_space<vmem>>[vector<16xi32>], vector<16xi32>,
      %parallel_loop3A_2235 = vector.bitcast %parallel_loop3A_2234 : vector<16xi32> to vector<32xbf16>
      %parallel_loop3A_2236 = arith.addf %parallel_loop3A_2230, %parallel_loop3A_2235 : vector<32xbf16>
      %parallel_loop3A_2237 = arith.constant 17 : i32
      %parallel_loop3A_2238 = vector.broadcast %parallel_loop3A_2237 : i32 to vector<16xi32>
      %parallel_loop3A_2239 = arith.addi %parallel_loop3A_123, %parallel_loop3A_2238 : vector<16xi32>
      %parallel_loop3A_2240 = tpu.vector_load_idx %arg5[%parallel_loop3A_2239] : memref<5408xi32, #tpu.memory_space<vmem>>[vector<16xi32>], vector<16xi32>,
      %parallel_loop3A_2241 = vector.bitcast %parallel_loop3A_2240 : vector<16xi32> to vector<32xbf16>
      %parallel_loop3A_2242 = arith.constant 17 : i32
      %parallel_loop3A_2243 = vector.broadcast %parallel_loop3A_2242 : i32 to vector<16xi32>
      %parallel_loop3A_2244 = arith.addi %parallel_loop3A_133, %parallel_loop3A_2243 : vector<16xi32>
      %parallel_loop3A_2245 = tpu.vector_load_idx %arg5[%parallel_loop3A_2244] : memref<5408xi32, #tpu.memory_space<vmem>>[vector<16xi32>], vector<16xi32>,
      %parallel_loop3A_2246 = vector.bitcast %parallel_loop3A_2245 : vector<16xi32> to vector<32xbf16>
      %parallel_loop3A_2247 = arith.addf %parallel_loop3A_2241, %parallel_loop3A_2246 : vector<32xbf16>
      %parallel_loop3A_2248 = arith.constant 17 : i32
      %parallel_loop3A_2249 = vector.broadcast %parallel_loop3A_2248 : i32 to vector<16xi32>
      %parallel_loop3A_2250 = arith.addi %parallel_loop3A_143, %parallel_loop3A_2249 : vector<16xi32>
      %parallel_loop3A_2251 = tpu.vector_load_idx %arg5[%parallel_loop3A_2250] : memref<5408xi32, #tpu.memory_space<vmem>>[vector<16xi32>], vector<16xi32>,
      %parallel_loop3A_2252 = vector.bitcast %parallel_loop3A_2251 : vector<16xi32> to vector<32xbf16>
      %parallel_loop3A_2253 = arith.addf %parallel_loop3A_2247, %parallel_loop3A_2252 : vector<32xbf16>
      %parallel_loop3A_2254 = arith.constant 17 : i32
      %parallel_loop3A_2255 = vector.broadcast %parallel_loop3A_2254 : i32 to vector<16xi32>
      %parallel_loop3A_2256 = arith.addi %parallel_loop3A_153, %parallel_loop3A_2255 : vector<16xi32>
      %parallel_loop3A_2257 = tpu.vector_load_idx %arg5[%parallel_loop3A_2256] : memref<5408xi32, #tpu.memory_space<vmem>>[vector<16xi32>], vector<16xi32>,
      %parallel_loop3A_2258 = vector.bitcast %parallel_loop3A_2257 : vector<16xi32> to vector<32xbf16>
      %parallel_loop3A_2259 = arith.addf %parallel_loop3A_2253, %parallel_loop3A_2258 : vector<32xbf16>
      %parallel_loop3A_2260 = arith.constant 17 : i32
      %parallel_loop3A_2261 = vector.broadcast %parallel_loop3A_2260 : i32 to vector<16xi32>
      %parallel_loop3A_2262 = arith.addi %parallel_loop3A_163, %parallel_loop3A_2261 : vector<16xi32>
      %parallel_loop3A_2263 = tpu.vector_load_idx %arg5[%parallel_loop3A_2262] : memref<5408xi32, #tpu.memory_space<vmem>>[vector<16xi32>], vector<16xi32>,
      %parallel_loop3A_2264 = vector.bitcast %parallel_loop3A_2263 : vector<16xi32> to vector<32xbf16>
      %parallel_loop3A_2265 = arith.addf %parallel_loop3A_2259, %parallel_loop3A_2264 : vector<32xbf16>
      %parallel_loop3A_2266 = arith.constant 17 : i32
      %parallel_loop3A_2267 = vector.broadcast %parallel_loop3A_2266 : i32 to vector<16xi32>
      %parallel_loop3A_2268 = arith.addi %parallel_loop3A_173, %parallel_loop3A_2267 : vector<16xi32>
      %parallel_loop3A_2269 = tpu.vector_load_idx %arg5[%parallel_loop3A_2268] : memref<5408xi32, #tpu.memory_space<vmem>>[vector<16xi32>], vector<16xi32>,
      %parallel_loop3A_2270 = vector.bitcast %parallel_loop3A_2269 : vector<16xi32> to vector<32xbf16>
      %parallel_loop3A_2271 = arith.addf %parallel_loop3A_2265, %parallel_loop3A_2270 : vector<32xbf16>
      %parallel_loop3A_2272 = arith.constant 17 : i32
      %parallel_loop3A_2273 = vector.broadcast %parallel_loop3A_2272 : i32 to vector<16xi32>
      %parallel_loop3A_2274 = arith.addi %parallel_loop3A_183, %parallel_loop3A_2273 : vector<16xi32>
      %parallel_loop3A_2275 = tpu.vector_load_idx %arg5[%parallel_loop3A_2274] : memref<5408xi32, #tpu.memory_space<vmem>>[vector<16xi32>], vector<16xi32>,
      %parallel_loop3A_2276 = vector.bitcast %parallel_loop3A_2275 : vector<16xi32> to vector<32xbf16>
      %parallel_loop3A_2277 = arith.addf %parallel_loop3A_2271, %parallel_loop3A_2276 : vector<32xbf16>
      %parallel_loop3A_2278 = arith.addf %parallel_loop3A_2236, %parallel_loop3A_2277 : vector<32xbf16>
      %parallel_loop3A_2279 = tpu.unpack_subelements %parallel_loop3A_2278, 0 {pack_format = #tpu.pack_format<interleaved>} : vector<32xbf16> -> vector<16xf32>
      %parallel_loop3A_2280 = tpu.unpack_subelements %parallel_loop3A_2278, 1 {pack_format = #tpu.pack_format<interleaved>} : vector<32xbf16> -> vector<16xf32>
      %parallel_loop3A_2281 = arith.constant 76 : i32
      %parallel_loop3A_2282 = vector.broadcast %parallel_loop3A_2281 : i32 to vector<16xi32>
      %parallel_loop3A_2283 = arith.addi %parallel_loop3A_33, %parallel_loop3A_2282 : vector<16xi32>
      tpu.vector_store_idx %arg7[%parallel_loop3A_26, %parallel_loop3A_2283], %parallel_loop3A_2279 : memref<32x2560xf32, #tpu.memory_space<vmem>>[vector<16xi32>, vector<16xi32>], vector<16xf32>,
      %parallel_loop3A_2284 = arith.constant 77 : i32
      %parallel_loop3A_2285 = vector.broadcast %parallel_loop3A_2284 : i32 to vector<16xi32>
      %parallel_loop3A_2286 = arith.addi %parallel_loop3A_33, %parallel_loop3A_2285 : vector<16xi32>
      tpu.vector_store_idx %arg7[%parallel_loop3A_26, %parallel_loop3A_2286], %parallel_loop3A_2280 : memref<32x2560xf32, #tpu.memory_space<vmem>>[vector<16xi32>, vector<16xi32>], vector<16xf32>,
      %parallel_loop3A_2287 = arith.constant 17 : i32
      %parallel_loop3A_2288 = vector.broadcast %parallel_loop3A_2287 : i32 to vector<16xi32>
      %parallel_loop3A_2289 = arith.addi %parallel_loop3A_193, %parallel_loop3A_2288 : vector<16xi32>
      %parallel_loop3A_2290 = tpu.vector_load_idx %arg5[%parallel_loop3A_2289] : memref<5408xi32, #tpu.memory_space<vmem>>[vector<16xi32>], vector<16xi32>,
      %parallel_loop3A_2291 = vector.bitcast %parallel_loop3A_2290 : vector<16xi32> to vector<32xbf16>
      %parallel_loop3A_2292 = tpu.unpack_subelements %parallel_loop3A_2291, 0 {pack_format = #tpu.pack_format<interleaved>} : vector<32xbf16> -> vector<16xf32>
      %parallel_loop3A_2293 = tpu.unpack_subelements %parallel_loop3A_2291, 1 {pack_format = #tpu.pack_format<interleaved>} : vector<32xbf16> -> vector<16xf32>
      %parallel_loop3A_2294 = arith.constant 118 : i32
      %parallel_loop3A_2295 = vector.broadcast %parallel_loop3A_2294 : i32 to vector<16xi32>
      %parallel_loop3A_2296 = arith.addi %parallel_loop3A_33, %parallel_loop3A_2295 : vector<16xi32>
      tpu.vector_store_idx %arg7[%parallel_loop3A_26, %parallel_loop3A_2296], %parallel_loop3A_2292 : memref<32x2560xf32, #tpu.memory_space<vmem>>[vector<16xi32>, vector<16xi32>], vector<16xf32>,
      %parallel_loop3A_2297 = arith.constant 119 : i32
      %parallel_loop3A_2298 = vector.broadcast %parallel_loop3A_2297 : i32 to vector<16xi32>
      %parallel_loop3A_2299 = arith.addi %parallel_loop3A_33, %parallel_loop3A_2298 : vector<16xi32>
      tpu.vector_store_idx %arg7[%parallel_loop3A_26, %parallel_loop3A_2299], %parallel_loop3A_2293 : memref<32x2560xf32, #tpu.memory_space<vmem>>[vector<16xi32>, vector<16xi32>], vector<16xf32>,
      %parallel_loop3A_2300 = arith.constant 18 : i32
      %parallel_loop3A_2301 = vector.broadcast %parallel_loop3A_2300 : i32 to vector<16xi32>
      %parallel_loop3A_2302 = arith.addi %parallel_loop3A_43, %parallel_loop3A_2301 : vector<16xi32>
      %parallel_loop3A_2303 = tpu.vector_load_idx %arg5[%parallel_loop3A_2302] : memref<5408xi32, #tpu.memory_space<vmem>>[vector<16xi32>], vector<16xi32>,
      %parallel_loop3A_2304 = vector.bitcast %parallel_loop3A_2303 : vector<16xi32> to vector<32xbf16>
      %parallel_loop3A_2305 = tpu.unpack_subelements %parallel_loop3A_2304, 0 {pack_format = #tpu.pack_format<interleaved>} : vector<32xbf16> -> vector<16xf32>
      %parallel_loop3A_2306 = tpu.unpack_subelements %parallel_loop3A_2304, 1 {pack_format = #tpu.pack_format<interleaved>} : vector<32xbf16> -> vector<16xf32>
      %parallel_loop3A_2307 = arith.constant 36 : i32
      %parallel_loop3A_2308 = vector.broadcast %parallel_loop3A_2307 : i32 to vector<16xi32>
      %parallel_loop3A_2309 = arith.addi %parallel_loop3A_33, %parallel_loop3A_2308 : vector<16xi32>
      tpu.vector_store_idx %arg7[%parallel_loop3A_26, %parallel_loop3A_2309], %parallel_loop3A_2305 : memref<32x2560xf32, #tpu.memory_space<vmem>>[vector<16xi32>, vector<16xi32>], vector<16xf32>,
      %parallel_loop3A_2310 = arith.constant 37 : i32
      %parallel_loop3A_2311 = vector.broadcast %parallel_loop3A_2310 : i32 to vector<16xi32>
      %parallel_loop3A_2312 = arith.addi %parallel_loop3A_33, %parallel_loop3A_2311 : vector<16xi32>
      tpu.vector_store_idx %arg7[%parallel_loop3A_26, %parallel_loop3A_2312], %parallel_loop3A_2306 : memref<32x2560xf32, #tpu.memory_space<vmem>>[vector<16xi32>, vector<16xi32>], vector<16xf32>,
      %parallel_loop3A_2313 = arith.constant 18 : i32
      %parallel_loop3A_2314 = vector.broadcast %parallel_loop3A_2313 : i32 to vector<16xi32>
      %parallel_loop3A_2315 = arith.addi %parallel_loop3A_53, %parallel_loop3A_2314 : vector<16xi32>
      %parallel_loop3A_2316 = tpu.vector_load_idx %arg5[%parallel_loop3A_2315] : memref<5408xi32, #tpu.memory_space<vmem>>[vector<16xi32>], vector<16xi32>,
      %parallel_loop3A_2317 = vector.bitcast %parallel_loop3A_2316 : vector<16xi32> to vector<32xbf16>
      %parallel_loop3A_2318 = arith.constant 18 : i32
      %parallel_loop3A_2319 = vector.broadcast %parallel_loop3A_2318 : i32 to vector<16xi32>
      %parallel_loop3A_2320 = arith.addi %parallel_loop3A_63, %parallel_loop3A_2319 : vector<16xi32>
      %parallel_loop3A_2321 = tpu.vector_load_idx %arg5[%parallel_loop3A_2320] : memref<5408xi32, #tpu.memory_space<vmem>>[vector<16xi32>], vector<16xi32>,
      %parallel_loop3A_2322 = vector.bitcast %parallel_loop3A_2321 : vector<16xi32> to vector<32xbf16>
      %parallel_loop3A_2323 = arith.addf %parallel_loop3A_2317, %parallel_loop3A_2322 : vector<32xbf16>
      %parallel_loop3A_2324 = arith.constant 18 : i32
      %parallel_loop3A_2325 = vector.broadcast %parallel_loop3A_2324 : i32 to vector<16xi32>
      %parallel_loop3A_2326 = arith.addi %parallel_loop3A_73, %parallel_loop3A_2325 : vector<16xi32>
      %parallel_loop3A_2327 = tpu.vector_load_idx %arg5[%parallel_loop3A_2326] : memref<5408xi32, #tpu.memory_space<vmem>>[vector<16xi32>], vector<16xi32>,
      %parallel_loop3A_2328 = vector.bitcast %parallel_loop3A_2327 : vector<16xi32> to vector<32xbf16>
      %parallel_loop3A_2329 = arith.addf %parallel_loop3A_2323, %parallel_loop3A_2328 : vector<32xbf16>
      %parallel_loop3A_2330 = arith.constant 18 : i32
      %parallel_loop3A_2331 = vector.broadcast %parallel_loop3A_2330 : i32 to vector<16xi32>
      %parallel_loop3A_2332 = arith.addi %parallel_loop3A_83, %parallel_loop3A_2331 : vector<16xi32>
      %parallel_loop3A_2333 = tpu.vector_load_idx %arg5[%parallel_loop3A_2332] : memref<5408xi32, #tpu.memory_space<vmem>>[vector<16xi32>], vector<16xi32>,
      %parallel_loop3A_2334 = vector.bitcast %parallel_loop3A_2333 : vector<16xi32> to vector<32xbf16>
      %parallel_loop3A_2335 = arith.addf %parallel_loop3A_2329, %parallel_loop3A_2334 : vector<32xbf16>
      %parallel_loop3A_2336 = arith.constant 18 : i32
      %parallel_loop3A_2337 = vector.broadcast %parallel_loop3A_2336 : i32 to vector<16xi32>
      %parallel_loop3A_2338 = arith.addi %parallel_loop3A_93, %parallel_loop3A_2337 : vector<16xi32>
      %parallel_loop3A_2339 = tpu.vector_load_idx %arg5[%parallel_loop3A_2338] : memref<5408xi32, #tpu.memory_space<vmem>>[vector<16xi32>], vector<16xi32>,
      %parallel_loop3A_2340 = vector.bitcast %parallel_loop3A_2339 : vector<16xi32> to vector<32xbf16>
      %parallel_loop3A_2341 = arith.addf %parallel_loop3A_2335, %parallel_loop3A_2340 : vector<32xbf16>
      %parallel_loop3A_2342 = arith.constant 18 : i32
      %parallel_loop3A_2343 = vector.broadcast %parallel_loop3A_2342 : i32 to vector<16xi32>
      %parallel_loop3A_2344 = arith.addi %parallel_loop3A_103, %parallel_loop3A_2343 : vector<16xi32>
      %parallel_loop3A_2345 = tpu.vector_load_idx %arg5[%parallel_loop3A_2344] : memref<5408xi32, #tpu.memory_space<vmem>>[vector<16xi32>], vector<16xi32>,
      %parallel_loop3A_2346 = vector.bitcast %parallel_loop3A_2345 : vector<16xi32> to vector<32xbf16>
      %parallel_loop3A_2347 = arith.addf %parallel_loop3A_2341, %parallel_loop3A_2346 : vector<32xbf16>
      %parallel_loop3A_2348 = arith.constant 18 : i32
      %parallel_loop3A_2349 = vector.broadcast %parallel_loop3A_2348 : i32 to vector<16xi32>
      %parallel_loop3A_2350 = arith.addi %parallel_loop3A_113, %parallel_loop3A_2349 : vector<16xi32>
      %parallel_loop3A_2351 = tpu.vector_load_idx %arg5[%parallel_loop3A_2350] : memref<5408xi32, #tpu.memory_space<vmem>>[vector<16xi32>], vector<16xi32>,
      %parallel_loop3A_2352 = vector.bitcast %parallel_loop3A_2351 : vector<16xi32> to vector<32xbf16>
      %parallel_loop3A_2353 = arith.addf %parallel_loop3A_2347, %parallel_loop3A_2352 : vector<32xbf16>
      %parallel_loop3A_2354 = arith.constant 18 : i32
      %parallel_loop3A_2355 = vector.broadcast %parallel_loop3A_2354 : i32 to vector<16xi32>
      %parallel_loop3A_2356 = arith.addi %parallel_loop3A_123, %parallel_loop3A_2355 : vector<16xi32>
      %parallel_loop3A_2357 = tpu.vector_load_idx %arg5[%parallel_loop3A_2356] : memref<5408xi32, #tpu.memory_space<vmem>>[vector<16xi32>], vector<16xi32>,
      %parallel_loop3A_2358 = vector.bitcast %parallel_loop3A_2357 : vector<16xi32> to vector<32xbf16>
      %parallel_loop3A_2359 = arith.constant 18 : i32
      %parallel_loop3A_2360 = vector.broadcast %parallel_loop3A_2359 : i32 to vector<16xi32>
      %parallel_loop3A_2361 = arith.addi %parallel_loop3A_133, %parallel_loop3A_2360 : vector<16xi32>
      %parallel_loop3A_2362 = tpu.vector_load_idx %arg5[%parallel_loop3A_2361] : memref<5408xi32, #tpu.memory_space<vmem>>[vector<16xi32>], vector<16xi32>,
      %parallel_loop3A_2363 = vector.bitcast %parallel_loop3A_2362 : vector<16xi32> to vector<32xbf16>
      %parallel_loop3A_2364 = arith.addf %parallel_loop3A_2358, %parallel_loop3A_2363 : vector<32xbf16>
      %parallel_loop3A_2365 = arith.constant 18 : i32
      %parallel_loop3A_2366 = vector.broadcast %parallel_loop3A_2365 : i32 to vector<16xi32>
      %parallel_loop3A_2367 = arith.addi %parallel_loop3A_143, %parallel_loop3A_2366 : vector<16xi32>
      %parallel_loop3A_2368 = tpu.vector_load_idx %arg5[%parallel_loop3A_2367] : memref<5408xi32, #tpu.memory_space<vmem>>[vector<16xi32>], vector<16xi32>,
      %parallel_loop3A_2369 = vector.bitcast %parallel_loop3A_2368 : vector<16xi32> to vector<32xbf16>
      %parallel_loop3A_2370 = arith.addf %parallel_loop3A_2364, %parallel_loop3A_2369 : vector<32xbf16>
      %parallel_loop3A_2371 = arith.constant 18 : i32
      %parallel_loop3A_2372 = vector.broadcast %parallel_loop3A_2371 : i32 to vector<16xi32>
      %parallel_loop3A_2373 = arith.addi %parallel_loop3A_153, %parallel_loop3A_2372 : vector<16xi32>
      %parallel_loop3A_2374 = tpu.vector_load_idx %arg5[%parallel_loop3A_2373] : memref<5408xi32, #tpu.memory_space<vmem>>[vector<16xi32>], vector<16xi32>,
      %parallel_loop3A_2375 = vector.bitcast %parallel_loop3A_2374 : vector<16xi32> to vector<32xbf16>
      %parallel_loop3A_2376 = arith.addf %parallel_loop3A_2370, %parallel_loop3A_2375 : vector<32xbf16>
      %parallel_loop3A_2377 = arith.constant 18 : i32
      %parallel_loop3A_2378 = vector.broadcast %parallel_loop3A_2377 : i32 to vector<16xi32>
      %parallel_loop3A_2379 = arith.addi %parallel_loop3A_163, %parallel_loop3A_2378 : vector<16xi32>
      %parallel_loop3A_2380 = tpu.vector_load_idx %arg5[%parallel_loop3A_2379] : memref<5408xi32, #tpu.memory_space<vmem>>[vector<16xi32>], vector<16xi32>,
      %parallel_loop3A_2381 = vector.bitcast %parallel_loop3A_2380 : vector<16xi32> to vector<32xbf16>
      %parallel_loop3A_2382 = arith.addf %parallel_loop3A_2376, %parallel_loop3A_2381 : vector<32xbf16>
      %parallel_loop3A_2383 = arith.constant 18 : i32
      %parallel_loop3A_2384 = vector.broadcast %parallel_loop3A_2383 : i32 to vector<16xi32>
      %parallel_loop3A_2385 = arith.addi %parallel_loop3A_173, %parallel_loop3A_2384 : vector<16xi32>
      %parallel_loop3A_2386 = tpu.vector_load_idx %arg5[%parallel_loop3A_2385] : memref<5408xi32, #tpu.memory_space<vmem>>[vector<16xi32>], vector<16xi32>,
      %parallel_loop3A_2387 = vector.bitcast %parallel_loop3A_2386 : vector<16xi32> to vector<32xbf16>
      %parallel_loop3A_2388 = arith.addf %parallel_loop3A_2382, %parallel_loop3A_2387 : vector<32xbf16>
      %parallel_loop3A_2389 = arith.constant 18 : i32
      %parallel_loop3A_2390 = vector.broadcast %parallel_loop3A_2389 : i32 to vector<16xi32>
      %parallel_loop3A_2391 = arith.addi %parallel_loop3A_183, %parallel_loop3A_2390 : vector<16xi32>
      %parallel_loop3A_2392 = tpu.vector_load_idx %arg5[%parallel_loop3A_2391] : memref<5408xi32, #tpu.memory_space<vmem>>[vector<16xi32>], vector<16xi32>,
      %parallel_loop3A_2393 = vector.bitcast %parallel_loop3A_2392 : vector<16xi32> to vector<32xbf16>
      %parallel_loop3A_2394 = arith.addf %parallel_loop3A_2388, %parallel_loop3A_2393 : vector<32xbf16>
      %parallel_loop3A_2395 = arith.addf %parallel_loop3A_2353, %parallel_loop3A_2394 : vector<32xbf16>
      %parallel_loop3A_2396 = tpu.unpack_subelements %parallel_loop3A_2395, 0 {pack_format = #tpu.pack_format<interleaved>} : vector<32xbf16> -> vector<16xf32>
      %parallel_loop3A_2397 = tpu.unpack_subelements %parallel_loop3A_2395, 1 {pack_format = #tpu.pack_format<interleaved>} : vector<32xbf16> -> vector<16xf32>
      %parallel_loop3A_2398 = arith.constant 78 : i32
      %parallel_loop3A_2399 = vector.broadcast %parallel_loop3A_2398 : i32 to vector<16xi32>
      %parallel_loop3A_2400 = arith.addi %parallel_loop3A_33, %parallel_loop3A_2399 : vector<16xi32>
      tpu.vector_store_idx %arg7[%parallel_loop3A_26, %parallel_loop3A_2400], %parallel_loop3A_2396 : memref<32x2560xf32, #tpu.memory_space<vmem>>[vector<16xi32>, vector<16xi32>], vector<16xf32>,
      %parallel_loop3A_2401 = arith.constant 79 : i32
      %parallel_loop3A_2402 = vector.broadcast %parallel_loop3A_2401 : i32 to vector<16xi32>
      %parallel_loop3A_2403 = arith.addi %parallel_loop3A_33, %parallel_loop3A_2402 : vector<16xi32>
      tpu.vector_store_idx %arg7[%parallel_loop3A_26, %parallel_loop3A_2403], %parallel_loop3A_2397 : memref<32x2560xf32, #tpu.memory_space<vmem>>[vector<16xi32>, vector<16xi32>], vector<16xf32>,
      %parallel_loop3A_2404 = arith.constant 18 : i32
      %parallel_loop3A_2405 = vector.broadcast %parallel_loop3A_2404 : i32 to vector<16xi32>
      %parallel_loop3A_2406 = arith.addi %parallel_loop3A_193, %parallel_loop3A_2405 : vector<16xi32>
      %parallel_loop3A_2407 = tpu.vector_load_idx %arg5[%parallel_loop3A_2406] : memref<5408xi32, #tpu.memory_space<vmem>>[vector<16xi32>], vector<16xi32>,
      %parallel_loop3A_2408 = vector.bitcast %parallel_loop3A_2407 : vector<16xi32> to vector<32xbf16>
      %parallel_loop3A_2409 = tpu.unpack_subelements %parallel_loop3A_2408, 0 {pack_format = #tpu.pack_format<interleaved>} : vector<32xbf16> -> vector<16xf32>
      %parallel_loop3A_2410 = tpu.unpack_subelements %parallel_loop3A_2408, 1 {pack_format = #tpu.pack_format<interleaved>} : vector<32xbf16> -> vector<16xf32>
      %parallel_loop3A_2411 = arith.constant 120 : i32
      %parallel_loop3A_2412 = vector.broadcast %parallel_loop3A_2411 : i32 to vector<16xi32>
      %parallel_loop3A_2413 = arith.addi %parallel_loop3A_33, %parallel_loop3A_2412 : vector<16xi32>
      tpu.vector_store_idx %arg7[%parallel_loop3A_26, %parallel_loop3A_2413], %parallel_loop3A_2409 : memref<32x2560xf32, #tpu.memory_space<vmem>>[vector<16xi32>, vector<16xi32>], vector<16xf32>,
      %parallel_loop3A_2414 = arith.constant 121 : i32
      %parallel_loop3A_2415 = vector.broadcast %parallel_loop3A_2414 : i32 to vector<16xi32>
      %parallel_loop3A_2416 = arith.addi %parallel_loop3A_33, %parallel_loop3A_2415 : vector<16xi32>
      tpu.vector_store_idx %arg7[%parallel_loop3A_26, %parallel_loop3A_2416], %parallel_loop3A_2410 : memref<32x2560xf32, #tpu.memory_space<vmem>>[vector<16xi32>, vector<16xi32>], vector<16xf32>,
      %parallel_loop3A_2417 = arith.constant 19 : i32
      %parallel_loop3A_2418 = vector.broadcast %parallel_loop3A_2417 : i32 to vector<16xi32>
      %parallel_loop3A_2419 = arith.addi %parallel_loop3A_43, %parallel_loop3A_2418 : vector<16xi32>
      %parallel_loop3A_2420 = tpu.vector_load_idx %arg5[%parallel_loop3A_2419] : memref<5408xi32, #tpu.memory_space<vmem>>[vector<16xi32>], vector<16xi32>,
      %parallel_loop3A_2421 = vector.bitcast %parallel_loop3A_2420 : vector<16xi32> to vector<32xbf16>
      %parallel_loop3A_2422 = tpu.unpack_subelements %parallel_loop3A_2421, 0 {pack_format = #tpu.pack_format<interleaved>} : vector<32xbf16> -> vector<16xf32>
      %parallel_loop3A_2423 = tpu.unpack_subelements %parallel_loop3A_2421, 1 {pack_format = #tpu.pack_format<interleaved>} : vector<32xbf16> -> vector<16xf32>
      %parallel_loop3A_2424 = arith.constant 38 : i32
      %parallel_loop3A_2425 = vector.broadcast %parallel_loop3A_2424 : i32 to vector<16xi32>
      %parallel_loop3A_2426 = arith.addi %parallel_loop3A_33, %parallel_loop3A_2425 : vector<16xi32>
      tpu.vector_store_idx %arg7[%parallel_loop3A_26, %parallel_loop3A_2426], %parallel_loop3A_2422 : memref<32x2560xf32, #tpu.memory_space<vmem>>[vector<16xi32>, vector<16xi32>], vector<16xf32>,
      %parallel_loop3A_2427 = arith.constant 39 : i32
      %parallel_loop3A_2428 = vector.broadcast %parallel_loop3A_2427 : i32 to vector<16xi32>
      %parallel_loop3A_2429 = arith.addi %parallel_loop3A_33, %parallel_loop3A_2428 : vector<16xi32>
      tpu.vector_store_idx %arg7[%parallel_loop3A_26, %parallel_loop3A_2429], %parallel_loop3A_2423 : memref<32x2560xf32, #tpu.memory_space<vmem>>[vector<16xi32>, vector<16xi32>], vector<16xf32>,
      %parallel_loop3A_2430 = arith.constant 19 : i32
      %parallel_loop3A_2431 = vector.broadcast %parallel_loop3A_2430 : i32 to vector<16xi32>
      %parallel_loop3A_2432 = arith.addi %parallel_loop3A_53, %parallel_loop3A_2431 : vector<16xi32>
      %parallel_loop3A_2433 = tpu.vector_load_idx %arg5[%parallel_loop3A_2432] : memref<5408xi32, #tpu.memory_space<vmem>>[vector<16xi32>], vector<16xi32>,
      %parallel_loop3A_2434 = vector.bitcast %parallel_loop3A_2433 : vector<16xi32> to vector<32xbf16>
      %parallel_loop3A_2435 = arith.constant 19 : i32
      %parallel_loop3A_2436 = vector.broadcast %parallel_loop3A_2435 : i32 to vector<16xi32>
      %parallel_loop3A_2437 = arith.addi %parallel_loop3A_63, %parallel_loop3A_2436 : vector<16xi32>
      %parallel_loop3A_2438 = tpu.vector_load_idx %arg5[%parallel_loop3A_2437] : memref<5408xi32, #tpu.memory_space<vmem>>[vector<16xi32>], vector<16xi32>,
      %parallel_loop3A_2439 = vector.bitcast %parallel_loop3A_2438 : vector<16xi32> to vector<32xbf16>
      %parallel_loop3A_2440 = arith.addf %parallel_loop3A_2434, %parallel_loop3A_2439 : vector<32xbf16>
      %parallel_loop3A_2441 = arith.constant 19 : i32
      %parallel_loop3A_2442 = vector.broadcast %parallel_loop3A_2441 : i32 to vector<16xi32>
      %parallel_loop3A_2443 = arith.addi %parallel_loop3A_73, %parallel_loop3A_2442 : vector<16xi32>
      %parallel_loop3A_2444 = tpu.vector_load_idx %arg5[%parallel_loop3A_2443] : memref<5408xi32, #tpu.memory_space<vmem>>[vector<16xi32>], vector<16xi32>,
      %parallel_loop3A_2445 = vector.bitcast %parallel_loop3A_2444 : vector<16xi32> to vector<32xbf16>
      %parallel_loop3A_2446 = arith.addf %parallel_loop3A_2440, %parallel_loop3A_2445 : vector<32xbf16>
      %parallel_loop3A_2447 = arith.constant 19 : i32
      %parallel_loop3A_2448 = vector.broadcast %parallel_loop3A_2447 : i32 to vector<16xi32>
      %parallel_loop3A_2449 = arith.addi %parallel_loop3A_83, %parallel_loop3A_2448 : vector<16xi32>
      %parallel_loop3A_2450 = tpu.vector_load_idx %arg5[%parallel_loop3A_2449] : memref<5408xi32, #tpu.memory_space<vmem>>[vector<16xi32>], vector<16xi32>,
      %parallel_loop3A_2451 = vector.bitcast %parallel_loop3A_2450 : vector<16xi32> to vector<32xbf16>
      %parallel_loop3A_2452 = arith.addf %parallel_loop3A_2446, %parallel_loop3A_2451 : vector<32xbf16>
      %parallel_loop3A_2453 = arith.constant 19 : i32
      %parallel_loop3A_2454 = vector.broadcast %parallel_loop3A_2453 : i32 to vector<16xi32>
      %parallel_loop3A_2455 = arith.addi %parallel_loop3A_93, %parallel_loop3A_2454 : vector<16xi32>
      %parallel_loop3A_2456 = tpu.vector_load_idx %arg5[%parallel_loop3A_2455] : memref<5408xi32, #tpu.memory_space<vmem>>[vector<16xi32>], vector<16xi32>,
      %parallel_loop3A_2457 = vector.bitcast %parallel_loop3A_2456 : vector<16xi32> to vector<32xbf16>
      %parallel_loop3A_2458 = arith.addf %parallel_loop3A_2452, %parallel_loop3A_2457 : vector<32xbf16>
      %parallel_loop3A_2459 = arith.constant 19 : i32
      %parallel_loop3A_2460 = vector.broadcast %parallel_loop3A_2459 : i32 to vector<16xi32>
      %parallel_loop3A_2461 = arith.addi %parallel_loop3A_103, %parallel_loop3A_2460 : vector<16xi32>
      %parallel_loop3A_2462 = tpu.vector_load_idx %arg5[%parallel_loop3A_2461] : memref<5408xi32, #tpu.memory_space<vmem>>[vector<16xi32>], vector<16xi32>,
      %parallel_loop3A_2463 = vector.bitcast %parallel_loop3A_2462 : vector<16xi32> to vector<32xbf16>
      %parallel_loop3A_2464 = arith.addf %parallel_loop3A_2458, %parallel_loop3A_2463 : vector<32xbf16>
      %parallel_loop3A_2465 = arith.constant 19 : i32
      %parallel_loop3A_2466 = vector.broadcast %parallel_loop3A_2465 : i32 to vector<16xi32>
      %parallel_loop3A_2467 = arith.addi %parallel_loop3A_113, %parallel_loop3A_2466 : vector<16xi32>
      %parallel_loop3A_2468 = tpu.vector_load_idx %arg5[%parallel_loop3A_2467] : memref<5408xi32, #tpu.memory_space<vmem>>[vector<16xi32>], vector<16xi32>,
      %parallel_loop3A_2469 = vector.bitcast %parallel_loop3A_2468 : vector<16xi32> to vector<32xbf16>
      %parallel_loop3A_2470 = arith.addf %parallel_loop3A_2464, %parallel_loop3A_2469 : vector<32xbf16>
      %parallel_loop3A_2471 = arith.constant 19 : i32
      %parallel_loop3A_2472 = vector.broadcast %parallel_loop3A_2471 : i32 to vector<16xi32>
      %parallel_loop3A_2473 = arith.addi %parallel_loop3A_123, %parallel_loop3A_2472 : vector<16xi32>
      %parallel_loop3A_2474 = tpu.vector_load_idx %arg5[%parallel_loop3A_2473] : memref<5408xi32, #tpu.memory_space<vmem>>[vector<16xi32>], vector<16xi32>,
      %parallel_loop3A_2475 = vector.bitcast %parallel_loop3A_2474 : vector<16xi32> to vector<32xbf16>
      %parallel_loop3A_2476 = arith.constant 19 : i32
      %parallel_loop3A_2477 = vector.broadcast %parallel_loop3A_2476 : i32 to vector<16xi32>
      %parallel_loop3A_2478 = arith.addi %parallel_loop3A_133, %parallel_loop3A_2477 : vector<16xi32>
      %parallel_loop3A_2479 = tpu.vector_load_idx %arg5[%parallel_loop3A_2478] : memref<5408xi32, #tpu.memory_space<vmem>>[vector<16xi32>], vector<16xi32>,
      %parallel_loop3A_2480 = vector.bitcast %parallel_loop3A_2479 : vector<16xi32> to vector<32xbf16>
      %parallel_loop3A_2481 = arith.addf %parallel_loop3A_2475, %parallel_loop3A_2480 : vector<32xbf16>
      %parallel_loop3A_2482 = arith.constant 19 : i32
      %parallel_loop3A_2483 = vector.broadcast %parallel_loop3A_2482 : i32 to vector<16xi32>
      %parallel_loop3A_2484 = arith.addi %parallel_loop3A_143, %parallel_loop3A_2483 : vector<16xi32>
      %parallel_loop3A_2485 = tpu.vector_load_idx %arg5[%parallel_loop3A_2484] : memref<5408xi32, #tpu.memory_space<vmem>>[vector<16xi32>], vector<16xi32>,
      %parallel_loop3A_2486 = vector.bitcast %parallel_loop3A_2485 : vector<16xi32> to vector<32xbf16>
      %parallel_loop3A_2487 = arith.addf %parallel_loop3A_2481, %parallel_loop3A_2486 : vector<32xbf16>
      %parallel_loop3A_2488 = arith.constant 19 : i32
      %parallel_loop3A_2489 = vector.broadcast %parallel_loop3A_2488 : i32 to vector<16xi32>
      %parallel_loop3A_2490 = arith.addi %parallel_loop3A_153, %parallel_loop3A_2489 : vector<16xi32>
      %parallel_loop3A_2491 = tpu.vector_load_idx %arg5[%parallel_loop3A_2490] : memref<5408xi32, #tpu.memory_space<vmem>>[vector<16xi32>], vector<16xi32>,
      %parallel_loop3A_2492 = vector.bitcast %parallel_loop3A_2491 : vector<16xi32> to vector<32xbf16>
      %parallel_loop3A_2493 = arith.addf %parallel_loop3A_2487, %parallel_loop3A_2492 : vector<32xbf16>
      %parallel_loop3A_2494 = arith.constant 19 : i32
      %parallel_loop3A_2495 = vector.broadcast %parallel_loop3A_2494 : i32 to vector<16xi32>
      %parallel_loop3A_2496 = arith.addi %parallel_loop3A_163, %parallel_loop3A_2495 : vector<16xi32>
      %parallel_loop3A_2497 = tpu.vector_load_idx %arg5[%parallel_loop3A_2496] : memref<5408xi32, #tpu.memory_space<vmem>>[vector<16xi32>], vector<16xi32>,
      %parallel_loop3A_2498 = vector.bitcast %parallel_loop3A_2497 : vector<16xi32> to vector<32xbf16>
      %parallel_loop3A_2499 = arith.addf %parallel_loop3A_2493, %parallel_loop3A_2498 : vector<32xbf16>
      %parallel_loop3A_2500 = arith.constant 19 : i32
      %parallel_loop3A_2501 = vector.broadcast %parallel_loop3A_2500 : i32 to vector<16xi32>
      %parallel_loop3A_2502 = arith.addi %parallel_loop3A_173, %parallel_loop3A_2501 : vector<16xi32>
      %parallel_loop3A_2503 = tpu.vector_load_idx %arg5[%parallel_loop3A_2502] : memref<5408xi32, #tpu.memory_space<vmem>>[vector<16xi32>], vector<16xi32>,
      %parallel_loop3A_2504 = vector.bitcast %parallel_loop3A_2503 : vector<16xi32> to vector<32xbf16>
      %parallel_loop3A_2505 = arith.addf %parallel_loop3A_2499, %parallel_loop3A_2504 : vector<32xbf16>
      %parallel_loop3A_2506 = arith.constant 19 : i32
      %parallel_loop3A_2507 = vector.broadcast %parallel_loop3A_2506 : i32 to vector<16xi32>
      %parallel_loop3A_2508 = arith.addi %parallel_loop3A_183, %parallel_loop3A_2507 : vector<16xi32>
      %parallel_loop3A_2509 = tpu.vector_load_idx %arg5[%parallel_loop3A_2508] : memref<5408xi32, #tpu.memory_space<vmem>>[vector<16xi32>], vector<16xi32>,
      %parallel_loop3A_2510 = vector.bitcast %parallel_loop3A_2509 : vector<16xi32> to vector<32xbf16>
      %parallel_loop3A_2511 = arith.addf %parallel_loop3A_2505, %parallel_loop3A_2510 : vector<32xbf16>
      %parallel_loop3A_2512 = arith.addf %parallel_loop3A_2470, %parallel_loop3A_2511 : vector<32xbf16>
      %parallel_loop3A_2513 = tpu.unpack_subelements %parallel_loop3A_2512, 0 {pack_format = #tpu.pack_format<interleaved>} : vector<32xbf16> -> vector<16xf32>
      %parallel_loop3A_2514 = tpu.unpack_subelements %parallel_loop3A_2512, 1 {pack_format = #tpu.pack_format<interleaved>} : vector<32xbf16> -> vector<16xf32>
      %parallel_loop3A_2515 = arith.constant 80 : i32
      %parallel_loop3A_2516 = vector.broadcast %parallel_loop3A_2515 : i32 to vector<16xi32>
      %parallel_loop3A_2517 = arith.addi %parallel_loop3A_33, %parallel_loop3A_2516 : vector<16xi32>
      tpu.vector_store_idx %arg7[%parallel_loop3A_26, %parallel_loop3A_2517], %parallel_loop3A_2513 : memref<32x2560xf32, #tpu.memory_space<vmem>>[vector<16xi32>, vector<16xi32>], vector<16xf32>,
      %parallel_loop3A_2518 = arith.constant 81 : i32
      %parallel_loop3A_2519 = vector.broadcast %parallel_loop3A_2518 : i32 to vector<16xi32>
      %parallel_loop3A_2520 = arith.addi %parallel_loop3A_33, %parallel_loop3A_2519 : vector<16xi32>
      tpu.vector_store_idx %arg7[%parallel_loop3A_26, %parallel_loop3A_2520], %parallel_loop3A_2514 : memref<32x2560xf32, #tpu.memory_space<vmem>>[vector<16xi32>, vector<16xi32>], vector<16xf32>,
      %parallel_loop3A_2521 = arith.constant 19 : i32
      %parallel_loop3A_2522 = vector.broadcast %parallel_loop3A_2521 : i32 to vector<16xi32>
      %parallel_loop3A_2523 = arith.addi %parallel_loop3A_193, %parallel_loop3A_2522 : vector<16xi32>
      %parallel_loop3A_2524 = tpu.vector_load_idx %arg5[%parallel_loop3A_2523] : memref<5408xi32, #tpu.memory_space<vmem>>[vector<16xi32>], vector<16xi32>,
      %parallel_loop3A_2525 = vector.bitcast %parallel_loop3A_2524 : vector<16xi32> to vector<32xbf16>
      %parallel_loop3A_2526 = tpu.unpack_subelements %parallel_loop3A_2525, 0 {pack_format = #tpu.pack_format<interleaved>} : vector<32xbf16> -> vector<16xf32>
      %parallel_loop3A_2527 = tpu.unpack_subelements %parallel_loop3A_2525, 1 {pack_format = #tpu.pack_format<interleaved>} : vector<32xbf16> -> vector<16xf32>
      %parallel_loop3A_2528 = arith.constant 122 : i32
      %parallel_loop3A_2529 = vector.broadcast %parallel_loop3A_2528 : i32 to vector<16xi32>
      %parallel_loop3A_2530 = arith.addi %parallel_loop3A_33, %parallel_loop3A_2529 : vector<16xi32>
      tpu.vector_store_idx %arg7[%parallel_loop3A_26, %parallel_loop3A_2530], %parallel_loop3A_2526 : memref<32x2560xf32, #tpu.memory_space<vmem>>[vector<16xi32>, vector<16xi32>], vector<16xf32>,
      %parallel_loop3A_2531 = arith.constant 123 : i32
      %parallel_loop3A_2532 = vector.broadcast %parallel_loop3A_2531 : i32 to vector<16xi32>
      %parallel_loop3A_2533 = arith.addi %parallel_loop3A_33, %parallel_loop3A_2532 : vector<16xi32>
      tpu.vector_store_idx %arg7[%parallel_loop3A_26, %parallel_loop3A_2533], %parallel_loop3A_2527 : memref<32x2560xf32, #tpu.memory_space<vmem>>[vector<16xi32>, vector<16xi32>], vector<16xf32>,
      %parallel_loop3A_2534 = arith.constant 20 : i32
      %parallel_loop3A_2535 = vector.broadcast %parallel_loop3A_2534 : i32 to vector<16xi32>
      %parallel_loop3A_2536 = arith.addi %parallel_loop3A_43, %parallel_loop3A_2535 : vector<16xi32>
      %parallel_loop3A_2537 = tpu.vector_load_idx %arg5[%parallel_loop3A_2536] : memref<5408xi32, #tpu.memory_space<vmem>>[vector<16xi32>], vector<16xi32>,
      %parallel_loop3A_2538 = vector.bitcast %parallel_loop3A_2537 : vector<16xi32> to vector<32xbf16>
      %parallel_loop3A_2539 = tpu.unpack_subelements %parallel_loop3A_2538, 0 {pack_format = #tpu.pack_format<interleaved>} : vector<32xbf16> -> vector<16xf32>
      %parallel_loop3A_2540 = tpu.unpack_subelements %parallel_loop3A_2538, 1 {pack_format = #tpu.pack_format<interleaved>} : vector<32xbf16> -> vector<16xf32>
      %parallel_loop3A_2541 = arith.constant 40 : i32
      %parallel_loop3A_2542 = vector.broadcast %parallel_loop3A_2541 : i32 to vector<16xi32>
      %parallel_loop3A_2543 = arith.addi %parallel_loop3A_33, %parallel_loop3A_2542 : vector<16xi32>
      tpu.vector_store_idx %arg7[%parallel_loop3A_26, %parallel_loop3A_2543], %parallel_loop3A_2539 : memref<32x2560xf32, #tpu.memory_space<vmem>>[vector<16xi32>, vector<16xi32>], vector<16xf32>,
      %parallel_loop3A_2544 = arith.constant 41 : i32
      %parallel_loop3A_2545 = vector.broadcast %parallel_loop3A_2544 : i32 to vector<16xi32>
      %parallel_loop3A_2546 = arith.addi %parallel_loop3A_33, %parallel_loop3A_2545 : vector<16xi32>
      tpu.vector_store_idx %arg7[%parallel_loop3A_26, %parallel_loop3A_2546], %parallel_loop3A_2540 : memref<32x2560xf32, #tpu.memory_space<vmem>>[vector<16xi32>, vector<16xi32>], vector<16xf32>,
      %parallel_loop3A_2547 = arith.constant 20 : i32
      %parallel_loop3A_2548 = vector.broadcast %parallel_loop3A_2547 : i32 to vector<16xi32>
      %parallel_loop3A_2549 = arith.addi %parallel_loop3A_53, %parallel_loop3A_2548 : vector<16xi32>
      %parallel_loop3A_2550 = tpu.vector_load_idx %arg5[%parallel_loop3A_2549] : memref<5408xi32, #tpu.memory_space<vmem>>[vector<16xi32>], vector<16xi32>,
      %parallel_loop3A_2551 = vector.bitcast %parallel_loop3A_2550 : vector<16xi32> to vector<32xbf16>
      %parallel_loop3A_2552 = arith.constant 20 : i32
      %parallel_loop3A_2553 = vector.broadcast %parallel_loop3A_2552 : i32 to vector<16xi32>
      %parallel_loop3A_2554 = arith.addi %parallel_loop3A_63, %parallel_loop3A_2553 : vector<16xi32>
      %parallel_loop3A_2555 = tpu.vector_load_idx %arg5[%parallel_loop3A_2554] : memref<5408xi32, #tpu.memory_space<vmem>>[vector<16xi32>], vector<16xi32>,
      %parallel_loop3A_2556 = vector.bitcast %parallel_loop3A_2555 : vector<16xi32> to vector<32xbf16>
      %parallel_loop3A_2557 = arith.addf %parallel_loop3A_2551, %parallel_loop3A_2556 : vector<32xbf16>
      %parallel_loop3A_2558 = arith.constant 20 : i32
      %parallel_loop3A_2559 = vector.broadcast %parallel_loop3A_2558 : i32 to vector<16xi32>
      %parallel_loop3A_2560 = arith.addi %parallel_loop3A_73, %parallel_loop3A_2559 : vector<16xi32>
      %parallel_loop3A_2561 = tpu.vector_load_idx %arg5[%parallel_loop3A_2560] : memref<5408xi32, #tpu.memory_space<vmem>>[vector<16xi32>], vector<16xi32>,
      %parallel_loop3A_2562 = vector.bitcast %parallel_loop3A_2561 : vector<16xi32> to vector<32xbf16>
      %parallel_loop3A_2563 = arith.addf %parallel_loop3A_2557, %parallel_loop3A_2562 : vector<32xbf16>
      %parallel_loop3A_2564 = arith.constant 20 : i32
      %parallel_loop3A_2565 = vector.broadcast %parallel_loop3A_2564 : i32 to vector<16xi32>
      %parallel_loop3A_2566 = arith.addi %parallel_loop3A_83, %parallel_loop3A_2565 : vector<16xi32>
      %parallel_loop3A_2567 = tpu.vector_load_idx %arg5[%parallel_loop3A_2566] : memref<5408xi32, #tpu.memory_space<vmem>>[vector<16xi32>], vector<16xi32>,
      %parallel_loop3A_2568 = vector.bitcast %parallel_loop3A_2567 : vector<16xi32> to vector<32xbf16>
      %parallel_loop3A_2569 = arith.addf %parallel_loop3A_2563, %parallel_loop3A_2568 : vector<32xbf16>
      %parallel_loop3A_2570 = arith.constant 20 : i32
      %parallel_loop3A_2571 = vector.broadcast %parallel_loop3A_2570 : i32 to vector<16xi32>
      %parallel_loop3A_2572 = arith.addi %parallel_loop3A_93, %parallel_loop3A_2571 : vector<16xi32>
      %parallel_loop3A_2573 = tpu.vector_load_idx %arg5[%parallel_loop3A_2572] : memref<5408xi32, #tpu.memory_space<vmem>>[vector<16xi32>], vector<16xi32>,
      %parallel_loop3A_2574 = vector.bitcast %parallel_loop3A_2573 : vector<16xi32> to vector<32xbf16>
      %parallel_loop3A_2575 = arith.addf %parallel_loop3A_2569, %parallel_loop3A_2574 : vector<32xbf16>
      %parallel_loop3A_2576 = arith.constant 20 : i32
      %parallel_loop3A_2577 = vector.broadcast %parallel_loop3A_2576 : i32 to vector<16xi32>
      %parallel_loop3A_2578 = arith.addi %parallel_loop3A_103, %parallel_loop3A_2577 : vector<16xi32>
      %parallel_loop3A_2579 = tpu.vector_load_idx %arg5[%parallel_loop3A_2578] : memref<5408xi32, #tpu.memory_space<vmem>>[vector<16xi32>], vector<16xi32>,
      %parallel_loop3A_2580 = vector.bitcast %parallel_loop3A_2579 : vector<16xi32> to vector<32xbf16>
      %parallel_loop3A_2581 = arith.addf %parallel_loop3A_2575, %parallel_loop3A_2580 : vector<32xbf16>
      %parallel_loop3A_2582 = arith.constant 20 : i32
      %parallel_loop3A_2583 = vector.broadcast %parallel_loop3A_2582 : i32 to vector<16xi32>
      %parallel_loop3A_2584 = arith.addi %parallel_loop3A_113, %parallel_loop3A_2583 : vector<16xi32>
      %parallel_loop3A_2585 = tpu.vector_load_idx %arg5[%parallel_loop3A_2584] : memref<5408xi32, #tpu.memory_space<vmem>>[vector<16xi32>], vector<16xi32>,
      %parallel_loop3A_2586 = vector.bitcast %parallel_loop3A_2585 : vector<16xi32> to vector<32xbf16>
      %parallel_loop3A_2587 = arith.addf %parallel_loop3A_2581, %parallel_loop3A_2586 : vector<32xbf16>
      %parallel_loop3A_2588 = arith.constant 20 : i32
      %parallel_loop3A_2589 = vector.broadcast %parallel_loop3A_2588 : i32 to vector<16xi32>
      %parallel_loop3A_2590 = arith.addi %parallel_loop3A_123, %parallel_loop3A_2589 : vector<16xi32>
      %parallel_loop3A_2591 = tpu.vector_load_idx %arg5[%parallel_loop3A_2590] : memref<5408xi32, #tpu.memory_space<vmem>>[vector<16xi32>], vector<16xi32>,
      %parallel_loop3A_2592 = vector.bitcast %parallel_loop3A_2591 : vector<16xi32> to vector<32xbf16>
      %parallel_loop3A_2593 = arith.constant 20 : i32
      %parallel_loop3A_2594 = vector.broadcast %parallel_loop3A_2593 : i32 to vector<16xi32>
      %parallel_loop3A_2595 = arith.addi %parallel_loop3A_133, %parallel_loop3A_2594 : vector<16xi32>
      %parallel_loop3A_2596 = tpu.vector_load_idx %arg5[%parallel_loop3A_2595] : memref<5408xi32, #tpu.memory_space<vmem>>[vector<16xi32>], vector<16xi32>,
      %parallel_loop3A_2597 = vector.bitcast %parallel_loop3A_2596 : vector<16xi32> to vector<32xbf16>
      %parallel_loop3A_2598 = arith.addf %parallel_loop3A_2592, %parallel_loop3A_2597 : vector<32xbf16>
      %parallel_loop3A_2599 = arith.constant 20 : i32
      %parallel_loop3A_2600 = vector.broadcast %parallel_loop3A_2599 : i32 to vector<16xi32>
      %parallel_loop3A_2601 = arith.addi %parallel_loop3A_143, %parallel_loop3A_2600 : vector<16xi32>
      %parallel_loop3A_2602 = tpu.vector_load_idx %arg5[%parallel_loop3A_2601] : memref<5408xi32, #tpu.memory_space<vmem>>[vector<16xi32>], vector<16xi32>,
      %parallel_loop3A_2603 = vector.bitcast %parallel_loop3A_2602 : vector<16xi32> to vector<32xbf16>
      %parallel_loop3A_2604 = arith.addf %parallel_loop3A_2598, %parallel_loop3A_2603 : vector<32xbf16>
      %parallel_loop3A_2605 = arith.constant 20 : i32
      %parallel_loop3A_2606 = vector.broadcast %parallel_loop3A_2605 : i32 to vector<16xi32>
      %parallel_loop3A_2607 = arith.addi %parallel_loop3A_153, %parallel_loop3A_2606 : vector<16xi32>
      %parallel_loop3A_2608 = tpu.vector_load_idx %arg5[%parallel_loop3A_2607] : memref<5408xi32, #tpu.memory_space<vmem>>[vector<16xi32>], vector<16xi32>,
      %parallel_loop3A_2609 = vector.bitcast %parallel_loop3A_2608 : vector<16xi32> to vector<32xbf16>
      %parallel_loop3A_2610 = arith.addf %parallel_loop3A_2604, %parallel_loop3A_2609 : vector<32xbf16>
      %parallel_loop3A_2611 = arith.constant 20 : i32
      %parallel_loop3A_2612 = vector.broadcast %parallel_loop3A_2611 : i32 to vector<16xi32>
      %parallel_loop3A_2613 = arith.addi %parallel_loop3A_163, %parallel_loop3A_2612 : vector<16xi32>
      %parallel_loop3A_2614 = tpu.vector_load_idx %arg5[%parallel_loop3A_2613] : memref<5408xi32, #tpu.memory_space<vmem>>[vector<16xi32>], vector<16xi32>,
      %parallel_loop3A_2615 = vector.bitcast %parallel_loop3A_2614 : vector<16xi32> to vector<32xbf16>
      %parallel_loop3A_2616 = arith.addf %parallel_loop3A_2610, %parallel_loop3A_2615 : vector<32xbf16>
      %parallel_loop3A_2617 = arith.constant 20 : i32
      %parallel_loop3A_2618 = vector.broadcast %parallel_loop3A_2617 : i32 to vector<16xi32>
      %parallel_loop3A_2619 = arith.addi %parallel_loop3A_173, %parallel_loop3A_2618 : vector<16xi32>
      %parallel_loop3A_2620 = tpu.vector_load_idx %arg5[%parallel_loop3A_2619] : memref<5408xi32, #tpu.memory_space<vmem>>[vector<16xi32>], vector<16xi32>,
      %parallel_loop3A_2621 = vector.bitcast %parallel_loop3A_2620 : vector<16xi32> to vector<32xbf16>
      %parallel_loop3A_2622 = arith.addf %parallel_loop3A_2616, %parallel_loop3A_2621 : vector<32xbf16>
      %parallel_loop3A_2623 = arith.constant 20 : i32
      %parallel_loop3A_2624 = vector.broadcast %parallel_loop3A_2623 : i32 to vector<16xi32>
      %parallel_loop3A_2625 = arith.addi %parallel_loop3A_183, %parallel_loop3A_2624 : vector<16xi32>
      %parallel_loop3A_2626 = tpu.vector_load_idx %arg5[%parallel_loop3A_2625] : memref<5408xi32, #tpu.memory_space<vmem>>[vector<16xi32>], vector<16xi32>,
      %parallel_loop3A_2627 = vector.bitcast %parallel_loop3A_2626 : vector<16xi32> to vector<32xbf16>
      %parallel_loop3A_2628 = arith.addf %parallel_loop3A_2622, %parallel_loop3A_2627 : vector<32xbf16>
      %parallel_loop3A_2629 = arith.addf %parallel_loop3A_2587, %parallel_loop3A_2628 : vector<32xbf16>
      %parallel_loop3A_2630 = tpu.unpack_subelements %parallel_loop3A_2629, 0 {pack_format = #tpu.pack_format<interleaved>} : vector<32xbf16> -> vector<16xf32>
      %parallel_loop3A_2631 = tpu.unpack_subelements %parallel_loop3A_2629, 1 {pack_format = #tpu.pack_format<interleaved>} : vector<32xbf16> -> vector<16xf32>
      %parallel_loop3A_2632 = arith.constant 82 : i32
      %parallel_loop3A_2633 = vector.broadcast %parallel_loop3A_2632 : i32 to vector<16xi32>
      %parallel_loop3A_2634 = arith.addi %parallel_loop3A_33, %parallel_loop3A_2633 : vector<16xi32>
      tpu.vector_store_idx %arg7[%parallel_loop3A_26, %parallel_loop3A_2634], %parallel_loop3A_2630 : memref<32x2560xf32, #tpu.memory_space<vmem>>[vector<16xi32>, vector<16xi32>], vector<16xf32>,
      %parallel_loop3A_2635 = arith.constant 83 : i32
      %parallel_loop3A_2636 = vector.broadcast %parallel_loop3A_2635 : i32 to vector<16xi32>
      %parallel_loop3A_2637 = arith.addi %parallel_loop3A_33, %parallel_loop3A_2636 : vector<16xi32>
      tpu.vector_store_idx %arg7[%parallel_loop3A_26, %parallel_loop3A_2637], %parallel_loop3A_2631 : memref<32x2560xf32, #tpu.memory_space<vmem>>[vector<16xi32>, vector<16xi32>], vector<16xf32>,
      %parallel_loop3A_2638 = arith.constant 20 : i32
      %parallel_loop3A_2639 = vector.broadcast %parallel_loop3A_2638 : i32 to vector<16xi32>
      %parallel_loop3A_2640 = arith.addi %parallel_loop3A_193, %parallel_loop3A_2639 : vector<16xi32>
      %parallel_loop3A_2641 = tpu.vector_load_idx %arg5[%parallel_loop3A_2640] : memref<5408xi32, #tpu.memory_space<vmem>>[vector<16xi32>], vector<16xi32>,
      %parallel_loop3A_2642 = vector.bitcast %parallel_loop3A_2641 : vector<16xi32> to vector<32xbf16>
      %parallel_loop3A_2643 = tpu.unpack_subelements %parallel_loop3A_2642, 0 {pack_format = #tpu.pack_format<interleaved>} : vector<32xbf16> -> vector<16xf32>
      %parallel_loop3A_2644 = tpu.unpack_subelements %parallel_loop3A_2642, 1 {pack_format = #tpu.pack_format<interleaved>} : vector<32xbf16> -> vector<16xf32>
      %parallel_loop3A_2645 = arith.constant 124 : i32
      %parallel_loop3A_2646 = vector.broadcast %parallel_loop3A_2645 : i32 to vector<16xi32>
      %parallel_loop3A_2647 = arith.addi %parallel_loop3A_33, %parallel_loop3A_2646 : vector<16xi32>
      tpu.vector_store_idx %arg7[%parallel_loop3A_26, %parallel_loop3A_2647], %parallel_loop3A_2643 : memref<32x2560xf32, #tpu.memory_space<vmem>>[vector<16xi32>, vector<16xi32>], vector<16xf32>,
      %parallel_loop3A_2648 = arith.constant 125 : i32
      %parallel_loop3A_2649 = vector.broadcast %parallel_loop3A_2648 : i32 to vector<16xi32>
      %parallel_loop3A_2650 = arith.addi %parallel_loop3A_33, %parallel_loop3A_2649 : vector<16xi32>
      tpu.vector_store_idx %arg7[%parallel_loop3A_26, %parallel_loop3A_2650], %parallel_loop3A_2644 : memref<32x2560xf32, #tpu.memory_space<vmem>>[vector<16xi32>, vector<16xi32>], vector<16xf32>,
      %parallel_loop3A_2651 = arith.constant 126 : i32
      %parallel_loop3A_2652 = vector.broadcast %parallel_loop3A_2651 : i32 to vector<16xi32>
      %parallel_loop3A_2653 = arith.addi %parallel_loop3A_33, %parallel_loop3A_2652 : vector<16xi32>
      tpu.vector_store_idx %arg7[%parallel_loop3A_26, %parallel_loop3A_2653], %broadcast_in_dim3A_1 : memref<32x2560xf32, #tpu.memory_space<vmem>>[vector<16xi32>, vector<16xi32>], vector<16xf32>,
      %parallel_loop3A_2654 = arith.constant 127 : i32
      %parallel_loop3A_2655 = vector.broadcast %parallel_loop3A_2654 : i32 to vector<16xi32>
      %parallel_loop3A_2656 = arith.addi %parallel_loop3A_33, %parallel_loop3A_2655 : vector<16xi32>
      tpu.vector_store_idx %arg7[%parallel_loop3A_26, %parallel_loop3A_2656], %broadcast_in_dim3A_1 : memref<32x2560xf32, #tpu.memory_space<vmem>>[vector<16xi32>, vector<16xi32>], vector<16xf32>,
    } {sc.loop_unroll_factor = 1 : i64, sc.parallel_access}
    %mul3A_7 = arith.constant 32 : i32
    %mul3A_8 = arith.muli %add3A, %mul3A_7 : i32
    "tpu.region"() ({
      %run_scoped3A = tpu.sem_alloc : memref<!tpu.dma_semaphore, #tpu.memory_space<semaphore_mem>>
      %dma_start3A = arith.constant 0 : i32
      %dma_start3A_9 = tpu.memref_slice %arg4[%mul3A_8, %dma_start3A] : memref<1024x2560xf32, #tpu.memory_space<hbm>> -> memref<32x2560xf32, #tpu.memory_space<hbm>>
      %dma_start3A_10 = arith.constant 0 : i32
      %dma_start3A_11 = tpu.memref_slice %arg4[%mul3A_8, %dma_start3A_10] : memref<1024x2560xf32, #tpu.memory_space<hbm>> -> memref<32x2560xf32, #tpu.memory_space<hbm>>
      tpu.enqueue_dma source(%arg7 : memref<32x2560xf32, #tpu.memory_space<vmem>>) target(%dma_start3A_11 : memref<32x2560xf32, #tpu.memory_space<hbm>>) target_semaphore(%run_scoped3A : memref<!tpu.dma_semaphore, #tpu.memory_space<semaphore_mem>>)
      %dma_wait3A = arith.constant 0 : i32
      %dma_wait3A_12 = tpu.memref_slice %arg4[%mul3A_8, %dma_wait3A] : memref<1024x2560xf32, #tpu.memory_space<hbm>> -> memref<32x2560xf32, #tpu.memory_space<hbm>>
      %dma_wait3A_13 = arith.constant 0 : i32
      %dma_wait3A_14 = tpu.memref_slice %arg4[%mul3A_8, %dma_wait3A_13] : memref<1024x2560xf32, #tpu.memory_space<hbm>> -> memref<32x2560xf32, #tpu.memory_space<hbm>>
      tpu.wait_dma2 semaphore(%run_scoped3A : memref<!tpu.dma_semaphore, #tpu.memory_space<semaphore_mem>>) src(%arg7 : memref<32x2560xf32, #tpu.memory_space<vmem>>) dst(%dma_wait3A_14 : memref<32x2560xf32, #tpu.memory_space<hbm>>)
      tpu.yield
    }) : () -> ()
    return
  }
}

</mosaic_0001>

<sc_bundles>
// kernel: kernel.3.cloned.1.call-start
scs
__scs_entry_jumppad:
0x0: {  	(pc) =	sbr.rel $0x88, $3  }
0x1: {  	(tag) =	ssettag $0x0;
	lr =	simm.s32 $0x1  }
0x2: {  	[smem:$0x3F9F] =	sst lr;
	_ =	strace $0xD0000000  }
0x3: {  	_ = 	snop  }
0x4: {  	_ = 	snop  }
0x5: {  	_ = 	snop  }
0x6: {  	_ = 	snop  }
0x7: {  	_ = 	snop  }
__scs_overlays_trampoline_lowered:
0x8: {  	[smem:$0x3FAE] =	sst s0  }
0x9: {  	[smem:$0x3FAF] =	sst s1  }
0xa: {  	[smem:$0x3FB0] =	sst s2  }
0xb: {  	[smem:$0x3FB1] =	sst s3  }
0xc: {  	[smem:$0x3FB2] =	sst s4  }
0xd: {  	[smem:$0x3FB3] =	sst s5  }
0xe: {  	[smem:$0x3FB4] =	sst s6  }
0xf: {  	[smem:$0x3FB5] =	sst s7  }
0x10: {  	[smem:$0x3FB6] =	sst s8  }
0x11: {  	[smem:$0x3FB7] =	sst s9;
	s0 =	simm.s32 @!p0 $0x0  }
0x12: {  	s1 =	sld [smem:$0x3F9D];
	s0 =	simm.s32 @p0 $0x1  }
0x13: {  	[smem:$0x3FB8] =	sst s0;
	s0 =	simm.s32 @!p1 $0x0  }
0x14: {  	s2 =	sld [smem:$0x3F9C];
	s0 =	simm.s32 @p1 $0x1  }
0x15: {  	[smem:$0x3FB9] =	sst s0;
	s0 =	simm.s32 @!p2 $0x0  }
0x16: {  	s3 =	sld [smem:$0x3FDB];
	s0 =	simm.s32 @p2 $0x1  }
0x17: {  	s4 =	simm.s32 $0x1BF5;
	[smem:$0x3FBB] =	sst s0  }
0x18: {  	s0 =	sld [smem:$0x3F9E];
	_ =	swait.ge [sflag:s4], $0x0  }
0x19: {  	s7 =	sld [smem:$0x3F9F]  }
0x1a: {  	s8 =	sadd.s32 $0xFFFFE003, lr  }
0x1b: {  	s9 =	sadd.s32 $0xFFFFFEF7, lr;
	s5 =	simm.s32 $0xFFFFFFFF;
	p2 =	slt.u32 s8, $0xFFFFF086  }
0x1c: {  	p1 =	slt.u32 s9, $0xF7A;
	s5 =	simm.s32 @!p2 $0x0  }
0x1d: {  	s5 =	simm.s32 @p1 $0x1;
	p0 =	seq.s32 s7, s2  }
0x1e: {  	s7 =	smul.u32 @!p0 $0xF7A, s2;
	p2 =	seq.s32 @!p0 s5, $0x0  }
0x1f: {  	s9 =	smul.u32 $0xF7A, s1;
	s8 =	simm.s32 @!p0 $0x1BF5;
	p2 =	por !p2, p0  }
0x20: {  	[sflag:s8] =	ssyncset.s32 @!p0 $0xFFFFF086;
	s6 =	sadd.s32 @!p0 s3, s7;
	s7 =	simm.s32 @!p0 $0x108  }
0x21: {  	s3 =	sadd.s32 s3, s9;
	s6 =	sadd.s32 @!p0 $0x88, s6;
	s7 =	simm.s32 @p2 $0x1082  }
0x22: {  	[simem:s7], [sflag:s8] =	dma.local @!p0 [hbm:s6], $0xF7A  }
0x23: {  	s9 =	sor.u32 $0xD0000000, s2;
	s6 =	simm.s32 $0x108;
	_ =	swait.ge @!p0 [sflag:s8], $0x0  }
0x24: {  	s3 =	sadd.s32 $0x88, s3;
	s6 =	simm.s32 @!p1 $0x1082;
	[sflag:s4] =	ssyncset.s32 $0xFFFFF086  }
0x25: {  	[simem:s6], [sflag:s4] =	dma.local [hbm:s3], $0xF7A  }
0x26: {  	[smem:$0x3F9F] =	sst s1;
	(tag) =	ssettag s2;
	_ =	strace s9  }
0x27: {  	s1 =	sld [smem:$0x3FAF]  }
0x28: {  	s2 =	sld [smem:$0x3FB0]  }
0x29: {  	s4 =	sld [smem:$0x3FB2]  }
0x2a: {  	p0 =	seq.s32 s5, $0x0;
	s5 =	sld [smem:$0x3FB3]  }
0x2b: {  	s6 =	sld [smem:$0x3FB4]  }
0x2c: {  	s7 =	sld [smem:$0x3FB5]  }
0x2d: {  	s3 =	simm.s32 $0x108;
	s8 =	sld [smem:$0x3FB6]  }
0x2e: {  	s3 =	simm.s32 @!p0 $0x1082;
	s9 =	sld [smem:$0x3FB7]  }
0x2f: {  	lr =	sadd.s32 s0, s3;
	s0 =	sld [smem:$0x3FAE]  }
0x30: {  	s3 =	sld [smem:$0x3FB1]  }
0x31: {  	[smem:$0x3FBA] =	sst s10  }
0x32: {  	s10 =	sld [smem:$0x3FB8];
	_ =	sdelay $0x3  }
0x33: {  	p0 =	seq.s32 s10, $0x1;
	s10 =	sld [smem:$0x3FBA];
	_ =	sdelay $0x3  }
0x34: {  	[smem:$0x3FBA] =	sst s10  }
0x35: {  	s10 =	sld [smem:$0x3FB9];
	_ =	sdelay $0x3  }
0x36: {  	p1 =	seq.s32 s10, $0x1;
	s10 =	sld [smem:$0x3FBA];
	_ =	sdelay $0x3  }
0x37: {  	[smem:$0x3FBA] =	sst s10  }
0x38: {  	s10 =	sld [smem:$0x3FBB]  }
0x39: {  	_ = 	snop;
	(pc) =	sbr.ind lr, $3  }
0x3a: {  	_ = 	snop  }
0x3b: {  	_ = 	snop  }
0x3c: {  	p2 =	seq.s32 s10, $0x1;
	s10 =	sld [smem:$0x3FBA]  }
0x3d: {  	_ =	shalt  }
0x3e: {  	_ =	shalt  }
0x3f: {  	_ =	shalt  }
0x40: {  	_ =	shalt  }
0x41: {  	_ =	shalt  }
0x42: {  	_ =	shalt  }
0x43: {  	_ =	shalt  }
0x44: {  	_ =	shalt  }
0x45: {  	_ =	shalt  }
0x46: {  	_ =	shalt  }
0x47: {  	_ =	shalt  }
0x48: {  	_ =	shalt  }
0x49: {  	_ =	shalt  }
0x4a: {  	_ =	shalt  }
0x4b: {  	_ =	shalt  }
0x4c: {  	_ =	shalt  }
0x4d: {  	_ =	shalt  }
0x4e: {  	_ =	shalt  }
0x4f: {  	_ =	shalt  }
0x50: {  	_ =	shalt  }
0x51: {  	_ =	shalt  }
0x52: {  	_ =	shalt  }
0x53: {  	_ =	shalt  }
0x54: {  	_ =	shalt  }
0x55: {  	_ =	shalt  }
0x56: {  	_ =	shalt  }
0x57: {  	_ =	shalt  }
0x58: {  	_ =	shalt  }
0x59: {  	_ =	shalt  }
0x5a: {  	_ =	shalt  }
0x5b: {  	_ =	shalt  }
0x5c: {  	_ =	shalt  }
0x5d: {  	_ =	shalt  }
0x5e: {  	_ =	shalt  }
0x5f: {  	_ =	shalt  }
0x60: {  	_ =	shalt  }
0x61: {  	_ =	shalt  }
0x62: {  	_ =	shalt  }
0x63: {  	_ =	shalt  }
0x64: {  	_ =	shalt  }
0x65: {  	_ =	shalt  }
0x66: {  	_ =	shalt  }
0x67: {  	_ =	shalt  }
0x68: {  	_ =	shalt  }
0x69: {  	_ =	shalt  }
0x6a: {  	_ =	shalt  }
0x6b: {  	_ =	shalt  }
0x6c: {  	_ =	shalt  }
0x6d: {  	_ =	shalt  }
0x6e: {  	_ =	shalt  }
0x6f: {  	_ =	shalt  }
0x70: {  	_ =	shalt  }
0x71: {  	_ =	shalt  }
0x72: {  	_ =	shalt  }
0x73: {  	_ =	shalt  }
0x74: {  	_ =	shalt  }
0x75: {  	_ =	shalt  }
0x76: {  	_ =	shalt  }
0x77: {  	_ =	shalt  }
0x78: {  	_ =	shalt  }
0x79: {  	_ =	shalt  }
0x7a: {  	_ =	shalt  }
0x7b: {  	_ =	shalt  }
0x7c: {  	_ =	shalt  }
0x7d: {  	_ =	shalt  }
0x7e: {  	_ =	shalt  }
0x7f: {  	_ =	shalt  }
0x80: {  	_ =	shalt  }
0x81: {  	_ =	shalt  }
0x82: {  	_ =	shalt  }
0x83: {  	_ =	shalt  }
0x84: {  	_ =	shalt  }
0x85: {  	_ =	shalt  }
0x86: {  	_ =	shalt  }
0x87: {  	_ =	shalt  }
.Lfunc_end0:
.L_simem_size_0:
called_computation_lowered:
.L_overlay_start_0:
0x88: {  	s2 =	sld [smem:$0x3FD9]  }
0x89: {  	s3 =	sld [smem:$0x3FFE];
	_ =	sdelay $0x1  }
0x8a: {  	s1 =	srdreg.scid  }
0x8b: {  	s0 =	sand.u32 $0x1, s1  }
0x8c: {  	s17 =	sshll.u32 s0, $0xA;
	s2 =	sadd.s32 s3, s2  }
0x8d: {  	s2 =	sadd.s32 s2, s17  }
0x8e: {  	[smem:$0x3FC6] =	sst s2  }
0x8f: {  	_ = 	snop  }
0x90: {  	s2 =	sld [smem:$0x3FD0];
	(tm) =	ssettm $0x1  }
0x91: {  	s18 =	sld [smem:$0x3FFB];
	_ =	sdelay $0x3  }
0x92: {  	_ =	strace s18  }
0x93: {  	s3 =	sld [smem:$0x3FFC];
	_ =	sdelay $0x3  }
0x94: {  	_ =	strace s3  }
0x95: {  	s3 =	sld [smem:$0x3FFD];
	_ =	sdelay $0x3  }
0x96: {  	_ =	strace s3  }
0x97: {  	_ =	strace $0x8FFFFFFF  }
0x98: {  	s19 =	sld [smem:$0x3FDB];
	_ =	sdelay $0x1  }
0x99: {  	s4 =	simm.s32 $_scs_section_size  }
0x9a: {  	s5 =	simm.s32 $_size__tile_overlayer_lowered;
	s6 =	simm.s32 $_tile_overlayer_lowered  }
0x9b: {  	s22 =	simm.s32 $0x1BFF;
	s21 =	sshll.u32 s6, $0x1;
	s3 =	sadd.s32 s4, s19  }
0x9c: {  	s7 =	simm.s32 $0x0;
	s20 =	sshll.u32 s5, $0x1;
	s5 =	sadd.s32 s21, s3  }
0x9d: {  	[timem:s7], [sflag:s22] =	dma.local [hbm:s5], s20  }
0x9e: {  	_ =	swait.ge [sflag:s22], s20  }
0x9f: {  	s4 =	ssub.s32 $0x0, s20;
	[sflag:s22] =	ssyncset.done $0x0  }
0xa0: {  	[sflag:s22] =	ssyncadd.s32 s4;
	_ =	sdelay $0x1  }
0xa1: {  	s23 =	simm.s32 $0x1B8B  }
0xa2: {  	_ =	swait.ge [sflag:s23], $0x1  }
0xa3: {  	[sflag:s23] =	ssyncset.done $0x0  }
0xa4: {  	s25 =	simm.s32 $0x1B8E;
	s24 =	sld [smem:$0x3FFE];
	[sflag:s23] =	ssyncadd.s32 $0xFFFFFFFF  }
0xa5: {  	s26 =	simm.s32 $execute0_lowered;
	[smem:$0x3FD2] =	sst s25  }
0xa6: {  	s5 =	sshll.u32 s26, $0x1;
	_ =	strace $0x80000046;
	[dreg:$0x1] =	wrdreg $0xFFFFFFFF  }
0xa7: {  	s28 =	simm.s32 $_size_execute0_lowered;
	s3 =	sadd.s32 s3, s5;
	[dreg:$0x0] =	wrdreg $0x0  }
0xa8: {  	s5 =	sshll.u32 s28, $0x1;
	[dreg:$0x2] =	wrdreg s3  }
0xa9: {  	[dreg:$0x3] =	wrdreg s5  }
0xaa: {  	[dreg:$0x4] =	wrdreg $0xC0  }
0xab: {  	_ =	task [dreg:s7], $0x5FFFF  }
0xac: {  	[dreg:$0x1] =	wrdreg $0xFFFFFFFF  }
0xad: {  	[dreg:$0x0] =	wrdreg $0x60  }
0xae: {  	[dreg:$0x2] =	wrdreg s24  }
0xaf: {  	[dreg:$0x3] =	wrdreg s2  }
0xb0: {  	[dreg:$0x4] =	wrdreg $0x9  }
0xb1: {  	_ =	task.clear_ibuf [dreg:s7], $0x5FFFF;
	_ =	strace $0x90000046  }
0xb2: {  	s29 =	simm.s32 $0x9;
	_ =	strace $0x80000048  }
0xb3: {  	_ =	swait.ge [sflag:s29], $0x1  }
0xb4: {  	[sflag:s29] =	ssyncadd.s32 $0xFFFFFFFF  }
0xb5: {  	_ =	strace $0x90000048  }
0xb6: {  	_ =	sfence  }
0xb7: {  	s30 =	sld [smem:$0x0];
	_ =	sdelay $0x2  }
0xb8: {  	s31 =	sshll.u32 s1, $0xD;
	s1 =	sshrl.u32 s1, $0x2  }
0xb9: {  	s3 =	sand.u32 $0x4000, s31;
	s1 =	sadd.s32 s1, s30  }
0xba: {  	s0 =	sor.u32 s3, s0;
	s1 =	sshll.u32 s1, $0x11  }
0xbb: {  	s0 =	sor.u32 s1, s0  }
0xbc: {  	s0 =	sadd.s32 $0x8F2B, s0  }
0xbd: {  	[sflag:s0] =	ssyncadd.remote.s32 $0x1  }
0xbe: {  	_ =	sfence.sel $0xFFFF  }
0xbf: {  	[dreg:$0x0] =	wrdreg $0xFFFFFFFF;
	(pc) =	sbr.abs _section_cstart, $3  }
0xc0: {  	[dreg:$0x1] =	wrdreg $0xFFFFFFFF  }
0xc1: {  	_ =	task.clear_ibuf [dreg:s7], $0x2FFFF;
	_ =	strace $0x9FFFFFFF  }
0xc2: {  	(tm) =	ssettm $0x7FFFFFFF  }
0xc3: {  	_ =	shalt  }
tec
execute0_lowered:
.L_overlay_start_1:
0x0: {  	(tag) =	ssettag $0x1  }
0x1: {  	s4 =	rddreg [dreg:$0x0]  }
0x2: {  	s5 =	rddreg [dreg:$0x1];
	s2 =	srdreg.scid  }
0x3: {  	s1 =	stileid.u32;
	s0 =	rddreg [dreg:$0x2];
	s6 =	sand.u32 $0x1, s2  }
0x4: {  	s3 =	sshll.u32 s1, $0x1;
	s2 =	simm.s32 $0x0;
	s26 =	sshrl.u32 s1, $0x2  }
0x5: {  	s11 =	smul.u32 $0x500, s1;
	s7 =	sor.u32 s6, s3;
	[smem:$0x7FF] =	sst s2  }
0x6: {  	s8 =	smul.u32 $0x14000, s26;
	s3 =	sadd.s32 $0xA400, s4;
	s10 =	ssub.s32 $0x2, s6  }
0x7: {  	s12 =	smul.u32 $0x280, s6;
	s28 =	sshll.u32 s7, $0x7;
	_ =	strace $0x80000047  }
0x8: {  	s29 =	smul.u32 $0x2800, s7;
	s30 =	sshrl.u32 s10, $0x1;
	s13 =	sshll.u32 s7, $0x5  }
0x9: {  	s9 =	sand.u32 $0x380, s28;
	s31 =	ssub.s32 s10, s30;
	s7 =	sadd.s32 s12, s11  }
0xa: {  	s10 =	simm.s32 $0x400;
	s11 =	simm.s32 $0x1580;
	s8 =	sor.u32 s8, s9  }
0xb: {  	v1 =	vmov s13;
	s12 =	simm.s32 $0x3D80;
	s13 =	simm.s32 $0x0;
	s8 =	sshrl.u32 s8, $0x3  }
0xc: {  	v0 =	vlaneseq.u32;
	s5 =	sadd.s32 s5, s29;
	s6 =	smax.u32 s31, $0x1;
	s4 =	sadd.s32 s8, s4  }
0xd: {  	v3 =	vimm.f32 $0.0e+00;
	v2 =	vmul.u32 $0x10, v0;
	s9 =	simm.s32 $0x80;
	s8 =	simm.s32 $0x1;
	s4 =	sadd.s32 $0x400, s4  }
.LBB2_1:
0xe: {  	[tilespmem:s2], [sflag:$0x1] =	stream.linear.gather [hbm4b:s3+s2], $0x1580, $0x38;
	[tilespmem:$0x17D80] =	vst v63  }
0xf: {  	_ =	swait.ge [sflag:s8], $0x1580  }
0x10: {  	[sflag:s8] =	ssyncset.done $0x0  }
0x11: {  	[sflag:s8] =	ssyncadd.s32 $0xFFFFEA80  }
0x12: {  	[tilespmem:s11], [sflag:$0x1] =	stream.strided.gather [hbm4b:s4+s9], $0x2800, s10, s9, $0x38;
	[tilespmem:$0x17D80] =	vst v63  }
0x13: {  	_ =	swait.ge [sflag:s8], $0x2800  }
0x14: {  	[sflag:s8] =	ssyncset.done $0x0  }
0x15: {  	s14 =	simm.s32 $0xF;
	s15 =	smov.u32 s7;
	[sflag:s8] =	ssyncadd.s32 $0xFFFFD800  }
.LBB2_2:
0x16: {  	s16 =	sadd.s32 $0xFFFFFFF1, s14  }
0x17: {  	v4 =	vor.u32 s16, v2;
	_ =	sdelay $0x1  }
0x18: {  	s17 =	sadd.s32 $0xFFFFFFF2, s14;
	v28 =	vor.u32 s14, v2  }
0x19: {  	s18 =	sadd.s32 $0xFFFFFFF3, s14;
	v5 =	vor.u32 s17, v2  }
0x1a: {  	s19 =	sadd.s32 $0xFFFFFFF4, s14;
	v6 =	vor.u32 s18, v2  }
0x1b: {  	s21 =	sadd.s32 $0xFFFFFFF6, s14;
	v7 =	vor.u32 s19, v2;
	v4 =	vld.idx.msk [tilespmem:v4+s11+$0x0], $0xffff  }
0x1c: {  	s22 =	sadd.s32 $0xFFFFFFF7, s14;
	v9 =	vor.u32 s21, v2  }
0x1d: {  	s24 =	sadd.s32 $0xFFFFFFF9, s14;
	v11 =	vor.u32 s22, v2;
	v26 =	vld.idx.msk [tilespmem:v28+s11+$0x0], $0xffff  }
0x1e: {  	v13 =	vor.u32 s15, v0;
	s25 =	sadd.s32 $0xFFFFFFFA, s14;
	v58 =	vor.u32 s24, v2;
	v10 =	vld.idx.msk [tilespmem:v5+s11+$0x0], $0xffff  }
0x1f: {  	s26 =	sadd.s32 $0xFFFFFFFB, s14;
	v15 =	vmul.u32 $0xCCCD, v13;
	v16 =	vor.u32 s25, v2;
	v12 =	vld.idx.msk [tilespmem:v6+s11+$0x0], $0xffff  }
0x20: {  	v14 =	vld.idx.msk [tilespmem:v7+s11+$0x0], $0xffff;
	v5 =	vmul.u32 $0x15, v4;
	v4 =	vor.u32 s26, v2  }
0x21: {  	s20 =	sadd.s32 $0xFFFFFFF5, s14;
	v59 =	vshra.s32 v15, $0x14;
	v17 =	vld.idx.msk [tilespmem:v9+s11+$0x0], $0xffff  }
0x22: {  	s23 =	sadd.s32 $0xFFFFFFF8, s14;
	v8 =	vor.u32 s20, v2;
	v60 =	vsub.s32 v59, v1;
	v15 =	vmul.u32 $0x3FFFEC, v59;
	v19 =	vld.idx.msk [tilespmem:v11+s11+$0x0], $0xffff  }
0x23: {  	s28 =	sadd.s32 $0xFFFFFFFC, s14;
	v57 =	vor.u32 s23, v2;
	v7 =	vld.idx.msk [tilespmem:v58+s11+$0x0], $0xffff;
	v11 =	vshrl.u32 v60, $0x3  }
0x24: {  	s29 =	sadd.s32 $0xFFFFFFFD, s14;
	v61 =	vor.u32 s28, v2;
	v13 =	vadd.s32 v13, v15;
	v62 =	vld.idx.msk [tilespmem:v16+s11+$0x0], $0xffff;
	v11 =	vmul.u32 $0x5000, v11  }
0x25: {  	s30 =	sadd.s32 $0xFFFFFFFE, s14;
	v18 =	vor.u32 s29, v2;
	v9 =	vshll.u32 v59, $0x7;
	v21 =	vld.idx.msk [tilespmem:v4+s11+$0x0], $0xffff;
	v4 =	vshll.u32 v13, $0xA  }
0x26: {  	s31 =	sadd.s32 $0xFFFFFFFF, s14;
	v63 =	vor.u32 s30, v2;
	v9 =	vand.u32 $0x380, v9;
	v23 =	vld.idx.msk [tilespmem:v5+s2+$0x0], $0xffff;
	v4 =	vadd.s32 v4, v11  }
0x27: {  	v22 =	vor.u32 s31, v2;
	v8 =	vld.idx.msk [tilespmem:v8+s11+$0x0], $0xffff;
	v4 =	vor.u32 v9, v4  }
0x28: {  	v20 =	vld.idx.msk [tilespmem:v57+s11+$0x0], $0xffff;
	v6 =	vmul.u32 $0x15, v10;
	v29 =	vor.u32 $0x1, v4  }
0x29: {  	v24 =	vld.idx.msk [tilespmem:v61+s11+$0x0], $0xffff;
	v9 =	vmul.u32 $0x15, v12  }
0x2a: {  	v25 =	vld.idx.msk [tilespmem:v18+s11+$0x0], $0xffff;
	v11 =	vmul.u32 $0x15, v7  }
0x2b: {  	v16 =	vld.idx.msk [tilespmem:v63+s11+$0x0], $0xffff;
	v7 =	vmul.u32 $0x15, v62;
	v30 =	vunpack.i.l.bf16.f32 v23  }
0x2c: {  	v22 =	vld.idx.msk [tilespmem:v22+s11+$0x0], $0xffff;
	v10 =	vmul.u32 $0x15, v14;
	v31 =	vunpack.i.u.bf16.f32 v23;
	[tilespmem:v4+s12+$0x0] =	vst.idx.msk $0xffff, v30  }
0x2d: {  	v13 =	vmul.u32 $0x15, v21;
	[tilespmem:v29+s12+$0x0] =	vst.idx.msk $0xffff, v31  }
0x2e: {  	v12 =	vmul.u32 $0x15, v8;
	v32 =	vld.idx.msk [tilespmem:v6+s2+$0x0], $0xffff  }
0x2f: {  	v14 =	vmul.u32 $0x15, v24;
	v33 =	vld.idx.msk [tilespmem:v9+s2+$0x0], $0xffff  }
0x30: {  	v18 =	vmul.u32 $0x15, v17;
	v34 =	vld.idx.msk [tilespmem:v11+s2+$0x0], $0xffff  }
0x31: {  	v15 =	vmul.u32 $0x15, v25;
	v35 =	vld.idx.msk [tilespmem:v7+s2+$0x0], $0xffff  }
0x32: {  	v19 =	vmul.u32 $0x15, v19;
	v36 =	vld.idx.msk [tilespmem:v10+s2+$0x0], $0xffff  }
0x33: {  	v16 =	vmul.u32 $0x15, v16;
	v27 =	vld.idx.msk [tilespmem:v13+s2+$0x0], $0xffff  }
0x34: {  	v20 =	vmul.u32 $0x15, v20;
	v28 =	vld.idx.msk [tilespmem:v12+s2+$0x0], $0xffff  }
0x35: {  	v8 =	vmul.u32 $0x15, v22;
	v37 =	vld.idx.msk [tilespmem:v14+s2+$0x0], $0xffff  }
0x36: {  	v38 =	vld.idx.msk [tilespmem:v18+s2+$0x0], $0xffff;
	v21 =	vadd.bf16 v33, v32;
	v17 =	vadd.bf16 v35, v34  }
0x37: {  	v39 =	vld.idx.msk [tilespmem:v15+s2+$0x0], $0xffff  }
0x38: {  	v40 =	vld.idx.msk [tilespmem:v19+s2+$0x0], $0xffff;
	v21 =	vadd.bf16 v36, v21;
	v17 =	vadd.bf16 v27, v17  }
0x39: {  	v41 =	vld.idx.msk [tilespmem:v16+s2+$0x0], $0xffff  }
0x3a: {  	v42 =	vld.idx.msk [tilespmem:v20+s2+$0x0], $0xffff;
	v21 =	vadd.bf16 v28, v21;
	v17 =	vadd.bf16 v37, v17  }
0x3b: {  	v43 =	vld.idx.msk [tilespmem:v8+s2+$0x0], $0xffff  }
0x3c: {  	v21 =	vadd.bf16 v38, v21;
	v17 =	vadd.bf16 v39, v17;
	_ =	sdelay $0x1  }
0x3d: {  	v21 =	vadd.bf16 v40, v21;
	v17 =	vadd.bf16 v41, v17;
	_ =	sdelay $0x1  }
0x3e: {  	v44 =	vor.u32 $0x2A, v4;
	v21 =	vadd.bf16 v42, v21;
	v22 =	vadd.bf16 v43, v17  }
0x3f: {  	v45 =	vor.u32 $0x2B, v4;
	v17 =	vmul.u32 $0x15, v26  }
0x40: {  	v21 =	vadd.bf16 v22, v21;
	_ =	sdelay $0x1  }
0x41: {  	v22 =	vunpack.i.l.bf16.f32 v21  }
0x42: {  	v21 =	vunpack.i.u.bf16.f32 v21;
	[tilespmem:v44+s12+$0x0] =	vst.idx.msk $0xffff, v22  }
0x43: {  	[tilespmem:v45+s12+$0x0] =	vst.idx.msk $0xffff, v21  }
0x44: {  	v21 =	vld.idx.msk [tilespmem:v17+s2+$0x0], $0xffff  }
0x45: {  	v46 =	vor.u32 $0x54, v4  }
0x46: {  	v47 =	vor.u32 $0x55, v4  }
0x47: {  	v48 =	vadd.s32 $0x1, v5;
	_ =	sdelay $0x1  }
0x48: {  	v49 =	vunpack.i.l.bf16.f32 v21  }
0x49: {  	v21 =	vunpack.i.u.bf16.f32 v21;
	[tilespmem:v46+s12+$0x0] =	vst.idx.msk $0xffff, v49  }
0x4a: {  	[tilespmem:v47+s12+$0x0] =	vst.idx.msk $0xffff, v21  }
0x4b: {  	v21 =	vld.idx.msk [tilespmem:v48+s2+$0x0], $0xffff  }
0x4c: {  	v50 =	vor.u32 $0x2, v4  }
0x4d: {  	v51 =	vor.u32 $0x3, v4  }
0x4e: {  	v52 =	vadd.s32 $0x1, v6  }
0x4f: {  	v53 =	vadd.s32 $0x1, v9  }
0x50: {  	v55 =	vadd.s32 $0x1, v11;
	v54 =	vunpack.i.l.bf16.f32 v21  }
0x51: {  	v56 =	vadd.s32 $0x1, v7;
	v21 =	vunpack.i.u.bf16.f32 v21;
	[tilespmem:v50+s12+$0x0] =	vst.idx.msk $0xffff, v54  }
0x52: {  	v57 =	vadd.s32 $0x1, v10;
	[tilespmem:v51+s12+$0x0] =	vst.idx.msk $0xffff, v21  }
0x53: {  	v58 =	vadd.s32 $0x1, v13;
	v23 =	vld.idx.msk [tilespmem:v52+s2+$0x0], $0xffff  }
0x54: {  	v59 =	vadd.s32 $0x1, v12;
	v25 =	vld.idx.msk [tilespmem:v53+s2+$0x0], $0xffff  }
0x55: {  	v60 =	vadd.s32 $0x1, v14;
	v27 =	vld.idx.msk [tilespmem:v55+s2+$0x0], $0xffff  }
0x56: {  	v29 =	vadd.s32 $0x1, v18;
	v22 =	vld.idx.msk [tilespmem:v56+s2+$0x0], $0xffff  }
0x57: {  	v30 =	vadd.s32 $0x1, v15;
	v21 =	vld.idx.msk [tilespmem:v57+s2+$0x0], $0xffff  }
0x58: {  	v31 =	vadd.s32 $0x1, v19;
	v24 =	vld.idx.msk [tilespmem:v58+s2+$0x0], $0xffff  }
0x59: {  	v32 =	vadd.s32 $0x1, v16;
	v26 =	vld.idx.msk [tilespmem:v59+s2+$0x0], $0xffff  }
0x5a: {  	v33 =	vadd.s32 $0x1, v20;
	v28 =	vld.idx.msk [tilespmem:v60+s2+$0x0], $0xffff  }
0x5b: {  	v62 =	vadd.s32 $0x1, v8;
	v61 =	vld.idx.msk [tilespmem:v29+s2+$0x0], $0xffff;
	v23 =	vadd.bf16 v25, v23;
	v22 =	vadd.bf16 v22, v27  }
0x5c: {  	v63 =	vld.idx.msk [tilespmem:v30+s2+$0x0], $0xffff  }
0x5d: {  	v34 =	vld.idx.msk [tilespmem:v31+s2+$0x0], $0xffff;
	v21 =	vadd.bf16 v21, v23;
	v22 =	vadd.bf16 v24, v22  }
0x5e: {  	v35 =	vld.idx.msk [tilespmem:v32+s2+$0x0], $0xffff  }
0x5f: {  	v36 =	vld.idx.msk [tilespmem:v33+s2+$0x0], $0xffff;
	v21 =	vadd.bf16 v26, v21;
	v22 =	vadd.bf16 v28, v22  }
0x60: {  	v27 =	vld.idx.msk [tilespmem:v62+s2+$0x0], $0xffff  }
0x61: {  	v21 =	vadd.bf16 v61, v21;
	v22 =	vadd.bf16 v63, v22;
	_ =	sdelay $0x1  }
0x62: {  	v21 =	vadd.bf16 v34, v21;
	v22 =	vadd.bf16 v35, v22;
	_ =	sdelay $0x1  }
0x63: {  	v37 =	vor.u32 $0x2C, v4;
	v21 =	vadd.bf16 v36, v21;
	v22 =	vadd.bf16 v27, v22  }
0x64: {  	v38 =	vor.u32 $0x2D, v4  }
0x65: {  	v39 =	vadd.s32 $0x1, v17;
	v21 =	vadd.bf16 v22, v21;
	_ =	sdelay $0x1  }
0x66: {  	v40 =	vunpack.i.l.bf16.f32 v21  }
0x67: {  	v21 =	vunpack.i.u.bf16.f32 v21;
	[tilespmem:v37+s12+$0x0] =	vst.idx.msk $0xffff, v40  }
0x68: {  	[tilespmem:v38+s12+$0x0] =	vst.idx.msk $0xffff, v21  }
0x69: {  	v21 =	vld.idx.msk [tilespmem:v39+s2+$0x0], $0xffff  }
0x6a: {  	v41 =	vor.u32 $0x56, v4  }
0x6b: {  	v42 =	vor.u32 $0x57, v4  }
0x6c: {  	v43 =	vadd.s32 $0x2, v5;
	_ =	sdelay $0x1  }
0x6d: {  	v44 =	vunpack.i.l.bf16.f32 v21  }
0x6e: {  	v21 =	vunpack.i.u.bf16.f32 v21;
	[tilespmem:v41+s12+$0x0] =	vst.idx.msk $0xffff, v44  }
0x6f: {  	[tilespmem:v42+s12+$0x0] =	vst.idx.msk $0xffff, v21  }
0x70: {  	v21 =	vld.idx.msk [tilespmem:v43+s2+$0x0], $0xffff  }
0x71: {  	v45 =	vor.u32 $0x4, v4  }
0x72: {  	v46 =	vor.u32 $0x5, v4  }
0x73: {  	v47 =	vadd.s32 $0x2, v6  }
0x74: {  	v48 =	vadd.s32 $0x2, v9  }
0x75: {  	v50 =	vadd.s32 $0x2, v11;
	v49 =	vunpack.i.l.bf16.f32 v21  }
0x76: {  	v51 =	vadd.s32 $0x2, v7;
	v21 =	vunpack.i.u.bf16.f32 v21;
	[tilespmem:v45+s12+$0x0] =	vst.idx.msk $0xffff, v49  }
0x77: {  	v52 =	vadd.s32 $0x2, v10;
	[tilespmem:v46+s12+$0x0] =	vst.idx.msk $0xffff, v21  }
0x78: {  	v53 =	vadd.s32 $0x2, v13;
	v23 =	vld.idx.msk [tilespmem:v47+s2+$0x0], $0xffff  }
0x79: {  	v54 =	vadd.s32 $0x2, v12;
	v25 =	vld.idx.msk [tilespmem:v48+s2+$0x0], $0xffff  }
0x7a: {  	v55 =	vadd.s32 $0x2, v14;
	v27 =	vld.idx.msk [tilespmem:v50+s2+$0x0], $0xffff  }
0x7b: {  	v56 =	vadd.s32 $0x2, v18;
	v22 =	vld.idx.msk [tilespmem:v51+s2+$0x0], $0xffff  }
0x7c: {  	v57 =	vadd.s32 $0x2, v15;
	v21 =	vld.idx.msk [tilespmem:v52+s2+$0x0], $0xffff  }
0x7d: {  	v58 =	vadd.s32 $0x2, v19;
	v24 =	vld.idx.msk [tilespmem:v53+s2+$0x0], $0xffff  }
0x7e: {  	v59 =	vadd.s32 $0x2, v16;
	v26 =	vld.idx.msk [tilespmem:v54+s2+$0x0], $0xffff  }
0x7f: {  	v60 =	vadd.s32 $0x2, v20;
	v28 =	vld.idx.msk [tilespmem:v55+s2+$0x0], $0xffff  }
0x80: {  	v62 =	vadd.s32 $0x2, v8;
	v61 =	vld.idx.msk [tilespmem:v56+s2+$0x0], $0xffff;
	v23 =	vadd.bf16 v25, v23;
	v22 =	vadd.bf16 v22, v27  }
0x81: {  	v63 =	vld.idx.msk [tilespmem:v57+s2+$0x0], $0xffff  }
0x82: {  	v34 =	vld.idx.msk [tilespmem:v58+s2+$0x0], $0xffff;
	v21 =	vadd.bf16 v21, v23;
	v22 =	vadd.bf16 v24, v22  }
0x83: {  	v35 =	vld.idx.msk [tilespmem:v59+s2+$0x0], $0xffff  }
0x84: {  	v36 =	vld.idx.msk [tilespmem:v60+s2+$0x0], $0xffff;
	v21 =	vadd.bf16 v26, v21;
	v22 =	vadd.bf16 v28, v22  }
0x85: {  	v27 =	vld.idx.msk [tilespmem:v62+s2+$0x0], $0xffff  }
0x86: {  	v21 =	vadd.bf16 v61, v21;
	v22 =	vadd.bf16 v63, v22;
	_ =	sdelay $0x1  }
0x87: {  	v21 =	vadd.bf16 v34, v21;
	v22 =	vadd.bf16 v35, v22;
	_ =	sdelay $0x1  }
0x88: {  	v37 =	vor.u32 $0x2E, v4;
	v21 =	vadd.bf16 v36, v21;
	v22 =	vadd.bf16 v27, v22  }
0x89: {  	v38 =	vor.u32 $0x2F, v4  }
0x8a: {  	v39 =	vadd.s32 $0x2, v17;
	v21 =	vadd.bf16 v22, v21;
	_ =	sdelay $0x1  }
0x8b: {  	v40 =	vunpack.i.l.bf16.f32 v21  }
0x8c: {  	v21 =	vunpack.i.u.bf16.f32 v21;
	[tilespmem:v37+s12+$0x0] =	vst.idx.msk $0xffff, v40  }
0x8d: {  	[tilespmem:v38+s12+$0x0] =	vst.idx.msk $0xffff, v21  }
0x8e: {  	v21 =	vld.idx.msk [tilespmem:v39+s2+$0x0], $0xffff  }
0x8f: {  	v41 =	vor.u32 $0x58, v4  }
0x90: {  	v42 =	vor.u32 $0x59, v4  }
0x91: {  	v43 =	vadd.s32 $0x3, v5;
	_ =	sdelay $0x1  }
0x92: {  	v44 =	vunpack.i.l.bf16.f32 v21  }
0x93: {  	v21 =	vunpack.i.u.bf16.f32 v21;
	[tilespmem:v41+s12+$0x0] =	vst.idx.msk $0xffff, v44  }
0x94: {  	[tilespmem:v42+s12+$0x0] =	vst.idx.msk $0xffff, v21  }
0x95: {  	v21 =	vld.idx.msk [tilespmem:v43+s2+$0x0], $0xffff  }
0x96: {  	v45 =	vor.u32 $0x6, v4  }
0x97: {  	v46 =	vor.u32 $0x7, v4  }
0x98: {  	v47 =	vadd.s32 $0x3, v6  }
0x99: {  	v48 =	vadd.s32 $0x3, v9  }
0x9a: {  	v50 =	vadd.s32 $0x3, v11;
	v49 =	vunpack.i.l.bf16.f32 v21  }
0x9b: {  	v51 =	vadd.s32 $0x3, v7;
	v21 =	vunpack.i.u.bf16.f32 v21;
	[tilespmem:v45+s12+$0x0] =	vst.idx.msk $0xffff, v49  }
0x9c: {  	v52 =	vadd.s32 $0x3, v10;
	[tilespmem:v46+s12+$0x0] =	vst.idx.msk $0xffff, v21  }
0x9d: {  	v53 =	vadd.s32 $0x3, v13;
	v23 =	vld.idx.msk [tilespmem:v47+s2+$0x0], $0xffff  }
0x9e: {  	v54 =	vadd.s32 $0x3, v12;
	v25 =	vld.idx.msk [tilespmem:v48+s2+$0x0], $0xffff  }
0x9f: {  	v55 =	vadd.s32 $0x3, v14;
	v27 =	vld.idx.msk [tilespmem:v50+s2+$0x0], $0xffff  }
0xa0: {  	v56 =	vadd.s32 $0x3, v18;
	v22 =	vld.idx.msk [tilespmem:v51+s2+$0x0], $0xffff  }
0xa1: {  	v57 =	vadd.s32 $0x3, v15;
	v21 =	vld.idx.msk [tilespmem:v52+s2+$0x0], $0xffff  }
0xa2: {  	v58 =	vadd.s32 $0x3, v19;
	v24 =	vld.idx.msk [tilespmem:v53+s2+$0x0], $0xffff  }
0xa3: {  	v59 =	vadd.s32 $0x3, v16;
	v26 =	vld.idx.msk [tilespmem:v54+s2+$0x0], $0xffff  }
0xa4: {  	v60 =	vadd.s32 $0x3, v20;
	v28 =	vld.idx.msk [tilespmem:v55+s2+$0x0], $0xffff  }
0xa5: {  	v62 =	vadd.s32 $0x3, v8;
	v61 =	vld.idx.msk [tilespmem:v56+s2+$0x0], $0xffff;
	v23 =	vadd.bf16 v25, v23;
	v22 =	vadd.bf16 v22, v27  }
0xa6: {  	v63 =	vld.idx.msk [tilespmem:v57+s2+$0x0], $0xffff  }
0xa7: {  	v34 =	vld.idx.msk [tilespmem:v58+s2+$0x0], $0xffff;
	v21 =	vadd.bf16 v21, v23;
	v22 =	vadd.bf16 v24, v22  }
0xa8: {  	v35 =	vld.idx.msk [tilespmem:v59+s2+$0x0], $0xffff  }
0xa9: {  	v36 =	vld.idx.msk [tilespmem:v60+s2+$0x0], $0xffff;
	v21 =	vadd.bf16 v26, v21;
	v22 =	vadd.bf16 v28, v22  }
0xaa: {  	v27 =	vld.idx.msk [tilespmem:v62+s2+$0x0], $0xffff  }
0xab: {  	v21 =	vadd.bf16 v61, v21;
	v22 =	vadd.bf16 v63, v22;
	_ =	sdelay $0x1  }
0xac: {  	v21 =	vadd.bf16 v34, v21;
	v22 =	vadd.bf16 v35, v22;
	_ =	sdelay $0x1  }
0xad: {  	v37 =	vor.u32 $0x30, v4;
	v21 =	vadd.bf16 v36, v21;
	v22 =	vadd.bf16 v27, v22  }
0xae: {  	v38 =	vor.u32 $0x31, v4  }
0xaf: {  	v39 =	vadd.s32 $0x3, v17;
	v21 =	vadd.bf16 v22, v21;
	_ =	sdelay $0x1  }
0xb0: {  	v40 =	vunpack.i.l.bf16.f32 v21  }
0xb1: {  	v21 =	vunpack.i.u.bf16.f32 v21;
	[tilespmem:v37+s12+$0x0] =	vst.idx.msk $0xffff, v40  }
0xb2: {  	[tilespmem:v38+s12+$0x0] =	vst.idx.msk $0xffff, v21  }
0xb3: {  	v21 =	vld.idx.msk [tilespmem:v39+s2+$0x0], $0xffff  }
0xb4: {  	v41 =	vor.u32 $0x5A, v4  }
0xb5: {  	v42 =	vor.u32 $0x5B, v4  }
0xb6: {  	v43 =	vadd.s32 $0x4, v5;
	_ =	sdelay $0x1  }
0xb7: {  	v44 =	vunpack.i.l.bf16.f32 v21  }
0xb8: {  	v21 =	vunpack.i.u.bf16.f32 v21;
	[tilespmem:v41+s12+$0x0] =	vst.idx.msk $0xffff, v44  }
0xb9: {  	[tilespmem:v42+s12+$0x0] =	vst.idx.msk $0xffff, v21  }
0xba: {  	v21 =	vld.idx.msk [tilespmem:v43+s2+$0x0], $0xffff  }
0xbb: {  	v45 =	vor.u32 $0x8, v4  }
0xbc: {  	v46 =	vor.u32 $0x9, v4  }
0xbd: {  	v47 =	vadd.s32 $0x4, v6  }
0xbe: {  	v48 =	vadd.s32 $0x4, v9  }
0xbf: {  	v50 =	vadd.s32 $0x4, v11;
	v49 =	vunpack.i.l.bf16.f32 v21  }
0xc0: {  	v51 =	vadd.s32 $0x4, v7;
	v21 =	vunpack.i.u.bf16.f32 v21;
	[tilespmem:v45+s12+$0x0] =	vst.idx.msk $0xffff, v49  }
0xc1: {  	v52 =	vadd.s32 $0x4, v10;
	[tilespmem:v46+s12+$0x0] =	vst.idx.msk $0xffff, v21  }
0xc2: {  	v53 =	vadd.s32 $0x4, v13;
	v23 =	vld.idx.msk [tilespmem:v47+s2+$0x0], $0xffff  }
0xc3: {  	v54 =	vadd.s32 $0x4, v12;
	v25 =	vld.idx.msk [tilespmem:v48+s2+$0x0], $0xffff  }
0xc4: {  	v55 =	vadd.s32 $0x4, v14;
	v27 =	vld.idx.msk [tilespmem:v50+s2+$0x0], $0xffff  }
0xc5: {  	v56 =	vadd.s32 $0x4, v18;
	v22 =	vld.idx.msk [tilespmem:v51+s2+$0x0], $0xffff  }
0xc6: {  	v57 =	vadd.s32 $0x4, v15;
	v21 =	vld.idx.msk [tilespmem:v52+s2+$0x0], $0xffff  }
0xc7: {  	v58 =	vadd.s32 $0x4, v19;
	v24 =	vld.idx.msk [tilespmem:v53+s2+$0x0], $0xffff  }
0xc8: {  	v59 =	vadd.s32 $0x4, v16;
	v26 =	vld.idx.msk [tilespmem:v54+s2+$0x0], $0xffff  }
0xc9: {  	v60 =	vadd.s32 $0x4, v20;
	v28 =	vld.idx.msk [tilespmem:v55+s2+$0x0], $0xffff  }
0xca: {  	v62 =	vadd.s32 $0x4, v8;
	v61 =	vld.idx.msk [tilespmem:v56+s2+$0x0], $0xffff;
	v23 =	vadd.bf16 v25, v23;
	v22 =	vadd.bf16 v22, v27  }
0xcb: {  	v63 =	vld.idx.msk [tilespmem:v57+s2+$0x0], $0xffff  }
0xcc: {  	v34 =	vld.idx.msk [tilespmem:v58+s2+$0x0], $0xffff;
	v21 =	vadd.bf16 v21, v23;
	v22 =	vadd.bf16 v24, v22  }
0xcd: {  	v35 =	vld.idx.msk [tilespmem:v59+s2+$0x0], $0xffff  }
0xce: {  	v36 =	vld.idx.msk [tilespmem:v60+s2+$0x0], $0xffff;
	v21 =	vadd.bf16 v26, v21;
	v22 =	vadd.bf16 v28, v22  }
0xcf: {  	v27 =	vld.idx.msk [tilespmem:v62+s2+$0x0], $0xffff  }
0xd0: {  	v21 =	vadd.bf16 v61, v21;
	v22 =	vadd.bf16 v63, v22;
	_ =	sdelay $0x1  }
0xd1: {  	v21 =	vadd.bf16 v34, v21;
	v22 =	vadd.bf16 v35, v22;
	_ =	sdelay $0x1  }
0xd2: {  	v37 =	vor.u32 $0x32, v4;
	v21 =	vadd.bf16 v36, v21;
	v22 =	vadd.bf16 v27, v22  }
0xd3: {  	v38 =	vor.u32 $0x33, v4  }
0xd4: {  	v39 =	vadd.s32 $0x4, v17;
	v21 =	vadd.bf16 v22, v21;
	_ =	sdelay $0x1  }
0xd5: {  	v40 =	vunpack.i.l.bf16.f32 v21  }
0xd6: {  	v21 =	vunpack.i.u.bf16.f32 v21;
	[tilespmem:v37+s12+$0x0] =	vst.idx.msk $0xffff, v40  }
0xd7: {  	[tilespmem:v38+s12+$0x0] =	vst.idx.msk $0xffff, v21  }
0xd8: {  	v21 =	vld.idx.msk [tilespmem:v39+s2+$0x0], $0xffff  }
0xd9: {  	v41 =	vor.u32 $0x5C, v4  }
0xda: {  	v42 =	vor.u32 $0x5D, v4  }
0xdb: {  	v43 =	vadd.s32 $0x5, v5;
	_ =	sdelay $0x1  }
0xdc: {  	v44 =	vunpack.i.l.bf16.f32 v21  }
0xdd: {  	v21 =	vunpack.i.u.bf16.f32 v21;
	[tilespmem:v41+s12+$0x0] =	vst.idx.msk $0xffff, v44  }
0xde: {  	[tilespmem:v42+s12+$0x0] =	vst.idx.msk $0xffff, v21  }
0xdf: {  	v21 =	vld.idx.msk [tilespmem:v43+s2+$0x0], $0xffff  }
0xe0: {  	v45 =	vor.u32 $0xA, v4  }
0xe1: {  	v46 =	vor.u32 $0xB, v4  }
0xe2: {  	v47 =	vadd.s32 $0x5, v6  }
0xe3: {  	v48 =	vadd.s32 $0x5, v9  }
0xe4: {  	v50 =	vadd.s32 $0x5, v11;
	v49 =	vunpack.i.l.bf16.f32 v21  }
0xe5: {  	v51 =	vadd.s32 $0x5, v7;
	v21 =	vunpack.i.u.bf16.f32 v21;
	[tilespmem:v45+s12+$0x0] =	vst.idx.msk $0xffff, v49  }
0xe6: {  	v52 =	vadd.s32 $0x5, v10;
	[tilespmem:v46+s12+$0x0] =	vst.idx.msk $0xffff, v21  }
0xe7: {  	v53 =	vadd.s32 $0x5, v13;
	v23 =	vld.idx.msk [tilespmem:v47+s2+$0x0], $0xffff  }
0xe8: {  	v54 =	vadd.s32 $0x5, v12;
	v25 =	vld.idx.msk [tilespmem:v48+s2+$0x0], $0xffff  }
0xe9: {  	v55 =	vadd.s32 $0x5, v14;
	v27 =	vld.idx.msk [tilespmem:v50+s2+$0x0], $0xffff  }
0xea: {  	v56 =	vadd.s32 $0x5, v18;
	v22 =	vld.idx.msk [tilespmem:v51+s2+$0x0], $0xffff  }
0xeb: {  	v57 =	vadd.s32 $0x5, v15;
	v21 =	vld.idx.msk [tilespmem:v52+s2+$0x0], $0xffff  }
0xec: {  	v58 =	vadd.s32 $0x5, v19;
	v24 =	vld.idx.msk [tilespmem:v53+s2+$0x0], $0xffff  }
0xed: {  	v59 =	vadd.s32 $0x5, v16;
	v26 =	vld.idx.msk [tilespmem:v54+s2+$0x0], $0xffff  }
0xee: {  	v60 =	vadd.s32 $0x5, v20;
	v28 =	vld.idx.msk [tilespmem:v55+s2+$0x0], $0xffff  }
0xef: {  	v62 =	vadd.s32 $0x5, v8;
	v61 =	vld.idx.msk [tilespmem:v56+s2+$0x0], $0xffff;
	v23 =	vadd.bf16 v25, v23;
	v22 =	vadd.bf16 v22, v27  }
0xf0: {  	v63 =	vld.idx.msk [tilespmem:v57+s2+$0x0], $0xffff  }
0xf1: {  	v34 =	vld.idx.msk [tilespmem:v58+s2+$0x0], $0xffff;
	v21 =	vadd.bf16 v21, v23;
	v22 =	vadd.bf16 v24, v22  }
0xf2: {  	v35 =	vld.idx.msk [tilespmem:v59+s2+$0x0], $0xffff  }
0xf3: {  	v36 =	vld.idx.msk [tilespmem:v60+s2+$0x0], $0xffff;
	v21 =	vadd.bf16 v26, v21;
	v22 =	vadd.bf16 v28, v22  }
0xf4: {  	v27 =	vld.idx.msk [tilespmem:v62+s2+$0x0], $0xffff  }
0xf5: {  	v21 =	vadd.bf16 v61, v21;
	v22 =	vadd.bf16 v63, v22;
	_ =	sdelay $0x1  }
0xf6: {  	v21 =	vadd.bf16 v34, v21;
	v22 =	vadd.bf16 v35, v22;
	_ =	sdelay $0x1  }
0xf7: {  	v37 =	vor.u32 $0x34, v4;
	v21 =	vadd.bf16 v36, v21;
	v22 =	vadd.bf16 v27, v22  }
0xf8: {  	v38 =	vor.u32 $0x35, v4  }
0xf9: {  	v39 =	vadd.s32 $0x5, v17;
	v21 =	vadd.bf16 v22, v21;
	_ =	sdelay $0x1  }
0xfa: {  	v40 =	vunpack.i.l.bf16.f32 v21  }
0xfb: {  	v21 =	vunpack.i.u.bf16.f32 v21;
	[tilespmem:v37+s12+$0x0] =	vst.idx.msk $0xffff, v40  }
0xfc: {  	[tilespmem:v38+s12+$0x0] =	vst.idx.msk $0xffff, v21  }
0xfd: {  	v21 =	vld.idx.msk [tilespmem:v39+s2+$0x0], $0xffff  }
0xfe: {  	v41 =	vor.u32 $0x5E, v4  }
0xff: {  	v42 =	vor.u32 $0x5F, v4  }
0x100: {  	v43 =	vadd.s32 $0x6, v5;
	_ =	sdelay $0x1  }
0x101: {  	v44 =	vunpack.i.l.bf16.f32 v21  }
0x102: {  	v21 =	vunpack.i.u.bf16.f32 v21;
	[tilespmem:v41+s12+$0x0] =	vst.idx.msk $0xffff, v44  }
0x103: {  	[tilespmem:v42+s12+$0x0] =	vst.idx.msk $0xffff, v21  }
0x104: {  	v21 =	vld.idx.msk [tilespmem:v43+s2+$0x0], $0xffff  }
0x105: {  	v45 =	vor.u32 $0xC, v4  }
0x106: {  	v46 =	vor.u32 $0xD, v4  }
0x107: {  	v47 =	vadd.s32 $0x6, v6  }
0x108: {  	v48 =	vadd.s32 $0x6, v9  }
0x109: {  	v50 =	vadd.s32 $0x6, v11;
	v49 =	vunpack.i.l.bf16.f32 v21  }
0x10a: {  	v51 =	vadd.s32 $0x6, v7;
	v21 =	vunpack.i.u.bf16.f32 v21;
	[tilespmem:v45+s12+$0x0] =	vst.idx.msk $0xffff, v49  }
0x10b: {  	v52 =	vadd.s32 $0x6, v10;
	[tilespmem:v46+s12+$0x0] =	vst.idx.msk $0xffff, v21  }
0x10c: {  	v53 =	vadd.s32 $0x6, v13;
	v23 =	vld.idx.msk [tilespmem:v47+s2+$0x0], $0xffff  }
0x10d: {  	v54 =	vadd.s32 $0x6, v12;
	v25 =	vld.idx.msk [tilespmem:v48+s2+$0x0], $0xffff  }
0x10e: {  	v55 =	vadd.s32 $0x6, v14;
	v27 =	vld.idx.msk [tilespmem:v50+s2+$0x0], $0xffff  }
0x10f: {  	v56 =	vadd.s32 $0x6, v18;
	v22 =	vld.idx.msk [tilespmem:v51+s2+$0x0], $0xffff  }
0x110: {  	v57 =	vadd.s32 $0x6, v15;
	v21 =	vld.idx.msk [tilespmem:v52+s2+$0x0], $0xffff  }
0x111: {  	v58 =	vadd.s32 $0x6, v19;
	v24 =	vld.idx.msk [tilespmem:v53+s2+$0x0], $0xffff  }
0x112: {  	v59 =	vadd.s32 $0x6, v16;
	v26 =	vld.idx.msk [tilespmem:v54+s2+$0x0], $0xffff  }
0x113: {  	v60 =	vadd.s32 $0x6, v20;
	v28 =	vld.idx.msk [tilespmem:v55+s2+$0x0], $0xffff  }
0x114: {  	v62 =	vadd.s32 $0x6, v8;
	v61 =	vld.idx.msk [tilespmem:v56+s2+$0x0], $0xffff;
	v23 =	vadd.bf16 v25, v23;
	v22 =	vadd.bf16 v22, v27  }
0x115: {  	v63 =	vld.idx.msk [tilespmem:v57+s2+$0x0], $0xffff  }
0x116: {  	v34 =	vld.idx.msk [tilespmem:v58+s2+$0x0], $0xffff;
	v21 =	vadd.bf16 v21, v23;
	v22 =	vadd.bf16 v24, v22  }
0x117: {  	v35 =	vld.idx.msk [tilespmem:v59+s2+$0x0], $0xffff  }
0x118: {  	v36 =	vld.idx.msk [tilespmem:v60+s2+$0x0], $0xffff;
	v21 =	vadd.bf16 v26, v21;
	v22 =	vadd.bf16 v28, v22  }
0x119: {  	v27 =	vld.idx.msk [tilespmem:v62+s2+$0x0], $0xffff  }
0x11a: {  	v21 =	vadd.bf16 v61, v21;
	v22 =	vadd.bf16 v63, v22;
	_ =	sdelay $0x1  }
0x11b: {  	v21 =	vadd.bf16 v34, v21;
	v22 =	vadd.bf16 v35, v22;
	_ =	sdelay $0x1  }
0x11c: {  	v37 =	vor.u32 $0x36, v4;
	v21 =	vadd.bf16 v36, v21;
	v22 =	vadd.bf16 v27, v22  }
0x11d: {  	v38 =	vor.u32 $0x37, v4  }
0x11e: {  	v39 =	vadd.s32 $0x6, v17;
	v21 =	vadd.bf16 v22, v21;
	_ =	sdelay $0x1  }
0x11f: {  	v40 =	vunpack.i.l.bf16.f32 v21  }
0x120: {  	v21 =	vunpack.i.u.bf16.f32 v21;
	[tilespmem:v37+s12+$0x0] =	vst.idx.msk $0xffff, v40  }
0x121: {  	[tilespmem:v38+s12+$0x0] =	vst.idx.msk $0xffff, v21  }
0x122: {  	v21 =	vld.idx.msk [tilespmem:v39+s2+$0x0], $0xffff  }
0x123: {  	v41 =	vor.u32 $0x60, v4  }
0x124: {  	v42 =	vor.u32 $0x61, v4  }
0x125: {  	v43 =	vadd.s32 $0x7, v5;
	_ =	sdelay $0x1  }
0x126: {  	v44 =	vunpack.i.l.bf16.f32 v21  }
0x127: {  	v21 =	vunpack.i.u.bf16.f32 v21;
	[tilespmem:v41+s12+$0x0] =	vst.idx.msk $0xffff, v44  }
0x128: {  	[tilespmem:v42+s12+$0x0] =	vst.idx.msk $0xffff, v21  }
0x129: {  	v21 =	vld.idx.msk [tilespmem:v43+s2+$0x0], $0xffff  }
0x12a: {  	v45 =	vor.u32 $0xE, v4  }
0x12b: {  	v46 =	vor.u32 $0xF, v4  }
0x12c: {  	v47 =	vadd.s32 $0x7, v6  }
0x12d: {  	v48 =	vadd.s32 $0x7, v9  }
0x12e: {  	v50 =	vadd.s32 $0x7, v11;
	v49 =	vunpack.i.l.bf16.f32 v21  }
0x12f: {  	v51 =	vadd.s32 $0x7, v7;
	v21 =	vunpack.i.u.bf16.f32 v21;
	[tilespmem:v45+s12+$0x0] =	vst.idx.msk $0xffff, v49  }
0x130: {  	v52 =	vadd.s32 $0x7, v10;
	[tilespmem:v46+s12+$0x0] =	vst.idx.msk $0xffff, v21  }
0x131: {  	v53 =	vadd.s32 $0x7, v13;
	v23 =	vld.idx.msk [tilespmem:v47+s2+$0x0], $0xffff  }
0x132: {  	v54 =	vadd.s32 $0x7, v12;
	v25 =	vld.idx.msk [tilespmem:v48+s2+$0x0], $0xffff  }
0x133: {  	v55 =	vadd.s32 $0x7, v14;
	v27 =	vld.idx.msk [tilespmem:v50+s2+$0x0], $0xffff  }
0x134: {  	v56 =	vadd.s32 $0x7, v18;
	v22 =	vld.idx.msk [tilespmem:v51+s2+$0x0], $0xffff  }
0x135: {  	v57 =	vadd.s32 $0x7, v15;
	v21 =	vld.idx.msk [tilespmem:v52+s2+$0x0], $0xffff  }
0x136: {  	v58 =	vadd.s32 $0x7, v19;
	v24 =	vld.idx.msk [tilespmem:v53+s2+$0x0], $0xffff  }
0x137: {  	v59 =	vadd.s32 $0x7, v16;
	v26 =	vld.idx.msk [tilespmem:v54+s2+$0x0], $0xffff  }
0x138: {  	v60 =	vadd.s32 $0x7, v20;
	v28 =	vld.idx.msk [tilespmem:v55+s2+$0x0], $0xffff  }
0x139: {  	v62 =	vadd.s32 $0x7, v8;
	v61 =	vld.idx.msk [tilespmem:v56+s2+$0x0], $0xffff;
	v23 =	vadd.bf16 v25, v23;
	v22 =	vadd.bf16 v22, v27  }
0x13a: {  	v63 =	vld.idx.msk [tilespmem:v57+s2+$0x0], $0xffff  }
0x13b: {  	v34 =	vld.idx.msk [tilespmem:v58+s2+$0x0], $0xffff;
	v21 =	vadd.bf16 v21, v23;
	v22 =	vadd.bf16 v24, v22  }
0x13c: {  	v35 =	vld.idx.msk [tilespmem:v59+s2+$0x0], $0xffff  }
0x13d: {  	v36 =	vld.idx.msk [tilespmem:v60+s2+$0x0], $0xffff;
	v21 =	vadd.bf16 v26, v21;
	v22 =	vadd.bf16 v28, v22  }
0x13e: {  	v27 =	vld.idx.msk [tilespmem:v62+s2+$0x0], $0xffff  }
0x13f: {  	v21 =	vadd.bf16 v61, v21;
	v22 =	vadd.bf16 v63, v22;
	_ =	sdelay $0x1  }
0x140: {  	v21 =	vadd.bf16 v34, v21;
	v22 =	vadd.bf16 v35, v22;
	_ =	sdelay $0x1  }
0x141: {  	v37 =	vor.u32 $0x38, v4;
	v21 =	vadd.bf16 v36, v21;
	v22 =	vadd.bf16 v27, v22  }
0x142: {  	v38 =	vor.u32 $0x39, v4  }
0x143: {  	v39 =	vadd.s32 $0x7, v17;
	v21 =	vadd.bf16 v22, v21;
	_ =	sdelay $0x1  }
0x144: {  	v40 =	vunpack.i.l.bf16.f32 v21  }
0x145: {  	v21 =	vunpack.i.u.bf16.f32 v21;
	[tilespmem:v37+s12+$0x0] =	vst.idx.msk $0xffff, v40  }
0x146: {  	[tilespmem:v38+s12+$0x0] =	vst.idx.msk $0xffff, v21  }
0x147: {  	v21 =	vld.idx.msk [tilespmem:v39+s2+$0x0], $0xffff  }
0x148: {  	v41 =	vor.u32 $0x62, v4  }
0x149: {  	v42 =	vor.u32 $0x63, v4  }
0x14a: {  	v43 =	vadd.s32 $0x8, v5;
	_ =	sdelay $0x1  }
0x14b: {  	v44 =	vunpack.i.l.bf16.f32 v21  }
0x14c: {  	v21 =	vunpack.i.u.bf16.f32 v21;
	[tilespmem:v41+s12+$0x0] =	vst.idx.msk $0xffff, v44  }
0x14d: {  	[tilespmem:v42+s12+$0x0] =	vst.idx.msk $0xffff, v21  }
0x14e: {  	v21 =	vld.idx.msk [tilespmem:v43+s2+$0x0], $0xffff  }
0x14f: {  	v45 =	vor.u32 $0x10, v4  }
0x150: {  	v46 =	vor.u32 $0x11, v4  }
0x151: {  	v47 =	vadd.s32 $0x8, v6  }
0x152: {  	v48 =	vadd.s32 $0x8, v9  }
0x153: {  	v50 =	vadd.s32 $0x8, v11;
	v49 =	vunpack.i.l.bf16.f32 v21  }
0x154: {  	v51 =	vadd.s32 $0x8, v7;
	v21 =	vunpack.i.u.bf16.f32 v21;
	[tilespmem:v45+s12+$0x0] =	vst.idx.msk $0xffff, v49  }
0x155: {  	v52 =	vadd.s32 $0x8, v10;
	[tilespmem:v46+s12+$0x0] =	vst.idx.msk $0xffff, v21  }
0x156: {  	v53 =	vadd.s32 $0x8, v13;
	v23 =	vld.idx.msk [tilespmem:v47+s2+$0x0], $0xffff  }
0x157: {  	v54 =	vadd.s32 $0x8, v12;
	v25 =	vld.idx.msk [tilespmem:v48+s2+$0x0], $0xffff  }
0x158: {  	v55 =	vadd.s32 $0x8, v14;
	v27 =	vld.idx.msk [tilespmem:v50+s2+$0x0], $0xffff  }
0x159: {  	v56 =	vadd.s32 $0x8, v18;
	v22 =	vld.idx.msk [tilespmem:v51+s2+$0x0], $0xffff  }
0x15a: {  	v57 =	vadd.s32 $0x8, v15;
	v21 =	vld.idx.msk [tilespmem:v52+s2+$0x0], $0xffff  }
0x15b: {  	v58 =	vadd.s32 $0x8, v19;
	v24 =	vld.idx.msk [tilespmem:v53+s2+$0x0], $0xffff  }
0x15c: {  	v59 =	vadd.s32 $0x8, v16;
	v26 =	vld.idx.msk [tilespmem:v54+s2+$0x0], $0xffff  }
0x15d: {  	v60 =	vadd.s32 $0x8, v20;
	v28 =	vld.idx.msk [tilespmem:v55+s2+$0x0], $0xffff  }
0x15e: {  	v62 =	vadd.s32 $0x8, v8;
	v61 =	vld.idx.msk [tilespmem:v56+s2+$0x0], $0xffff;
	v23 =	vadd.bf16 v25, v23;
	v22 =	vadd.bf16 v22, v27  }
0x15f: {  	v63 =	vld.idx.msk [tilespmem:v57+s2+$0x0], $0xffff  }
0x160: {  	v34 =	vld.idx.msk [tilespmem:v58+s2+$0x0], $0xffff;
	v21 =	vadd.bf16 v21, v23;
	v22 =	vadd.bf16 v24, v22  }
0x161: {  	v35 =	vld.idx.msk [tilespmem:v59+s2+$0x0], $0xffff  }
0x162: {  	v36 =	vld.idx.msk [tilespmem:v60+s2+$0x0], $0xffff;
	v21 =	vadd.bf16 v26, v21;
	v22 =	vadd.bf16 v28, v22  }
0x163: {  	v27 =	vld.idx.msk [tilespmem:v62+s2+$0x0], $0xffff  }
0x164: {  	v21 =	vadd.bf16 v61, v21;
	v22 =	vadd.bf16 v63, v22;
	_ =	sdelay $0x1  }
0x165: {  	v21 =	vadd.bf16 v34, v21;
	v22 =	vadd.bf16 v35, v22;
	_ =	sdelay $0x1  }
0x166: {  	v37 =	vor.u32 $0x3A, v4;
	v21 =	vadd.bf16 v36, v21;
	v22 =	vadd.bf16 v27, v22  }
0x167: {  	v38 =	vor.u32 $0x3B, v4  }
0x168: {  	v39 =	vadd.s32 $0x8, v17;
	v21 =	vadd.bf16 v22, v21;
	_ =	sdelay $0x1  }
0x169: {  	v40 =	vunpack.i.l.bf16.f32 v21  }
0x16a: {  	v21 =	vunpack.i.u.bf16.f32 v21;
	[tilespmem:v37+s12+$0x0] =	vst.idx.msk $0xffff, v40  }
0x16b: {  	[tilespmem:v38+s12+$0x0] =	vst.idx.msk $0xffff, v21  }
0x16c: {  	v21 =	vld.idx.msk [tilespmem:v39+s2+$0x0], $0xffff  }
0x16d: {  	v41 =	vor.u32 $0x64, v4  }
0x16e: {  	v42 =	vor.u32 $0x65, v4  }
0x16f: {  	v43 =	vadd.s32 $0x9, v5;
	_ =	sdelay $0x1  }
0x170: {  	v44 =	vunpack.i.l.bf16.f32 v21  }
0x171: {  	v21 =	vunpack.i.u.bf16.f32 v21;
	[tilespmem:v41+s12+$0x0] =	vst.idx.msk $0xffff, v44  }
0x172: {  	[tilespmem:v42+s12+$0x0] =	vst.idx.msk $0xffff, v21  }
0x173: {  	v21 =	vld.idx.msk [tilespmem:v43+s2+$0x0], $0xffff  }
0x174: {  	v45 =	vor.u32 $0x12, v4  }
0x175: {  	v46 =	vor.u32 $0x13, v4  }
0x176: {  	v47 =	vadd.s32 $0x9, v6  }
0x177: {  	v48 =	vadd.s32 $0x9, v9  }
0x178: {  	v50 =	vadd.s32 $0x9, v11;
	v49 =	vunpack.i.l.bf16.f32 v21  }
0x179: {  	v51 =	vadd.s32 $0x9, v7;
	v21 =	vunpack.i.u.bf16.f32 v21;
	[tilespmem:v45+s12+$0x0] =	vst.idx.msk $0xffff, v49  }
0x17a: {  	v52 =	vadd.s32 $0x9, v10;
	[tilespmem:v46+s12+$0x0] =	vst.idx.msk $0xffff, v21  }
0x17b: {  	v53 =	vadd.s32 $0x9, v13;
	v23 =	vld.idx.msk [tilespmem:v47+s2+$0x0], $0xffff  }
0x17c: {  	v54 =	vadd.s32 $0x9, v12;
	v25 =	vld.idx.msk [tilespmem:v48+s2+$0x0], $0xffff  }
0x17d: {  	v55 =	vadd.s32 $0x9, v14;
	v27 =	vld.idx.msk [tilespmem:v50+s2+$0x0], $0xffff  }
0x17e: {  	v56 =	vadd.s32 $0x9, v18;
	v22 =	vld.idx.msk [tilespmem:v51+s2+$0x0], $0xffff  }
0x17f: {  	v57 =	vadd.s32 $0x9, v15;
	v21 =	vld.idx.msk [tilespmem:v52+s2+$0x0], $0xffff  }
0x180: {  	v58 =	vadd.s32 $0x9, v19;
	v24 =	vld.idx.msk [tilespmem:v53+s2+$0x0], $0xffff  }
0x181: {  	v59 =	vadd.s32 $0x9, v16;
	v26 =	vld.idx.msk [tilespmem:v54+s2+$0x0], $0xffff  }
0x182: {  	v60 =	vadd.s32 $0x9, v20;
	v28 =	vld.idx.msk [tilespmem:v55+s2+$0x0], $0xffff  }
0x183: {  	v62 =	vadd.s32 $0x9, v8;
	v61 =	vld.idx.msk [tilespmem:v56+s2+$0x0], $0xffff;
	v23 =	vadd.bf16 v25, v23;
	v22 =	vadd.bf16 v22, v27  }
0x184: {  	v63 =	vld.idx.msk [tilespmem:v57+s2+$0x0], $0xffff  }
0x185: {  	v34 =	vld.idx.msk [tilespmem:v58+s2+$0x0], $0xffff;
	v21 =	vadd.bf16 v21, v23;
	v22 =	vadd.bf16 v24, v22  }
0x186: {  	v35 =	vld.idx.msk [tilespmem:v59+s2+$0x0], $0xffff  }
0x187: {  	v36 =	vld.idx.msk [tilespmem:v60+s2+$0x0], $0xffff;
	v21 =	vadd.bf16 v26, v21;
	v22 =	vadd.bf16 v28, v22  }
0x188: {  	v27 =	vld.idx.msk [tilespmem:v62+s2+$0x0], $0xffff  }
0x189: {  	v21 =	vadd.bf16 v61, v21;
	v22 =	vadd.bf16 v63, v22;
	_ =	sdelay $0x1  }
0x18a: {  	v21 =	vadd.bf16 v34, v21;
	v22 =	vadd.bf16 v35, v22;
	_ =	sdelay $0x1  }
0x18b: {  	v37 =	vor.u32 $0x3C, v4;
	v21 =	vadd.bf16 v36, v21;
	v22 =	vadd.bf16 v27, v22  }
0x18c: {  	v38 =	vor.u32 $0x3D, v4  }
0x18d: {  	v39 =	vadd.s32 $0x9, v17;
	v21 =	vadd.bf16 v22, v21;
	_ =	sdelay $0x1  }
0x18e: {  	v40 =	vunpack.i.l.bf16.f32 v21  }
0x18f: {  	v21 =	vunpack.i.u.bf16.f32 v21;
	[tilespmem:v37+s12+$0x0] =	vst.idx.msk $0xffff, v40  }
0x190: {  	[tilespmem:v38+s12+$0x0] =	vst.idx.msk $0xffff, v21  }
0x191: {  	v21 =	vld.idx.msk [tilespmem:v39+s2+$0x0], $0xffff  }
0x192: {  	v41 =	vor.u32 $0x66, v4  }
0x193: {  	v42 =	vor.u32 $0x67, v4  }
0x194: {  	v43 =	vadd.s32 $0xA, v5;
	_ =	sdelay $0x1  }
0x195: {  	v44 =	vunpack.i.l.bf16.f32 v21  }
0x196: {  	v21 =	vunpack.i.u.bf16.f32 v21;
	[tilespmem:v41+s12+$0x0] =	vst.idx.msk $0xffff, v44  }
0x197: {  	[tilespmem:v42+s12+$0x0] =	vst.idx.msk $0xffff, v21  }
0x198: {  	v21 =	vld.idx.msk [tilespmem:v43+s2+$0x0], $0xffff  }
0x199: {  	v45 =	vor.u32 $0x14, v4  }
0x19a: {  	v46 =	vor.u32 $0x15, v4  }
0x19b: {  	v47 =	vadd.s32 $0xA, v6  }
0x19c: {  	v48 =	vadd.s32 $0xA, v9  }
0x19d: {  	v50 =	vadd.s32 $0xA, v11;
	v49 =	vunpack.i.l.bf16.f32 v21  }
0x19e: {  	v51 =	vadd.s32 $0xA, v7;
	v21 =	vunpack.i.u.bf16.f32 v21;
	[tilespmem:v45+s12+$0x0] =	vst.idx.msk $0xffff, v49  }
0x19f: {  	v52 =	vadd.s32 $0xA, v10;
	[tilespmem:v46+s12+$0x0] =	vst.idx.msk $0xffff, v21  }
0x1a0: {  	v53 =	vadd.s32 $0xA, v13;
	v23 =	vld.idx.msk [tilespmem:v47+s2+$0x0], $0xffff  }
0x1a1: {  	v54 =	vadd.s32 $0xA, v12;
	v25 =	vld.idx.msk [tilespmem:v48+s2+$0x0], $0xffff  }
0x1a2: {  	v55 =	vadd.s32 $0xA, v14;
	v27 =	vld.idx.msk [tilespmem:v50+s2+$0x0], $0xffff  }
0x1a3: {  	v56 =	vadd.s32 $0xA, v18;
	v22 =	vld.idx.msk [tilespmem:v51+s2+$0x0], $0xffff  }
0x1a4: {  	v57 =	vadd.s32 $0xA, v15;
	v21 =	vld.idx.msk [tilespmem:v52+s2+$0x0], $0xffff  }
0x1a5: {  	v58 =	vadd.s32 $0xA, v19;
	v24 =	vld.idx.msk [tilespmem:v53+s2+$0x0], $0xffff  }
0x1a6: {  	v59 =	vadd.s32 $0xA, v16;
	v26 =	vld.idx.msk [tilespmem:v54+s2+$0x0], $0xffff  }
0x1a7: {  	v60 =	vadd.s32 $0xA, v20;
	v28 =	vld.idx.msk [tilespmem:v55+s2+$0x0], $0xffff  }
0x1a8: {  	v62 =	vadd.s32 $0xA, v8;
	v61 =	vld.idx.msk [tilespmem:v56+s2+$0x0], $0xffff;
	v23 =	vadd.bf16 v25, v23;
	v22 =	vadd.bf16 v22, v27  }
0x1a9: {  	v63 =	vld.idx.msk [tilespmem:v57+s2+$0x0], $0xffff  }
0x1aa: {  	v34 =	vld.idx.msk [tilespmem:v58+s2+$0x0], $0xffff;
	v21 =	vadd.bf16 v21, v23;
	v22 =	vadd.bf16 v24, v22  }
0x1ab: {  	v35 =	vld.idx.msk [tilespmem:v59+s2+$0x0], $0xffff  }
0x1ac: {  	v36 =	vld.idx.msk [tilespmem:v60+s2+$0x0], $0xffff;
	v21 =	vadd.bf16 v26, v21;
	v22 =	vadd.bf16 v28, v22  }
0x1ad: {  	v27 =	vld.idx.msk [tilespmem:v62+s2+$0x0], $0xffff  }
0x1ae: {  	v21 =	vadd.bf16 v61, v21;
	v22 =	vadd.bf16 v63, v22;
	_ =	sdelay $0x1  }
0x1af: {  	v21 =	vadd.bf16 v34, v21;
	v22 =	vadd.bf16 v35, v22;
	_ =	sdelay $0x1  }
0x1b0: {  	v37 =	vor.u32 $0x3E, v4;
	v21 =	vadd.bf16 v36, v21;
	v22 =	vadd.bf16 v27, v22  }
0x1b1: {  	v38 =	vor.u32 $0x3F, v4  }
0x1b2: {  	v39 =	vadd.s32 $0xA, v17;
	v21 =	vadd.bf16 v22, v21;
	_ =	sdelay $0x1  }
0x1b3: {  	v40 =	vunpack.i.l.bf16.f32 v21  }
0x1b4: {  	v21 =	vunpack.i.u.bf16.f32 v21;
	[tilespmem:v37+s12+$0x0] =	vst.idx.msk $0xffff, v40  }
0x1b5: {  	[tilespmem:v38+s12+$0x0] =	vst.idx.msk $0xffff, v21  }
0x1b6: {  	v21 =	vld.idx.msk [tilespmem:v39+s2+$0x0], $0xffff  }
0x1b7: {  	v41 =	vor.u32 $0x68, v4  }
0x1b8: {  	v42 =	vor.u32 $0x69, v4  }
0x1b9: {  	v43 =	vadd.s32 $0xB, v5;
	_ =	sdelay $0x1  }
0x1ba: {  	v44 =	vunpack.i.l.bf16.f32 v21  }
0x1bb: {  	v21 =	vunpack.i.u.bf16.f32 v21;
	[tilespmem:v41+s12+$0x0] =	vst.idx.msk $0xffff, v44  }
0x1bc: {  	[tilespmem:v42+s12+$0x0] =	vst.idx.msk $0xffff, v21  }
0x1bd: {  	v21 =	vld.idx.msk [tilespmem:v43+s2+$0x0], $0xffff  }
0x1be: {  	v45 =	vor.u32 $0x16, v4  }
0x1bf: {  	v46 =	vor.u32 $0x17, v4  }
0x1c0: {  	v47 =	vadd.s32 $0xB, v6  }
0x1c1: {  	v48 =	vadd.s32 $0xB, v9  }
0x1c2: {  	v50 =	vadd.s32 $0xB, v11;
	v49 =	vunpack.i.l.bf16.f32 v21  }
0x1c3: {  	v51 =	vadd.s32 $0xB, v7;
	v21 =	vunpack.i.u.bf16.f32 v21;
	[tilespmem:v45+s12+$0x0] =	vst.idx.msk $0xffff, v49  }
0x1c4: {  	v52 =	vadd.s32 $0xB, v10;
	[tilespmem:v46+s12+$0x0] =	vst.idx.msk $0xffff, v21  }
0x1c5: {  	v53 =	vadd.s32 $0xB, v13;
	v23 =	vld.idx.msk [tilespmem:v47+s2+$0x0], $0xffff  }
0x1c6: {  	v54 =	vadd.s32 $0xB, v12;
	v25 =	vld.idx.msk [tilespmem:v48+s2+$0x0], $0xffff  }
0x1c7: {  	v55 =	vadd.s32 $0xB, v14;
	v27 =	vld.idx.msk [tilespmem:v50+s2+$0x0], $0xffff  }
0x1c8: {  	v56 =	vadd.s32 $0xB, v18;
	v22 =	vld.idx.msk [tilespmem:v51+s2+$0x0], $0xffff  }
0x1c9: {  	v57 =	vadd.s32 $0xB, v15;
	v21 =	vld.idx.msk [tilespmem:v52+s2+$0x0], $0xffff  }
0x1ca: {  	v58 =	vadd.s32 $0xB, v19;
	v24 =	vld.idx.msk [tilespmem:v53+s2+$0x0], $0xffff  }
0x1cb: {  	v59 =	vadd.s32 $0xB, v16;
	v26 =	vld.idx.msk [tilespmem:v54+s2+$0x0], $0xffff  }
0x1cc: {  	v60 =	vadd.s32 $0xB, v20;
	v28 =	vld.idx.msk [tilespmem:v55+s2+$0x0], $0xffff  }
0x1cd: {  	v62 =	vadd.s32 $0xB, v8;
	v61 =	vld.idx.msk [tilespmem:v56+s2+$0x0], $0xffff;
	v23 =	vadd.bf16 v25, v23;
	v22 =	vadd.bf16 v22, v27  }
0x1ce: {  	v63 =	vld.idx.msk [tilespmem:v57+s2+$0x0], $0xffff  }
0x1cf: {  	v34 =	vld.idx.msk [tilespmem:v58+s2+$0x0], $0xffff;
	v21 =	vadd.bf16 v21, v23;
	v22 =	vadd.bf16 v24, v22  }
0x1d0: {  	v35 =	vld.idx.msk [tilespmem:v59+s2+$0x0], $0xffff  }
0x1d1: {  	v36 =	vld.idx.msk [tilespmem:v60+s2+$0x0], $0xffff;
	v21 =	vadd.bf16 v26, v21;
	v22 =	vadd.bf16 v28, v22  }
0x1d2: {  	v27 =	vld.idx.msk [tilespmem:v62+s2+$0x0], $0xffff  }
0x1d3: {  	v21 =	vadd.bf16 v61, v21;
	v22 =	vadd.bf16 v63, v22;
	_ =	sdelay $0x1  }
0x1d4: {  	v21 =	vadd.bf16 v34, v21;
	v22 =	vadd.bf16 v35, v22;
	_ =	sdelay $0x1  }
0x1d5: {  	v37 =	vor.u32 $0x40, v4;
	v21 =	vadd.bf16 v36, v21;
	v22 =	vadd.bf16 v27, v22  }
0x1d6: {  	v38 =	vor.u32 $0x41, v4  }
0x1d7: {  	v39 =	vadd.s32 $0xB, v17;
	v21 =	vadd.bf16 v22, v21;
	_ =	sdelay $0x1  }
0x1d8: {  	v40 =	vunpack.i.l.bf16.f32 v21  }
0x1d9: {  	v21 =	vunpack.i.u.bf16.f32 v21;
	[tilespmem:v37+s12+$0x0] =	vst.idx.msk $0xffff, v40  }
0x1da: {  	[tilespmem:v38+s12+$0x0] =	vst.idx.msk $0xffff, v21  }
0x1db: {  	v21 =	vld.idx.msk [tilespmem:v39+s2+$0x0], $0xffff  }
0x1dc: {  	v41 =	vor.u32 $0x6A, v4  }
0x1dd: {  	v42 =	vor.u32 $0x6B, v4  }
0x1de: {  	v43 =	vadd.s32 $0xC, v5;
	_ =	sdelay $0x1  }
0x1df: {  	v44 =	vunpack.i.l.bf16.f32 v21  }
0x1e0: {  	v21 =	vunpack.i.u.bf16.f32 v21;
	[tilespmem:v41+s12+$0x0] =	vst.idx.msk $0xffff, v44  }
0x1e1: {  	[tilespmem:v42+s12+$0x0] =	vst.idx.msk $0xffff, v21  }
0x1e2: {  	v21 =	vld.idx.msk [tilespmem:v43+s2+$0x0], $0xffff  }
0x1e3: {  	v45 =	vor.u32 $0x18, v4  }
0x1e4: {  	v46 =	vor.u32 $0x19, v4  }
0x1e5: {  	v47 =	vadd.s32 $0xC, v6  }
0x1e6: {  	v48 =	vadd.s32 $0xC, v9  }
0x1e7: {  	v50 =	vadd.s32 $0xC, v11;
	v49 =	vunpack.i.l.bf16.f32 v21  }
0x1e8: {  	v51 =	vadd.s32 $0xC, v7;
	v21 =	vunpack.i.u.bf16.f32 v21;
	[tilespmem:v45+s12+$0x0] =	vst.idx.msk $0xffff, v49  }
0x1e9: {  	v52 =	vadd.s32 $0xC, v10;
	[tilespmem:v46+s12+$0x0] =	vst.idx.msk $0xffff, v21  }
0x1ea: {  	v53 =	vadd.s32 $0xC, v13;
	v23 =	vld.idx.msk [tilespmem:v47+s2+$0x0], $0xffff  }
0x1eb: {  	v54 =	vadd.s32 $0xC, v12;
	v25 =	vld.idx.msk [tilespmem:v48+s2+$0x0], $0xffff  }
0x1ec: {  	v55 =	vadd.s32 $0xC, v14;
	v27 =	vld.idx.msk [tilespmem:v50+s2+$0x0], $0xffff  }
0x1ed: {  	v56 =	vadd.s32 $0xC, v18;
	v22 =	vld.idx.msk [tilespmem:v51+s2+$0x0], $0xffff  }
0x1ee: {  	v57 =	vadd.s32 $0xC, v15;
	v21 =	vld.idx.msk [tilespmem:v52+s2+$0x0], $0xffff  }
0x1ef: {  	v58 =	vadd.s32 $0xC, v19;
	v24 =	vld.idx.msk [tilespmem:v53+s2+$0x0], $0xffff  }
0x1f0: {  	v59 =	vadd.s32 $0xC, v16;
	v26 =	vld.idx.msk [tilespmem:v54+s2+$0x0], $0xffff  }
0x1f1: {  	v60 =	vadd.s32 $0xC, v20;
	v28 =	vld.idx.msk [tilespmem:v55+s2+$0x0], $0xffff  }
0x1f2: {  	v62 =	vadd.s32 $0xC, v8;
	v61 =	vld.idx.msk [tilespmem:v56+s2+$0x0], $0xffff;
	v23 =	vadd.bf16 v25, v23;
	v22 =	vadd.bf16 v22, v27  }
0x1f3: {  	v63 =	vld.idx.msk [tilespmem:v57+s2+$0x0], $0xffff  }
0x1f4: {  	v34 =	vld.idx.msk [tilespmem:v58+s2+$0x0], $0xffff;
	v21 =	vadd.bf16 v21, v23;
	v22 =	vadd.bf16 v24, v22  }
0x1f5: {  	v35 =	vld.idx.msk [tilespmem:v59+s2+$0x0], $0xffff  }
0x1f6: {  	v36 =	vld.idx.msk [tilespmem:v60+s2+$0x0], $0xffff;
	v21 =	vadd.bf16 v26, v21;
	v22 =	vadd.bf16 v28, v22  }
0x1f7: {  	v27 =	vld.idx.msk [tilespmem:v62+s2+$0x0], $0xffff  }
0x1f8: {  	v21 =	vadd.bf16 v61, v21;
	v22 =	vadd.bf16 v63, v22;
	_ =	sdelay $0x1  }
0x1f9: {  	v21 =	vadd.bf16 v34, v21;
	v22 =	vadd.bf16 v35, v22;
	_ =	sdelay $0x1  }
0x1fa: {  	v37 =	vor.u32 $0x42, v4;
	v21 =	vadd.bf16 v36, v21;
	v22 =	vadd.bf16 v27, v22  }
0x1fb: {  	v38 =	vor.u32 $0x43, v4  }
0x1fc: {  	v39 =	vadd.s32 $0xC, v17;
	v21 =	vadd.bf16 v22, v21;
	_ =	sdelay $0x1  }
0x1fd: {  	v40 =	vunpack.i.l.bf16.f32 v21  }
0x1fe: {  	v21 =	vunpack.i.u.bf16.f32 v21;
	[tilespmem:v37+s12+$0x0] =	vst.idx.msk $0xffff, v40  }
0x1ff: {  	[tilespmem:v38+s12+$0x0] =	vst.idx.msk $0xffff, v21  }
0x200: {  	v21 =	vld.idx.msk [tilespmem:v39+s2+$0x0], $0xffff  }
0x201: {  	v41 =	vor.u32 $0x6C, v4  }
0x202: {  	v42 =	vor.u32 $0x6D, v4  }
0x203: {  	v43 =	vadd.s32 $0xD, v5;
	_ =	sdelay $0x1  }
0x204: {  	v44 =	vunpack.i.l.bf16.f32 v21  }
0x205: {  	v21 =	vunpack.i.u.bf16.f32 v21;
	[tilespmem:v41+s12+$0x0] =	vst.idx.msk $0xffff, v44  }
0x206: {  	[tilespmem:v42+s12+$0x0] =	vst.idx.msk $0xffff, v21  }
0x207: {  	v21 =	vld.idx.msk [tilespmem:v43+s2+$0x0], $0xffff  }
0x208: {  	v45 =	vor.u32 $0x1A, v4  }
0x209: {  	v46 =	vor.u32 $0x1B, v4  }
0x20a: {  	v47 =	vadd.s32 $0xD, v6  }
0x20b: {  	v48 =	vadd.s32 $0xD, v9  }
0x20c: {  	v50 =	vadd.s32 $0xD, v11;
	v49 =	vunpack.i.l.bf16.f32 v21  }
0x20d: {  	v51 =	vadd.s32 $0xD, v7;
	v21 =	vunpack.i.u.bf16.f32 v21;
	[tilespmem:v45+s12+$0x0] =	vst.idx.msk $0xffff, v49  }
0x20e: {  	v52 =	vadd.s32 $0xD, v10;
	[tilespmem:v46+s12+$0x0] =	vst.idx.msk $0xffff, v21  }
0x20f: {  	v53 =	vadd.s32 $0xD, v13;
	v23 =	vld.idx.msk [tilespmem:v47+s2+$0x0], $0xffff  }
0x210: {  	v54 =	vadd.s32 $0xD, v12;
	v25 =	vld.idx.msk [tilespmem:v48+s2+$0x0], $0xffff  }
0x211: {  	v55 =	vadd.s32 $0xD, v14;
	v27 =	vld.idx.msk [tilespmem:v50+s2+$0x0], $0xffff  }
0x212: {  	v56 =	vadd.s32 $0xD, v18;
	v22 =	vld.idx.msk [tilespmem:v51+s2+$0x0], $0xffff  }
0x213: {  	v57 =	vadd.s32 $0xD, v15;
	v21 =	vld.idx.msk [tilespmem:v52+s2+$0x0], $0xffff  }
0x214: {  	v58 =	vadd.s32 $0xD, v19;
	v24 =	vld.idx.msk [tilespmem:v53+s2+$0x0], $0xffff  }
0x215: {  	v59 =	vadd.s32 $0xD, v16;
	v26 =	vld.idx.msk [tilespmem:v54+s2+$0x0], $0xffff  }
0x216: {  	v60 =	vadd.s32 $0xD, v20;
	v28 =	vld.idx.msk [tilespmem:v55+s2+$0x0], $0xffff  }
0x217: {  	v62 =	vadd.s32 $0xD, v8;
	v61 =	vld.idx.msk [tilespmem:v56+s2+$0x0], $0xffff;
	v23 =	vadd.bf16 v25, v23;
	v22 =	vadd.bf16 v22, v27  }
0x218: {  	v63 =	vld.idx.msk [tilespmem:v57+s2+$0x0], $0xffff  }
0x219: {  	v34 =	vld.idx.msk [tilespmem:v58+s2+$0x0], $0xffff;
	v21 =	vadd.bf16 v21, v23;
	v22 =	vadd.bf16 v24, v22  }
0x21a: {  	v35 =	vld.idx.msk [tilespmem:v59+s2+$0x0], $0xffff  }
0x21b: {  	v36 =	vld.idx.msk [tilespmem:v60+s2+$0x0], $0xffff;
	v21 =	vadd.bf16 v26, v21;
	v22 =	vadd.bf16 v28, v22  }
0x21c: {  	v27 =	vld.idx.msk [tilespmem:v62+s2+$0x0], $0xffff  }
0x21d: {  	v21 =	vadd.bf16 v61, v21;
	v22 =	vadd.bf16 v63, v22;
	_ =	sdelay $0x1  }
0x21e: {  	v21 =	vadd.bf16 v34, v21;
	v22 =	vadd.bf16 v35, v22;
	_ =	sdelay $0x1  }
0x21f: {  	v37 =	vor.u32 $0x44, v4;
	v21 =	vadd.bf16 v36, v21;
	v22 =	vadd.bf16 v27, v22  }
0x220: {  	v38 =	vor.u32 $0x45, v4  }
0x221: {  	v39 =	vadd.s32 $0xD, v17;
	v21 =	vadd.bf16 v22, v21;
	_ =	sdelay $0x1  }
0x222: {  	v40 =	vunpack.i.l.bf16.f32 v21  }
0x223: {  	v21 =	vunpack.i.u.bf16.f32 v21;
	[tilespmem:v37+s12+$0x0] =	vst.idx.msk $0xffff, v40  }
0x224: {  	[tilespmem:v38+s12+$0x0] =	vst.idx.msk $0xffff, v21  }
0x225: {  	v21 =	vld.idx.msk [tilespmem:v39+s2+$0x0], $0xffff  }
0x226: {  	v41 =	vor.u32 $0x6E, v4  }
0x227: {  	v42 =	vor.u32 $0x6F, v4  }
0x228: {  	v43 =	vadd.s32 $0xE, v5;
	_ =	sdelay $0x1  }
0x229: {  	v44 =	vunpack.i.l.bf16.f32 v21  }
0x22a: {  	v21 =	vunpack.i.u.bf16.f32 v21;
	[tilespmem:v41+s12+$0x0] =	vst.idx.msk $0xffff, v44  }
0x22b: {  	[tilespmem:v42+s12+$0x0] =	vst.idx.msk $0xffff, v21  }
0x22c: {  	v21 =	vld.idx.msk [tilespmem:v43+s2+$0x0], $0xffff  }
0x22d: {  	v45 =	vor.u32 $0x1C, v4  }
0x22e: {  	v46 =	vor.u32 $0x1D, v4  }
0x22f: {  	v47 =	vadd.s32 $0xE, v6  }
0x230: {  	v48 =	vadd.s32 $0xE, v9  }
0x231: {  	v50 =	vadd.s32 $0xE, v11;
	v49 =	vunpack.i.l.bf16.f32 v21  }
0x232: {  	v51 =	vadd.s32 $0xE, v7;
	v21 =	vunpack.i.u.bf16.f32 v21;
	[tilespmem:v45+s12+$0x0] =	vst.idx.msk $0xffff, v49  }
0x233: {  	v52 =	vadd.s32 $0xE, v10;
	[tilespmem:v46+s12+$0x0] =	vst.idx.msk $0xffff, v21  }
0x234: {  	v53 =	vadd.s32 $0xE, v13;
	v23 =	vld.idx.msk [tilespmem:v47+s2+$0x0], $0xffff  }
0x235: {  	v54 =	vadd.s32 $0xE, v12;
	v25 =	vld.idx.msk [tilespmem:v48+s2+$0x0], $0xffff  }
0x236: {  	v55 =	vadd.s32 $0xE, v14;
	v27 =	vld.idx.msk [tilespmem:v50+s2+$0x0], $0xffff  }
0x237: {  	v56 =	vadd.s32 $0xE, v18;
	v22 =	vld.idx.msk [tilespmem:v51+s2+$0x0], $0xffff  }
0x238: {  	v57 =	vadd.s32 $0xE, v15;
	v21 =	vld.idx.msk [tilespmem:v52+s2+$0x0], $0xffff  }
0x239: {  	v58 =	vadd.s32 $0xE, v19;
	v24 =	vld.idx.msk [tilespmem:v53+s2+$0x0], $0xffff  }
0x23a: {  	v59 =	vadd.s32 $0xE, v16;
	v26 =	vld.idx.msk [tilespmem:v54+s2+$0x0], $0xffff  }
0x23b: {  	v60 =	vadd.s32 $0xE, v20;
	v28 =	vld.idx.msk [tilespmem:v55+s2+$0x0], $0xffff  }
0x23c: {  	v62 =	vadd.s32 $0xE, v8;
	v61 =	vld.idx.msk [tilespmem:v56+s2+$0x0], $0xffff;
	v23 =	vadd.bf16 v25, v23;
	v22 =	vadd.bf16 v22, v27  }
0x23d: {  	v63 =	vld.idx.msk [tilespmem:v57+s2+$0x0], $0xffff  }
0x23e: {  	v34 =	vld.idx.msk [tilespmem:v58+s2+$0x0], $0xffff;
	v21 =	vadd.bf16 v21, v23;
	v22 =	vadd.bf16 v24, v22  }
0x23f: {  	v35 =	vld.idx.msk [tilespmem:v59+s2+$0x0], $0xffff  }
0x240: {  	v36 =	vld.idx.msk [tilespmem:v60+s2+$0x0], $0xffff;
	v21 =	vadd.bf16 v26, v21;
	v22 =	vadd.bf16 v28, v22  }
0x241: {  	v27 =	vld.idx.msk [tilespmem:v62+s2+$0x0], $0xffff  }
0x242: {  	v21 =	vadd.bf16 v61, v21;
	v22 =	vadd.bf16 v63, v22;
	_ =	sdelay $0x1  }
0x243: {  	v21 =	vadd.bf16 v34, v21;
	v22 =	vadd.bf16 v35, v22;
	_ =	sdelay $0x1  }
0x244: {  	v37 =	vor.u32 $0x46, v4;
	v21 =	vadd.bf16 v36, v21;
	v22 =	vadd.bf16 v27, v22  }
0x245: {  	v38 =	vor.u32 $0x47, v4  }
0x246: {  	v39 =	vadd.s32 $0xE, v17;
	v21 =	vadd.bf16 v22, v21;
	_ =	sdelay $0x1  }
0x247: {  	v40 =	vunpack.i.l.bf16.f32 v21  }
0x248: {  	v21 =	vunpack.i.u.bf16.f32 v21;
	[tilespmem:v37+s12+$0x0] =	vst.idx.msk $0xffff, v40  }
0x249: {  	[tilespmem:v38+s12+$0x0] =	vst.idx.msk $0xffff, v21  }
0x24a: {  	v21 =	vld.idx.msk [tilespmem:v39+s2+$0x0], $0xffff  }
0x24b: {  	v41 =	vor.u32 $0x70, v4  }
0x24c: {  	v42 =	vor.u32 $0x71, v4  }
0x24d: {  	v43 =	vadd.s32 $0xF, v5;
	_ =	sdelay $0x1  }
0x24e: {  	v44 =	vunpack.i.l.bf16.f32 v21  }
0x24f: {  	v21 =	vunpack.i.u.bf16.f32 v21;
	[tilespmem:v41+s12+$0x0] =	vst.idx.msk $0xffff, v44  }
0x250: {  	[tilespmem:v42+s12+$0x0] =	vst.idx.msk $0xffff, v21  }
0x251: {  	v21 =	vld.idx.msk [tilespmem:v43+s2+$0x0], $0xffff  }
0x252: {  	v45 =	vor.u32 $0x1E, v4  }
0x253: {  	v46 =	vor.u32 $0x1F, v4  }
0x254: {  	v47 =	vadd.s32 $0xF, v6  }
0x255: {  	v48 =	vadd.s32 $0xF, v9  }
0x256: {  	v50 =	vadd.s32 $0xF, v11;
	v49 =	vunpack.i.l.bf16.f32 v21  }
0x257: {  	v51 =	vadd.s32 $0xF, v7;
	v21 =	vunpack.i.u.bf16.f32 v21;
	[tilespmem:v45+s12+$0x0] =	vst.idx.msk $0xffff, v49  }
0x258: {  	v52 =	vadd.s32 $0xF, v10;
	[tilespmem:v46+s12+$0x0] =	vst.idx.msk $0xffff, v21  }
0x259: {  	v53 =	vadd.s32 $0xF, v13;
	v23 =	vld.idx.msk [tilespmem:v47+s2+$0x0], $0xffff  }
0x25a: {  	v54 =	vadd.s32 $0xF, v12;
	v25 =	vld.idx.msk [tilespmem:v48+s2+$0x0], $0xffff  }
0x25b: {  	v55 =	vadd.s32 $0xF, v14;
	v27 =	vld.idx.msk [tilespmem:v50+s2+$0x0], $0xffff  }
0x25c: {  	v56 =	vadd.s32 $0xF, v18;
	v22 =	vld.idx.msk [tilespmem:v51+s2+$0x0], $0xffff  }
0x25d: {  	v57 =	vadd.s32 $0xF, v15;
	v21 =	vld.idx.msk [tilespmem:v52+s2+$0x0], $0xffff  }
0x25e: {  	v58 =	vadd.s32 $0xF, v19;
	v24 =	vld.idx.msk [tilespmem:v53+s2+$0x0], $0xffff  }
0x25f: {  	v59 =	vadd.s32 $0xF, v16;
	v26 =	vld.idx.msk [tilespmem:v54+s2+$0x0], $0xffff  }
0x260: {  	v60 =	vadd.s32 $0xF, v20;
	v28 =	vld.idx.msk [tilespmem:v55+s2+$0x0], $0xffff  }
0x261: {  	v62 =	vadd.s32 $0xF, v8;
	v61 =	vld.idx.msk [tilespmem:v56+s2+$0x0], $0xffff;
	v23 =	vadd.bf16 v25, v23;
	v22 =	vadd.bf16 v22, v27  }
0x262: {  	v63 =	vld.idx.msk [tilespmem:v57+s2+$0x0], $0xffff  }
0x263: {  	v34 =	vld.idx.msk [tilespmem:v58+s2+$0x0], $0xffff;
	v21 =	vadd.bf16 v21, v23;
	v22 =	vadd.bf16 v24, v22  }
0x264: {  	v35 =	vld.idx.msk [tilespmem:v59+s2+$0x0], $0xffff  }
0x265: {  	v36 =	vld.idx.msk [tilespmem:v60+s2+$0x0], $0xffff;
	v21 =	vadd.bf16 v26, v21;
	v22 =	vadd.bf16 v28, v22  }
0x266: {  	v27 =	vld.idx.msk [tilespmem:v62+s2+$0x0], $0xffff  }
0x267: {  	v21 =	vadd.bf16 v61, v21;
	v22 =	vadd.bf16 v63, v22;
	_ =	sdelay $0x1  }
0x268: {  	v21 =	vadd.bf16 v34, v21;
	v22 =	vadd.bf16 v35, v22;
	_ =	sdelay $0x1  }
0x269: {  	v37 =	vor.u32 $0x48, v4;
	v21 =	vadd.bf16 v36, v21;
	v22 =	vadd.bf16 v27, v22  }
0x26a: {  	v38 =	vor.u32 $0x49, v4  }
0x26b: {  	v39 =	vadd.s32 $0xF, v17;
	v21 =	vadd.bf16 v22, v21;
	_ =	sdelay $0x1  }
0x26c: {  	v40 =	vunpack.i.l.bf16.f32 v21  }
0x26d: {  	v21 =	vunpack.i.u.bf16.f32 v21;
	[tilespmem:v37+s12+$0x0] =	vst.idx.msk $0xffff, v40  }
0x26e: {  	[tilespmem:v38+s12+$0x0] =	vst.idx.msk $0xffff, v21  }
0x26f: {  	v21 =	vld.idx.msk [tilespmem:v39+s2+$0x0], $0xffff  }
0x270: {  	v41 =	vor.u32 $0x72, v4  }
0x271: {  	v42 =	vor.u32 $0x73, v4  }
0x272: {  	v43 =	vadd.s32 $0x10, v5;
	_ =	sdelay $0x1  }
0x273: {  	v44 =	vunpack.i.l.bf16.f32 v21  }
0x274: {  	v21 =	vunpack.i.u.bf16.f32 v21;
	[tilespmem:v41+s12+$0x0] =	vst.idx.msk $0xffff, v44  }
0x275: {  	[tilespmem:v42+s12+$0x0] =	vst.idx.msk $0xffff, v21  }
0x276: {  	v21 =	vld.idx.msk [tilespmem:v43+s2+$0x0], $0xffff  }
0x277: {  	v45 =	vor.u32 $0x20, v4  }
0x278: {  	v46 =	vor.u32 $0x21, v4  }
0x279: {  	v47 =	vadd.s32 $0x10, v6  }
0x27a: {  	v48 =	vadd.s32 $0x10, v9  }
0x27b: {  	v50 =	vadd.s32 $0x10, v11;
	v49 =	vunpack.i.l.bf16.f32 v21  }
0x27c: {  	v51 =	vadd.s32 $0x10, v7;
	v21 =	vunpack.i.u.bf16.f32 v21;
	[tilespmem:v45+s12+$0x0] =	vst.idx.msk $0xffff, v49  }
0x27d: {  	v52 =	vadd.s32 $0x10, v10;
	[tilespmem:v46+s12+$0x0] =	vst.idx.msk $0xffff, v21  }
0x27e: {  	v53 =	vadd.s32 $0x10, v13;
	v23 =	vld.idx.msk [tilespmem:v47+s2+$0x0], $0xffff  }
0x27f: {  	v54 =	vadd.s32 $0x10, v12;
	v25 =	vld.idx.msk [tilespmem:v48+s2+$0x0], $0xffff  }
0x280: {  	v55 =	vadd.s32 $0x10, v14;
	v27 =	vld.idx.msk [tilespmem:v50+s2+$0x0], $0xffff  }
0x281: {  	v56 =	vadd.s32 $0x10, v18;
	v22 =	vld.idx.msk [tilespmem:v51+s2+$0x0], $0xffff  }
0x282: {  	v57 =	vadd.s32 $0x10, v15;
	v21 =	vld.idx.msk [tilespmem:v52+s2+$0x0], $0xffff  }
0x283: {  	v58 =	vadd.s32 $0x10, v19;
	v24 =	vld.idx.msk [tilespmem:v53+s2+$0x0], $0xffff  }
0x284: {  	v59 =	vadd.s32 $0x10, v16;
	v26 =	vld.idx.msk [tilespmem:v54+s2+$0x0], $0xffff  }
0x285: {  	v60 =	vadd.s32 $0x10, v20;
	v28 =	vld.idx.msk [tilespmem:v55+s2+$0x0], $0xffff  }
0x286: {  	v62 =	vadd.s32 $0x10, v8;
	v61 =	vld.idx.msk [tilespmem:v56+s2+$0x0], $0xffff;
	v23 =	vadd.bf16 v25, v23;
	v22 =	vadd.bf16 v22, v27  }
0x287: {  	v63 =	vld.idx.msk [tilespmem:v57+s2+$0x0], $0xffff  }
0x288: {  	v34 =	vld.idx.msk [tilespmem:v58+s2+$0x0], $0xffff;
	v21 =	vadd.bf16 v21, v23;
	v22 =	vadd.bf16 v24, v22  }
0x289: {  	v35 =	vld.idx.msk [tilespmem:v59+s2+$0x0], $0xffff  }
0x28a: {  	v36 =	vld.idx.msk [tilespmem:v60+s2+$0x0], $0xffff;
	v21 =	vadd.bf16 v26, v21;
	v22 =	vadd.bf16 v28, v22  }
0x28b: {  	v27 =	vld.idx.msk [tilespmem:v62+s2+$0x0], $0xffff  }
0x28c: {  	v21 =	vadd.bf16 v61, v21;
	v22 =	vadd.bf16 v63, v22;
	_ =	sdelay $0x1  }
0x28d: {  	v21 =	vadd.bf16 v34, v21;
	v22 =	vadd.bf16 v35, v22;
	_ =	sdelay $0x1  }
0x28e: {  	v37 =	vor.u32 $0x4A, v4;
	v21 =	vadd.bf16 v36, v21;
	v22 =	vadd.bf16 v27, v22  }
0x28f: {  	v38 =	vor.u32 $0x4B, v4  }
0x290: {  	v39 =	vadd.s32 $0x10, v17;
	v21 =	vadd.bf16 v22, v21;
	_ =	sdelay $0x1  }
0x291: {  	v40 =	vunpack.i.l.bf16.f32 v21  }
0x292: {  	v21 =	vunpack.i.u.bf16.f32 v21;
	[tilespmem:v37+s12+$0x0] =	vst.idx.msk $0xffff, v40  }
0x293: {  	[tilespmem:v38+s12+$0x0] =	vst.idx.msk $0xffff, v21  }
0x294: {  	v21 =	vld.idx.msk [tilespmem:v39+s2+$0x0], $0xffff  }
0x295: {  	v41 =	vor.u32 $0x74, v4  }
0x296: {  	v42 =	vor.u32 $0x75, v4  }
0x297: {  	v43 =	vadd.s32 $0x11, v5;
	_ =	sdelay $0x1  }
0x298: {  	v44 =	vunpack.i.l.bf16.f32 v21  }
0x299: {  	v21 =	vunpack.i.u.bf16.f32 v21;
	[tilespmem:v41+s12+$0x0] =	vst.idx.msk $0xffff, v44  }
0x29a: {  	[tilespmem:v42+s12+$0x0] =	vst.idx.msk $0xffff, v21  }
0x29b: {  	v21 =	vld.idx.msk [tilespmem:v43+s2+$0x0], $0xffff  }
0x29c: {  	v45 =	vor.u32 $0x22, v4  }
0x29d: {  	v46 =	vor.u32 $0x23, v4  }
0x29e: {  	v47 =	vadd.s32 $0x11, v6  }
0x29f: {  	v48 =	vadd.s32 $0x11, v9  }
0x2a0: {  	v50 =	vadd.s32 $0x11, v11;
	v49 =	vunpack.i.l.bf16.f32 v21  }
0x2a1: {  	v51 =	vadd.s32 $0x11, v7;
	v21 =	vunpack.i.u.bf16.f32 v21;
	[tilespmem:v45+s12+$0x0] =	vst.idx.msk $0xffff, v49  }
0x2a2: {  	v52 =	vadd.s32 $0x11, v10;
	[tilespmem:v46+s12+$0x0] =	vst.idx.msk $0xffff, v21  }
0x2a3: {  	v53 =	vadd.s32 $0x11, v13;
	v23 =	vld.idx.msk [tilespmem:v47+s2+$0x0], $0xffff  }
0x2a4: {  	v54 =	vadd.s32 $0x11, v12;
	v25 =	vld.idx.msk [tilespmem:v48+s2+$0x0], $0xffff  }
0x2a5: {  	v55 =	vadd.s32 $0x11, v14;
	v27 =	vld.idx.msk [tilespmem:v50+s2+$0x0], $0xffff  }
0x2a6: {  	v56 =	vadd.s32 $0x11, v18;
	v22 =	vld.idx.msk [tilespmem:v51+s2+$0x0], $0xffff  }
0x2a7: {  	v57 =	vadd.s32 $0x11, v15;
	v21 =	vld.idx.msk [tilespmem:v52+s2+$0x0], $0xffff  }
0x2a8: {  	v58 =	vadd.s32 $0x11, v19;
	v24 =	vld.idx.msk [tilespmem:v53+s2+$0x0], $0xffff  }
0x2a9: {  	v59 =	vadd.s32 $0x11, v16;
	v26 =	vld.idx.msk [tilespmem:v54+s2+$0x0], $0xffff  }
0x2aa: {  	v60 =	vadd.s32 $0x11, v20;
	v28 =	vld.idx.msk [tilespmem:v55+s2+$0x0], $0xffff  }
0x2ab: {  	v62 =	vadd.s32 $0x11, v8;
	v61 =	vld.idx.msk [tilespmem:v56+s2+$0x0], $0xffff;
	v23 =	vadd.bf16 v25, v23;
	v22 =	vadd.bf16 v22, v27  }
0x2ac: {  	v63 =	vld.idx.msk [tilespmem:v57+s2+$0x0], $0xffff  }
0x2ad: {  	v34 =	vld.idx.msk [tilespmem:v58+s2+$0x0], $0xffff;
	v21 =	vadd.bf16 v21, v23;
	v22 =	vadd.bf16 v24, v22  }
0x2ae: {  	v35 =	vld.idx.msk [tilespmem:v59+s2+$0x0], $0xffff  }
0x2af: {  	v36 =	vld.idx.msk [tilespmem:v60+s2+$0x0], $0xffff;
	v21 =	vadd.bf16 v26, v21;
	v22 =	vadd.bf16 v28, v22  }
0x2b0: {  	v27 =	vld.idx.msk [tilespmem:v62+s2+$0x0], $0xffff  }
0x2b1: {  	v21 =	vadd.bf16 v61, v21;
	v22 =	vadd.bf16 v63, v22;
	_ =	sdelay $0x1  }
0x2b2: {  	v21 =	vadd.bf16 v34, v21;
	v22 =	vadd.bf16 v35, v22;
	_ =	sdelay $0x1  }
0x2b3: {  	v37 =	vor.u32 $0x4C, v4;
	v21 =	vadd.bf16 v36, v21;
	v22 =	vadd.bf16 v27, v22  }
0x2b4: {  	v38 =	vor.u32 $0x4D, v4  }
0x2b5: {  	v39 =	vadd.s32 $0x11, v17;
	v21 =	vadd.bf16 v22, v21;
	_ =	sdelay $0x1  }
0x2b6: {  	v40 =	vunpack.i.l.bf16.f32 v21  }
0x2b7: {  	v21 =	vunpack.i.u.bf16.f32 v21;
	[tilespmem:v37+s12+$0x0] =	vst.idx.msk $0xffff, v40  }
0x2b8: {  	[tilespmem:v38+s12+$0x0] =	vst.idx.msk $0xffff, v21  }
0x2b9: {  	v21 =	vld.idx.msk [tilespmem:v39+s2+$0x0], $0xffff  }
0x2ba: {  	v41 =	vor.u32 $0x76, v4  }
0x2bb: {  	v42 =	vor.u32 $0x77, v4  }
0x2bc: {  	v43 =	vadd.s32 $0x12, v5;
	_ =	sdelay $0x1  }
0x2bd: {  	v44 =	vunpack.i.l.bf16.f32 v21  }
0x2be: {  	v21 =	vunpack.i.u.bf16.f32 v21;
	[tilespmem:v41+s12+$0x0] =	vst.idx.msk $0xffff, v44  }
0x2bf: {  	[tilespmem:v42+s12+$0x0] =	vst.idx.msk $0xffff, v21  }
0x2c0: {  	v21 =	vld.idx.msk [tilespmem:v43+s2+$0x0], $0xffff  }
0x2c1: {  	v45 =	vor.u32 $0x24, v4  }
0x2c2: {  	v46 =	vor.u32 $0x25, v4  }
0x2c3: {  	v47 =	vadd.s32 $0x12, v6  }
0x2c4: {  	v48 =	vadd.s32 $0x12, v9  }
0x2c5: {  	v50 =	vadd.s32 $0x12, v11;
	v49 =	vunpack.i.l.bf16.f32 v21  }
0x2c6: {  	v51 =	vadd.s32 $0x12, v7;
	v21 =	vunpack.i.u.bf16.f32 v21;
	[tilespmem:v45+s12+$0x0] =	vst.idx.msk $0xffff, v49  }
0x2c7: {  	v52 =	vadd.s32 $0x12, v10;
	[tilespmem:v46+s12+$0x0] =	vst.idx.msk $0xffff, v21  }
0x2c8: {  	v53 =	vadd.s32 $0x12, v13;
	v23 =	vld.idx.msk [tilespmem:v47+s2+$0x0], $0xffff  }
0x2c9: {  	v54 =	vadd.s32 $0x12, v12;
	v25 =	vld.idx.msk [tilespmem:v48+s2+$0x0], $0xffff  }
0x2ca: {  	v55 =	vadd.s32 $0x12, v14;
	v27 =	vld.idx.msk [tilespmem:v50+s2+$0x0], $0xffff  }
0x2cb: {  	v56 =	vadd.s32 $0x12, v18;
	v22 =	vld.idx.msk [tilespmem:v51+s2+$0x0], $0xffff  }
0x2cc: {  	v57 =	vadd.s32 $0x12, v15;
	v21 =	vld.idx.msk [tilespmem:v52+s2+$0x0], $0xffff  }
0x2cd: {  	v58 =	vadd.s32 $0x12, v19;
	v24 =	vld.idx.msk [tilespmem:v53+s2+$0x0], $0xffff  }
0x2ce: {  	v59 =	vadd.s32 $0x12, v16;
	v26 =	vld.idx.msk [tilespmem:v54+s2+$0x0], $0xffff  }
0x2cf: {  	v60 =	vadd.s32 $0x12, v20;
	v28 =	vld.idx.msk [tilespmem:v55+s2+$0x0], $0xffff  }
0x2d0: {  	v62 =	vadd.s32 $0x12, v8;
	v61 =	vld.idx.msk [tilespmem:v56+s2+$0x0], $0xffff;
	v23 =	vadd.bf16 v25, v23;
	v22 =	vadd.bf16 v22, v27  }
0x2d1: {  	v63 =	vld.idx.msk [tilespmem:v57+s2+$0x0], $0xffff  }
0x2d2: {  	v34 =	vld.idx.msk [tilespmem:v58+s2+$0x0], $0xffff;
	v21 =	vadd.bf16 v21, v23;
	v22 =	vadd.bf16 v24, v22  }
0x2d3: {  	v35 =	vld.idx.msk [tilespmem:v59+s2+$0x0], $0xffff  }
0x2d4: {  	v36 =	vld.idx.msk [tilespmem:v60+s2+$0x0], $0xffff;
	v21 =	vadd.bf16 v26, v21;
	v22 =	vadd.bf16 v28, v22  }
0x2d5: {  	v27 =	vld.idx.msk [tilespmem:v62+s2+$0x0], $0xffff  }
0x2d6: {  	v21 =	vadd.bf16 v61, v21;
	v22 =	vadd.bf16 v63, v22;
	_ =	sdelay $0x1  }
0x2d7: {  	v21 =	vadd.bf16 v34, v21;
	v22 =	vadd.bf16 v35, v22;
	_ =	sdelay $0x1  }
0x2d8: {  	v37 =	vor.u32 $0x4E, v4;
	v21 =	vadd.bf16 v36, v21;
	v22 =	vadd.bf16 v27, v22  }
0x2d9: {  	v38 =	vor.u32 $0x4F, v4  }
0x2da: {  	v39 =	vadd.s32 $0x12, v17;
	v21 =	vadd.bf16 v22, v21;
	_ =	sdelay $0x1  }
0x2db: {  	v40 =	vunpack.i.l.bf16.f32 v21  }
0x2dc: {  	v21 =	vunpack.i.u.bf16.f32 v21;
	[tilespmem:v37+s12+$0x0] =	vst.idx.msk $0xffff, v40  }
0x2dd: {  	[tilespmem:v38+s12+$0x0] =	vst.idx.msk $0xffff, v21  }
0x2de: {  	v21 =	vld.idx.msk [tilespmem:v39+s2+$0x0], $0xffff  }
0x2df: {  	v41 =	vor.u32 $0x78, v4  }
0x2e0: {  	v42 =	vor.u32 $0x79, v4  }
0x2e1: {  	v43 =	vadd.s32 $0x13, v5;
	_ =	sdelay $0x1  }
0x2e2: {  	v44 =	vunpack.i.l.bf16.f32 v21  }
0x2e3: {  	v21 =	vunpack.i.u.bf16.f32 v21;
	[tilespmem:v41+s12+$0x0] =	vst.idx.msk $0xffff, v44  }
0x2e4: {  	[tilespmem:v42+s12+$0x0] =	vst.idx.msk $0xffff, v21  }
0x2e5: {  	v21 =	vld.idx.msk [tilespmem:v43+s2+$0x0], $0xffff  }
0x2e6: {  	v45 =	vor.u32 $0x26, v4  }
0x2e7: {  	v46 =	vor.u32 $0x27, v4  }
0x2e8: {  	v47 =	vadd.s32 $0x13, v6  }
0x2e9: {  	v48 =	vadd.s32 $0x13, v9  }
0x2ea: {  	v50 =	vadd.s32 $0x13, v11;
	v49 =	vunpack.i.l.bf16.f32 v21  }
0x2eb: {  	v51 =	vadd.s32 $0x13, v7;
	v21 =	vunpack.i.u.bf16.f32 v21;
	[tilespmem:v45+s12+$0x0] =	vst.idx.msk $0xffff, v49  }
0x2ec: {  	v52 =	vadd.s32 $0x13, v10;
	[tilespmem:v46+s12+$0x0] =	vst.idx.msk $0xffff, v21  }
0x2ed: {  	v53 =	vadd.s32 $0x13, v13;
	v23 =	vld.idx.msk [tilespmem:v47+s2+$0x0], $0xffff  }
0x2ee: {  	v54 =	vadd.s32 $0x13, v12;
	v25 =	vld.idx.msk [tilespmem:v48+s2+$0x0], $0xffff  }
0x2ef: {  	v55 =	vadd.s32 $0x13, v14;
	v27 =	vld.idx.msk [tilespmem:v50+s2+$0x0], $0xffff  }
0x2f0: {  	v56 =	vadd.s32 $0x13, v18;
	v22 =	vld.idx.msk [tilespmem:v51+s2+$0x0], $0xffff  }
0x2f1: {  	v57 =	vadd.s32 $0x13, v15;
	v21 =	vld.idx.msk [tilespmem:v52+s2+$0x0], $0xffff  }
0x2f2: {  	v58 =	vadd.s32 $0x13, v19;
	v24 =	vld.idx.msk [tilespmem:v53+s2+$0x0], $0xffff  }
0x2f3: {  	v59 =	vadd.s32 $0x13, v16;
	v26 =	vld.idx.msk [tilespmem:v54+s2+$0x0], $0xffff  }
0x2f4: {  	v60 =	vadd.s32 $0x13, v20;
	v28 =	vld.idx.msk [tilespmem:v55+s2+$0x0], $0xffff  }
0x2f5: {  	v62 =	vadd.s32 $0x13, v8;
	v61 =	vld.idx.msk [tilespmem:v56+s2+$0x0], $0xffff;
	v23 =	vadd.bf16 v25, v23;
	v22 =	vadd.bf16 v22, v27  }
0x2f6: {  	v63 =	vld.idx.msk [tilespmem:v57+s2+$0x0], $0xffff  }
0x2f7: {  	v31 =	vld.idx.msk [tilespmem:v58+s2+$0x0], $0xffff;
	v21 =	vadd.bf16 v21, v23;
	v22 =	vadd.bf16 v24, v22  }
0x2f8: {  	v32 =	vld.idx.msk [tilespmem:v59+s2+$0x0], $0xffff  }
0x2f9: {  	v34 =	vld.idx.msk [tilespmem:v60+s2+$0x0], $0xffff;
	v21 =	vadd.bf16 v26, v21;
	v22 =	vadd.bf16 v28, v22  }
0x2fa: {  	v27 =	vld.idx.msk [tilespmem:v62+s2+$0x0], $0xffff  }
0x2fb: {  	v21 =	vadd.bf16 v61, v21;
	v22 =	vadd.bf16 v63, v22;
	_ =	sdelay $0x1  }
0x2fc: {  	v21 =	vadd.bf16 v31, v21;
	v22 =	vadd.bf16 v32, v22;
	_ =	sdelay $0x1  }
0x2fd: {  	v35 =	vor.u32 $0x50, v4;
	v21 =	vadd.bf16 v34, v21;
	v22 =	vadd.bf16 v27, v22  }
0x2fe: {  	v36 =	vor.u32 $0x51, v4  }
0x2ff: {  	v37 =	vadd.s32 $0x13, v17;
	v21 =	vadd.bf16 v22, v21;
	_ =	sdelay $0x1  }
0x300: {  	v38 =	vunpack.i.l.bf16.f32 v21  }
0x301: {  	v21 =	vunpack.i.u.bf16.f32 v21;
	[tilespmem:v35+s12+$0x0] =	vst.idx.msk $0xffff, v38  }
0x302: {  	[tilespmem:v36+s12+$0x0] =	vst.idx.msk $0xffff, v21  }
0x303: {  	v21 =	vld.idx.msk [tilespmem:v37+s2+$0x0], $0xffff  }
0x304: {  	v39 =	vor.u32 $0x7A, v4  }
0x305: {  	v40 =	vor.u32 $0x7B, v4  }
0x306: {  	v5 =	vadd.s32 $0x14, v5;
	_ =	sdelay $0x1  }
0x307: {  	v41 =	vunpack.i.l.bf16.f32 v21  }
0x308: {  	v21 =	vunpack.i.u.bf16.f32 v21;
	[tilespmem:v39+s12+$0x0] =	vst.idx.msk $0xffff, v41  }
0x309: {  	[tilespmem:v40+s12+$0x0] =	vst.idx.msk $0xffff, v21  }
0x30a: {  	v5 =	vld.idx.msk [tilespmem:v5+s2+$0x0], $0xffff  }
0x30b: {  	v42 =	vor.u32 $0x28, v4  }
0x30c: {  	v43 =	vor.u32 $0x29, v4  }
0x30d: {  	v6 =	vadd.s32 $0x14, v6  }
0x30e: {  	v9 =	vadd.s32 $0x14, v9  }
0x30f: {  	v11 =	vadd.s32 $0x14, v11;
	v44 =	vunpack.i.l.bf16.f32 v5  }
0x310: {  	v7 =	vadd.s32 $0x14, v7;
	v5 =	vunpack.i.u.bf16.f32 v5;
	[tilespmem:v42+s12+$0x0] =	vst.idx.msk $0xffff, v44  }
0x311: {  	v45 =	vadd.s32 $0x14, v13;
	[tilespmem:v43+s12+$0x0] =	vst.idx.msk $0xffff, v5  }
0x312: {  	v5 =	vadd.s32 $0x14, v10;
	v6 =	vld.idx.msk [tilespmem:v6+s2+$0x0], $0xffff  }
0x313: {  	v12 =	vadd.s32 $0x14, v12;
	v9 =	vld.idx.msk [tilespmem:v9+s2+$0x0], $0xffff  }
0x314: {  	v46 =	vadd.s32 $0x14, v14;
	v11 =	vld.idx.msk [tilespmem:v11+s2+$0x0], $0xffff  }
0x315: {  	v47 =	vadd.s32 $0x14, v18;
	v7 =	vld.idx.msk [tilespmem:v7+s2+$0x0], $0xffff  }
0x316: {  	v15 =	vadd.s32 $0x14, v15;
	v10 =	vld.idx.msk [tilespmem:v45+s2+$0x0], $0xffff  }
0x317: {  	v48 =	vadd.s32 $0x14, v19;
	v5 =	vld.idx.msk [tilespmem:v5+s2+$0x0], $0xffff  }
0x318: {  	v16 =	vadd.s32 $0x14, v16;
	v12 =	vld.idx.msk [tilespmem:v12+s2+$0x0], $0xffff  }
0x319: {  	v49 =	vadd.s32 $0x14, v20;
	v13 =	vld.idx.msk [tilespmem:v46+s2+$0x0], $0xffff  }
0x31a: {  	v8 =	vadd.s32 $0x14, v8;
	v50 =	vld.idx.msk [tilespmem:v47+s2+$0x0], $0xffff;
	v6 =	vadd.bf16 v9, v6;
	v7 =	vadd.bf16 v7, v11  }
0x31b: {  	v51 =	vld.idx.msk [tilespmem:v15+s2+$0x0], $0xffff  }
0x31c: {  	v52 =	vld.idx.msk [tilespmem:v48+s2+$0x0], $0xffff;
	v7 =	vadd.bf16 v10, v7;
	v5 =	vadd.bf16 v5, v6  }
0x31d: {  	v53 =	vld.idx.msk [tilespmem:v16+s2+$0x0], $0xffff  }
0x31e: {  	v54 =	vld.idx.msk [tilespmem:v49+s2+$0x0], $0xffff;
	v7 =	vadd.bf16 v13, v7;
	v5 =	vadd.bf16 v12, v5  }
0x31f: {  	v8 =	vld.idx.msk [tilespmem:v8+s2+$0x0], $0xffff  }
0x320: {  	v7 =	vadd.bf16 v51, v7;
	v5 =	vadd.bf16 v50, v5;
	_ =	sdelay $0x1  }
0x321: {  	v55 =	vadd.bf16 v53, v7;
	v5 =	vadd.bf16 v52, v5;
	_ =	sdelay $0x1  }
0x322: {  	v56 =	vor.u32 $0x52, v4;
	v6 =	vadd.bf16 v8, v55;
	v5 =	vadd.bf16 v54, v5  }
0x323: {  	v57 =	vor.u32 $0x53, v4  }
0x324: {  	v58 =	vadd.s32 $0x14, v17;
	v5 =	vadd.bf16 v6, v5;
	_ =	sdelay $0x1  }
0x325: {  	v59 =	vunpack.i.l.bf16.f32 v5  }
0x326: {  	v5 =	vunpack.i.u.bf16.f32 v5;
	[tilespmem:v56+s12+$0x0] =	vst.idx.msk $0xffff, v59  }
0x327: {  	[tilespmem:v57+s12+$0x0] =	vst.idx.msk $0xffff, v5  }
0x328: {  	v5 =	vld.idx.msk [tilespmem:v58+s2+$0x0], $0xffff  }
0x329: {  	v60 =	vor.u32 $0x7C, v4  }
0x32a: {  	v61 =	vor.u32 $0x7D, v4  }
0x32b: {  	v62 =	vor.u32 $0x7E, v4  }
0x32c: {  	p0 =	sne.s32 s14, $0x270F;
	v4 =	vor.u32 $0x7F, v4  }
.Ltmp0:
0x32d: {  	v63 =	vunpack.i.l.bf16.f32 v5;
	(pc) =	sbr.rel @p0 .LBB2_2-.Ltmp0, $4  }
0x32e: {  	v5 =	vunpack.i.u.bf16.f32 v5;
	[tilespmem:v60+s12+$0x0] =	vst.idx.msk $0xffff, v63  }
0x32f: {  	[tilespmem:v61+s12+$0x0] =	vst.idx.msk $0xffff, v5  }
0x330: {  	[tilespmem:v62+s12+$0x0] =	vst.idx.msk $0xffff, v3  }
0x331: {  	s15 =	sadd.s32 $0x10, s15;
	s14 =	sadd.s32 $0x100, s14;
	[tilespmem:v4+s12+$0x0] =	vst.idx.msk $0xffff, v3  }
0x332: {  	s13 =	sadd.s32 $0x1, s13  }
0x333: {  	p0 =	sne.s32 s13, s6  }
.Ltmp1:
0x334: {  	_ = 	snop;
	(pc) =	sbr.rel @p0 .LBB2_1-.Ltmp1, $4  }
0x335: {  	[hbm4b:s5+s2] =	stream.linear.scatter [tilespmem:s12], [sflag:$0x1], $0x14000, $0x38;
	[tilespmem:$0x17D80] =	vst v63  }
0x336: {  	_ =	swait.ge [sflag:s8], $0x14000  }
0x337: {  	[sflag:s8] =	ssyncset.done $0x0  }
0x338: {  	[sflag:s8] =	ssyncadd.s32 $0xFFFEC000  }
0x339: {  	_ =	sfence.sel $0x180000  }
0x33a: {  	[bflag:$0x0] =	sbarrier.arrive $0xFFFF  }
0x33b: {  	p0 =	sne.s32 s1, $0x0;
	_ =	strace $0x90000047  }
0x33c: {  	s0 =	sadd.s32 @!p0 $0x100000, s0;
	[bflag:$0x2] =	sbarrier.arrive $0xFFFF  }
0x33d: {  	[sflag:s0] =	ssyncadd.tile.s32 @!p0 $0x1;
	_ =	shalt  }
.Lfunc_end2:
_tile_overlayer_lowered:
.L_overlay_start_2:
0x33e: {  	(tag) =	ssettag $0x2  }
0x33f: {  	s0 =	rddreg [dreg:$0x0];
	s2 =	stileid.u32  }
0x340: {  	s1 =	rddreg [dreg:$0x1];
	p0 =	sne.s32 s2, $0x0  }
0x341: {  	s3 =	rddreg [dreg:$0x2];
	[bflag:$0x3] =	sbarrier.arrive $0xFFFF;
	s2 =	simm.s32 @!p0 $0x1C01  }
0x342: {  	[timem:s3], [sflag:s2] =	dma.local @!p0 [hbm:s0], s1  }
0x343: {  	s0 =	simm.s32 @!p0 $0x1  }
0x344: {  	_ =	swait.ge @!p0 [sflag:s0], s1  }
0x345: {  	s1 =	ssub.s32 @!p0 $0x0, s1;
	[sflag:s0] =	ssyncset.done @!p0 $0x0  }
0x346: {  	[sflag:s0] =	ssyncadd.s32 @!p0 s1  }
0x347: {  	[bflag:$0x3] =	sbarrier.arrive $0xFFFF  }
0x348: {  	_ =	shalt  }

</sc_bundles>
